<compile_context>
chip_gen: v7x
topology: tpu7x:2x2x1
jax: 0.10.2.dev20260603
libtpu: 0.0.44.dev20260713+nightly
codegen_flags: <defaults>
</compile_context>

<pallas_src>
import functools

import jax
import jax.numpy as jnp
from jax import lax
from jax.experimental import pallas as pl
from jax.experimental.pallas import tpu as pltpu
from jax.experimental.pallas import tpu_sc as plsc

N = 10000
E = 160000
IN_DIM = 256
H = 4
D = 64
HD = 256

NPAD = 10240
NOWN = 320
EPAD = 163840
EA = EPAD // 32
CB = 6144
KB = 32
MB = 256
SCAN = 4096
DR = NPAD * H // 128
PAD_NODE = N + 8

_mesh = plsc.VectorSubcoreMesh(core_axis_name="c", subcore_axis_name="s")
_cp = pltpu.CompilerParams(needs_layout_passes=False)

_RECIP = (1 << 22) // NOWN + 1


@functools.partial(
    pl.kernel,
    out_type=[
        jax.ShapeDtypeStruct((EPAD * H,), jnp.float32),
        jax.ShapeDtypeStruct((2 * DR, 128), jnp.float32),
    ],
    mesh=_mesh,
    scratch_types=[
        pltpu.VMEM((EA,), jnp.int32),
        pltpu.VMEM((EA,), jnp.int32),
        pltpu.VMEM((EA * H,), jnp.float32),
        pltpu.VMEM_SHARED((16, DR, 128), jnp.float32),
    ],
    compiler_params=_cp,
)
def _sc_scores(s01_hbm, s23_hbm, d01_hbm, d23_hbm, src_hbm, dst_hbm,
               zeros_hbm,
               ex_hbm, parts_hbm,
               src_v, dst_v, ex_v, slots_sh):
    c = lax.axis_index("c")
    sid = lax.axis_index("s")
    base = (sid * 2 + c) * EA
    pltpu.sync_copy(src_hbm.at[pl.ds(base, EA)], src_v)
    pltpu.sync_copy(dst_hbm.at[pl.ds(base, EA)], dst_v)

    iota = lax.iota(jnp.int32, 16)

    for p, (s_in, d_in) in enumerate(((s01_hbm, d01_hbm),
                                      (s23_hbm, d23_hbm))):
        def pass1(s_v, d_v, s_in=s_in, d_in=d_in, p=p):
            pltpu.sync_copy(s_in, s_v)
            pltpu.sync_copy(d_in, d_v)

            def body(g, carry):
                sv = src_v[pl.ds(g * 16, 16)]
                dv = dst_v[pl.ds(g * 16, 16)]
                pos = (g * 16 + iota) * H
                for hh in range(2):
                    sh = plsc.load_gather(s_v, [sv * 2 + hh])
                    dh = plsc.load_gather(d_v, [dv * 2 + hh])
                    e = sh + dh
                    e = jnp.where(e >= 0.0, e, 0.2 * e)
                    plsc.store_scatter(ex_v, [pos + (2 * p + hh)],
                                       jnp.exp(e))
                return carry

            lax.fori_loop(0, EA // 16, body, 0)

        pl.run_scoped(pass1,
                      pltpu.VMEM((NPAD * 2,), jnp.float32),
                      pltpu.VMEM((NPAD * 2,), jnp.float32))
    pltpu.sync_copy(ex_v, ex_hbm.at[pl.ds(base * H, EA * H)])

    def pass2(den_l, tmp_v, acc_v):
        pltpu.sync_copy(zeros_hbm, den_l)

        def body(g, carry):
            dv = dst_v[pl.ds(g * 16, 16)]
            pos = (g * 16 + iota) * H
            for h in range(H):
                exh = plsc.load_gather(ex_v, [pos + h])
                f = dv * H + h
                plsc.addupdate_scatter(den_l, [f >> 7, f & 127], exh)
            return carry

        lax.fori_loop(0, EA // 16, body, 0)

        pltpu.sync_copy(den_l, slots_sh.at[sid])
        plsc.subcore_barrier()

        @pl.when(sid < 8)
        def _():
            ro = pl.multiple_of(sid * 40, 8)
            pltpu.sync_copy(slots_sh.at[0].at[pl.ds(ro, 40), :], acc_v)
            for st in range(1, 16):
                pltpu.sync_copy(slots_sh.at[st].at[pl.ds(ro, 40), :], tmp_v)

                def addb(i, carry):
                    r = i // 8
                    q = (i % 8) * 16
                    acc_v[r, pl.ds(q, 16)] = (acc_v[r, pl.ds(q, 16)]
                                              + tmp_v[r, pl.ds(q, 16)])
                    return carry

                lax.fori_loop(0, 40 * 8, addb, 0)
            po = pl.multiple_of(c * DR + sid * 40, 8)
            pltpu.sync_copy(acc_v, parts_hbm.at[pl.ds(po, 40), :])

    pl.run_scoped(pass2,
                  pltpu.VMEM((DR, 128), jnp.float32),
                  pltpu.VMEM((40, 128), jnp.float32),
                  pltpu.VMEM((40, 128), jnp.float32))


@functools.partial(
    pl.kernel,
    out_type=[jax.ShapeDtypeStruct((EPAD,), jnp.float32) for _ in range(H)],
    mesh=_mesh,
    scratch_types=[
        pltpu.VMEM((EA,), jnp.int32),
        pltpu.VMEM((EA * H,), jnp.float32),
        pltpu.VMEM((DR, 128), jnp.float32),
        pltpu.VMEM((DR, 128), jnp.float32),
        pltpu.VMEM((EA,), jnp.float32),
    ],
    compiler_params=_cp,
)
def _sc_norm(dst_hbm, exf_hbm, parts_hbm,
             a0_hbm, a1_hbm, a2_hbm, a3_hbm,
             dst_v, ex_v, den_v, pb_v, ah_v):
    c = lax.axis_index("c")
    sid = lax.axis_index("s")
    base = (sid * 2 + c) * EA
    a_hbms = (a0_hbm, a1_hbm, a2_hbm, a3_hbm)
    pltpu.sync_copy(parts_hbm.at[pl.ds(0, DR), :], den_v)
    pltpu.sync_copy(parts_hbm.at[pl.ds(DR, DR), :], pb_v)
    pltpu.sync_copy(dst_hbm.at[pl.ds(base, EA)], dst_v)
    pltpu.sync_copy(exf_hbm.at[pl.ds(base * H, EA * H)], ex_v)

    def addb(i, carry):
        r = i // 8
        q = (i % 8) * 16
        den_v[r, pl.ds(q, 16)] = den_v[r, pl.ds(q, 16)] + pb_v[r, pl.ds(q, 16)]
        return carry

    lax.fori_loop(0, DR * 8, addb, 0)

    iota = lax.iota(jnp.int32, 16)
    for h in range(H):
        def body(g, carry):
            dv = dst_v[pl.ds(g * 16, 16)]
            pos = (g * 16 + iota) * H
            f = dv * H + h
            den16 = plsc.load_gather(den_v, [f >> 7, f & 127])
            exh = plsc.load_gather(ex_v, [pos + h])
            ah_v[pl.ds(g * 16, 16)] = exh / (den16 + 1e-16)
            return carry

        lax.fori_loop(0, EA // 16, body, 0)
        pltpu.sync_copy(ah_v, a_hbms[h].at[pl.ds(base, EA)])


@functools.partial(
    pl.kernel,
    out_type=jax.ShapeDtypeStruct((NPAD, HD), jnp.float32),
    mesh=_mesh,
    scratch_types=[
        pltpu.VMEM((NOWN, HD), jnp.float32),
        pltpu.VMEM((CB,), jnp.int32),
        pltpu.VMEM((SCAN,), jnp.int32),
        pltpu.VMEM((SCAN,), jnp.int32),
        pltpu.VMEM((MB,), jnp.int32),
        pltpu.VMEM((MB,), jnp.int32),
        pltpu.VMEM((MB,), jnp.int32),
        pltpu.VMEM((MB,), jnp.int32),
        pltpu.VMEM((MB,), jnp.float32),
        pltpu.VMEM((MB,), jnp.float32),
        pltpu.VMEM((MB,), jnp.float32),
        pltpu.VMEM((MB,), jnp.float32),
        pltpu.VMEM((MB,), jnp.float32),
        pltpu.VMEM((MB,), jnp.float32),
        pltpu.VMEM((MB,), jnp.float32),
        pltpu.VMEM((MB,), jnp.float32),
        pltpu.VMEM((KB, HD), jnp.float32),
        pltpu.VMEM((KB, HD), jnp.float32),
        pltpu.SemaphoreType.DMA,
        pltpu.SemaphoreType.DMA,
        pltpu.SemaphoreType.DMA,
        pltpu.SemaphoreType.DMA,
        pltpu.SemaphoreType.DMA,
        pltpu.SemaphoreType.DMA,
    ],
    compiler_params=_cp,
)
def _sc_messages(src_hbm, dst_hbm, a0_hbm, a1_hbm, a2_hbm, a3_hbm,
                 h_hbm, feat_hbm,
                 out_hbm,
                 out_l, ceid, scan0, scan1, ms0, ms1, md0, md1,
                 ma00, ma01, ma10, ma11, ma20, ma21, ma30, ma31,
                 rows0, rows1, scsem0, scsem1, msem0, msem1, rsem0, rsem1):
    c = lax.axis_index("c")
    sid = lax.axis_index("s")
    t = sid * 2 + c
    nbase = t * NOWN
    iota = lax.iota(jnp.int32, 16)
    scanb = (scan0, scan1)
    scsem = (scsem0, scsem1)
    msb = (ms0, ms1)
    mdb = (md0, md1)
    mab = ((ma00, ma01), (ma10, ma11), (ma20, ma21), (ma30, ma31))
    msem = (msem0, msem1)
    rowsb = (rows0, rows1)
    rsem = (rsem0, rsem1)
    a_hbms = (a0_hbm, a1_hbm, a2_hbm, a3_hbm)

    pltpu.sync_copy(
        feat_hbm.at[pl.ds(pl.multiple_of(nbase, 8), NOWN), :], out_l)

    def zb(i, carry):
        ceid[pl.ds(i * 16, 16)] = jnp.zeros((16,), jnp.int32)
        return carry

    lax.fori_loop(0, CB // 16, zb, 0)

    def fire_scan(g, b):
        pltpu.make_async_copy(dst_hbm.at[pl.ds(g * SCAN, SCAN)],
                              scanb[b], scsem[b]).start()

    fire_scan(0, 0)

    def scan_chunk(g, b, cnt):
        pltpu.make_async_copy(dst_hbm.at[pl.ds(g * SCAN, SCAN)],
                              scanb[b], scsem[b]).wait()

        @pl.when(g + 1 < EPAD // SCAN)
        def _():
            fire_scan(g + 1, 1 - b)

        def group(j, cnt):
            dv = scanb[b][pl.ds(j * 16, 16)]
            own = ((dv * _RECIP) >> 22) == t
            owni = own.astype(jnp.int32)
            pos = cnt + plsc.cumsum(owni) - 1
            eid = g * SCAN + j * 16 + iota
            plsc.store_scatter(ceid, [pos], eid, mask=own)
            return cnt + jnp.sum(owni)

        return lax.fori_loop(0, SCAN // 16, group, cnt)

    def scan_outer(g2, cnt):
        cnt = scan_chunk(g2 * 2, 0, cnt)
        cnt = scan_chunk(g2 * 2 + 1, 1, cnt)
        return cnt

    cnt = lax.fori_loop(0, EPAD // SCAN // 2, scan_outer, 0)

    def fire_meta(mb, b):
        ids = ceid.at[pl.ds(mb * MB, MB)]
        pltpu.make_async_copy(src_hbm.at[ids], msb[b], msem[b]).start()
        pltpu.make_async_copy(dst_hbm.at[ids], mdb[b], msem[b]).start()
        for h in range(H):
            pltpu.make_async_copy(a_hbms[h].at[ids], mab[h][b],
                                  msem[b]).start()

    def wait_meta(mb, b):
        ids = ceid.at[pl.ds(mb * MB, MB)]
        pltpu.make_async_copy(src_hbm.at[ids], msb[b], msem[b]).wait()
        pltpu.make_async_copy(dst_hbm.at[ids], mdb[b], msem[b]).wait()
        for h in range(H):
            pltpu.make_async_copy(a_hbms[h].at[ids], mab[h][b],
                                  msem[b]).wait()

    def fire_rows(mb_b, k, rb):
        src_ids = msb[mb_b].at[pl.ds(k * KB, KB)]
        pltpu.make_async_copy(h_hbm.at[src_ids], rowsb[rb], rsem[rb]).start()

    def wait_rows(mb_b, k, rb):
        src_ids = msb[mb_b].at[pl.ds(k * KB, KB)]
        pltpu.make_async_copy(h_hbm.at[src_ids], rowsb[rb], rsem[rb]).wait()

    nmb = CB // MB
    nk = MB // KB

    fire_meta(0, 0)
    wait_meta(0, 0)
    fire_rows(0, 0, 0)

    def process_chunk(mb, b, k, rb, cnt):
        nxt = k + 1

        @pl.when(nxt < nk)
        def _():
            fire_rows(b, nxt, 1 - rb)

        @pl.when((nxt >= nk) & (mb + 1 < nmb))
        def _():
            wait_meta(mb + 1, 1 - b)
            fire_rows(1 - b, 0, 1 - rb)

        wait_rows(b, k, rb)
        rv = rowsb[rb]
        gpos = mb * MB + k * KB

        def edge(r, carry):
            epos = gpos + r
            valid = jnp.full((16,), 0, jnp.int32) + epos < cnt
            sel = jnp.full((16,), 0, jnp.int32) + k * KB + r
            dd = plsc.load_gather(mdb[b], [sel])
            lrow = dd - nbase
            for h in range(H):
                a_h = plsc.load_gather(mab[h][b], [sel])
                for q in range(D // 16):
                    cx = h * D + q * 16
                    vals = rv[r, pl.ds(cx, 16)] * a_h
                    plsc.addupdate_scatter(out_l, [lrow, cx + iota],
                                           vals, mask=valid)
            return carry

        lax.fori_loop(0, KB, edge, 0)
        return cnt

    def do_batch(mb, b, cnt):
        @pl.when(mb + 1 < nmb)
        def _():
            fire_meta(mb + 1, 1 - b)

        def chunk_pair(k2, cnt):
            cnt = process_chunk(mb, b, k2 * 2, 0, cnt)
            cnt = process_chunk(mb, b, k2 * 2 + 1, 1, cnt)
            return cnt

        return lax.fori_loop(0, nk // 2, chunk_pair, cnt)

    def batch_pair(m2, cnt):
        cnt = do_batch(m2 * 2, 0, cnt)
        cnt = do_batch(m2 * 2 + 1, 1, cnt)
        return cnt

    lax.fori_loop(0, nmb // 2, batch_pair, cnt)

    pltpu.sync_copy(out_l,
                    out_hbm.at[pl.ds(pl.multiple_of(nbase, 8), NOWN), :])


def kernel(feat, edge_index, W_fc, attn_src, attn_dst):
    h = feat @ W_fc
    h4 = h.reshape(N, H, D)
    s = (h4 * attn_src).sum(axis=-1)
    d = (h4 * attn_dst).sum(axis=-1)

    src = jnp.concatenate(
        [edge_index[0], jnp.full((EPAD - E,), PAD_NODE, jnp.int32)])
    dst = jnp.concatenate(
        [edge_index[1], jnp.full((EPAD - E,), PAD_NODE, jnp.int32)])
    s_pad = jnp.pad(s, ((0, NPAD - N), (0, 0)))
    d_pad = jnp.pad(d, ((0, NPAD - N), (0, 0)))
    s01 = s_pad[:, 0:2].reshape(-1)
    s23 = s_pad[:, 2:4].reshape(-1)
    d01 = d_pad[:, 0:2].reshape(-1)
    d23 = d_pad[:, 2:4].reshape(-1)
    zeros = jnp.zeros((DR, 128), jnp.float32)

    ex, parts = _sc_scores(s01, s23, d01, d23, src, dst, zeros)
    a0, a1, a2, a3 = _sc_norm(dst, ex, parts)

    h_pad = jnp.pad(h, ((0, NPAD - N), (0, 0)))
    feat_pad = jnp.pad(feat, ((0, NPAD - N), (0, 0)))

    out = _sc_messages(src, dst, a0, a1, a2, a3, h_pad, feat_pad)
    return (out[0:N], jnp.float32(0.0))

# --- scband reference (transcript-rebuilt; emitter-appended) ---
"""Pipeline reference for scband-diverse-gatlayer-16123307229580 (READ-ONLY COPY).

The authoritative reference and input builder live on the scoring server;
editing this copy changes nothing except your own understanding.
"""

import jax, jax.numpy as jnp
import numpy as np

N = 10000
E = 160000
IN_DIM = 256
NUM_HEADS = 4
OUT_DIM = 64


def setup_inputs(seed: int = 0) -> dict:
    key = jax.random.key(seed)
    k1, k2, k3, k4, k5 = jax.random.split(key, 5)
    feat = jax.random.normal(k1, (N, IN_DIM), dtype=jnp.float32)
    edge_index = jax.random.randint(k2, (2, E), 0, N)
    lim_fc = float(np.sqrt(6.0 / (IN_DIM + NUM_HEADS * OUT_DIM)))
    W_fc = jax.random.uniform(k3, (IN_DIM, NUM_HEADS * OUT_DIM), minval=-lim_fc, maxval=lim_fc, dtype=jnp.float32)
    lim_a = float(np.sqrt(6.0 / (1 + NUM_HEADS * OUT_DIM)))
    attn_src = jax.random.uniform(k4, (1, NUM_HEADS, OUT_DIM), minval=-lim_a, maxval=lim_a, dtype=jnp.float32)
    attn_dst = jax.random.uniform(k5, (1, NUM_HEADS, OUT_DIM), minval=-lim_a, maxval=lim_a, dtype=jnp.float32)
    return {"feat": feat, "edge_index": edge_index, "W_fc": W_fc, "attn_src": attn_src, "attn_dst": attn_dst}


def _edge_softmax(e, dst, num_nodes):
    # e: [E, H], softmax over incoming edges grouped by dst node
    m = jax.ops.segment_max(e, dst, num_segments=num_nodes)  # [N, H]
    m = jnp.where(jnp.isfinite(m), m, 0.0)
    ex = jnp.exp(e - m[dst])
    denom = jax.ops.segment_sum(ex, dst, num_segments=num_nodes)  # [N, H]
    return ex / (denom[dst] + 1e-16)


def reference(feat, edge_index, W_fc, attn_src, attn_dst):
    n = feat.shape[0]
    # h = self.fc(feat).view(-1, num_heads, out_dim); feat_drop p=0.0 is identity
    h = (feat @ W_fc).reshape(n, NUM_HEADS, OUT_DIM)
    src = edge_index[0]
    dst = edge_index[1]
    ft_src = h[src]  # gather [E, H, D]
    ft_dst = h[dst]  # gather [E, H, D]
    src_attn = (ft_src * attn_src).sum(axis=-1)  # [E, H]
    dst_attn = (ft_dst * attn_dst).sum(axis=-1)  # [E, H]
    e = jax.nn.leaky_relu(src_attn + dst_attn, negative_slope=0.2)
    a = _edge_softmax(e, dst, n)  # [E, H]
    # update_all: u_mul_e('ft','a') then sum over incoming edges (scatter-add)
    msg = ft_src * a[:, :, None]  # [E, H, D]
    out = jax.ops.segment_sum(msg, dst, num_segments=n)  # [N, H, D]
    h_out = out.reshape(n, NUM_HEADS * OUT_DIM)
    # residual: in_dim == out_dim*num_heads -> identity residual
    h_out = h_out + feat
    # eval mode, return_attention=False -> diversity_loss = 0.0
    diversity_loss = jnp.float32(0.0)
    return (h_out, diversity_loss)

if __name__ == "__main__":
    import jax
    _d = setup_inputs()
    print(jax.jit(kernel)(*tuple(_d.values())))

</pallas_src>

<mosaic_0001>
#map = affine_map<(d0, d1) -> (0)>
#map1 = affine_map<(d0, d1) -> (0, 0)>
module attributes {stable_mosaic.version = 14 : i64} {
  func.func @_sc_messages(%arg0: i32, %arg1: i32, %arg2: memref<163840xi32, #tpu.memory_space<hbm>>, %arg3: memref<163840xi32, #tpu.memory_space<hbm>>, %arg4: memref<163840xf32, #tpu.memory_space<hbm>>, %arg5: memref<163840xf32, #tpu.memory_space<hbm>>, %arg6: memref<163840xf32, #tpu.memory_space<hbm>>, %arg7: memref<163840xf32, #tpu.memory_space<hbm>>, %arg8: memref<10240x256xf32, #tpu.memory_space<hbm>>, %arg9: memref<10240x256xf32, #tpu.memory_space<hbm>>, %arg10: memref<10240x256xf32, #tpu.memory_space<hbm>>, %arg11: memref<320x256xf32, #tpu.memory_space<vmem>>, %arg12: memref<6144xi32, #tpu.memory_space<vmem>>, %arg13: memref<4096xi32, #tpu.memory_space<vmem>>, %arg14: memref<4096xi32, #tpu.memory_space<vmem>>, %arg15: memref<256xi32, #tpu.memory_space<vmem>>, %arg16: memref<256xi32, #tpu.memory_space<vmem>>, %arg17: memref<256xi32, #tpu.memory_space<vmem>>, %arg18: memref<256xi32, #tpu.memory_space<vmem>>, %arg19: memref<256xf32, #tpu.memory_space<vmem>>, %arg20: memref<256xf32, #tpu.memory_space<vmem>>, %arg21: memref<256xf32, #tpu.memory_space<vmem>>, %arg22: memref<256xf32, #tpu.memory_space<vmem>>, %arg23: memref<256xf32, #tpu.memory_space<vmem>>, %arg24: memref<256xf32, #tpu.memory_space<vmem>>, %arg25: memref<256xf32, #tpu.memory_space<vmem>>, %arg26: memref<256xf32, #tpu.memory_space<vmem>>, %arg27: memref<32x256xf32, #tpu.memory_space<vmem>>, %arg28: memref<32x256xf32, #tpu.memory_space<vmem>>, %arg29: memref<!tpu.dma_semaphore, #tpu.memory_space<semaphore_mem>>, %arg30: memref<!tpu.dma_semaphore, #tpu.memory_space<semaphore_mem>>, %arg31: memref<!tpu.dma_semaphore, #tpu.memory_space<semaphore_mem>>, %arg32: memref<!tpu.dma_semaphore, #tpu.memory_space<semaphore_mem>>, %arg33: memref<!tpu.dma_semaphore, #tpu.memory_space<semaphore_mem>>, %arg34: memref<!tpu.dma_semaphore, #tpu.memory_space<semaphore_mem>>) attributes {dimension_semantics = [#tpu.dimension_semantics<core_parallel>, #tpu.dimension_semantics<subcore_parallel>], iteration_bounds = array<i64: 2, 16>, scalar_prefetch = 0 : i64, scratch_operands = 24 : i64, tpu.core_type = #tpu.core_type<sc_vector_subcore>, window_params = [{transform_indices = #map}, {transform_indices = #map}, {transform_indices = #map}, {transform_indices = #map}, {transform_indices = #map}, {transform_indices = #map}, {transform_indices = #map1}, {transform_indices = #map1}, {transform_indices = #map1}]} {
    %mul3A = arith.constant 2 : i32
    %mul3A_0 = arith.muli %arg1, %mul3A : i32
    %add3A = arith.addi %mul3A_0, %arg0 : i32
    %mul3A_1 = arith.constant 320 : i32
    %mul3A_2 = arith.muli %add3A, %mul3A_1 : i32
    %iota3A = tpu.iota {dimensions = array<i32: 0>} : vector<16xi32>
    %multiple_of3A = tpu.assume_multiple %mul3A_2, 8 : i32
    "tpu.region"() ({
      %run_scoped3A = tpu.sem_alloc : memref<!tpu.dma_semaphore, #tpu.memory_space<semaphore_mem>>
      %dma_start3A_76 = arith.constant 0 : i32
      %dma_start3A_77 = tpu.memref_slice %arg9[%multiple_of3A, %dma_start3A_76] : memref<10240x256xf32, #tpu.memory_space<hbm>> -> memref<320x256xf32, #tpu.memory_space<hbm>>
      %dma_start3A_78 = arith.constant 0 : i32
      %dma_start3A_79 = tpu.memref_slice %arg9[%multiple_of3A, %dma_start3A_78] : memref<10240x256xf32, #tpu.memory_space<hbm>> -> memref<320x256xf32, #tpu.memory_space<hbm>>
      tpu.enqueue_dma source(%dma_start3A_79 : memref<320x256xf32, #tpu.memory_space<hbm>>) target(%arg11 : memref<320x256xf32, #tpu.memory_space<vmem>>) target_semaphore(%run_scoped3A : memref<!tpu.dma_semaphore, #tpu.memory_space<semaphore_mem>>)
      %dma_wait3A_80 = arith.constant 0 : i32
      %dma_wait3A_81 = tpu.memref_slice %arg9[%multiple_of3A, %dma_wait3A_80] : memref<10240x256xf32, #tpu.memory_space<hbm>> -> memref<320x256xf32, #tpu.memory_space<hbm>>
      %dma_wait3A_82 = arith.constant 0 : i32
      %dma_wait3A_83 = tpu.memref_slice %arg9[%multiple_of3A, %dma_wait3A_82] : memref<10240x256xf32, #tpu.memory_space<hbm>> -> memref<320x256xf32, #tpu.memory_space<hbm>>
      tpu.wait_dma2 semaphore(%run_scoped3A : memref<!tpu.dma_semaphore, #tpu.memory_space<semaphore_mem>>) src(%dma_wait3A_83 : memref<320x256xf32, #tpu.memory_space<hbm>>) dst(%arg11 : memref<320x256xf32, #tpu.memory_space<vmem>>)
      tpu.yield
    }) : () -> ()
    %scan3A = arith.constant 0 : i32
    %scan3A_3 = arith.constant 0 : i32
    %scan3A_4 = arith.constant 384 : i32
    %scan3A_5 = arith.addi %scan3A_3, %scan3A_4 : i32
    %scan3A_6 = arith.constant 1 : i32
    scf.for %scan3A_76 = %scan3A_3 to %scan3A_5 step %scan3A_6  : i32 {
      %broadcast_in_dim3A = arith.constant 0 : i32
      %broadcast_in_dim3A_77 = vector.broadcast %broadcast_in_dim3A : i32 to vector<16xi32>
      %mul3A_78 = arith.constant 16 : i32
      %mul3A_79 = arith.muli %scan3A_76, %mul3A_78 : i32
      %swap3A = arith.index_cast %mul3A_79 : i32 to index
      %swap3A_80 = tpu.vector_load %arg12[%swap3A] {strides = array<i32>} : memref<6144xi32, #tpu.memory_space<vmem>>, vector<16xi32>,
      tpu.vector_store %arg12[%swap3A], %broadcast_in_dim3A_77 {strides = array<i32>} : memref<6144xi32, #tpu.memory_space<vmem>>, vector<16xi32>,
    }
    %scan3A_7 = arith.constant 384 : i32
    %dma_start3A = arith.constant 0 : i32
    %dma_start3A_8 = tpu.memref_slice %arg3[%dma_start3A] : memref<163840xi32, #tpu.memory_space<hbm>> -> memref<4096xi32, #tpu.memory_space<hbm>>
    %dma_start3A_9 = arith.constant 0 : i32
    %dma_start3A_10 = tpu.memref_slice %arg3[%dma_start3A_9] : memref<163840xi32, #tpu.memory_space<hbm>> -> memref<4096xi32, #tpu.memory_space<hbm>>
    tpu.enqueue_dma source(%dma_start3A_10 : memref<4096xi32, #tpu.memory_space<hbm>>) target(%arg13 : memref<4096xi32, #tpu.memory_space<vmem>>) target_semaphore(%arg29 : memref<!tpu.dma_semaphore, #tpu.memory_space<semaphore_mem>>)
    %scan3A_11 = arith.constant 0 : i32
    %scan3A_12 = arith.constant 0 : i32
    %scan3A_13 = arith.constant 20 : i32
    %scan3A_14 = arith.addi %scan3A_12, %scan3A_13 : i32
    %scan3A_15 = arith.constant 1 : i32
    %scan3A_16 = scf.for %scan3A_76 = %scan3A_12 to %scan3A_14 step %scan3A_15 iter_args(%scan3A_77 = %scan3A_11) -> (i32)  : i32 {
      %mul3A_78 = arith.constant 2 : i32
      %mul3A_79 = arith.muli %scan3A_76, %mul3A_78 : i32
      %mul3A_80 = arith.constant 4096 : i32
      %mul3A_81 = arith.muli %mul3A_79, %mul3A_80 : i32
      %dma_wait3A_82 = tpu.memref_slice %arg3[%mul3A_81] : memref<163840xi32, #tpu.memory_space<hbm>> -> memref<4096xi32, #tpu.memory_space<hbm>>
      %dma_wait3A_83 = tpu.memref_slice %arg3[%mul3A_81] : memref<163840xi32, #tpu.memory_space<hbm>> -> memref<4096xi32, #tpu.memory_space<hbm>>
      tpu.wait_dma2 semaphore(%arg29 : memref<!tpu.dma_semaphore, #tpu.memory_space<semaphore_mem>>) src(%dma_wait3A_83 : memref<4096xi32, #tpu.memory_space<hbm>>) dst(%arg13 : memref<4096xi32, #tpu.memory_space<vmem>>)
      %add3A_84 = arith.constant 1 : i32
      %add3A_85 = arith.addi %mul3A_79, %add3A_84 : i32
      %lt3A = arith.constant 40 : i32
      %lt3A_86 = arith.cmpi slt, %add3A_85, %lt3A : i32
      %convert_element_type3A = arith.extui %lt3A_86 : i1 to i32
      %cond3A = arith.constant 0 : i32
      %cond3A_87 = arith.cmpi ne, %convert_element_type3A, %cond3A : i32
      scf.if %cond3A_87 {
        %add3A_115 = arith.constant 1 : i32
        %add3A_116 = arith.addi %mul3A_79, %add3A_115 : i32
        %mul3A_117 = arith.constant 4096 : i32
        %mul3A_118 = arith.muli %add3A_116, %mul3A_117 : i32
        %dma_start3A_119 = tpu.memref_slice %arg3[%mul3A_118] : memref<163840xi32, #tpu.memory_space<hbm>> -> memref<4096xi32, #tpu.memory_space<hbm>>
        %dma_start3A_120 = tpu.memref_slice %arg3[%mul3A_118] : memref<163840xi32, #tpu.memory_space<hbm>> -> memref<4096xi32, #tpu.memory_space<hbm>>
        tpu.enqueue_dma source(%dma_start3A_120 : memref<4096xi32, #tpu.memory_space<hbm>>) target(%arg14 : memref<4096xi32, #tpu.memory_space<vmem>>) target_semaphore(%arg30 : memref<!tpu.dma_semaphore, #tpu.memory_space<semaphore_mem>>)
      } else {
      }
      %scan3A_88 = arith.constant 0 : i32
      %scan3A_89 = arith.constant 256 : i32
      %scan3A_90 = arith.addi %scan3A_88, %scan3A_89 : i32
      %scan3A_91 = arith.constant 1 : i32
      %scan3A_92 = scf.for %scan3A_115 = %scan3A_88 to %scan3A_90 step %scan3A_91 iter_args(%scan3A_116 = %scan3A_77) -> (i32)  : i32 {
        %mul3A_117 = arith.constant 16 : i32
        %mul3A_118 = arith.muli %scan3A_115, %mul3A_117 : i32
        %get3A = arith.index_cast %mul3A_118 : i32 to index
        %get3A_119 = tpu.vector_load %arg13[%get3A] {strides = array<i32>} : memref<4096xi32, #tpu.memory_space<vmem>>, vector<16xi32>,
        %mul3A_120 = arith.constant 13108 : i32
        %mul3A_121 = vector.broadcast %mul3A_120 : i32 to vector<16xi32>
        %mul3A_122 = arith.muli %get3A_119, %mul3A_121 : vector<16xi32>
        %shift_right_arithmetic3A = arith.constant 22 : i32
        %shift_right_arithmetic3A_123 = vector.broadcast %shift_right_arithmetic3A : i32 to vector<16xi32>
        %shift_right_arithmetic3A_124 = arith.shrsi %mul3A_122, %shift_right_arithmetic3A_123 : vector<16xi32>
        %eq3A = vector.broadcast %add3A : i32 to vector<16xi32>
        %eq3A_125 = arith.cmpi eq, %shift_right_arithmetic3A_124, %eq3A : vector<16xi32>
        %convert_element_type3A_126 = arith.extui %eq3A_125 : vector<16xi1> to vector<16xi32>
        %broadcast_in_dim3A = arith.constant true
        %broadcast_in_dim3A_127 = vector.broadcast %broadcast_in_dim3A : i1 to vector<16xi1>
        %masked_cumsum3A = tpu.scan <sum>, %convert_element_type3A_126 masked %broadcast_in_dim3A_127 : vector<16xi32>, vector<16xi1> -> vector<16xi32>
        %add3A_128 = vector.broadcast %scan3A_116 : i32 to vector<16xi32>
        %add3A_129 = arith.addi %add3A_128, %masked_cumsum3A : vector<16xi32>
        %sub3A = arith.constant 1 : i32
        %sub3A_130 = vector.broadcast %sub3A : i32 to vector<16xi32>
        %sub3A_131 = arith.subi %add3A_129, %sub3A_130 : vector<16xi32>
        %mul3A_132 = arith.constant 4096 : i32
        %mul3A_133 = arith.muli %mul3A_79, %mul3A_132 : i32
        %mul3A_134 = arith.constant 16 : i32
        %mul3A_135 = arith.muli %scan3A_115, %mul3A_134 : i32
        %add3A_136 = arith.addi %mul3A_133, %mul3A_135 : i32
        %add3A_137 = vector.broadcast %add3A_136 : i32 to vector<16xi32>
        %add3A_138 = arith.addi %add3A_137, %iota3A : vector<16xi32>
        tpu.vector_store_idx %arg12[%sub3A_131], %add3A_138 masked %eq3A_125 : memref<6144xi32, #tpu.memory_space<vmem>>[vector<16xi32>], vector<16xi32>, vector<16xi1>
        %reduce_sum3A = arith.constant true
        %reduce_sum3A_139 = vector.broadcast %reduce_sum3A : i1 to vector<16xi1>
        %reduce_sum3A_140 = tpu.scan <sum>, %convert_element_type3A_126 masked %reduce_sum3A_139 : vector<16xi32>, vector<16xi1> -> vector<16xi32>
        %reduce_sum3A_141 = vector.extract %reduce_sum3A_140[15] : i32 from vector<16xi32>
        %add3A_142 = arith.addi %scan3A_116, %reduce_sum3A_141 : i32
        scf.yield %add3A_142 : i32
      }
      %scan3A_93 = arith.constant 256 : i32
      %mul3A_94 = arith.constant 2 : i32
      %mul3A_95 = arith.muli %scan3A_76, %mul3A_94 : i32
      %add3A_96 = arith.constant 1 : i32
      %add3A_97 = arith.addi %mul3A_95, %add3A_96 : i32
      %mul3A_98 = arith.constant 4096 : i32
      %mul3A_99 = arith.muli %add3A_97, %mul3A_98 : i32
      %dma_wait3A_100 = tpu.memref_slice %arg3[%mul3A_99] : memref<163840xi32, #tpu.memory_space<hbm>> -> memref<4096xi32, #tpu.memory_space<hbm>>
      %dma_wait3A_101 = tpu.memref_slice %arg3[%mul3A_99] : memref<163840xi32, #tpu.memory_space<hbm>> -> memref<4096xi32, #tpu.memory_space<hbm>>
      tpu.wait_dma2 semaphore(%arg30 : memref<!tpu.dma_semaphore, #tpu.memory_space<semaphore_mem>>) src(%dma_wait3A_101 : memref<4096xi32, #tpu.memory_space<hbm>>) dst(%arg14 : memref<4096xi32, #tpu.memory_space<vmem>>)
      %add3A_102 = arith.constant 1 : i32
      %add3A_103 = arith.addi %add3A_97, %add3A_102 : i32
      %lt3A_104 = arith.constant 40 : i32
      %lt3A_105 = arith.cmpi slt, %add3A_103, %lt3A_104 : i32
      %convert_element_type3A_106 = arith.extui %lt3A_105 : i1 to i32
      %cond3A_107 = arith.constant 0 : i32
      %cond3A_108 = arith.cmpi ne, %convert_element_type3A_106, %cond3A_107 : i32
      scf.if %cond3A_108 {
        %add3A_115 = arith.constant 1 : i32
        %add3A_116 = arith.addi %add3A_97, %add3A_115 : i32
        %mul3A_117 = arith.constant 4096 : i32
        %mul3A_118 = arith.muli %add3A_116, %mul3A_117 : i32
        %dma_start3A_119 = tpu.memref_slice %arg3[%mul3A_118] : memref<163840xi32, #tpu.memory_space<hbm>> -> memref<4096xi32, #tpu.memory_space<hbm>>
        %dma_start3A_120 = tpu.memref_slice %arg3[%mul3A_118] : memref<163840xi32, #tpu.memory_space<hbm>> -> memref<4096xi32, #tpu.memory_space<hbm>>
        tpu.enqueue_dma source(%dma_start3A_120 : memref<4096xi32, #tpu.memory_space<hbm>>) target(%arg13 : memref<4096xi32, #tpu.memory_space<vmem>>) target_semaphore(%arg29 : memref<!tpu.dma_semaphore, #tpu.memory_space<semaphore_mem>>)
      } else {
      }
      %scan3A_109 = arith.constant 0 : i32
      %scan3A_110 = arith.constant 256 : i32
      %scan3A_111 = arith.addi %scan3A_109, %scan3A_110 : i32
      %scan3A_112 = arith.constant 1 : i32
      %scan3A_113 = scf.for %scan3A_115 = %scan3A_109 to %scan3A_111 step %scan3A_112 iter_args(%scan3A_116 = %scan3A_92) -> (i32)  : i32 {
        %mul3A_117 = arith.constant 16 : i32
        %mul3A_118 = arith.muli %scan3A_115, %mul3A_117 : i32
        %get3A = arith.index_cast %mul3A_118 : i32 to index
        %get3A_119 = tpu.vector_load %arg14[%get3A] {strides = array<i32>} : memref<4096xi32, #tpu.memory_space<vmem>>, vector<16xi32>,
        %mul3A_120 = arith.constant 13108 : i32
        %mul3A_121 = vector.broadcast %mul3A_120 : i32 to vector<16xi32>
        %mul3A_122 = arith.muli %get3A_119, %mul3A_121 : vector<16xi32>
        %shift_right_arithmetic3A = arith.constant 22 : i32
        %shift_right_arithmetic3A_123 = vector.broadcast %shift_right_arithmetic3A : i32 to vector<16xi32>
        %shift_right_arithmetic3A_124 = arith.shrsi %mul3A_122, %shift_right_arithmetic3A_123 : vector<16xi32>
        %eq3A = vector.broadcast %add3A : i32 to vector<16xi32>
        %eq3A_125 = arith.cmpi eq, %shift_right_arithmetic3A_124, %eq3A : vector<16xi32>
        %convert_element_type3A_126 = arith.extui %eq3A_125 : vector<16xi1> to vector<16xi32>
        %broadcast_in_dim3A = arith.constant true
        %broadcast_in_dim3A_127 = vector.broadcast %broadcast_in_dim3A : i1 to vector<16xi1>
        %masked_cumsum3A = tpu.scan <sum>, %convert_element_type3A_126 masked %broadcast_in_dim3A_127 : vector<16xi32>, vector<16xi1> -> vector<16xi32>
        %add3A_128 = vector.broadcast %scan3A_116 : i32 to vector<16xi32>
        %add3A_129 = arith.addi %add3A_128, %masked_cumsum3A : vector<16xi32>
        %sub3A = arith.constant 1 : i32
        %sub3A_130 = vector.broadcast %sub3A : i32 to vector<16xi32>
        %sub3A_131 = arith.subi %add3A_129, %sub3A_130 : vector<16xi32>
        %mul3A_132 = arith.constant 4096 : i32
        %mul3A_133 = arith.muli %add3A_97, %mul3A_132 : i32
        %mul3A_134 = arith.constant 16 : i32
        %mul3A_135 = arith.muli %scan3A_115, %mul3A_134 : i32
        %add3A_136 = arith.addi %mul3A_133, %mul3A_135 : i32
        %add3A_137 = vector.broadcast %add3A_136 : i32 to vector<16xi32>
        %add3A_138 = arith.addi %add3A_137, %iota3A : vector<16xi32>
        tpu.vector_store_idx %arg12[%sub3A_131], %add3A_138 masked %eq3A_125 : memref<6144xi32, #tpu.memory_space<vmem>>[vector<16xi32>], vector<16xi32>, vector<16xi1>
        %reduce_sum3A = arith.constant true
        %reduce_sum3A_139 = vector.broadcast %reduce_sum3A : i1 to vector<16xi1>
        %reduce_sum3A_140 = tpu.scan <sum>, %convert_element_type3A_126 masked %reduce_sum3A_139 : vector<16xi32>, vector<16xi1> -> vector<16xi32>
        %reduce_sum3A_141 = vector.extract %reduce_sum3A_140[15] : i32 from vector<16xi32>
        %add3A_142 = arith.addi %scan3A_116, %reduce_sum3A_141 : i32
        scf.yield %add3A_142 : i32
      }
      %scan3A_114 = arith.constant 256 : i32
      scf.yield %scan3A_113 : i32
    }
    %scan3A_17 = arith.constant 20 : i32
    %dma_start3A_18 = arith.constant 0 : i32
    %dma_start3A_19 = tpu.memref_slice %arg12[%dma_start3A_18] : memref<6144xi32, #tpu.memory_space<vmem>> -> memref<256xi32, #tpu.memory_space<vmem>>
    %dma_start3A_20 = arith.constant 0 : i32
    %dma_start3A_21 = tpu.memref_slice %arg2[%dma_start3A_20] : memref<163840xi32, #tpu.memory_space<hbm>> -> memref<163840xi32, #tpu.memory_space<hbm>>
    tpu.enqueue_indirect_dma source(%dma_start3A_21 : memref<163840xi32, #tpu.memory_space<hbm>>) target(%arg15 : memref<256xi32, #tpu.memory_space<vmem>>) offsets(%dma_start3A_19 : memref<256xi32, #tpu.memory_space<vmem>>) semaphore(%arg31 : memref<!tpu.dma_semaphore, #tpu.memory_space<semaphore_mem>>)
    %dma_start3A_22 = arith.constant 0 : i32
    %dma_start3A_23 = tpu.memref_slice %arg12[%dma_start3A_22] : memref<6144xi32, #tpu.memory_space<vmem>> -> memref<256xi32, #tpu.memory_space<vmem>>
    %dma_start3A_24 = arith.constant 0 : i32
    %dma_start3A_25 = tpu.memref_slice %arg3[%dma_start3A_24] : memref<163840xi32, #tpu.memory_space<hbm>> -> memref<163840xi32, #tpu.memory_space<hbm>>
    tpu.enqueue_indirect_dma source(%dma_start3A_25 : memref<163840xi32, #tpu.memory_space<hbm>>) target(%arg17 : memref<256xi32, #tpu.memory_space<vmem>>) offsets(%dma_start3A_23 : memref<256xi32, #tpu.memory_space<vmem>>) semaphore(%arg31 : memref<!tpu.dma_semaphore, #tpu.memory_space<semaphore_mem>>)
    %dma_start3A_26 = arith.constant 0 : i32
    %dma_start3A_27 = tpu.memref_slice %arg12[%dma_start3A_26] : memref<6144xi32, #tpu.memory_space<vmem>> -> memref<256xi32, #tpu.memory_space<vmem>>
    %dma_start3A_28 = arith.constant 0 : i32
    %dma_start3A_29 = tpu.memref_slice %arg4[%dma_start3A_28] : memref<163840xf32, #tpu.memory_space<hbm>> -> memref<163840xf32, #tpu.memory_space<hbm>>
    tpu.enqueue_indirect_dma source(%dma_start3A_29 : memref<163840xf32, #tpu.memory_space<hbm>>) target(%arg19 : memref<256xf32, #tpu.memory_space<vmem>>) offsets(%dma_start3A_27 : memref<256xi32, #tpu.memory_space<vmem>>) semaphore(%arg31 : memref<!tpu.dma_semaphore, #tpu.memory_space<semaphore_mem>>)
    %dma_start3A_30 = arith.constant 0 : i32
    %dma_start3A_31 = tpu.memref_slice %arg12[%dma_start3A_30] : memref<6144xi32, #tpu.memory_space<vmem>> -> memref<256xi32, #tpu.memory_space<vmem>>
    %dma_start3A_32 = arith.constant 0 : i32
    %dma_start3A_33 = tpu.memref_slice %arg5[%dma_start3A_32] : memref<163840xf32, #tpu.memory_space<hbm>> -> memref<163840xf32, #tpu.memory_space<hbm>>
    tpu.enqueue_indirect_dma source(%dma_start3A_33 : memref<163840xf32, #tpu.memory_space<hbm>>) target(%arg21 : memref<256xf32, #tpu.memory_space<vmem>>) offsets(%dma_start3A_31 : memref<256xi32, #tpu.memory_space<vmem>>) semaphore(%arg31 : memref<!tpu.dma_semaphore, #tpu.memory_space<semaphore_mem>>)
    %dma_start3A_34 = arith.constant 0 : i32
    %dma_start3A_35 = tpu.memref_slice %arg12[%dma_start3A_34] : memref<6144xi32, #tpu.memory_space<vmem>> -> memref<256xi32, #tpu.memory_space<vmem>>
    %dma_start3A_36 = arith.constant 0 : i32
    %dma_start3A_37 = tpu.memref_slice %arg6[%dma_start3A_36] : memref<163840xf32, #tpu.memory_space<hbm>> -> memref<163840xf32, #tpu.memory_space<hbm>>
    tpu.enqueue_indirect_dma source(%dma_start3A_37 : memref<163840xf32, #tpu.memory_space<hbm>>) target(%arg23 : memref<256xf32, #tpu.memory_space<vmem>>) offsets(%dma_start3A_35 : memref<256xi32, #tpu.memory_space<vmem>>) semaphore(%arg31 : memref<!tpu.dma_semaphore, #tpu.memory_space<semaphore_mem>>)
    %dma_start3A_38 = arith.constant 0 : i32
    %dma_start3A_39 = tpu.memref_slice %arg12[%dma_start3A_38] : memref<6144xi32, #tpu.memory_space<vmem>> -> memref<256xi32, #tpu.memory_space<vmem>>
    %dma_start3A_40 = arith.constant 0 : i32
    %dma_start3A_41 = tpu.memref_slice %arg7[%dma_start3A_40] : memref<163840xf32, #tpu.memory_space<hbm>> -> memref<163840xf32, #tpu.memory_space<hbm>>
    tpu.enqueue_indirect_dma source(%dma_start3A_41 : memref<163840xf32, #tpu.memory_space<hbm>>) target(%arg25 : memref<256xf32, #tpu.memory_space<vmem>>) offsets(%dma_start3A_39 : memref<256xi32, #tpu.memory_space<vmem>>) semaphore(%arg31 : memref<!tpu.dma_semaphore, #tpu.memory_space<semaphore_mem>>)
    %dma_wait3A = arith.constant 0 : i32
    %dma_wait3A_42 = tpu.memref_slice %arg12[%dma_wait3A] : memref<6144xi32, #tpu.memory_space<vmem>> -> memref<256xi32, #tpu.memory_space<vmem>>
    %dma_wait3A_43 = arith.constant 0 : i32
    %dma_wait3A_44 = tpu.memref_slice %arg2[%dma_wait3A_43] : memref<163840xi32, #tpu.memory_space<hbm>> -> memref<163840xi32, #tpu.memory_space<hbm>>
    tpu.wait_indirect_dma semaphore(%arg31 : memref<!tpu.dma_semaphore, #tpu.memory_space<semaphore_mem>>) src(%dma_wait3A_44 : memref<163840xi32, #tpu.memory_space<hbm>>) dst(%arg15 : memref<256xi32, #tpu.memory_space<vmem>>)
    %dma_wait3A_45 = arith.constant 0 : i32
    %dma_wait3A_46 = tpu.memref_slice %arg12[%dma_wait3A_45] : memref<6144xi32, #tpu.memory_space<vmem>> -> memref<256xi32, #tpu.memory_space<vmem>>
    %dma_wait3A_47 = arith.constant 0 : i32
    %dma_wait3A_48 = tpu.memref_slice %arg3[%dma_wait3A_47] : memref<163840xi32, #tpu.memory_space<hbm>> -> memref<163840xi32, #tpu.memory_space<hbm>>
    tpu.wait_indirect_dma semaphore(%arg31 : memref<!tpu.dma_semaphore, #tpu.memory_space<semaphore_mem>>) src(%dma_wait3A_48 : memref<163840xi32, #tpu.memory_space<hbm>>) dst(%arg17 : memref<256xi32, #tpu.memory_space<vmem>>)
    %dma_wait3A_49 = arith.constant 0 : i32
    %dma_wait3A_50 = tpu.memref_slice %arg12[%dma_wait3A_49] : memref<6144xi32, #tpu.memory_space<vmem>> -> memref<256xi32, #tpu.memory_space<vmem>>
    %dma_wait3A_51 = arith.constant 0 : i32
    %dma_wait3A_52 = tpu.memref_slice %arg4[%dma_wait3A_51] : memref<163840xf32, #tpu.memory_space<hbm>> -> memref<163840xf32, #tpu.memory_space<hbm>>
    tpu.wait_indirect_dma semaphore(%arg31 : memref<!tpu.dma_semaphore, #tpu.memory_space<semaphore_mem>>) src(%dma_wait3A_52 : memref<163840xf32, #tpu.memory_space<hbm>>) dst(%arg19 : memref<256xf32, #tpu.memory_space<vmem>>)
    %dma_wait3A_53 = arith.constant 0 : i32
    %dma_wait3A_54 = tpu.memref_slice %arg12[%dma_wait3A_53] : memref<6144xi32, #tpu.memory_space<vmem>> -> memref<256xi32, #tpu.memory_space<vmem>>
    %dma_wait3A_55 = arith.constant 0 : i32
    %dma_wait3A_56 = tpu.memref_slice %arg5[%dma_wait3A_55] : memref<163840xf32, #tpu.memory_space<hbm>> -> memref<163840xf32, #tpu.memory_space<hbm>>
    tpu.wait_indirect_dma semaphore(%arg31 : memref<!tpu.dma_semaphore, #tpu.memory_space<semaphore_mem>>) src(%dma_wait3A_56 : memref<163840xf32, #tpu.memory_space<hbm>>) dst(%arg21 : memref<256xf32, #tpu.memory_space<vmem>>)
    %dma_wait3A_57 = arith.constant 0 : i32
    %dma_wait3A_58 = tpu.memref_slice %arg12[%dma_wait3A_57] : memref<6144xi32, #tpu.memory_space<vmem>> -> memref<256xi32, #tpu.memory_space<vmem>>
    %dma_wait3A_59 = arith.constant 0 : i32
    %dma_wait3A_60 = tpu.memref_slice %arg6[%dma_wait3A_59] : memref<163840xf32, #tpu.memory_space<hbm>> -> memref<163840xf32, #tpu.memory_space<hbm>>
    tpu.wait_indirect_dma semaphore(%arg31 : memref<!tpu.dma_semaphore, #tpu.memory_space<semaphore_mem>>) src(%dma_wait3A_60 : memref<163840xf32, #tpu.memory_space<hbm>>) dst(%arg23 : memref<256xf32, #tpu.memory_space<vmem>>)
    %dma_wait3A_61 = arith.constant 0 : i32
    %dma_wait3A_62 = tpu.memref_slice %arg12[%dma_wait3A_61] : memref<6144xi32, #tpu.memory_space<vmem>> -> memref<256xi32, #tpu.memory_space<vmem>>
    %dma_wait3A_63 = arith.constant 0 : i32
    %dma_wait3A_64 = tpu.memref_slice %arg7[%dma_wait3A_63] : memref<163840xf32, #tpu.memory_space<hbm>> -> memref<163840xf32, #tpu.memory_space<hbm>>
    tpu.wait_indirect_dma semaphore(%arg31 : memref<!tpu.dma_semaphore, #tpu.memory_space<semaphore_mem>>) src(%dma_wait3A_64 : memref<163840xf32, #tpu.memory_space<hbm>>) dst(%arg25 : memref<256xf32, #tpu.memory_space<vmem>>)
    %dma_start3A_65 = arith.constant 0 : i32
    %dma_start3A_66 = tpu.memref_slice %arg15[%dma_start3A_65] : memref<256xi32, #tpu.memory_space<vmem>> -> memref<32xi32, #tpu.memory_space<vmem>>
    %dma_start3A_67 = arith.constant 0 : i32
    %dma_start3A_68 = arith.constant 0 : i32
    %dma_start3A_69 = tpu.memref_slice %arg8[%dma_start3A_67, %dma_start3A_68] : memref<10240x256xf32, #tpu.memory_space<hbm>> -> memref<10240x256xf32, #tpu.memory_space<hbm>>
    tpu.enqueue_indirect_dma source(%dma_start3A_69 : memref<10240x256xf32, #tpu.memory_space<hbm>>) target(%arg27 : memref<32x256xf32, #tpu.memory_space<vmem>>) offsets(%dma_start3A_66 : memref<32xi32, #tpu.memory_space<vmem>>) semaphore(%arg33 : memref<!tpu.dma_semaphore, #tpu.memory_space<semaphore_mem>>)
    %scan3A_70 = arith.constant 0 : i32
    %scan3A_71 = arith.constant 12 : i32
    %scan3A_72 = arith.addi %scan3A_70, %scan3A_71 : i32
    %scan3A_73 = arith.constant 1 : i32
    scf.for %scan3A_76 = %scan3A_70 to %scan3A_72 step %scan3A_73  : i32 {
      %mul3A_77 = arith.constant 2 : i32
      %mul3A_78 = arith.muli %scan3A_76, %mul3A_77 : i32
      %add3A_79 = arith.constant 1 : i32
      %add3A_80 = arith.addi %mul3A_78, %add3A_79 : i32
      %lt3A = arith.constant 24 : i32
      %lt3A_81 = arith.cmpi slt, %add3A_80, %lt3A : i32
      %convert_element_type3A = arith.extui %lt3A_81 : i1 to i32
      %cond3A = arith.constant 0 : i32
      %cond3A_82 = arith.cmpi ne, %convert_element_type3A, %cond3A : i32
      scf.if %cond3A_82 {
        %add3A_104 = arith.constant 1 : i32
        %add3A_105 = arith.addi %mul3A_78, %add3A_104 : i32
        %mul3A_106 = arith.constant 256 : i32
        %mul3A_107 = arith.muli %add3A_105, %mul3A_106 : i32
        %dma_start3A_108 = tpu.memref_slice %arg12[%mul3A_107] : memref<6144xi32, #tpu.memory_space<vmem>> -> memref<256xi32, #tpu.memory_space<vmem>>
        %dma_start3A_109 = arith.constant 0 : i32
        %dma_start3A_110 = tpu.memref_slice %arg2[%dma_start3A_109] : memref<163840xi32, #tpu.memory_space<hbm>> -> memref<163840xi32, #tpu.memory_space<hbm>>
        tpu.enqueue_indirect_dma source(%dma_start3A_110 : memref<163840xi32, #tpu.memory_space<hbm>>) target(%arg16 : memref<256xi32, #tpu.memory_space<vmem>>) offsets(%dma_start3A_108 : memref<256xi32, #tpu.memory_space<vmem>>) semaphore(%arg32 : memref<!tpu.dma_semaphore, #tpu.memory_space<semaphore_mem>>)
        %dma_start3A_111 = tpu.memref_slice %arg12[%mul3A_107] : memref<6144xi32, #tpu.memory_space<vmem>> -> memref<256xi32, #tpu.memory_space<vmem>>
        %dma_start3A_112 = arith.constant 0 : i32
        %dma_start3A_113 = tpu.memref_slice %arg3[%dma_start3A_112] : memref<163840xi32, #tpu.memory_space<hbm>> -> memref<163840xi32, #tpu.memory_space<hbm>>
        tpu.enqueue_indirect_dma source(%dma_start3A_113 : memref<163840xi32, #tpu.memory_space<hbm>>) target(%arg18 : memref<256xi32, #tpu.memory_space<vmem>>) offsets(%dma_start3A_111 : memref<256xi32, #tpu.memory_space<vmem>>) semaphore(%arg32 : memref<!tpu.dma_semaphore, #tpu.memory_space<semaphore_mem>>)
        %dma_start3A_114 = tpu.memref_slice %arg12[%mul3A_107] : memref<6144xi32, #tpu.memory_space<vmem>> -> memref<256xi32, #tpu.memory_space<vmem>>
        %dma_start3A_115 = arith.constant 0 : i32
        %dma_start3A_116 = tpu.memref_slice %arg4[%dma_start3A_115] : memref<163840xf32, #tpu.memory_space<hbm>> -> memref<163840xf32, #tpu.memory_space<hbm>>
        tpu.enqueue_indirect_dma source(%dma_start3A_116 : memref<163840xf32, #tpu.memory_space<hbm>>) target(%arg20 : memref<256xf32, #tpu.memory_space<vmem>>) offsets(%dma_start3A_114 : memref<256xi32, #tpu.memory_space<vmem>>) semaphore(%arg32 : memref<!tpu.dma_semaphore, #tpu.memory_space<semaphore_mem>>)
        %dma_start3A_117 = tpu.memref_slice %arg12[%mul3A_107] : memref<6144xi32, #tpu.memory_space<vmem>> -> memref<256xi32, #tpu.memory_space<vmem>>
        %dma_start3A_118 = arith.constant 0 : i32
        %dma_start3A_119 = tpu.memref_slice %arg5[%dma_start3A_118] : memref<163840xf32, #tpu.memory_space<hbm>> -> memref<163840xf32, #tpu.memory_space<hbm>>
        tpu.enqueue_indirect_dma source(%dma_start3A_119 : memref<163840xf32, #tpu.memory_space<hbm>>) target(%arg22 : memref<256xf32, #tpu.memory_space<vmem>>) offsets(%dma_start3A_117 : memref<256xi32, #tpu.memory_space<vmem>>) semaphore(%arg32 : memref<!tpu.dma_semaphore, #tpu.memory_space<semaphore_mem>>)
        %dma_start3A_120 = tpu.memref_slice %arg12[%mul3A_107] : memref<6144xi32, #tpu.memory_space<vmem>> -> memref<256xi32, #tpu.memory_space<vmem>>
        %dma_start3A_121 = arith.constant 0 : i32
        %dma_start3A_122 = tpu.memref_slice %arg6[%dma_start3A_121] : memref<163840xf32, #tpu.memory_space<hbm>> -> memref<163840xf32, #tpu.memory_space<hbm>>
        tpu.enqueue_indirect_dma source(%dma_start3A_122 : memref<163840xf32, #tpu.memory_space<hbm>>) target(%arg24 : memref<256xf32, #tpu.memory_space<vmem>>) offsets(%dma_start3A_120 : memref<256xi32, #tpu.memory_space<vmem>>) semaphore(%arg32 : memref<!tpu.dma_semaphore, #tpu.memory_space<semaphore_mem>>)
        %dma_start3A_123 = tpu.memref_slice %arg12[%mul3A_107] : memref<6144xi32, #tpu.memory_space<vmem>> -> memref<256xi32, #tpu.memory_space<vmem>>
        %dma_start3A_124 = arith.constant 0 : i32
        %dma_start3A_125 = tpu.memref_slice %arg7[%dma_start3A_124] : memref<163840xf32, #tpu.memory_space<hbm>> -> memref<163840xf32, #tpu.memory_space<hbm>>
        tpu.enqueue_indirect_dma source(%dma_start3A_125 : memref<163840xf32, #tpu.memory_space<hbm>>) target(%arg26 : memref<256xf32, #tpu.memory_space<vmem>>) offsets(%dma_start3A_123 : memref<256xi32, #tpu.memory_space<vmem>>) semaphore(%arg32 : memref<!tpu.dma_semaphore, #tpu.memory_space<semaphore_mem>>)
      } else {
      }
      %scan3A_83 = arith.constant 0 : i32
      %scan3A_84 = arith.constant 4 : i32
      %scan3A_85 = arith.addi %scan3A_83, %scan3A_84 : i32
      %scan3A_86 = arith.constant 1 : i32
      scf.for %scan3A_104 = %scan3A_83 to %scan3A_85 step %scan3A_86  : i32 {
        %mul3A_105 = arith.constant 2 : i32
        %mul3A_106 = arith.muli %scan3A_104, %mul3A_105 : i32
        %add3A_107 = arith.constant 1 : i32
        %add3A_108 = arith.addi %mul3A_106, %add3A_107 : i32
        %lt3A_109 = arith.constant 8 : i32
        %lt3A_110 = arith.cmpi slt, %add3A_108, %lt3A_109 : i32
        %convert_element_type3A_111 = arith.extui %lt3A_110 : i1 to i32
        %cond3A_112 = arith.constant 0 : i32
        %cond3A_113 = arith.cmpi ne, %convert_element_type3A_111, %cond3A_112 : i32
        scf.if %cond3A_113 {
          %mul3A_177 = arith.constant 32 : i32
          %mul3A_178 = arith.muli %add3A_108, %mul3A_177 : i32
          %dma_start3A_179 = tpu.memref_slice %arg15[%mul3A_178] : memref<256xi32, #tpu.memory_space<vmem>> -> memref<32xi32, #tpu.memory_space<vmem>>
          %dma_start3A_180 = arith.constant 0 : i32
          %dma_start3A_181 = arith.constant 0 : i32
          %dma_start3A_182 = tpu.memref_slice %arg8[%dma_start3A_180, %dma_start3A_181] : memref<10240x256xf32, #tpu.memory_space<hbm>> -> memref<10240x256xf32, #tpu.memory_space<hbm>>
          tpu.enqueue_indirect_dma source(%dma_start3A_182 : memref<10240x256xf32, #tpu.memory_space<hbm>>) target(%arg28 : memref<32x256xf32, #tpu.memory_space<vmem>>) offsets(%dma_start3A_179 : memref<32xi32, #tpu.memory_space<vmem>>) semaphore(%arg34 : memref<!tpu.dma_semaphore, #tpu.memory_space<semaphore_mem>>)
        } else {
        }
        %ge3A = arith.constant 8 : i32
        %ge3A_114 = arith.cmpi sge, %add3A_108, %ge3A : i32
        %add3A_115 = arith.constant 1 : i32
        %add3A_116 = arith.addi %mul3A_78, %add3A_115 : i32
        %lt3A_117 = arith.constant 24 : i32
        %lt3A_118 = arith.cmpi slt, %add3A_116, %lt3A_117 : i32
        %and3A = arith.andi %ge3A_114, %lt3A_118 : i1
        %convert_element_type3A_119 = arith.extui %and3A : i1 to i32
        %cond3A_120 = arith.constant 0 : i32
        %cond3A_121 = arith.cmpi ne, %convert_element_type3A_119, %cond3A_120 : i32
        scf.if %cond3A_121 {
          %add3A_177 = arith.constant 1 : i32
          %add3A_178 = arith.addi %mul3A_78, %add3A_177 : i32
          %mul3A_179 = arith.constant 256 : i32
          %mul3A_180 = arith.muli %add3A_178, %mul3A_179 : i32
          %dma_wait3A_181 = tpu.memref_slice %arg12[%mul3A_180] : memref<6144xi32, #tpu.memory_space<vmem>> -> memref<256xi32, #tpu.memory_space<vmem>>
          %dma_wait3A_182 = arith.constant 0 : i32
          %dma_wait3A_183 = tpu.memref_slice %arg2[%dma_wait3A_182] : memref<163840xi32, #tpu.memory_space<hbm>> -> memref<163840xi32, #tpu.memory_space<hbm>>
          tpu.wait_indirect_dma semaphore(%arg32 : memref<!tpu.dma_semaphore, #tpu.memory_space<semaphore_mem>>) src(%dma_wait3A_183 : memref<163840xi32, #tpu.memory_space<hbm>>) dst(%arg16 : memref<256xi32, #tpu.memory_space<vmem>>)
          %dma_wait3A_184 = tpu.memref_slice %arg12[%mul3A_180] : memref<6144xi32, #tpu.memory_space<vmem>> -> memref<256xi32, #tpu.memory_space<vmem>>
          %dma_wait3A_185 = arith.constant 0 : i32
          %dma_wait3A_186 = tpu.memref_slice %arg3[%dma_wait3A_185] : memref<163840xi32, #tpu.memory_space<hbm>> -> memref<163840xi32, #tpu.memory_space<hbm>>
          tpu.wait_indirect_dma semaphore(%arg32 : memref<!tpu.dma_semaphore, #tpu.memory_space<semaphore_mem>>) src(%dma_wait3A_186 : memref<163840xi32, #tpu.memory_space<hbm>>) dst(%arg18 : memref<256xi32, #tpu.memory_space<vmem>>)
          %dma_wait3A_187 = tpu.memref_slice %arg12[%mul3A_180] : memref<6144xi32, #tpu.memory_space<vmem>> -> memref<256xi32, #tpu.memory_space<vmem>>
          %dma_wait3A_188 = arith.constant 0 : i32
          %dma_wait3A_189 = tpu.memref_slice %arg4[%dma_wait3A_188] : memref<163840xf32, #tpu.memory_space<hbm>> -> memref<163840xf32, #tpu.memory_space<hbm>>
          tpu.wait_indirect_dma semaphore(%arg32 : memref<!tpu.dma_semaphore, #tpu.memory_space<semaphore_mem>>) src(%dma_wait3A_189 : memref<163840xf32, #tpu.memory_space<hbm>>) dst(%arg20 : memref<256xf32, #tpu.memory_space<vmem>>)
          %dma_wait3A_190 = tpu.memref_slice %arg12[%mul3A_180] : memref<6144xi32, #tpu.memory_space<vmem>> -> memref<256xi32, #tpu.memory_space<vmem>>
          %dma_wait3A_191 = arith.constant 0 : i32
          %dma_wait3A_192 = tpu.memref_slice %arg5[%dma_wait3A_191] : memref<163840xf32, #tpu.memory_space<hbm>> -> memref<163840xf32, #tpu.memory_space<hbm>>
          tpu.wait_indirect_dma semaphore(%arg32 : memref<!tpu.dma_semaphore, #tpu.memory_space<semaphore_mem>>) src(%dma_wait3A_192 : memref<163840xf32, #tpu.memory_space<hbm>>) dst(%arg22 : memref<256xf32, #tpu.memory_space<vmem>>)
          %dma_wait3A_193 = tpu.memref_slice %arg12[%mul3A_180] : memref<6144xi32, #tpu.memory_space<vmem>> -> memref<256xi32, #tpu.memory_space<vmem>>
          %dma_wait3A_194 = arith.constant 0 : i32
          %dma_wait3A_195 = tpu.memref_slice %arg6[%dma_wait3A_194] : memref<163840xf32, #tpu.memory_space<hbm>> -> memref<163840xf32, #tpu.memory_space<hbm>>
          tpu.wait_indirect_dma semaphore(%arg32 : memref<!tpu.dma_semaphore, #tpu.memory_space<semaphore_mem>>) src(%dma_wait3A_195 : memref<163840xf32, #tpu.memory_space<hbm>>) dst(%arg24 : memref<256xf32, #tpu.memory_space<vmem>>)
          %dma_wait3A_196 = tpu.memref_slice %arg12[%mul3A_180] : memref<6144xi32, #tpu.memory_space<vmem>> -> memref<256xi32, #tpu.memory_space<vmem>>
          %dma_wait3A_197 = arith.constant 0 : i32
          %dma_wait3A_198 = tpu.memref_slice %arg7[%dma_wait3A_197] : memref<163840xf32, #tpu.memory_space<hbm>> -> memref<163840xf32, #tpu.memory_space<hbm>>
          tpu.wait_indirect_dma semaphore(%arg32 : memref<!tpu.dma_semaphore, #tpu.memory_space<semaphore_mem>>) src(%dma_wait3A_198 : memref<163840xf32, #tpu.memory_space<hbm>>) dst(%arg26 : memref<256xf32, #tpu.memory_space<vmem>>)
          %dma_start3A_199 = arith.constant 0 : i32
          %dma_start3A_200 = tpu.memref_slice %arg16[%dma_start3A_199] : memref<256xi32, #tpu.memory_space<vmem>> -> memref<32xi32, #tpu.memory_space<vmem>>
          %dma_start3A_201 = arith.constant 0 : i32
          %dma_start3A_202 = arith.constant 0 : i32
          %dma_start3A_203 = tpu.memref_slice %arg8[%dma_start3A_201, %dma_start3A_202] : memref<10240x256xf32, #tpu.memory_space<hbm>> -> memref<10240x256xf32, #tpu.memory_space<hbm>>
          tpu.enqueue_indirect_dma source(%dma_start3A_203 : memref<10240x256xf32, #tpu.memory_space<hbm>>) target(%arg28 : memref<32x256xf32, #tpu.memory_space<vmem>>) offsets(%dma_start3A_200 : memref<32xi32, #tpu.memory_space<vmem>>) semaphore(%arg34 : memref<!tpu.dma_semaphore, #tpu.memory_space<semaphore_mem>>)
        } else {
        }
        %mul3A_122 = arith.constant 32 : i32
        %mul3A_123 = arith.muli %mul3A_106, %mul3A_122 : i32
        %dma_wait3A_124 = tpu.memref_slice %arg15[%mul3A_123] : memref<256xi32, #tpu.memory_space<vmem>> -> memref<32xi32, #tpu.memory_space<vmem>>
        %dma_wait3A_125 = arith.constant 0 : i32
        %dma_wait3A_126 = arith.constant 0 : i32
        %dma_wait3A_127 = tpu.memref_slice %arg8[%dma_wait3A_125, %dma_wait3A_126] : memref<10240x256xf32, #tpu.memory_space<hbm>> -> memref<10240x256xf32, #tpu.memory_space<hbm>>
        tpu.wait_indirect_dma semaphore(%arg33 : memref<!tpu.dma_semaphore, #tpu.memory_space<semaphore_mem>>) src(%dma_wait3A_127 : memref<10240x256xf32, #tpu.memory_space<hbm>>) dst(%arg27 : memref<32x256xf32, #tpu.memory_space<vmem>>)
        %mul3A_128 = arith.constant 256 : i32
        %mul3A_129 = arith.muli %mul3A_78, %mul3A_128 : i32
        %mul3A_130 = arith.constant 32 : i32
        %mul3A_131 = arith.muli %mul3A_106, %mul3A_130 : i32
        %add3A_132 = arith.addi %mul3A_129, %mul3A_131 : i32
        %scan3A_133 = arith.constant 0 : i32
        %scan3A_134 = arith.constant 0 : i32
        %scan3A_135 = arith.constant 32 : i32
        %scan3A_136 = arith.addi %scan3A_134, %scan3A_135 : i32
        %scan3A_137 = arith.constant 1 : i32
        scf.for %scan3A_177 = %scan3A_134 to %scan3A_136 step %scan3A_137  : i32 {
          %add3A_178 = arith.addi %add3A_132, %scan3A_177 : i32
          %broadcast_in_dim3A = arith.constant 0 : i32
          %broadcast_in_dim3A_179 = vector.broadcast %broadcast_in_dim3A : i32 to vector<16xi32>
          %add3A_180 = vector.broadcast %add3A_178 : i32 to vector<16xi32>
          %add3A_181 = arith.addi %broadcast_in_dim3A_179, %add3A_180 : vector<16xi32>
          %lt3A_182 = vector.broadcast %scan3A_16 : i32 to vector<16xi32>
          %lt3A_183 = arith.cmpi slt, %add3A_181, %lt3A_182 : vector<16xi32>
          %broadcast_in_dim3A_184 = arith.constant 0 : i32
          %broadcast_in_dim3A_185 = vector.broadcast %broadcast_in_dim3A_184 : i32 to vector<16xi32>
          %mul3A_186 = arith.constant 32 : i32
          %mul3A_187 = arith.muli %mul3A_106, %mul3A_186 : i32
          %add3A_188 = vector.broadcast %mul3A_187 : i32 to vector<16xi32>
          %add3A_189 = arith.addi %broadcast_in_dim3A_185, %add3A_188 : vector<16xi32>
          %add3A_190 = vector.broadcast %scan3A_177 : i32 to vector<16xi32>
          %add3A_191 = arith.addi %add3A_189, %add3A_190 : vector<16xi32>
          %gather3A = tpu.vector_load_idx %arg17[%add3A_191] : memref<256xi32, #tpu.memory_space<vmem>>[vector<16xi32>], vector<16xi32>,
          %sub3A = vector.broadcast %mul3A_2 : i32 to vector<16xi32>
          %sub3A_192 = arith.subi %gather3A, %sub3A : vector<16xi32>
          %gather3A_193 = tpu.vector_load_idx %arg19[%add3A_191] : memref<256xf32, #tpu.memory_space<vmem>>[vector<16xi32>], vector<16xf32>,
          %get3A = arith.index_cast %scan3A_177 : i32 to index
          %get3A_194 = arith.constant 0 : index
          %get3A_195 = tpu.vector_load %arg27[%get3A, %get3A_194] {strides = array<i32>} : memref<32x256xf32, #tpu.memory_space<vmem>>, vector<16xf32>,
          %mul3A_196 = arith.mulf %get3A_195, %gather3A_193 : vector<16xf32>
          %add3A_197 = arith.constant 0 : i32
          %add3A_198 = vector.broadcast %add3A_197 : i32 to vector<16xi32>
          %add3A_199 = arith.addi %add3A_198, %iota3A : vector<16xi32>
          tpu.vector_store_idx %arg11[%sub3A_192, %add3A_199], %mul3A_196 masked %lt3A_183 {add = true} : memref<320x256xf32, #tpu.memory_space<vmem>>[vector<16xi32>, vector<16xi32>], vector<16xf32>, vector<16xi1>
          %get3A_200 = arith.index_cast %scan3A_177 : i32 to index
          %get3A_201 = arith.constant 16 : index
          %get3A_202 = tpu.vector_load %arg27[%get3A_200, %get3A_201] {strides = array<i32>} : memref<32x256xf32, #tpu.memory_space<vmem>>, vector<16xf32>,
          %mul3A_203 = arith.mulf %get3A_202, %gather3A_193 : vector<16xf32>
          %add3A_204 = arith.constant 16 : i32
          %add3A_205 = vector.broadcast %add3A_204 : i32 to vector<16xi32>
          %add3A_206 = arith.addi %add3A_205, %iota3A : vector<16xi32>
          tpu.vector_store_idx %arg11[%sub3A_192, %add3A_206], %mul3A_203 masked %lt3A_183 {add = true} : memref<320x256xf32, #tpu.memory_space<vmem>>[vector<16xi32>, vector<16xi32>], vector<16xf32>, vector<16xi1>
          %get3A_207 = arith.index_cast %scan3A_177 : i32 to index
          %get3A_208 = arith.constant 32 : index
          %get3A_209 = tpu.vector_load %arg27[%get3A_207, %get3A_208] {strides = array<i32>} : memref<32x256xf32, #tpu.memory_space<vmem>>, vector<16xf32>,
          %mul3A_210 = arith.mulf %get3A_209, %gather3A_193 : vector<16xf32>
          %add3A_211 = arith.constant 32 : i32
          %add3A_212 = vector.broadcast %add3A_211 : i32 to vector<16xi32>
          %add3A_213 = arith.addi %add3A_212, %iota3A : vector<16xi32>
          tpu.vector_store_idx %arg11[%sub3A_192, %add3A_213], %mul3A_210 masked %lt3A_183 {add = true} : memref<320x256xf32, #tpu.memory_space<vmem>>[vector<16xi32>, vector<16xi32>], vector<16xf32>, vector<16xi1>
          %get3A_214 = arith.index_cast %scan3A_177 : i32 to index
          %get3A_215 = arith.constant 48 : index
          %get3A_216 = tpu.vector_load %arg27[%get3A_214, %get3A_215] {strides = array<i32>} : memref<32x256xf32, #tpu.memory_space<vmem>>, vector<16xf32>,
          %mul3A_217 = arith.mulf %get3A_216, %gather3A_193 : vector<16xf32>
          %add3A_218 = arith.constant 48 : i32
          %add3A_219 = vector.broadcast %add3A_218 : i32 to vector<16xi32>
          %add3A_220 = arith.addi %add3A_219, %iota3A : vector<16xi32>
          tpu.vector_store_idx %arg11[%sub3A_192, %add3A_220], %mul3A_217 masked %lt3A_183 {add = true} : memref<320x256xf32, #tpu.memory_space<vmem>>[vector<16xi32>, vector<16xi32>], vector<16xf32>, vector<16xi1>
          %gather3A_221 = tpu.vector_load_idx %arg21[%add3A_191] : memref<256xf32, #tpu.memory_space<vmem>>[vector<16xi32>], vector<16xf32>,
          %get3A_222 = arith.index_cast %scan3A_177 : i32 to index
          %get3A_223 = arith.constant 64 : index
          %get3A_224 = tpu.vector_load %arg27[%get3A_222, %get3A_223] {strides = array<i32>} : memref<32x256xf32, #tpu.memory_space<vmem>>, vector<16xf32>,
          %mul3A_225 = arith.mulf %get3A_224, %gather3A_221 : vector<16xf32>
          %add3A_226 = arith.constant 64 : i32
          %add3A_227 = vector.broadcast %add3A_226 : i32 to vector<16xi32>
          %add3A_228 = arith.addi %add3A_227, %iota3A : vector<16xi32>
          tpu.vector_store_idx %arg11[%sub3A_192, %add3A_228], %mul3A_225 masked %lt3A_183 {add = true} : memref<320x256xf32, #tpu.memory_space<vmem>>[vector<16xi32>, vector<16xi32>], vector<16xf32>, vector<16xi1>
          %get3A_229 = arith.index_cast %scan3A_177 : i32 to index
          %get3A_230 = arith.constant 80 : index
          %get3A_231 = tpu.vector_load %arg27[%get3A_229, %get3A_230] {strides = array<i32>} : memref<32x256xf32, #tpu.memory_space<vmem>>, vector<16xf32>,
          %mul3A_232 = arith.mulf %get3A_231, %gather3A_221 : vector<16xf32>
          %add3A_233 = arith.constant 80 : i32
          %add3A_234 = vector.broadcast %add3A_233 : i32 to vector<16xi32>
          %add3A_235 = arith.addi %add3A_234, %iota3A : vector<16xi32>
          tpu.vector_store_idx %arg11[%sub3A_192, %add3A_235], %mul3A_232 masked %lt3A_183 {add = true} : memref<320x256xf32, #tpu.memory_space<vmem>>[vector<16xi32>, vector<16xi32>], vector<16xf32>, vector<16xi1>
          %get3A_236 = arith.index_cast %scan3A_177 : i32 to index
          %get3A_237 = arith.constant 96 : index
          %get3A_238 = tpu.vector_load %arg27[%get3A_236, %get3A_237] {strides = array<i32>} : memref<32x256xf32, #tpu.memory_space<vmem>>, vector<16xf32>,
          %mul3A_239 = arith.mulf %get3A_238, %gather3A_221 : vector<16xf32>
          %add3A_240 = arith.constant 96 : i32
          %add3A_241 = vector.broadcast %add3A_240 : i32 to vector<16xi32>
          %add3A_242 = arith.addi %add3A_241, %iota3A : vector<16xi32>
          tpu.vector_store_idx %arg11[%sub3A_192, %add3A_242], %mul3A_239 masked %lt3A_183 {add = true} : memref<320x256xf32, #tpu.memory_space<vmem>>[vector<16xi32>, vector<16xi32>], vector<16xf32>, vector<16xi1>
          %get3A_243 = arith.index_cast %scan3A_177 : i32 to index
          %get3A_244 = arith.constant 112 : index
          %get3A_245 = tpu.vector_load %arg27[%get3A_243, %get3A_244] {strides = array<i32>} : memref<32x256xf32, #tpu.memory_space<vmem>>, vector<16xf32>,
          %mul3A_246 = arith.mulf %get3A_245, %gather3A_221 : vector<16xf32>
          %add3A_247 = arith.constant 112 : i32
          %add3A_248 = vector.broadcast %add3A_247 : i32 to vector<16xi32>
          %add3A_249 = arith.addi %add3A_248, %iota3A : vector<16xi32>
          tpu.vector_store_idx %arg11[%sub3A_192, %add3A_249], %mul3A_246 masked %lt3A_183 {add = true} : memref<320x256xf32, #tpu.memory_space<vmem>>[vector<16xi32>, vector<16xi32>], vector<16xf32>, vector<16xi1>
          %gather3A_250 = tpu.vector_load_idx %arg23[%add3A_191] : memref<256xf32, #tpu.memory_space<vmem>>[vector<16xi32>], vector<16xf32>,
          %get3A_251 = arith.index_cast %scan3A_177 : i32 to index
          %get3A_252 = arith.constant 128 : index
          %get3A_253 = tpu.vector_load %arg27[%get3A_251, %get3A_252] {strides = array<i32>} : memref<32x256xf32, #tpu.memory_space<vmem>>, vector<16xf32>,
          %mul3A_254 = arith.mulf %get3A_253, %gather3A_250 : vector<16xf32>
          %add3A_255 = arith.constant 128 : i32
          %add3A_256 = vector.broadcast %add3A_255 : i32 to vector<16xi32>
          %add3A_257 = arith.addi %add3A_256, %iota3A : vector<16xi32>
          tpu.vector_store_idx %arg11[%sub3A_192, %add3A_257], %mul3A_254 masked %lt3A_183 {add = true} : memref<320x256xf32, #tpu.memory_space<vmem>>[vector<16xi32>, vector<16xi32>], vector<16xf32>, vector<16xi1>
          %get3A_258 = arith.index_cast %scan3A_177 : i32 to index
          %get3A_259 = arith.constant 144 : index
          %get3A_260 = tpu.vector_load %arg27[%get3A_258, %get3A_259] {strides = array<i32>} : memref<32x256xf32, #tpu.memory_space<vmem>>, vector<16xf32>,
          %mul3A_261 = arith.mulf %get3A_260, %gather3A_250 : vector<16xf32>
          %add3A_262 = arith.constant 144 : i32
          %add3A_263 = vector.broadcast %add3A_262 : i32 to vector<16xi32>
          %add3A_264 = arith.addi %add3A_263, %iota3A : vector<16xi32>
          tpu.vector_store_idx %arg11[%sub3A_192, %add3A_264], %mul3A_261 masked %lt3A_183 {add = true} : memref<320x256xf32, #tpu.memory_space<vmem>>[vector<16xi32>, vector<16xi32>], vector<16xf32>, vector<16xi1>
          %get3A_265 = arith.index_cast %scan3A_177 : i32 to index
          %get3A_266 = arith.constant 160 : index
          %get3A_267 = tpu.vector_load %arg27[%get3A_265, %get3A_266] {strides = array<i32>} : memref<32x256xf32, #tpu.memory_space<vmem>>, vector<16xf32>,
          %mul3A_268 = arith.mulf %get3A_267, %gather3A_250 : vector<16xf32>
          %add3A_269 = arith.constant 160 : i32
          %add3A_270 = vector.broadcast %add3A_269 : i32 to vector<16xi32>
          %add3A_271 = arith.addi %add3A_270, %iota3A : vector<16xi32>
          tpu.vector_store_idx %arg11[%sub3A_192, %add3A_271], %mul3A_268 masked %lt3A_183 {add = true} : memref<320x256xf32, #tpu.memory_space<vmem>>[vector<16xi32>, vector<16xi32>], vector<16xf32>, vector<16xi1>
          %get3A_272 = arith.index_cast %scan3A_177 : i32 to index
          %get3A_273 = arith.constant 176 : index
          %get3A_274 = tpu.vector_load %arg27[%get3A_272, %get3A_273] {strides = array<i32>} : memref<32x256xf32, #tpu.memory_space<vmem>>, vector<16xf32>,
          %mul3A_275 = arith.mulf %get3A_274, %gather3A_250 : vector<16xf32>
          %add3A_276 = arith.constant 176 : i32
          %add3A_277 = vector.broadcast %add3A_276 : i32 to vector<16xi32>
          %add3A_278 = arith.addi %add3A_277, %iota3A : vector<16xi32>
          tpu.vector_store_idx %arg11[%sub3A_192, %add3A_278], %mul3A_275 masked %lt3A_183 {add = true} : memref<320x256xf32, #tpu.memory_space<vmem>>[vector<16xi32>, vector<16xi32>], vector<16xf32>, vector<16xi1>
          %gather3A_279 = tpu.vector_load_idx %arg25[%add3A_191] : memref<256xf32, #tpu.memory_space<vmem>>[vector<16xi32>], vector<16xf32>,
          %get3A_280 = arith.index_cast %scan3A_177 : i32 to index
          %get3A_281 = arith.constant 192 : index
          %get3A_282 = tpu.vector_load %arg27[%get3A_280, %get3A_281] {strides = array<i32>} : memref<32x256xf32, #tpu.memory_space<vmem>>, vector<16xf32>,
          %mul3A_283 = arith.mulf %get3A_282, %gather3A_279 : vector<16xf32>
          %add3A_284 = arith.constant 192 : i32
          %add3A_285 = vector.broadcast %add3A_284 : i32 to vector<16xi32>
          %add3A_286 = arith.addi %add3A_285, %iota3A : vector<16xi32>
          tpu.vector_store_idx %arg11[%sub3A_192, %add3A_286], %mul3A_283 masked %lt3A_183 {add = true} : memref<320x256xf32, #tpu.memory_space<vmem>>[vector<16xi32>, vector<16xi32>], vector<16xf32>, vector<16xi1>
          %get3A_287 = arith.index_cast %scan3A_177 : i32 to index
          %get3A_288 = arith.constant 208 : index
          %get3A_289 = tpu.vector_load %arg27[%get3A_287, %get3A_288] {strides = array<i32>} : memref<32x256xf32, #tpu.memory_space<vmem>>, vector<16xf32>,
          %mul3A_290 = arith.mulf %get3A_289, %gather3A_279 : vector<16xf32>
          %add3A_291 = arith.constant 208 : i32
          %add3A_292 = vector.broadcast %add3A_291 : i32 to vector<16xi32>
          %add3A_293 = arith.addi %add3A_292, %iota3A : vector<16xi32>
          tpu.vector_store_idx %arg11[%sub3A_192, %add3A_293], %mul3A_290 masked %lt3A_183 {add = true} : memref<320x256xf32, #tpu.memory_space<vmem>>[vector<16xi32>, vector<16xi32>], vector<16xf32>, vector<16xi1>
          %get3A_294 = arith.index_cast %scan3A_177 : i32 to index
          %get3A_295 = arith.constant 224 : index
          %get3A_296 = tpu.vector_load %arg27[%get3A_294, %get3A_295] {strides = array<i32>} : memref<32x256xf32, #tpu.memory_space<vmem>>, vector<16xf32>,
          %mul3A_297 = arith.mulf %get3A_296, %gather3A_279 : vector<16xf32>
          %add3A_298 = arith.constant 224 : i32
          %add3A_299 = vector.broadcast %add3A_298 : i32 to vector<16xi32>
          %add3A_300 = arith.addi %add3A_299, %iota3A : vector<16xi32>
          tpu.vector_store_idx %arg11[%sub3A_192, %add3A_300], %mul3A_297 masked %lt3A_183 {add = true} : memref<320x256xf32, #tpu.memory_space<vmem>>[vector<16xi32>, vector<16xi32>], vector<16xf32>, vector<16xi1>
          %get3A_301 = arith.index_cast %scan3A_177 : i32 to index
          %get3A_302 = arith.constant 240 : index
          %get3A_303 = tpu.vector_load %arg27[%get3A_301, %get3A_302] {strides = array<i32>} : memref<32x256xf32, #tpu.memory_space<vmem>>, vector<16xf32>,
          %mul3A_304 = arith.mulf %get3A_303, %gather3A_279 : vector<16xf32>
          %add3A_305 = arith.constant 240 : i32
          %add3A_306 = vector.broadcast %add3A_305 : i32 to vector<16xi32>
          %add3A_307 = arith.addi %add3A_306, %iota3A : vector<16xi32>
          tpu.vector_store_idx %arg11[%sub3A_192, %add3A_307], %mul3A_304 masked %lt3A_183 {add = true} : memref<320x256xf32, #tpu.memory_space<vmem>>[vector<16xi32>, vector<16xi32>], vector<16xf32>, vector<16xi1>
        }
        %scan3A_138 = arith.constant 32 : i32
        %mul3A_139 = arith.constant 2 : i32
        %mul3A_140 = arith.muli %scan3A_104, %mul3A_139 : i32
        %add3A_141 = arith.constant 1 : i32
        %add3A_142 = arith.addi %mul3A_140, %add3A_141 : i32
        %add3A_143 = arith.constant 1 : i32
        %add3A_144 = arith.addi %add3A_142, %add3A_143 : i32
        %lt3A_145 = arith.constant 8 : i32
        %lt3A_146 = arith.cmpi slt, %add3A_144, %lt3A_145 : i32
        %convert_element_type3A_147 = arith.extui %lt3A_146 : i1 to i32
        %cond3A_148 = arith.constant 0 : i32
        %cond3A_149 = arith.cmpi ne, %convert_element_type3A_147, %cond3A_148 : i32
        scf.if %cond3A_149 {
          %mul3A_177 = arith.constant 32 : i32
          %mul3A_178 = arith.muli %add3A_144, %mul3A_177 : i32
          %dma_start3A_179 = tpu.memref_slice %arg15[%mul3A_178] : memref<256xi32, #tpu.memory_space<vmem>> -> memref<32xi32, #tpu.memory_space<vmem>>
          %dma_start3A_180 = arith.constant 0 : i32
          %dma_start3A_181 = arith.constant 0 : i32
          %dma_start3A_182 = tpu.memref_slice %arg8[%dma_start3A_180, %dma_start3A_181] : memref<10240x256xf32, #tpu.memory_space<hbm>> -> memref<10240x256xf32, #tpu.memory_space<hbm>>
          tpu.enqueue_indirect_dma source(%dma_start3A_182 : memref<10240x256xf32, #tpu.memory_space<hbm>>) target(%arg27 : memref<32x256xf32, #tpu.memory_space<vmem>>) offsets(%dma_start3A_179 : memref<32xi32, #tpu.memory_space<vmem>>) semaphore(%arg33 : memref<!tpu.dma_semaphore, #tpu.memory_space<semaphore_mem>>)
        } else {
        }
        %ge3A_150 = arith.constant 8 : i32
        %ge3A_151 = arith.cmpi sge, %add3A_144, %ge3A_150 : i32
        %add3A_152 = arith.constant 1 : i32
        %add3A_153 = arith.addi %mul3A_78, %add3A_152 : i32
        %lt3A_154 = arith.constant 24 : i32
        %lt3A_155 = arith.cmpi slt, %add3A_153, %lt3A_154 : i32
        %and3A_156 = arith.andi %ge3A_151, %lt3A_155 : i1
        %convert_element_type3A_157 = arith.extui %and3A_156 : i1 to i32
        %cond3A_158 = arith.constant 0 : i32
        %cond3A_159 = arith.cmpi ne, %convert_element_type3A_157, %cond3A_158 : i32
        scf.if %cond3A_159 {
          %add3A_177 = arith.constant 1 : i32
          %add3A_178 = arith.addi %mul3A_78, %add3A_177 : i32
          %mul3A_179 = arith.constant 256 : i32
          %mul3A_180 = arith.muli %add3A_178, %mul3A_179 : i32
          %dma_wait3A_181 = tpu.memref_slice %arg12[%mul3A_180] : memref<6144xi32, #tpu.memory_space<vmem>> -> memref<256xi32, #tpu.memory_space<vmem>>
          %dma_wait3A_182 = arith.constant 0 : i32
          %dma_wait3A_183 = tpu.memref_slice %arg2[%dma_wait3A_182] : memref<163840xi32, #tpu.memory_space<hbm>> -> memref<163840xi32, #tpu.memory_space<hbm>>
          tpu.wait_indirect_dma semaphore(%arg32 : memref<!tpu.dma_semaphore, #tpu.memory_space<semaphore_mem>>) src(%dma_wait3A_183 : memref<163840xi32, #tpu.memory_space<hbm>>) dst(%arg16 : memref<256xi32, #tpu.memory_space<vmem>>)
          %dma_wait3A_184 = tpu.memref_slice %arg12[%mul3A_180] : memref<6144xi32, #tpu.memory_space<vmem>> -> memref<256xi32, #tpu.memory_space<vmem>>
          %dma_wait3A_185 = arith.constant 0 : i32
          %dma_wait3A_186 = tpu.memref_slice %arg3[%dma_wait3A_185] : memref<163840xi32, #tpu.memory_space<hbm>> -> memref<163840xi32, #tpu.memory_space<hbm>>
          tpu.wait_indirect_dma semaphore(%arg32 : memref<!tpu.dma_semaphore, #tpu.memory_space<semaphore_mem>>) src(%dma_wait3A_186 : memref<163840xi32, #tpu.memory_space<hbm>>) dst(%arg18 : memref<256xi32, #tpu.memory_space<vmem>>)
          %dma_wait3A_187 = tpu.memref_slice %arg12[%mul3A_180] : memref<6144xi32, #tpu.memory_space<vmem>> -> memref<256xi32, #tpu.memory_space<vmem>>
          %dma_wait3A_188 = arith.constant 0 : i32
          %dma_wait3A_189 = tpu.memref_slice %arg4[%dma_wait3A_188] : memref<163840xf32, #tpu.memory_space<hbm>> -> memref<163840xf32, #tpu.memory_space<hbm>>
          tpu.wait_indirect_dma semaphore(%arg32 : memref<!tpu.dma_semaphore, #tpu.memory_space<semaphore_mem>>) src(%dma_wait3A_189 : memref<163840xf32, #tpu.memory_space<hbm>>) dst(%arg20 : memref<256xf32, #tpu.memory_space<vmem>>)
          %dma_wait3A_190 = tpu.memref_slice %arg12[%mul3A_180] : memref<6144xi32, #tpu.memory_space<vmem>> -> memref<256xi32, #tpu.memory_space<vmem>>
          %dma_wait3A_191 = arith.constant 0 : i32
          %dma_wait3A_192 = tpu.memref_slice %arg5[%dma_wait3A_191] : memref<163840xf32, #tpu.memory_space<hbm>> -> memref<163840xf32, #tpu.memory_space<hbm>>
          tpu.wait_indirect_dma semaphore(%arg32 : memref<!tpu.dma_semaphore, #tpu.memory_space<semaphore_mem>>) src(%dma_wait3A_192 : memref<163840xf32, #tpu.memory_space<hbm>>) dst(%arg22 : memref<256xf32, #tpu.memory_space<vmem>>)
          %dma_wait3A_193 = tpu.memref_slice %arg12[%mul3A_180] : memref<6144xi32, #tpu.memory_space<vmem>> -> memref<256xi32, #tpu.memory_space<vmem>>
          %dma_wait3A_194 = arith.constant 0 : i32
          %dma_wait3A_195 = tpu.memref_slice %arg6[%dma_wait3A_194] : memref<163840xf32, #tpu.memory_space<hbm>> -> memref<163840xf32, #tpu.memory_space<hbm>>
          tpu.wait_indirect_dma semaphore(%arg32 : memref<!tpu.dma_semaphore, #tpu.memory_space<semaphore_mem>>) src(%dma_wait3A_195 : memref<163840xf32, #tpu.memory_space<hbm>>) dst(%arg24 : memref<256xf32, #tpu.memory_space<vmem>>)
          %dma_wait3A_196 = tpu.memref_slice %arg12[%mul3A_180] : memref<6144xi32, #tpu.memory_space<vmem>> -> memref<256xi32, #tpu.memory_space<vmem>>
          %dma_wait3A_197 = arith.constant 0 : i32
          %dma_wait3A_198 = tpu.memref_slice %arg7[%dma_wait3A_197] : memref<163840xf32, #tpu.memory_space<hbm>> -> memref<163840xf32, #tpu.memory_space<hbm>>
          tpu.wait_indirect_dma semaphore(%arg32 : memref<!tpu.dma_semaphore, #tpu.memory_space<semaphore_mem>>) src(%dma_wait3A_198 : memref<163840xf32, #tpu.memory_space<hbm>>) dst(%arg26 : memref<256xf32, #tpu.memory_space<vmem>>)
          %dma_start3A_199 = arith.constant 0 : i32
          %dma_start3A_200 = tpu.memref_slice %arg16[%dma_start3A_199] : memref<256xi32, #tpu.memory_space<vmem>> -> memref<32xi32, #tpu.memory_space<vmem>>
          %dma_start3A_201 = arith.constant 0 : i32
          %dma_start3A_202 = arith.constant 0 : i32
          %dma_start3A_203 = tpu.memref_slice %arg8[%dma_start3A_201, %dma_start3A_202] : memref<10240x256xf32, #tpu.memory_space<hbm>> -> memref<10240x256xf32, #tpu.memory_space<hbm>>
          tpu.enqueue_indirect_dma source(%dma_start3A_203 : memref<10240x256xf32, #tpu.memory_space<hbm>>) target(%arg27 : memref<32x256xf32, #tpu.memory_space<vmem>>) offsets(%dma_start3A_200 : memref<32xi32, #tpu.memory_space<vmem>>) semaphore(%arg33 : memref<!tpu.dma_semaphore, #tpu.memory_space<semaphore_mem>>)
        } else {
        }
        %mul3A_160 = arith.constant 32 : i32
        %mul3A_161 = arith.muli %add3A_142, %mul3A_160 : i32
        %dma_wait3A_162 = tpu.memref_slice %arg15[%mul3A_161] : memref<256xi32, #tpu.memory_space<vmem>> -> memref<32xi32, #tpu.memory_space<vmem>>
        %dma_wait3A_163 = arith.constant 0 : i32
        %dma_wait3A_164 = arith.constant 0 : i32
        %dma_wait3A_165 = tpu.memref_slice %arg8[%dma_wait3A_163, %dma_wait3A_164] : memref<10240x256xf32, #tpu.memory_space<hbm>> -> memref<10240x256xf32, #tpu.memory_space<hbm>>
        tpu.wait_indirect_dma semaphore(%arg34 : memref<!tpu.dma_semaphore, #tpu.memory_space<semaphore_mem>>) src(%dma_wait3A_165 : memref<10240x256xf32, #tpu.memory_space<hbm>>) dst(%arg28 : memref<32x256xf32, #tpu.memory_space<vmem>>)
        %mul3A_166 = arith.constant 256 : i32
        %mul3A_167 = arith.muli %mul3A_78, %mul3A_166 : i32
        %mul3A_168 = arith.constant 32 : i32
        %mul3A_169 = arith.muli %add3A_142, %mul3A_168 : i32
        %add3A_170 = arith.addi %mul3A_167, %mul3A_169 : i32
        %scan3A_171 = arith.constant 0 : i32
        %scan3A_172 = arith.constant 0 : i32
        %scan3A_173 = arith.constant 32 : i32
        %scan3A_174 = arith.addi %scan3A_172, %scan3A_173 : i32
        %scan3A_175 = arith.constant 1 : i32
        scf.for %scan3A_177 = %scan3A_172 to %scan3A_174 step %scan3A_175  : i32 {
          %add3A_178 = arith.addi %add3A_170, %scan3A_177 : i32
          %broadcast_in_dim3A = arith.constant 0 : i32
          %broadcast_in_dim3A_179 = vector.broadcast %broadcast_in_dim3A : i32 to vector<16xi32>
          %add3A_180 = vector.broadcast %add3A_178 : i32 to vector<16xi32>
          %add3A_181 = arith.addi %broadcast_in_dim3A_179, %add3A_180 : vector<16xi32>
          %lt3A_182 = vector.broadcast %scan3A_16 : i32 to vector<16xi32>
          %lt3A_183 = arith.cmpi slt, %add3A_181, %lt3A_182 : vector<16xi32>
          %broadcast_in_dim3A_184 = arith.constant 0 : i32
          %broadcast_in_dim3A_185 = vector.broadcast %broadcast_in_dim3A_184 : i32 to vector<16xi32>
          %mul3A_186 = arith.constant 32 : i32
          %mul3A_187 = arith.muli %add3A_142, %mul3A_186 : i32
          %add3A_188 = vector.broadcast %mul3A_187 : i32 to vector<16xi32>
          %add3A_189 = arith.addi %broadcast_in_dim3A_185, %add3A_188 : vector<16xi32>
          %add3A_190 = vector.broadcast %scan3A_177 : i32 to vector<16xi32>
          %add3A_191 = arith.addi %add3A_189, %add3A_190 : vector<16xi32>
          %gather3A = tpu.vector_load_idx %arg17[%add3A_191] : memref<256xi32, #tpu.memory_space<vmem>>[vector<16xi32>], vector<16xi32>,
          %sub3A = vector.broadcast %mul3A_2 : i32 to vector<16xi32>
          %sub3A_192 = arith.subi %gather3A, %sub3A : vector<16xi32>
          %gather3A_193 = tpu.vector_load_idx %arg19[%add3A_191] : memref<256xf32, #tpu.memory_space<vmem>>[vector<16xi32>], vector<16xf32>,
          %get3A = arith.index_cast %scan3A_177 : i32 to index
          %get3A_194 = arith.constant 0 : index
          %get3A_195 = tpu.vector_load %arg28[%get3A, %get3A_194] {strides = array<i32>} : memref<32x256xf32, #tpu.memory_space<vmem>>, vector<16xf32>,
          %mul3A_196 = arith.mulf %get3A_195, %gather3A_193 : vector<16xf32>
          %add3A_197 = arith.constant 0 : i32
          %add3A_198 = vector.broadcast %add3A_197 : i32 to vector<16xi32>
          %add3A_199 = arith.addi %add3A_198, %iota3A : vector<16xi32>
          tpu.vector_store_idx %arg11[%sub3A_192, %add3A_199], %mul3A_196 masked %lt3A_183 {add = true} : memref<320x256xf32, #tpu.memory_space<vmem>>[vector<16xi32>, vector<16xi32>], vector<16xf32>, vector<16xi1>
          %get3A_200 = arith.index_cast %scan3A_177 : i32 to index
          %get3A_201 = arith.constant 16 : index
          %get3A_202 = tpu.vector_load %arg28[%get3A_200, %get3A_201] {strides = array<i32>} : memref<32x256xf32, #tpu.memory_space<vmem>>, vector<16xf32>,
          %mul3A_203 = arith.mulf %get3A_202, %gather3A_193 : vector<16xf32>
          %add3A_204 = arith.constant 16 : i32
          %add3A_205 = vector.broadcast %add3A_204 : i32 to vector<16xi32>
          %add3A_206 = arith.addi %add3A_205, %iota3A : vector<16xi32>
          tpu.vector_store_idx %arg11[%sub3A_192, %add3A_206], %mul3A_203 masked %lt3A_183 {add = true} : memref<320x256xf32, #tpu.memory_space<vmem>>[vector<16xi32>, vector<16xi32>], vector<16xf32>, vector<16xi1>
          %get3A_207 = arith.index_cast %scan3A_177 : i32 to index
          %get3A_208 = arith.constant 32 : index
          %get3A_209 = tpu.vector_load %arg28[%get3A_207, %get3A_208] {strides = array<i32>} : memref<32x256xf32, #tpu.memory_space<vmem>>, vector<16xf32>,
          %mul3A_210 = arith.mulf %get3A_209, %gather3A_193 : vector<16xf32>
          %add3A_211 = arith.constant 32 : i32
          %add3A_212 = vector.broadcast %add3A_211 : i32 to vector<16xi32>
          %add3A_213 = arith.addi %add3A_212, %iota3A : vector<16xi32>
          tpu.vector_store_idx %arg11[%sub3A_192, %add3A_213], %mul3A_210 masked %lt3A_183 {add = true} : memref<320x256xf32, #tpu.memory_space<vmem>>[vector<16xi32>, vector<16xi32>], vector<16xf32>, vector<16xi1>
          %get3A_214 = arith.index_cast %scan3A_177 : i32 to index
          %get3A_215 = arith.constant 48 : index
          %get3A_216 = tpu.vector_load %arg28[%get3A_214, %get3A_215] {strides = array<i32>} : memref<32x256xf32, #tpu.memory_space<vmem>>, vector<16xf32>,
          %mul3A_217 = arith.mulf %get3A_216, %gather3A_193 : vector<16xf32>
          %add3A_218 = arith.constant 48 : i32
          %add3A_219 = vector.broadcast %add3A_218 : i32 to vector<16xi32>
          %add3A_220 = arith.addi %add3A_219, %iota3A : vector<16xi32>
          tpu.vector_store_idx %arg11[%sub3A_192, %add3A_220], %mul3A_217 masked %lt3A_183 {add = true} : memref<320x256xf32, #tpu.memory_space<vmem>>[vector<16xi32>, vector<16xi32>], vector<16xf32>, vector<16xi1>
          %gather3A_221 = tpu.vector_load_idx %arg21[%add3A_191] : memref<256xf32, #tpu.memory_space<vmem>>[vector<16xi32>], vector<16xf32>,
          %get3A_222 = arith.index_cast %scan3A_177 : i32 to index
          %get3A_223 = arith.constant 64 : index
          %get3A_224 = tpu.vector_load %arg28[%get3A_222, %get3A_223] {strides = array<i32>} : memref<32x256xf32, #tpu.memory_space<vmem>>, vector<16xf32>,
          %mul3A_225 = arith.mulf %get3A_224, %gather3A_221 : vector<16xf32>
          %add3A_226 = arith.constant 64 : i32
          %add3A_227 = vector.broadcast %add3A_226 : i32 to vector<16xi32>
          %add3A_228 = arith.addi %add3A_227, %iota3A : vector<16xi32>
          tpu.vector_store_idx %arg11[%sub3A_192, %add3A_228], %mul3A_225 masked %lt3A_183 {add = true} : memref<320x256xf32, #tpu.memory_space<vmem>>[vector<16xi32>, vector<16xi32>], vector<16xf32>, vector<16xi1>
          %get3A_229 = arith.index_cast %scan3A_177 : i32 to index
          %get3A_230 = arith.constant 80 : index
          %get3A_231 = tpu.vector_load %arg28[%get3A_229, %get3A_230] {strides = array<i32>} : memref<32x256xf32, #tpu.memory_space<vmem>>, vector<16xf32>,
          %mul3A_232 = arith.mulf %get3A_231, %gather3A_221 : vector<16xf32>
          %add3A_233 = arith.constant 80 : i32
          %add3A_234 = vector.broadcast %add3A_233 : i32 to vector<16xi32>
          %add3A_235 = arith.addi %add3A_234, %iota3A : vector<16xi32>
          tpu.vector_store_idx %arg11[%sub3A_192, %add3A_235], %mul3A_232 masked %lt3A_183 {add = true} : memref<320x256xf32, #tpu.memory_space<vmem>>[vector<16xi32>, vector<16xi32>], vector<16xf32>, vector<16xi1>
          %get3A_236 = arith.index_cast %scan3A_177 : i32 to index
          %get3A_237 = arith.constant 96 : index
          %get3A_238 = tpu.vector_load %arg28[%get3A_236, %get3A_237] {strides = array<i32>} : memref<32x256xf32, #tpu.memory_space<vmem>>, vector<16xf32>,
          %mul3A_239 = arith.mulf %get3A_238, %gather3A_221 : vector<16xf32>
          %add3A_240 = arith.constant 96 : i32
          %add3A_241 = vector.broadcast %add3A_240 : i32 to vector<16xi32>
          %add3A_242 = arith.addi %add3A_241, %iota3A : vector<16xi32>
          tpu.vector_store_idx %arg11[%sub3A_192, %add3A_242], %mul3A_239 masked %lt3A_183 {add = true} : memref<320x256xf32, #tpu.memory_space<vmem>>[vector<16xi32>, vector<16xi32>], vector<16xf32>, vector<16xi1>
          %get3A_243 = arith.index_cast %scan3A_177 : i32 to index
          %get3A_244 = arith.constant 112 : index
          %get3A_245 = tpu.vector_load %arg28[%get3A_243, %get3A_244] {strides = array<i32>} : memref<32x256xf32, #tpu.memory_space<vmem>>, vector<16xf32>,
          %mul3A_246 = arith.mulf %get3A_245, %gather3A_221 : vector<16xf32>
          %add3A_247 = arith.constant 112 : i32
          %add3A_248 = vector.broadcast %add3A_247 : i32 to vector<16xi32>
          %add3A_249 = arith.addi %add3A_248, %iota3A : vector<16xi32>
          tpu.vector_store_idx %arg11[%sub3A_192, %add3A_249], %mul3A_246 masked %lt3A_183 {add = true} : memref<320x256xf32, #tpu.memory_space<vmem>>[vector<16xi32>, vector<16xi32>], vector<16xf32>, vector<16xi1>
          %gather3A_250 = tpu.vector_load_idx %arg23[%add3A_191] : memref<256xf32, #tpu.memory_space<vmem>>[vector<16xi32>], vector<16xf32>,
          %get3A_251 = arith.index_cast %scan3A_177 : i32 to index
          %get3A_252 = arith.constant 128 : index
          %get3A_253 = tpu.vector_load %arg28[%get3A_251, %get3A_252] {strides = array<i32>} : memref<32x256xf32, #tpu.memory_space<vmem>>, vector<16xf32>,
          %mul3A_254 = arith.mulf %get3A_253, %gather3A_250 : vector<16xf32>
          %add3A_255 = arith.constant 128 : i32
          %add3A_256 = vector.broadcast %add3A_255 : i32 to vector<16xi32>
          %add3A_257 = arith.addi %add3A_256, %iota3A : vector<16xi32>
          tpu.vector_store_idx %arg11[%sub3A_192, %add3A_257], %mul3A_254 masked %lt3A_183 {add = true} : memref<320x256xf32, #tpu.memory_space<vmem>>[vector<16xi32>, vector<16xi32>], vector<16xf32>, vector<16xi1>
          %get3A_258 = arith.index_cast %scan3A_177 : i32 to index
          %get3A_259 = arith.constant 144 : index
          %get3A_260 = tpu.vector_load %arg28[%get3A_258, %get3A_259] {strides = array<i32>} : memref<32x256xf32, #tpu.memory_space<vmem>>, vector<16xf32>,
          %mul3A_261 = arith.mulf %get3A_260, %gather3A_250 : vector<16xf32>
          %add3A_262 = arith.constant 144 : i32
          %add3A_263 = vector.broadcast %add3A_262 : i32 to vector<16xi32>
          %add3A_264 = arith.addi %add3A_263, %iota3A : vector<16xi32>
          tpu.vector_store_idx %arg11[%sub3A_192, %add3A_264], %mul3A_261 masked %lt3A_183 {add = true} : memref<320x256xf32, #tpu.memory_space<vmem>>[vector<16xi32>, vector<16xi32>], vector<16xf32>, vector<16xi1>
          %get3A_265 = arith.index_cast %scan3A_177 : i32 to index
          %get3A_266 = arith.constant 160 : index
          %get3A_267 = tpu.vector_load %arg28[%get3A_265, %get3A_266] {strides = array<i32>} : memref<32x256xf32, #tpu.memory_space<vmem>>, vector<16xf32>,
          %mul3A_268 = arith.mulf %get3A_267, %gather3A_250 : vector<16xf32>
          %add3A_269 = arith.constant 160 : i32
          %add3A_270 = vector.broadcast %add3A_269 : i32 to vector<16xi32>
          %add3A_271 = arith.addi %add3A_270, %iota3A : vector<16xi32>
          tpu.vector_store_idx %arg11[%sub3A_192, %add3A_271], %mul3A_268 masked %lt3A_183 {add = true} : memref<320x256xf32, #tpu.memory_space<vmem>>[vector<16xi32>, vector<16xi32>], vector<16xf32>, vector<16xi1>
          %get3A_272 = arith.index_cast %scan3A_177 : i32 to index
          %get3A_273 = arith.constant 176 : index
          %get3A_274 = tpu.vector_load %arg28[%get3A_272, %get3A_273] {strides = array<i32>} : memref<32x256xf32, #tpu.memory_space<vmem>>, vector<16xf32>,
          %mul3A_275 = arith.mulf %get3A_274, %gather3A_250 : vector<16xf32>
          %add3A_276 = arith.constant 176 : i32
          %add3A_277 = vector.broadcast %add3A_276 : i32 to vector<16xi32>
          %add3A_278 = arith.addi %add3A_277, %iota3A : vector<16xi32>
          tpu.vector_store_idx %arg11[%sub3A_192, %add3A_278], %mul3A_275 masked %lt3A_183 {add = true} : memref<320x256xf32, #tpu.memory_space<vmem>>[vector<16xi32>, vector<16xi32>], vector<16xf32>, vector<16xi1>
          %gather3A_279 = tpu.vector_load_idx %arg25[%add3A_191] : memref<256xf32, #tpu.memory_space<vmem>>[vector<16xi32>], vector<16xf32>,
          %get3A_280 = arith.index_cast %scan3A_177 : i32 to index
          %get3A_281 = arith.constant 192 : index
          %get3A_282 = tpu.vector_load %arg28[%get3A_280, %get3A_281] {strides = array<i32>} : memref<32x256xf32, #tpu.memory_space<vmem>>, vector<16xf32>,
          %mul3A_283 = arith.mulf %get3A_282, %gather3A_279 : vector<16xf32>
          %add3A_284 = arith.constant 192 : i32
          %add3A_285 = vector.broadcast %add3A_284 : i32 to vector<16xi32>
          %add3A_286 = arith.addi %add3A_285, %iota3A : vector<16xi32>
          tpu.vector_store_idx %arg11[%sub3A_192, %add3A_286], %mul3A_283 masked %lt3A_183 {add = true} : memref<320x256xf32, #tpu.memory_space<vmem>>[vector<16xi32>, vector<16xi32>], vector<16xf32>, vector<16xi1>
          %get3A_287 = arith.index_cast %scan3A_177 : i32 to index
          %get3A_288 = arith.constant 208 : index
          %get3A_289 = tpu.vector_load %arg28[%get3A_287, %get3A_288] {strides = array<i32>} : memref<32x256xf32, #tpu.memory_space<vmem>>, vector<16xf32>,
          %mul3A_290 = arith.mulf %get3A_289, %gather3A_279 : vector<16xf32>
          %add3A_291 = arith.constant 208 : i32
          %add3A_292 = vector.broadcast %add3A_291 : i32 to vector<16xi32>
          %add3A_293 = arith.addi %add3A_292, %iota3A : vector<16xi32>
          tpu.vector_store_idx %arg11[%sub3A_192, %add3A_293], %mul3A_290 masked %lt3A_183 {add = true} : memref<320x256xf32, #tpu.memory_space<vmem>>[vector<16xi32>, vector<16xi32>], vector<16xf32>, vector<16xi1>
          %get3A_294 = arith.index_cast %scan3A_177 : i32 to index
          %get3A_295 = arith.constant 224 : index
          %get3A_296 = tpu.vector_load %arg28[%get3A_294, %get3A_295] {strides = array<i32>} : memref<32x256xf32, #tpu.memory_space<vmem>>, vector<16xf32>,
          %mul3A_297 = arith.mulf %get3A_296, %gather3A_279 : vector<16xf32>
          %add3A_298 = arith.constant 224 : i32
          %add3A_299 = vector.broadcast %add3A_298 : i32 to vector<16xi32>
          %add3A_300 = arith.addi %add3A_299, %iota3A : vector<16xi32>
          tpu.vector_store_idx %arg11[%sub3A_192, %add3A_300], %mul3A_297 masked %lt3A_183 {add = true} : memref<320x256xf32, #tpu.memory_space<vmem>>[vector<16xi32>, vector<16xi32>], vector<16xf32>, vector<16xi1>
          %get3A_301 = arith.index_cast %scan3A_177 : i32 to index
          %get3A_302 = arith.constant 240 : index
          %get3A_303 = tpu.vector_load %arg28[%get3A_301, %get3A_302] {strides = array<i32>} : memref<32x256xf32, #tpu.memory_space<vmem>>, vector<16xf32>,
          %mul3A_304 = arith.mulf %get3A_303, %gather3A_279 : vector<16xf32>
          %add3A_305 = arith.constant 240 : i32
          %add3A_306 = vector.broadcast %add3A_305 : i32 to vector<16xi32>
          %add3A_307 = arith.addi %add3A_306, %iota3A : vector<16xi32>
          tpu.vector_store_idx %arg11[%sub3A_192, %add3A_307], %mul3A_304 masked %lt3A_183 {add = true} : memref<320x256xf32, #tpu.memory_space<vmem>>[vector<16xi32>, vector<16xi32>], vector<16xf32>, vector<16xi1>
        }
        %scan3A_176 = arith.constant 32 : i32
      }
      %scan3A_87 = arith.constant 4 : i32
      %mul3A_88 = arith.constant 2 : i32
      %mul3A_89 = arith.muli %scan3A_76, %mul3A_88 : i32
      %add3A_90 = arith.constant 1 : i32
      %add3A_91 = arith.addi %mul3A_89, %add3A_90 : i32
      %add3A_92 = arith.constant 1 : i32
      %add3A_93 = arith.addi %add3A_91, %add3A_92 : i32
      %lt3A_94 = arith.constant 24 : i32
      %lt3A_95 = arith.cmpi slt, %add3A_93, %lt3A_94 : i32
      %convert_element_type3A_96 = arith.extui %lt3A_95 : i1 to i32
      %cond3A_97 = arith.constant 0 : i32
      %cond3A_98 = arith.cmpi ne, %convert_element_type3A_96, %cond3A_97 : i32
      scf.if %cond3A_98 {
        %add3A_104 = arith.constant 1 : i32
        %add3A_105 = arith.addi %add3A_91, %add3A_104 : i32
        %mul3A_106 = arith.constant 256 : i32
        %mul3A_107 = arith.muli %add3A_105, %mul3A_106 : i32
        %dma_start3A_108 = tpu.memref_slice %arg12[%mul3A_107] : memref<6144xi32, #tpu.memory_space<vmem>> -> memref<256xi32, #tpu.memory_space<vmem>>
        %dma_start3A_109 = arith.constant 0 : i32
        %dma_start3A_110 = tpu.memref_slice %arg2[%dma_start3A_109] : memref<163840xi32, #tpu.memory_space<hbm>> -> memref<163840xi32, #tpu.memory_space<hbm>>
        tpu.enqueue_indirect_dma source(%dma_start3A_110 : memref<163840xi32, #tpu.memory_space<hbm>>) target(%arg15 : memref<256xi32, #tpu.memory_space<vmem>>) offsets(%dma_start3A_108 : memref<256xi32, #tpu.memory_space<vmem>>) semaphore(%arg31 : memref<!tpu.dma_semaphore, #tpu.memory_space<semaphore_mem>>)
        %dma_start3A_111 = tpu.memref_slice %arg12[%mul3A_107] : memref<6144xi32, #tpu.memory_space<vmem>> -> memref<256xi32, #tpu.memory_space<vmem>>
        %dma_start3A_112 = arith.constant 0 : i32
        %dma_start3A_113 = tpu.memref_slice %arg3[%dma_start3A_112] : memref<163840xi32, #tpu.memory_space<hbm>> -> memref<163840xi32, #tpu.memory_space<hbm>>
        tpu.enqueue_indirect_dma source(%dma_start3A_113 : memref<163840xi32, #tpu.memory_space<hbm>>) target(%arg17 : memref<256xi32, #tpu.memory_space<vmem>>) offsets(%dma_start3A_111 : memref<256xi32, #tpu.memory_space<vmem>>) semaphore(%arg31 : memref<!tpu.dma_semaphore, #tpu.memory_space<semaphore_mem>>)
        %dma_start3A_114 = tpu.memref_slice %arg12[%mul3A_107] : memref<6144xi32, #tpu.memory_space<vmem>> -> memref<256xi32, #tpu.memory_space<vmem>>
        %dma_start3A_115 = arith.constant 0 : i32
        %dma_start3A_116 = tpu.memref_slice %arg4[%dma_start3A_115] : memref<163840xf32, #tpu.memory_space<hbm>> -> memref<163840xf32, #tpu.memory_space<hbm>>
        tpu.enqueue_indirect_dma source(%dma_start3A_116 : memref<163840xf32, #tpu.memory_space<hbm>>) target(%arg19 : memref<256xf32, #tpu.memory_space<vmem>>) offsets(%dma_start3A_114 : memref<256xi32, #tpu.memory_space<vmem>>) semaphore(%arg31 : memref<!tpu.dma_semaphore, #tpu.memory_space<semaphore_mem>>)
        %dma_start3A_117 = tpu.memref_slice %arg12[%mul3A_107] : memref<6144xi32, #tpu.memory_space<vmem>> -> memref<256xi32, #tpu.memory_space<vmem>>
        %dma_start3A_118 = arith.constant 0 : i32
        %dma_start3A_119 = tpu.memref_slice %arg5[%dma_start3A_118] : memref<163840xf32, #tpu.memory_space<hbm>> -> memref<163840xf32, #tpu.memory_space<hbm>>
        tpu.enqueue_indirect_dma source(%dma_start3A_119 : memref<163840xf32, #tpu.memory_space<hbm>>) target(%arg21 : memref<256xf32, #tpu.memory_space<vmem>>) offsets(%dma_start3A_117 : memref<256xi32, #tpu.memory_space<vmem>>) semaphore(%arg31 : memref<!tpu.dma_semaphore, #tpu.memory_space<semaphore_mem>>)
        %dma_start3A_120 = tpu.memref_slice %arg12[%mul3A_107] : memref<6144xi32, #tpu.memory_space<vmem>> -> memref<256xi32, #tpu.memory_space<vmem>>
        %dma_start3A_121 = arith.constant 0 : i32
        %dma_start3A_122 = tpu.memref_slice %arg6[%dma_start3A_121] : memref<163840xf32, #tpu.memory_space<hbm>> -> memref<163840xf32, #tpu.memory_space<hbm>>
        tpu.enqueue_indirect_dma source(%dma_start3A_122 : memref<163840xf32, #tpu.memory_space<hbm>>) target(%arg23 : memref<256xf32, #tpu.memory_space<vmem>>) offsets(%dma_start3A_120 : memref<256xi32, #tpu.memory_space<vmem>>) semaphore(%arg31 : memref<!tpu.dma_semaphore, #tpu.memory_space<semaphore_mem>>)
        %dma_start3A_123 = tpu.memref_slice %arg12[%mul3A_107] : memref<6144xi32, #tpu.memory_space<vmem>> -> memref<256xi32, #tpu.memory_space<vmem>>
        %dma_start3A_124 = arith.constant 0 : i32
        %dma_start3A_125 = tpu.memref_slice %arg7[%dma_start3A_124] : memref<163840xf32, #tpu.memory_space<hbm>> -> memref<163840xf32, #tpu.memory_space<hbm>>
        tpu.enqueue_indirect_dma source(%dma_start3A_125 : memref<163840xf32, #tpu.memory_space<hbm>>) target(%arg25 : memref<256xf32, #tpu.memory_space<vmem>>) offsets(%dma_start3A_123 : memref<256xi32, #tpu.memory_space<vmem>>) semaphore(%arg31 : memref<!tpu.dma_semaphore, #tpu.memory_space<semaphore_mem>>)
      } else {
      }
      %scan3A_99 = arith.constant 0 : i32
      %scan3A_100 = arith.constant 4 : i32
      %scan3A_101 = arith.addi %scan3A_99, %scan3A_100 : i32
      %scan3A_102 = arith.constant 1 : i32
      scf.for %scan3A_104 = %scan3A_99 to %scan3A_101 step %scan3A_102  : i32 {
        %mul3A_105 = arith.constant 2 : i32
        %mul3A_106 = arith.muli %scan3A_104, %mul3A_105 : i32
        %add3A_107 = arith.constant 1 : i32
        %add3A_108 = arith.addi %mul3A_106, %add3A_107 : i32
        %lt3A_109 = arith.constant 8 : i32
        %lt3A_110 = arith.cmpi slt, %add3A_108, %lt3A_109 : i32
        %convert_element_type3A_111 = arith.extui %lt3A_110 : i1 to i32
        %cond3A_112 = arith.constant 0 : i32
        %cond3A_113 = arith.cmpi ne, %convert_element_type3A_111, %cond3A_112 : i32
        scf.if %cond3A_113 {
          %mul3A_177 = arith.constant 32 : i32
          %mul3A_178 = arith.muli %add3A_108, %mul3A_177 : i32
          %dma_start3A_179 = tpu.memref_slice %arg16[%mul3A_178] : memref<256xi32, #tpu.memory_space<vmem>> -> memref<32xi32, #tpu.memory_space<vmem>>
          %dma_start3A_180 = arith.constant 0 : i32
          %dma_start3A_181 = arith.constant 0 : i32
          %dma_start3A_182 = tpu.memref_slice %arg8[%dma_start3A_180, %dma_start3A_181] : memref<10240x256xf32, #tpu.memory_space<hbm>> -> memref<10240x256xf32, #tpu.memory_space<hbm>>
          tpu.enqueue_indirect_dma source(%dma_start3A_182 : memref<10240x256xf32, #tpu.memory_space<hbm>>) target(%arg28 : memref<32x256xf32, #tpu.memory_space<vmem>>) offsets(%dma_start3A_179 : memref<32xi32, #tpu.memory_space<vmem>>) semaphore(%arg34 : memref<!tpu.dma_semaphore, #tpu.memory_space<semaphore_mem>>)
        } else {
        }
        %ge3A = arith.constant 8 : i32
        %ge3A_114 = arith.cmpi sge, %add3A_108, %ge3A : i32
        %add3A_115 = arith.constant 1 : i32
        %add3A_116 = arith.addi %add3A_91, %add3A_115 : i32
        %lt3A_117 = arith.constant 24 : i32
        %lt3A_118 = arith.cmpi slt, %add3A_116, %lt3A_117 : i32
        %and3A = arith.andi %ge3A_114, %lt3A_118 : i1
        %convert_element_type3A_119 = arith.extui %and3A : i1 to i32
        %cond3A_120 = arith.constant 0 : i32
        %cond3A_121 = arith.cmpi ne, %convert_element_type3A_119, %cond3A_120 : i32
        scf.if %cond3A_121 {
          %add3A_177 = arith.constant 1 : i32
          %add3A_178 = arith.addi %add3A_91, %add3A_177 : i32
          %mul3A_179 = arith.constant 256 : i32
          %mul3A_180 = arith.muli %add3A_178, %mul3A_179 : i32
          %dma_wait3A_181 = tpu.memref_slice %arg12[%mul3A_180] : memref<6144xi32, #tpu.memory_space<vmem>> -> memref<256xi32, #tpu.memory_space<vmem>>
          %dma_wait3A_182 = arith.constant 0 : i32
          %dma_wait3A_183 = tpu.memref_slice %arg2[%dma_wait3A_182] : memref<163840xi32, #tpu.memory_space<hbm>> -> memref<163840xi32, #tpu.memory_space<hbm>>
          tpu.wait_indirect_dma semaphore(%arg31 : memref<!tpu.dma_semaphore, #tpu.memory_space<semaphore_mem>>) src(%dma_wait3A_183 : memref<163840xi32, #tpu.memory_space<hbm>>) dst(%arg15 : memref<256xi32, #tpu.memory_space<vmem>>)
          %dma_wait3A_184 = tpu.memref_slice %arg12[%mul3A_180] : memref<6144xi32, #tpu.memory_space<vmem>> -> memref<256xi32, #tpu.memory_space<vmem>>
          %dma_wait3A_185 = arith.constant 0 : i32
          %dma_wait3A_186 = tpu.memref_slice %arg3[%dma_wait3A_185] : memref<163840xi32, #tpu.memory_space<hbm>> -> memref<163840xi32, #tpu.memory_space<hbm>>
          tpu.wait_indirect_dma semaphore(%arg31 : memref<!tpu.dma_semaphore, #tpu.memory_space<semaphore_mem>>) src(%dma_wait3A_186 : memref<163840xi32, #tpu.memory_space<hbm>>) dst(%arg17 : memref<256xi32, #tpu.memory_space<vmem>>)
          %dma_wait3A_187 = tpu.memref_slice %arg12[%mul3A_180] : memref<6144xi32, #tpu.memory_space<vmem>> -> memref<256xi32, #tpu.memory_space<vmem>>
          %dma_wait3A_188 = arith.constant 0 : i32
          %dma_wait3A_189 = tpu.memref_slice %arg4[%dma_wait3A_188] : memref<163840xf32, #tpu.memory_space<hbm>> -> memref<163840xf32, #tpu.memory_space<hbm>>
          tpu.wait_indirect_dma semaphore(%arg31 : memref<!tpu.dma_semaphore, #tpu.memory_space<semaphore_mem>>) src(%dma_wait3A_189 : memref<163840xf32, #tpu.memory_space<hbm>>) dst(%arg19 : memref<256xf32, #tpu.memory_space<vmem>>)
          %dma_wait3A_190 = tpu.memref_slice %arg12[%mul3A_180] : memref<6144xi32, #tpu.memory_space<vmem>> -> memref<256xi32, #tpu.memory_space<vmem>>
          %dma_wait3A_191 = arith.constant 0 : i32
          %dma_wait3A_192 = tpu.memref_slice %arg5[%dma_wait3A_191] : memref<163840xf32, #tpu.memory_space<hbm>> -> memref<163840xf32, #tpu.memory_space<hbm>>
          tpu.wait_indirect_dma semaphore(%arg31 : memref<!tpu.dma_semaphore, #tpu.memory_space<semaphore_mem>>) src(%dma_wait3A_192 : memref<163840xf32, #tpu.memory_space<hbm>>) dst(%arg21 : memref<256xf32, #tpu.memory_space<vmem>>)
          %dma_wait3A_193 = tpu.memref_slice %arg12[%mul3A_180] : memref<6144xi32, #tpu.memory_space<vmem>> -> memref<256xi32, #tpu.memory_space<vmem>>
          %dma_wait3A_194 = arith.constant 0 : i32
          %dma_wait3A_195 = tpu.memref_slice %arg6[%dma_wait3A_194] : memref<163840xf32, #tpu.memory_space<hbm>> -> memref<163840xf32, #tpu.memory_space<hbm>>
          tpu.wait_indirect_dma semaphore(%arg31 : memref<!tpu.dma_semaphore, #tpu.memory_space<semaphore_mem>>) src(%dma_wait3A_195 : memref<163840xf32, #tpu.memory_space<hbm>>) dst(%arg23 : memref<256xf32, #tpu.memory_space<vmem>>)
          %dma_wait3A_196 = tpu.memref_slice %arg12[%mul3A_180] : memref<6144xi32, #tpu.memory_space<vmem>> -> memref<256xi32, #tpu.memory_space<vmem>>
          %dma_wait3A_197 = arith.constant 0 : i32
          %dma_wait3A_198 = tpu.memref_slice %arg7[%dma_wait3A_197] : memref<163840xf32, #tpu.memory_space<hbm>> -> memref<163840xf32, #tpu.memory_space<hbm>>
          tpu.wait_indirect_dma semaphore(%arg31 : memref<!tpu.dma_semaphore, #tpu.memory_space<semaphore_mem>>) src(%dma_wait3A_198 : memref<163840xf32, #tpu.memory_space<hbm>>) dst(%arg25 : memref<256xf32, #tpu.memory_space<vmem>>)
          %dma_start3A_199 = arith.constant 0 : i32
          %dma_start3A_200 = tpu.memref_slice %arg15[%dma_start3A_199] : memref<256xi32, #tpu.memory_space<vmem>> -> memref<32xi32, #tpu.memory_space<vmem>>
          %dma_start3A_201 = arith.constant 0 : i32
          %dma_start3A_202 = arith.constant 0 : i32
          %dma_start3A_203 = tpu.memref_slice %arg8[%dma_start3A_201, %dma_start3A_202] : memref<10240x256xf32, #tpu.memory_space<hbm>> -> memref<10240x256xf32, #tpu.memory_space<hbm>>
          tpu.enqueue_indirect_dma source(%dma_start3A_203 : memref<10240x256xf32, #tpu.memory_space<hbm>>) target(%arg28 : memref<32x256xf32, #tpu.memory_space<vmem>>) offsets(%dma_start3A_200 : memref<32xi32, #tpu.memory_space<vmem>>) semaphore(%arg34 : memref<!tpu.dma_semaphore, #tpu.memory_space<semaphore_mem>>)
        } else {
        }
        %mul3A_122 = arith.constant 32 : i32
        %mul3A_123 = arith.muli %mul3A_106, %mul3A_122 : i32
        %dma_wait3A_124 = tpu.memref_slice %arg16[%mul3A_123] : memref<256xi32, #tpu.memory_space<vmem>> -> memref<32xi32, #tpu.memory_space<vmem>>
        %dma_wait3A_125 = arith.constant 0 : i32
        %dma_wait3A_126 = arith.constant 0 : i32
        %dma_wait3A_127 = tpu.memref_slice %arg8[%dma_wait3A_125, %dma_wait3A_126] : memref<10240x256xf32, #tpu.memory_space<hbm>> -> memref<10240x256xf32, #tpu.memory_space<hbm>>
        tpu.wait_indirect_dma semaphore(%arg33 : memref<!tpu.dma_semaphore, #tpu.memory_space<semaphore_mem>>) src(%dma_wait3A_127 : memref<10240x256xf32, #tpu.memory_space<hbm>>) dst(%arg27 : memref<32x256xf32, #tpu.memory_space<vmem>>)
        %mul3A_128 = arith.constant 256 : i32
        %mul3A_129 = arith.muli %add3A_91, %mul3A_128 : i32
        %mul3A_130 = arith.constant 32 : i32
        %mul3A_131 = arith.muli %mul3A_106, %mul3A_130 : i32
        %add3A_132 = arith.addi %mul3A_129, %mul3A_131 : i32
        %scan3A_133 = arith.constant 0 : i32
        %scan3A_134 = arith.constant 0 : i32
        %scan3A_135 = arith.constant 32 : i32
        %scan3A_136 = arith.addi %scan3A_134, %scan3A_135 : i32
        %scan3A_137 = arith.constant 1 : i32
        scf.for %scan3A_177 = %scan3A_134 to %scan3A_136 step %scan3A_137  : i32 {
          %add3A_178 = arith.addi %add3A_132, %scan3A_177 : i32
          %broadcast_in_dim3A = arith.constant 0 : i32
          %broadcast_in_dim3A_179 = vector.broadcast %broadcast_in_dim3A : i32 to vector<16xi32>
          %add3A_180 = vector.broadcast %add3A_178 : i32 to vector<16xi32>
          %add3A_181 = arith.addi %broadcast_in_dim3A_179, %add3A_180 : vector<16xi32>
          %lt3A_182 = vector.broadcast %scan3A_16 : i32 to vector<16xi32>
          %lt3A_183 = arith.cmpi slt, %add3A_181, %lt3A_182 : vector<16xi32>
          %broadcast_in_dim3A_184 = arith.constant 0 : i32
          %broadcast_in_dim3A_185 = vector.broadcast %broadcast_in_dim3A_184 : i32 to vector<16xi32>
          %mul3A_186 = arith.constant 32 : i32
          %mul3A_187 = arith.muli %mul3A_106, %mul3A_186 : i32
          %add3A_188 = vector.broadcast %mul3A_187 : i32 to vector<16xi32>
          %add3A_189 = arith.addi %broadcast_in_dim3A_185, %add3A_188 : vector<16xi32>
          %add3A_190 = vector.broadcast %scan3A_177 : i32 to vector<16xi32>
          %add3A_191 = arith.addi %add3A_189, %add3A_190 : vector<16xi32>
          %gather3A = tpu.vector_load_idx %arg18[%add3A_191] : memref<256xi32, #tpu.memory_space<vmem>>[vector<16xi32>], vector<16xi32>,
          %sub3A = vector.broadcast %mul3A_2 : i32 to vector<16xi32>
          %sub3A_192 = arith.subi %gather3A, %sub3A : vector<16xi32>
          %gather3A_193 = tpu.vector_load_idx %arg20[%add3A_191] : memref<256xf32, #tpu.memory_space<vmem>>[vector<16xi32>], vector<16xf32>,
          %get3A = arith.index_cast %scan3A_177 : i32 to index
          %get3A_194 = arith.constant 0 : index
          %get3A_195 = tpu.vector_load %arg27[%get3A, %get3A_194] {strides = array<i32>} : memref<32x256xf32, #tpu.memory_space<vmem>>, vector<16xf32>,
          %mul3A_196 = arith.mulf %get3A_195, %gather3A_193 : vector<16xf32>
          %add3A_197 = arith.constant 0 : i32
          %add3A_198 = vector.broadcast %add3A_197 : i32 to vector<16xi32>
          %add3A_199 = arith.addi %add3A_198, %iota3A : vector<16xi32>
          tpu.vector_store_idx %arg11[%sub3A_192, %add3A_199], %mul3A_196 masked %lt3A_183 {add = true} : memref<320x256xf32, #tpu.memory_space<vmem>>[vector<16xi32>, vector<16xi32>], vector<16xf32>, vector<16xi1>
          %get3A_200 = arith.index_cast %scan3A_177 : i32 to index
          %get3A_201 = arith.constant 16 : index
          %get3A_202 = tpu.vector_load %arg27[%get3A_200, %get3A_201] {strides = array<i32>} : memref<32x256xf32, #tpu.memory_space<vmem>>, vector<16xf32>,
          %mul3A_203 = arith.mulf %get3A_202, %gather3A_193 : vector<16xf32>
          %add3A_204 = arith.constant 16 : i32
          %add3A_205 = vector.broadcast %add3A_204 : i32 to vector<16xi32>
          %add3A_206 = arith.addi %add3A_205, %iota3A : vector<16xi32>
          tpu.vector_store_idx %arg11[%sub3A_192, %add3A_206], %mul3A_203 masked %lt3A_183 {add = true} : memref<320x256xf32, #tpu.memory_space<vmem>>[vector<16xi32>, vector<16xi32>], vector<16xf32>, vector<16xi1>
          %get3A_207 = arith.index_cast %scan3A_177 : i32 to index
          %get3A_208 = arith.constant 32 : index
          %get3A_209 = tpu.vector_load %arg27[%get3A_207, %get3A_208] {strides = array<i32>} : memref<32x256xf32, #tpu.memory_space<vmem>>, vector<16xf32>,
          %mul3A_210 = arith.mulf %get3A_209, %gather3A_193 : vector<16xf32>
          %add3A_211 = arith.constant 32 : i32
          %add3A_212 = vector.broadcast %add3A_211 : i32 to vector<16xi32>
          %add3A_213 = arith.addi %add3A_212, %iota3A : vector<16xi32>
          tpu.vector_store_idx %arg11[%sub3A_192, %add3A_213], %mul3A_210 masked %lt3A_183 {add = true} : memref<320x256xf32, #tpu.memory_space<vmem>>[vector<16xi32>, vector<16xi32>], vector<16xf32>, vector<16xi1>
          %get3A_214 = arith.index_cast %scan3A_177 : i32 to index
          %get3A_215 = arith.constant 48 : index
          %get3A_216 = tpu.vector_load %arg27[%get3A_214, %get3A_215] {strides = array<i32>} : memref<32x256xf32, #tpu.memory_space<vmem>>, vector<16xf32>,
          %mul3A_217 = arith.mulf %get3A_216, %gather3A_193 : vector<16xf32>
          %add3A_218 = arith.constant 48 : i32
          %add3A_219 = vector.broadcast %add3A_218 : i32 to vector<16xi32>
          %add3A_220 = arith.addi %add3A_219, %iota3A : vector<16xi32>
          tpu.vector_store_idx %arg11[%sub3A_192, %add3A_220], %mul3A_217 masked %lt3A_183 {add = true} : memref<320x256xf32, #tpu.memory_space<vmem>>[vector<16xi32>, vector<16xi32>], vector<16xf32>, vector<16xi1>
          %gather3A_221 = tpu.vector_load_idx %arg22[%add3A_191] : memref<256xf32, #tpu.memory_space<vmem>>[vector<16xi32>], vector<16xf32>,
          %get3A_222 = arith.index_cast %scan3A_177 : i32 to index
          %get3A_223 = arith.constant 64 : index
          %get3A_224 = tpu.vector_load %arg27[%get3A_222, %get3A_223] {strides = array<i32>} : memref<32x256xf32, #tpu.memory_space<vmem>>, vector<16xf32>,
          %mul3A_225 = arith.mulf %get3A_224, %gather3A_221 : vector<16xf32>
          %add3A_226 = arith.constant 64 : i32
          %add3A_227 = vector.broadcast %add3A_226 : i32 to vector<16xi32>
          %add3A_228 = arith.addi %add3A_227, %iota3A : vector<16xi32>
          tpu.vector_store_idx %arg11[%sub3A_192, %add3A_228], %mul3A_225 masked %lt3A_183 {add = true} : memref<320x256xf32, #tpu.memory_space<vmem>>[vector<16xi32>, vector<16xi32>], vector<16xf32>, vector<16xi1>
          %get3A_229 = arith.index_cast %scan3A_177 : i32 to index
          %get3A_230 = arith.constant 80 : index
          %get3A_231 = tpu.vector_load %arg27[%get3A_229, %get3A_230] {strides = array<i32>} : memref<32x256xf32, #tpu.memory_space<vmem>>, vector<16xf32>,
          %mul3A_232 = arith.mulf %get3A_231, %gather3A_221 : vector<16xf32>
          %add3A_233 = arith.constant 80 : i32
          %add3A_234 = vector.broadcast %add3A_233 : i32 to vector<16xi32>
          %add3A_235 = arith.addi %add3A_234, %iota3A : vector<16xi32>
          tpu.vector_store_idx %arg11[%sub3A_192, %add3A_235], %mul3A_232 masked %lt3A_183 {add = true} : memref<320x256xf32, #tpu.memory_space<vmem>>[vector<16xi32>, vector<16xi32>], vector<16xf32>, vector<16xi1>
          %get3A_236 = arith.index_cast %scan3A_177 : i32 to index
          %get3A_237 = arith.constant 96 : index
          %get3A_238 = tpu.vector_load %arg27[%get3A_236, %get3A_237] {strides = array<i32>} : memref<32x256xf32, #tpu.memory_space<vmem>>, vector<16xf32>,
          %mul3A_239 = arith.mulf %get3A_238, %gather3A_221 : vector<16xf32>
          %add3A_240 = arith.constant 96 : i32
          %add3A_241 = vector.broadcast %add3A_240 : i32 to vector<16xi32>
          %add3A_242 = arith.addi %add3A_241, %iota3A : vector<16xi32>
          tpu.vector_store_idx %arg11[%sub3A_192, %add3A_242], %mul3A_239 masked %lt3A_183 {add = true} : memref<320x256xf32, #tpu.memory_space<vmem>>[vector<16xi32>, vector<16xi32>], vector<16xf32>, vector<16xi1>
          %get3A_243 = arith.index_cast %scan3A_177 : i32 to index
          %get3A_244 = arith.constant 112 : index
          %get3A_245 = tpu.vector_load %arg27[%get3A_243, %get3A_244] {strides = array<i32>} : memref<32x256xf32, #tpu.memory_space<vmem>>, vector<16xf32>,
          %mul3A_246 = arith.mulf %get3A_245, %gather3A_221 : vector<16xf32>
          %add3A_247 = arith.constant 112 : i32
          %add3A_248 = vector.broadcast %add3A_247 : i32 to vector<16xi32>
          %add3A_249 = arith.addi %add3A_248, %iota3A : vector<16xi32>
          tpu.vector_store_idx %arg11[%sub3A_192, %add3A_249], %mul3A_246 masked %lt3A_183 {add = true} : memref<320x256xf32, #tpu.memory_space<vmem>>[vector<16xi32>, vector<16xi32>], vector<16xf32>, vector<16xi1>
          %gather3A_250 = tpu.vector_load_idx %arg24[%add3A_191] : memref<256xf32, #tpu.memory_space<vmem>>[vector<16xi32>], vector<16xf32>,
          %get3A_251 = arith.index_cast %scan3A_177 : i32 to index
          %get3A_252 = arith.constant 128 : index
          %get3A_253 = tpu.vector_load %arg27[%get3A_251, %get3A_252] {strides = array<i32>} : memref<32x256xf32, #tpu.memory_space<vmem>>, vector<16xf32>,
          %mul3A_254 = arith.mulf %get3A_253, %gather3A_250 : vector<16xf32>
          %add3A_255 = arith.constant 128 : i32
          %add3A_256 = vector.broadcast %add3A_255 : i32 to vector<16xi32>
          %add3A_257 = arith.addi %add3A_256, %iota3A : vector<16xi32>
          tpu.vector_store_idx %arg11[%sub3A_192, %add3A_257], %mul3A_254 masked %lt3A_183 {add = true} : memref<320x256xf32, #tpu.memory_space<vmem>>[vector<16xi32>, vector<16xi32>], vector<16xf32>, vector<16xi1>
          %get3A_258 = arith.index_cast %scan3A_177 : i32 to index
          %get3A_259 = arith.constant 144 : index
          %get3A_260 = tpu.vector_load %arg27[%get3A_258, %get3A_259] {strides = array<i32>} : memref<32x256xf32, #tpu.memory_space<vmem>>, vector<16xf32>,
          %mul3A_261 = arith.mulf %get3A_260, %gather3A_250 : vector<16xf32>
          %add3A_262 = arith.constant 144 : i32
          %add3A_263 = vector.broadcast %add3A_262 : i32 to vector<16xi32>
          %add3A_264 = arith.addi %add3A_263, %iota3A : vector<16xi32>
          tpu.vector_store_idx %arg11[%sub3A_192, %add3A_264], %mul3A_261 masked %lt3A_183 {add = true} : memref<320x256xf32, #tpu.memory_space<vmem>>[vector<16xi32>, vector<16xi32>], vector<16xf32>, vector<16xi1>
          %get3A_265 = arith.index_cast %scan3A_177 : i32 to index
          %get3A_266 = arith.constant 160 : index
          %get3A_267 = tpu.vector_load %arg27[%get3A_265, %get3A_266] {strides = array<i32>} : memref<32x256xf32, #tpu.memory_space<vmem>>, vector<16xf32>,
          %mul3A_268 = arith.mulf %get3A_267, %gather3A_250 : vector<16xf32>
          %add3A_269 = arith.constant 160 : i32
          %add3A_270 = vector.broadcast %add3A_269 : i32 to vector<16xi32>
          %add3A_271 = arith.addi %add3A_270, %iota3A : vector<16xi32>
          tpu.vector_store_idx %arg11[%sub3A_192, %add3A_271], %mul3A_268 masked %lt3A_183 {add = true} : memref<320x256xf32, #tpu.memory_space<vmem>>[vector<16xi32>, vector<16xi32>], vector<16xf32>, vector<16xi1>
          %get3A_272 = arith.index_cast %scan3A_177 : i32 to index
          %get3A_273 = arith.constant 176 : index
          %get3A_274 = tpu.vector_load %arg27[%get3A_272, %get3A_273] {strides = array<i32>} : memref<32x256xf32, #tpu.memory_space<vmem>>, vector<16xf32>,
          %mul3A_275 = arith.mulf %get3A_274, %gather3A_250 : vector<16xf32>
          %add3A_276 = arith.constant 176 : i32
          %add3A_277 = vector.broadcast %add3A_276 : i32 to vector<16xi32>
          %add3A_278 = arith.addi %add3A_277, %iota3A : vector<16xi32>
          tpu.vector_store_idx %arg11[%sub3A_192, %add3A_278], %mul3A_275 masked %lt3A_183 {add = true} : memref<320x256xf32, #tpu.memory_space<vmem>>[vector<16xi32>, vector<16xi32>], vector<16xf32>, vector<16xi1>
          %gather3A_279 = tpu.vector_load_idx %arg26[%add3A_191] : memref<256xf32, #tpu.memory_space<vmem>>[vector<16xi32>], vector<16xf32>,
          %get3A_280 = arith.index_cast %scan3A_177 : i32 to index
          %get3A_281 = arith.constant 192 : index
          %get3A_282 = tpu.vector_load %arg27[%get3A_280, %get3A_281] {strides = array<i32>} : memref<32x256xf32, #tpu.memory_space<vmem>>, vector<16xf32>,
          %mul3A_283 = arith.mulf %get3A_282, %gather3A_279 : vector<16xf32>
          %add3A_284 = arith.constant 192 : i32
          %add3A_285 = vector.broadcast %add3A_284 : i32 to vector<16xi32>
          %add3A_286 = arith.addi %add3A_285, %iota3A : vector<16xi32>
          tpu.vector_store_idx %arg11[%sub3A_192, %add3A_286], %mul3A_283 masked %lt3A_183 {add = true} : memref<320x256xf32, #tpu.memory_space<vmem>>[vector<16xi32>, vector<16xi32>], vector<16xf32>, vector<16xi1>
          %get3A_287 = arith.index_cast %scan3A_177 : i32 to index
          %get3A_288 = arith.constant 208 : index
          %get3A_289 = tpu.vector_load %arg27[%get3A_287, %get3A_288] {strides = array<i32>} : memref<32x256xf32, #tpu.memory_space<vmem>>, vector<16xf32>,
          %mul3A_290 = arith.mulf %get3A_289, %gather3A_279 : vector<16xf32>
          %add3A_291 = arith.constant 208 : i32
          %add3A_292 = vector.broadcast %add3A_291 : i32 to vector<16xi32>
          %add3A_293 = arith.addi %add3A_292, %iota3A : vector<16xi32>
          tpu.vector_store_idx %arg11[%sub3A_192, %add3A_293], %mul3A_290 masked %lt3A_183 {add = true} : memref<320x256xf32, #tpu.memory_space<vmem>>[vector<16xi32>, vector<16xi32>], vector<16xf32>, vector<16xi1>
          %get3A_294 = arith.index_cast %scan3A_177 : i32 to index
          %get3A_295 = arith.constant 224 : index
          %get3A_296 = tpu.vector_load %arg27[%get3A_294, %get3A_295] {strides = array<i32>} : memref<32x256xf32, #tpu.memory_space<vmem>>, vector<16xf32>,
          %mul3A_297 = arith.mulf %get3A_296, %gather3A_279 : vector<16xf32>
          %add3A_298 = arith.constant 224 : i32
          %add3A_299 = vector.broadcast %add3A_298 : i32 to vector<16xi32>
          %add3A_300 = arith.addi %add3A_299, %iota3A : vector<16xi32>
          tpu.vector_store_idx %arg11[%sub3A_192, %add3A_300], %mul3A_297 masked %lt3A_183 {add = true} : memref<320x256xf32, #tpu.memory_space<vmem>>[vector<16xi32>, vector<16xi32>], vector<16xf32>, vector<16xi1>
          %get3A_301 = arith.index_cast %scan3A_177 : i32 to index
          %get3A_302 = arith.constant 240 : index
          %get3A_303 = tpu.vector_load %arg27[%get3A_301, %get3A_302] {strides = array<i32>} : memref<32x256xf32, #tpu.memory_space<vmem>>, vector<16xf32>,
          %mul3A_304 = arith.mulf %get3A_303, %gather3A_279 : vector<16xf32>
          %add3A_305 = arith.constant 240 : i32
          %add3A_306 = vector.broadcast %add3A_305 : i32 to vector<16xi32>
          %add3A_307 = arith.addi %add3A_306, %iota3A : vector<16xi32>
          tpu.vector_store_idx %arg11[%sub3A_192, %add3A_307], %mul3A_304 masked %lt3A_183 {add = true} : memref<320x256xf32, #tpu.memory_space<vmem>>[vector<16xi32>, vector<16xi32>], vector<16xf32>, vector<16xi1>
        }
        %scan3A_138 = arith.constant 32 : i32
        %mul3A_139 = arith.constant 2 : i32
        %mul3A_140 = arith.muli %scan3A_104, %mul3A_139 : i32
        %add3A_141 = arith.constant 1 : i32
        %add3A_142 = arith.addi %mul3A_140, %add3A_141 : i32
        %add3A_143 = arith.constant 1 : i32
        %add3A_144 = arith.addi %add3A_142, %add3A_143 : i32
        %lt3A_145 = arith.constant 8 : i32
        %lt3A_146 = arith.cmpi slt, %add3A_144, %lt3A_145 : i32
        %convert_element_type3A_147 = arith.extui %lt3A_146 : i1 to i32
        %cond3A_148 = arith.constant 0 : i32
        %cond3A_149 = arith.cmpi ne, %convert_element_type3A_147, %cond3A_148 : i32
        scf.if %cond3A_149 {
          %mul3A_177 = arith.constant 32 : i32
          %mul3A_178 = arith.muli %add3A_144, %mul3A_177 : i32
          %dma_start3A_179 = tpu.memref_slice %arg16[%mul3A_178] : memref<256xi32, #tpu.memory_space<vmem>> -> memref<32xi32, #tpu.memory_space<vmem>>
          %dma_start3A_180 = arith.constant 0 : i32
          %dma_start3A_181 = arith.constant 0 : i32
          %dma_start3A_182 = tpu.memref_slice %arg8[%dma_start3A_180, %dma_start3A_181] : memref<10240x256xf32, #tpu.memory_space<hbm>> -> memref<10240x256xf32, #tpu.memory_space<hbm>>
          tpu.enqueue_indirect_dma source(%dma_start3A_182 : memref<10240x256xf32, #tpu.memory_space<hbm>>) target(%arg27 : memref<32x256xf32, #tpu.memory_space<vmem>>) offsets(%dma_start3A_179 : memref<32xi32, #tpu.memory_space<vmem>>) semaphore(%arg33 : memref<!tpu.dma_semaphore, #tpu.memory_space<semaphore_mem>>)
        } else {
        }
        %ge3A_150 = arith.constant 8 : i32
        %ge3A_151 = arith.cmpi sge, %add3A_144, %ge3A_150 : i32
        %add3A_152 = arith.constant 1 : i32
        %add3A_153 = arith.addi %add3A_91, %add3A_152 : i32
        %lt3A_154 = arith.constant 24 : i32
        %lt3A_155 = arith.cmpi slt, %add3A_153, %lt3A_154 : i32
        %and3A_156 = arith.andi %ge3A_151, %lt3A_155 : i1
        %convert_element_type3A_157 = arith.extui %and3A_156 : i1 to i32
        %cond3A_158 = arith.constant 0 : i32
        %cond3A_159 = arith.cmpi ne, %convert_element_type3A_157, %cond3A_158 : i32
        scf.if %cond3A_159 {
          %add3A_177 = arith.constant 1 : i32
          %add3A_178 = arith.addi %add3A_91, %add3A_177 : i32
          %mul3A_179 = arith.constant 256 : i32
          %mul3A_180 = arith.muli %add3A_178, %mul3A_179 : i32
          %dma_wait3A_181 = tpu.memref_slice %arg12[%mul3A_180] : memref<6144xi32, #tpu.memory_space<vmem>> -> memref<256xi32, #tpu.memory_space<vmem>>
          %dma_wait3A_182 = arith.constant 0 : i32
          %dma_wait3A_183 = tpu.memref_slice %arg2[%dma_wait3A_182] : memref<163840xi32, #tpu.memory_space<hbm>> -> memref<163840xi32, #tpu.memory_space<hbm>>
          tpu.wait_indirect_dma semaphore(%arg31 : memref<!tpu.dma_semaphore, #tpu.memory_space<semaphore_mem>>) src(%dma_wait3A_183 : memref<163840xi32, #tpu.memory_space<hbm>>) dst(%arg15 : memref<256xi32, #tpu.memory_space<vmem>>)
          %dma_wait3A_184 = tpu.memref_slice %arg12[%mul3A_180] : memref<6144xi32, #tpu.memory_space<vmem>> -> memref<256xi32, #tpu.memory_space<vmem>>
          %dma_wait3A_185 = arith.constant 0 : i32
          %dma_wait3A_186 = tpu.memref_slice %arg3[%dma_wait3A_185] : memref<163840xi32, #tpu.memory_space<hbm>> -> memref<163840xi32, #tpu.memory_space<hbm>>
          tpu.wait_indirect_dma semaphore(%arg31 : memref<!tpu.dma_semaphore, #tpu.memory_space<semaphore_mem>>) src(%dma_wait3A_186 : memref<163840xi32, #tpu.memory_space<hbm>>) dst(%arg17 : memref<256xi32, #tpu.memory_space<vmem>>)
          %dma_wait3A_187 = tpu.memref_slice %arg12[%mul3A_180] : memref<6144xi32, #tpu.memory_space<vmem>> -> memref<256xi32, #tpu.memory_space<vmem>>
          %dma_wait3A_188 = arith.constant 0 : i32
          %dma_wait3A_189 = tpu.memref_slice %arg4[%dma_wait3A_188] : memref<163840xf32, #tpu.memory_space<hbm>> -> memref<163840xf32, #tpu.memory_space<hbm>>
          tpu.wait_indirect_dma semaphore(%arg31 : memref<!tpu.dma_semaphore, #tpu.memory_space<semaphore_mem>>) src(%dma_wait3A_189 : memref<163840xf32, #tpu.memory_space<hbm>>) dst(%arg19 : memref<256xf32, #tpu.memory_space<vmem>>)
          %dma_wait3A_190 = tpu.memref_slice %arg12[%mul3A_180] : memref<6144xi32, #tpu.memory_space<vmem>> -> memref<256xi32, #tpu.memory_space<vmem>>
          %dma_wait3A_191 = arith.constant 0 : i32
          %dma_wait3A_192 = tpu.memref_slice %arg5[%dma_wait3A_191] : memref<163840xf32, #tpu.memory_space<hbm>> -> memref<163840xf32, #tpu.memory_space<hbm>>
          tpu.wait_indirect_dma semaphore(%arg31 : memref<!tpu.dma_semaphore, #tpu.memory_space<semaphore_mem>>) src(%dma_wait3A_192 : memref<163840xf32, #tpu.memory_space<hbm>>) dst(%arg21 : memref<256xf32, #tpu.memory_space<vmem>>)
          %dma_wait3A_193 = tpu.memref_slice %arg12[%mul3A_180] : memref<6144xi32, #tpu.memory_space<vmem>> -> memref<256xi32, #tpu.memory_space<vmem>>
          %dma_wait3A_194 = arith.constant 0 : i32
          %dma_wait3A_195 = tpu.memref_slice %arg6[%dma_wait3A_194] : memref<163840xf32, #tpu.memory_space<hbm>> -> memref<163840xf32, #tpu.memory_space<hbm>>
          tpu.wait_indirect_dma semaphore(%arg31 : memref<!tpu.dma_semaphore, #tpu.memory_space<semaphore_mem>>) src(%dma_wait3A_195 : memref<163840xf32, #tpu.memory_space<hbm>>) dst(%arg23 : memref<256xf32, #tpu.memory_space<vmem>>)
          %dma_wait3A_196 = tpu.memref_slice %arg12[%mul3A_180] : memref<6144xi32, #tpu.memory_space<vmem>> -> memref<256xi32, #tpu.memory_space<vmem>>
          %dma_wait3A_197 = arith.constant 0 : i32
          %dma_wait3A_198 = tpu.memref_slice %arg7[%dma_wait3A_197] : memref<163840xf32, #tpu.memory_space<hbm>> -> memref<163840xf32, #tpu.memory_space<hbm>>
          tpu.wait_indirect_dma semaphore(%arg31 : memref<!tpu.dma_semaphore, #tpu.memory_space<semaphore_mem>>) src(%dma_wait3A_198 : memref<163840xf32, #tpu.memory_space<hbm>>) dst(%arg25 : memref<256xf32, #tpu.memory_space<vmem>>)
          %dma_start3A_199 = arith.constant 0 : i32
          %dma_start3A_200 = tpu.memref_slice %arg15[%dma_start3A_199] : memref<256xi32, #tpu.memory_space<vmem>> -> memref<32xi32, #tpu.memory_space<vmem>>
          %dma_start3A_201 = arith.constant 0 : i32
          %dma_start3A_202 = arith.constant 0 : i32
          %dma_start3A_203 = tpu.memref_slice %arg8[%dma_start3A_201, %dma_start3A_202] : memref<10240x256xf32, #tpu.memory_space<hbm>> -> memref<10240x256xf32, #tpu.memory_space<hbm>>
          tpu.enqueue_indirect_dma source(%dma_start3A_203 : memref<10240x256xf32, #tpu.memory_space<hbm>>) target(%arg27 : memref<32x256xf32, #tpu.memory_space<vmem>>) offsets(%dma_start3A_200 : memref<32xi32, #tpu.memory_space<vmem>>) semaphore(%arg33 : memref<!tpu.dma_semaphore, #tpu.memory_space<semaphore_mem>>)
        } else {
        }
        %mul3A_160 = arith.constant 32 : i32
        %mul3A_161 = arith.muli %add3A_142, %mul3A_160 : i32
        %dma_wait3A_162 = tpu.memref_slice %arg16[%mul3A_161] : memref<256xi32, #tpu.memory_space<vmem>> -> memref<32xi32, #tpu.memory_space<vmem>>
        %dma_wait3A_163 = arith.constant 0 : i32
        %dma_wait3A_164 = arith.constant 0 : i32
        %dma_wait3A_165 = tpu.memref_slice %arg8[%dma_wait3A_163, %dma_wait3A_164] : memref<10240x256xf32, #tpu.memory_space<hbm>> -> memref<10240x256xf32, #tpu.memory_space<hbm>>
        tpu.wait_indirect_dma semaphore(%arg34 : memref<!tpu.dma_semaphore, #tpu.memory_space<semaphore_mem>>) src(%dma_wait3A_165 : memref<10240x256xf32, #tpu.memory_space<hbm>>) dst(%arg28 : memref<32x256xf32, #tpu.memory_space<vmem>>)
        %mul3A_166 = arith.constant 256 : i32
        %mul3A_167 = arith.muli %add3A_91, %mul3A_166 : i32
        %mul3A_168 = arith.constant 32 : i32
        %mul3A_169 = arith.muli %add3A_142, %mul3A_168 : i32
        %add3A_170 = arith.addi %mul3A_167, %mul3A_169 : i32
        %scan3A_171 = arith.constant 0 : i32
        %scan3A_172 = arith.constant 0 : i32
        %scan3A_173 = arith.constant 32 : i32
        %scan3A_174 = arith.addi %scan3A_172, %scan3A_173 : i32
        %scan3A_175 = arith.constant 1 : i32
        scf.for %scan3A_177 = %scan3A_172 to %scan3A_174 step %scan3A_175  : i32 {
          %add3A_178 = arith.addi %add3A_170, %scan3A_177 : i32
          %broadcast_in_dim3A = arith.constant 0 : i32
          %broadcast_in_dim3A_179 = vector.broadcast %broadcast_in_dim3A : i32 to vector<16xi32>
          %add3A_180 = vector.broadcast %add3A_178 : i32 to vector<16xi32>
          %add3A_181 = arith.addi %broadcast_in_dim3A_179, %add3A_180 : vector<16xi32>
          %lt3A_182 = vector.broadcast %scan3A_16 : i32 to vector<16xi32>
          %lt3A_183 = arith.cmpi slt, %add3A_181, %lt3A_182 : vector<16xi32>
          %broadcast_in_dim3A_184 = arith.constant 0 : i32
          %broadcast_in_dim3A_185 = vector.broadcast %broadcast_in_dim3A_184 : i32 to vector<16xi32>
          %mul3A_186 = arith.constant 32 : i32
          %mul3A_187 = arith.muli %add3A_142, %mul3A_186 : i32
          %add3A_188 = vector.broadcast %mul3A_187 : i32 to vector<16xi32>
          %add3A_189 = arith.addi %broadcast_in_dim3A_185, %add3A_188 : vector<16xi32>
          %add3A_190 = vector.broadcast %scan3A_177 : i32 to vector<16xi32>
          %add3A_191 = arith.addi %add3A_189, %add3A_190 : vector<16xi32>
          %gather3A = tpu.vector_load_idx %arg18[%add3A_191] : memref<256xi32, #tpu.memory_space<vmem>>[vector<16xi32>], vector<16xi32>,
          %sub3A = vector.broadcast %mul3A_2 : i32 to vector<16xi32>
          %sub3A_192 = arith.subi %gather3A, %sub3A : vector<16xi32>
          %gather3A_193 = tpu.vector_load_idx %arg20[%add3A_191] : memref<256xf32, #tpu.memory_space<vmem>>[vector<16xi32>], vector<16xf32>,
          %get3A = arith.index_cast %scan3A_177 : i32 to index
          %get3A_194 = arith.constant 0 : index
          %get3A_195 = tpu.vector_load %arg28[%get3A, %get3A_194] {strides = array<i32>} : memref<32x256xf32, #tpu.memory_space<vmem>>, vector<16xf32>,
          %mul3A_196 = arith.mulf %get3A_195, %gather3A_193 : vector<16xf32>
          %add3A_197 = arith.constant 0 : i32
          %add3A_198 = vector.broadcast %add3A_197 : i32 to vector<16xi32>
          %add3A_199 = arith.addi %add3A_198, %iota3A : vector<16xi32>
          tpu.vector_store_idx %arg11[%sub3A_192, %add3A_199], %mul3A_196 masked %lt3A_183 {add = true} : memref<320x256xf32, #tpu.memory_space<vmem>>[vector<16xi32>, vector<16xi32>], vector<16xf32>, vector<16xi1>
          %get3A_200 = arith.index_cast %scan3A_177 : i32 to index
          %get3A_201 = arith.constant 16 : index
          %get3A_202 = tpu.vector_load %arg28[%get3A_200, %get3A_201] {strides = array<i32>} : memref<32x256xf32, #tpu.memory_space<vmem>>, vector<16xf32>,
          %mul3A_203 = arith.mulf %get3A_202, %gather3A_193 : vector<16xf32>
          %add3A_204 = arith.constant 16 : i32
          %add3A_205 = vector.broadcast %add3A_204 : i32 to vector<16xi32>
          %add3A_206 = arith.addi %add3A_205, %iota3A : vector<16xi32>
          tpu.vector_store_idx %arg11[%sub3A_192, %add3A_206], %mul3A_203 masked %lt3A_183 {add = true} : memref<320x256xf32, #tpu.memory_space<vmem>>[vector<16xi32>, vector<16xi32>], vector<16xf32>, vector<16xi1>
          %get3A_207 = arith.index_cast %scan3A_177 : i32 to index
          %get3A_208 = arith.constant 32 : index
          %get3A_209 = tpu.vector_load %arg28[%get3A_207, %get3A_208] {strides = array<i32>} : memref<32x256xf32, #tpu.memory_space<vmem>>, vector<16xf32>,
          %mul3A_210 = arith.mulf %get3A_209, %gather3A_193 : vector<16xf32>
          %add3A_211 = arith.constant 32 : i32
          %add3A_212 = vector.broadcast %add3A_211 : i32 to vector<16xi32>
          %add3A_213 = arith.addi %add3A_212, %iota3A : vector<16xi32>
          tpu.vector_store_idx %arg11[%sub3A_192, %add3A_213], %mul3A_210 masked %lt3A_183 {add = true} : memref<320x256xf32, #tpu.memory_space<vmem>>[vector<16xi32>, vector<16xi32>], vector<16xf32>, vector<16xi1>
          %get3A_214 = arith.index_cast %scan3A_177 : i32 to index
          %get3A_215 = arith.constant 48 : index
          %get3A_216 = tpu.vector_load %arg28[%get3A_214, %get3A_215] {strides = array<i32>} : memref<32x256xf32, #tpu.memory_space<vmem>>, vector<16xf32>,
          %mul3A_217 = arith.mulf %get3A_216, %gather3A_193 : vector<16xf32>
          %add3A_218 = arith.constant 48 : i32
          %add3A_219 = vector.broadcast %add3A_218 : i32 to vector<16xi32>
          %add3A_220 = arith.addi %add3A_219, %iota3A : vector<16xi32>
          tpu.vector_store_idx %arg11[%sub3A_192, %add3A_220], %mul3A_217 masked %lt3A_183 {add = true} : memref<320x256xf32, #tpu.memory_space<vmem>>[vector<16xi32>, vector<16xi32>], vector<16xf32>, vector<16xi1>
          %gather3A_221 = tpu.vector_load_idx %arg22[%add3A_191] : memref<256xf32, #tpu.memory_space<vmem>>[vector<16xi32>], vector<16xf32>,
          %get3A_222 = arith.index_cast %scan3A_177 : i32 to index
          %get3A_223 = arith.constant 64 : index
          %get3A_224 = tpu.vector_load %arg28[%get3A_222, %get3A_223] {strides = array<i32>} : memref<32x256xf32, #tpu.memory_space<vmem>>, vector<16xf32>,
          %mul3A_225 = arith.mulf %get3A_224, %gather3A_221 : vector<16xf32>
          %add3A_226 = arith.constant 64 : i32
          %add3A_227 = vector.broadcast %add3A_226 : i32 to vector<16xi32>
          %add3A_228 = arith.addi %add3A_227, %iota3A : vector<16xi32>
          tpu.vector_store_idx %arg11[%sub3A_192, %add3A_228], %mul3A_225 masked %lt3A_183 {add = true} : memref<320x256xf32, #tpu.memory_space<vmem>>[vector<16xi32>, vector<16xi32>], vector<16xf32>, vector<16xi1>
          %get3A_229 = arith.index_cast %scan3A_177 : i32 to index
          %get3A_230 = arith.constant 80 : index
          %get3A_231 = tpu.vector_load %arg28[%get3A_229, %get3A_230] {strides = array<i32>} : memref<32x256xf32, #tpu.memory_space<vmem>>, vector<16xf32>,
          %mul3A_232 = arith.mulf %get3A_231, %gather3A_221 : vector<16xf32>
          %add3A_233 = arith.constant 80 : i32
          %add3A_234 = vector.broadcast %add3A_233 : i32 to vector<16xi32>
          %add3A_235 = arith.addi %add3A_234, %iota3A : vector<16xi32>
          tpu.vector_store_idx %arg11[%sub3A_192, %add3A_235], %mul3A_232 masked %lt3A_183 {add = true} : memref<320x256xf32, #tpu.memory_space<vmem>>[vector<16xi32>, vector<16xi32>], vector<16xf32>, vector<16xi1>
          %get3A_236 = arith.index_cast %scan3A_177 : i32 to index
          %get3A_237 = arith.constant 96 : index
          %get3A_238 = tpu.vector_load %arg28[%get3A_236, %get3A_237] {strides = array<i32>} : memref<32x256xf32, #tpu.memory_space<vmem>>, vector<16xf32>,
          %mul3A_239 = arith.mulf %get3A_238, %gather3A_221 : vector<16xf32>
          %add3A_240 = arith.constant 96 : i32
          %add3A_241 = vector.broadcast %add3A_240 : i32 to vector<16xi32>
          %add3A_242 = arith.addi %add3A_241, %iota3A : vector<16xi32>
          tpu.vector_store_idx %arg11[%sub3A_192, %add3A_242], %mul3A_239 masked %lt3A_183 {add = true} : memref<320x256xf32, #tpu.memory_space<vmem>>[vector<16xi32>, vector<16xi32>], vector<16xf32>, vector<16xi1>
          %get3A_243 = arith.index_cast %scan3A_177 : i32 to index
          %get3A_244 = arith.constant 112 : index
          %get3A_245 = tpu.vector_load %arg28[%get3A_243, %get3A_244] {strides = array<i32>} : memref<32x256xf32, #tpu.memory_space<vmem>>, vector<16xf32>,
          %mul3A_246 = arith.mulf %get3A_245, %gather3A_221 : vector<16xf32>
          %add3A_247 = arith.constant 112 : i32
          %add3A_248 = vector.broadcast %add3A_247 : i32 to vector<16xi32>
          %add3A_249 = arith.addi %add3A_248, %iota3A : vector<16xi32>
          tpu.vector_store_idx %arg11[%sub3A_192, %add3A_249], %mul3A_246 masked %lt3A_183 {add = true} : memref<320x256xf32, #tpu.memory_space<vmem>>[vector<16xi32>, vector<16xi32>], vector<16xf32>, vector<16xi1>
          %gather3A_250 = tpu.vector_load_idx %arg24[%add3A_191] : memref<256xf32, #tpu.memory_space<vmem>>[vector<16xi32>], vector<16xf32>,
          %get3A_251 = arith.index_cast %scan3A_177 : i32 to index
          %get3A_252 = arith.constant 128 : index
          %get3A_253 = tpu.vector_load %arg28[%get3A_251, %get3A_252] {strides = array<i32>} : memref<32x256xf32, #tpu.memory_space<vmem>>, vector<16xf32>,
          %mul3A_254 = arith.mulf %get3A_253, %gather3A_250 : vector<16xf32>
          %add3A_255 = arith.constant 128 : i32
          %add3A_256 = vector.broadcast %add3A_255 : i32 to vector<16xi32>
          %add3A_257 = arith.addi %add3A_256, %iota3A : vector<16xi32>
          tpu.vector_store_idx %arg11[%sub3A_192, %add3A_257], %mul3A_254 masked %lt3A_183 {add = true} : memref<320x256xf32, #tpu.memory_space<vmem>>[vector<16xi32>, vector<16xi32>], vector<16xf32>, vector<16xi1>
          %get3A_258 = arith.index_cast %scan3A_177 : i32 to index
          %get3A_259 = arith.constant 144 : index
          %get3A_260 = tpu.vector_load %arg28[%get3A_258, %get3A_259] {strides = array<i32>} : memref<32x256xf32, #tpu.memory_space<vmem>>, vector<16xf32>,
          %mul3A_261 = arith.mulf %get3A_260, %gather3A_250 : vector<16xf32>
          %add3A_262 = arith.constant 144 : i32
          %add3A_263 = vector.broadcast %add3A_262 : i32 to vector<16xi32>
          %add3A_264 = arith.addi %add3A_263, %iota3A : vector<16xi32>
          tpu.vector_store_idx %arg11[%sub3A_192, %add3A_264], %mul3A_261 masked %lt3A_183 {add = true} : memref<320x256xf32, #tpu.memory_space<vmem>>[vector<16xi32>, vector<16xi32>], vector<16xf32>, vector<16xi1>
          %get3A_265 = arith.index_cast %scan3A_177 : i32 to index
          %get3A_266 = arith.constant 160 : index
          %get3A_267 = tpu.vector_load %arg28[%get3A_265, %get3A_266] {strides = array<i32>} : memref<32x256xf32, #tpu.memory_space<vmem>>, vector<16xf32>,
          %mul3A_268 = arith.mulf %get3A_267, %gather3A_250 : vector<16xf32>
          %add3A_269 = arith.constant 160 : i32
          %add3A_270 = vector.broadcast %add3A_269 : i32 to vector<16xi32>
          %add3A_271 = arith.addi %add3A_270, %iota3A : vector<16xi32>
          tpu.vector_store_idx %arg11[%sub3A_192, %add3A_271], %mul3A_268 masked %lt3A_183 {add = true} : memref<320x256xf32, #tpu.memory_space<vmem>>[vector<16xi32>, vector<16xi32>], vector<16xf32>, vector<16xi1>
          %get3A_272 = arith.index_cast %scan3A_177 : i32 to index
          %get3A_273 = arith.constant 176 : index
          %get3A_274 = tpu.vector_load %arg28[%get3A_272, %get3A_273] {strides = array<i32>} : memref<32x256xf32, #tpu.memory_space<vmem>>, vector<16xf32>,
          %mul3A_275 = arith.mulf %get3A_274, %gather3A_250 : vector<16xf32>
          %add3A_276 = arith.constant 176 : i32
          %add3A_277 = vector.broadcast %add3A_276 : i32 to vector<16xi32>
          %add3A_278 = arith.addi %add3A_277, %iota3A : vector<16xi32>
          tpu.vector_store_idx %arg11[%sub3A_192, %add3A_278], %mul3A_275 masked %lt3A_183 {add = true} : memref<320x256xf32, #tpu.memory_space<vmem>>[vector<16xi32>, vector<16xi32>], vector<16xf32>, vector<16xi1>
          %gather3A_279 = tpu.vector_load_idx %arg26[%add3A_191] : memref<256xf32, #tpu.memory_space<vmem>>[vector<16xi32>], vector<16xf32>,
          %get3A_280 = arith.index_cast %scan3A_177 : i32 to index
          %get3A_281 = arith.constant 192 : index
          %get3A_282 = tpu.vector_load %arg28[%get3A_280, %get3A_281] {strides = array<i32>} : memref<32x256xf32, #tpu.memory_space<vmem>>, vector<16xf32>,
          %mul3A_283 = arith.mulf %get3A_282, %gather3A_279 : vector<16xf32>
          %add3A_284 = arith.constant 192 : i32
          %add3A_285 = vector.broadcast %add3A_284 : i32 to vector<16xi32>
          %add3A_286 = arith.addi %add3A_285, %iota3A : vector<16xi32>
          tpu.vector_store_idx %arg11[%sub3A_192, %add3A_286], %mul3A_283 masked %lt3A_183 {add = true} : memref<320x256xf32, #tpu.memory_space<vmem>>[vector<16xi32>, vector<16xi32>], vector<16xf32>, vector<16xi1>
          %get3A_287 = arith.index_cast %scan3A_177 : i32 to index
          %get3A_288 = arith.constant 208 : index
          %get3A_289 = tpu.vector_load %arg28[%get3A_287, %get3A_288] {strides = array<i32>} : memref<32x256xf32, #tpu.memory_space<vmem>>, vector<16xf32>,
          %mul3A_290 = arith.mulf %get3A_289, %gather3A_279 : vector<16xf32>
          %add3A_291 = arith.constant 208 : i32
          %add3A_292 = vector.broadcast %add3A_291 : i32 to vector<16xi32>
          %add3A_293 = arith.addi %add3A_292, %iota3A : vector<16xi32>
          tpu.vector_store_idx %arg11[%sub3A_192, %add3A_293], %mul3A_290 masked %lt3A_183 {add = true} : memref<320x256xf32, #tpu.memory_space<vmem>>[vector<16xi32>, vector<16xi32>], vector<16xf32>, vector<16xi1>
          %get3A_294 = arith.index_cast %scan3A_177 : i32 to index
          %get3A_295 = arith.constant 224 : index
          %get3A_296 = tpu.vector_load %arg28[%get3A_294, %get3A_295] {strides = array<i32>} : memref<32x256xf32, #tpu.memory_space<vmem>>, vector<16xf32>,
          %mul3A_297 = arith.mulf %get3A_296, %gather3A_279 : vector<16xf32>
          %add3A_298 = arith.constant 224 : i32
          %add3A_299 = vector.broadcast %add3A_298 : i32 to vector<16xi32>
          %add3A_300 = arith.addi %add3A_299, %iota3A : vector<16xi32>
          tpu.vector_store_idx %arg11[%sub3A_192, %add3A_300], %mul3A_297 masked %lt3A_183 {add = true} : memref<320x256xf32, #tpu.memory_space<vmem>>[vector<16xi32>, vector<16xi32>], vector<16xf32>, vector<16xi1>
          %get3A_301 = arith.index_cast %scan3A_177 : i32 to index
          %get3A_302 = arith.constant 240 : index
          %get3A_303 = tpu.vector_load %arg28[%get3A_301, %get3A_302] {strides = array<i32>} : memref<32x256xf32, #tpu.memory_space<vmem>>, vector<16xf32>,
          %mul3A_304 = arith.mulf %get3A_303, %gather3A_279 : vector<16xf32>
          %add3A_305 = arith.constant 240 : i32
          %add3A_306 = vector.broadcast %add3A_305 : i32 to vector<16xi32>
          %add3A_307 = arith.addi %add3A_306, %iota3A : vector<16xi32>
          tpu.vector_store_idx %arg11[%sub3A_192, %add3A_307], %mul3A_304 masked %lt3A_183 {add = true} : memref<320x256xf32, #tpu.memory_space<vmem>>[vector<16xi32>, vector<16xi32>], vector<16xf32>, vector<16xi1>
        }
        %scan3A_176 = arith.constant 32 : i32
      }
      %scan3A_103 = arith.constant 4 : i32
    }
    %scan3A_74 = arith.constant 12 : i32
    %multiple_of3A_75 = tpu.assume_multiple %mul3A_2, 8 : i32
    "tpu.region"() ({
      %run_scoped3A = tpu.sem_alloc : memref<!tpu.dma_semaphore, #tpu.memory_space<semaphore_mem>>
      %dma_start3A_76 = arith.constant 0 : i32
      %dma_start3A_77 = tpu.memref_slice %arg10[%multiple_of3A_75, %dma_start3A_76] : memref<10240x256xf32, #tpu.memory_space<hbm>> -> memref<320x256xf32, #tpu.memory_space<hbm>>
      %dma_start3A_78 = arith.constant 0 : i32
      %dma_start3A_79 = tpu.memref_slice %arg10[%multiple_of3A_75, %dma_start3A_78] : memref<10240x256xf32, #tpu.memory_space<hbm>> -> memref<320x256xf32, #tpu.memory_space<hbm>>
      tpu.enqueue_dma source(%arg11 : memref<320x256xf32, #tpu.memory_space<vmem>>) target(%dma_start3A_79 : memref<320x256xf32, #tpu.memory_space<hbm>>) target_semaphore(%run_scoped3A : memref<!tpu.dma_semaphore, #tpu.memory_space<semaphore_mem>>)
      %dma_wait3A_80 = arith.constant 0 : i32
      %dma_wait3A_81 = tpu.memref_slice %arg10[%multiple_of3A_75, %dma_wait3A_80] : memref<10240x256xf32, #tpu.memory_space<hbm>> -> memref<320x256xf32, #tpu.memory_space<hbm>>
      %dma_wait3A_82 = arith.constant 0 : i32
      %dma_wait3A_83 = tpu.memref_slice %arg10[%multiple_of3A_75, %dma_wait3A_82] : memref<10240x256xf32, #tpu.memory_space<hbm>> -> memref<320x256xf32, #tpu.memory_space<hbm>>
      tpu.wait_dma2 semaphore(%run_scoped3A : memref<!tpu.dma_semaphore, #tpu.memory_space<semaphore_mem>>) src(%arg11 : memref<320x256xf32, #tpu.memory_space<vmem>>) dst(%dma_wait3A_83 : memref<320x256xf32, #tpu.memory_space<hbm>>)
      tpu.yield
    }) : () -> ()
    return
  }
}

#map = affine_map<(d0, d1) -> (0)>
#map1 = affine_map<(d0, d1) -> (0, 0)>
module attributes {stable_mosaic.version = 14 : i64} {
  func.func @_sc_norm(%arg0: i32, %arg1: i32, %arg2: memref<163840xi32, #tpu.memory_space<hbm>>, %arg3: memref<655360xf32, #tpu.memory_space<hbm>>, %arg4: memref<640x128xf32, #tpu.memory_space<hbm>>, %arg5: memref<163840xf32, #tpu.memory_space<hbm>>, %arg6: memref<163840xf32, #tpu.memory_space<hbm>>, %arg7: memref<163840xf32, #tpu.memory_space<hbm>>, %arg8: memref<163840xf32, #tpu.memory_space<hbm>>, %arg9: memref<5120xi32, #tpu.memory_space<vmem>>, %arg10: memref<20480xf32, #tpu.memory_space<vmem>>, %arg11: memref<320x128xf32, #tpu.memory_space<vmem>>, %arg12: memref<320x128xf32, #tpu.memory_space<vmem>>, %arg13: memref<5120xf32, #tpu.memory_space<vmem>>) attributes {dimension_semantics = [#tpu.dimension_semantics<core_parallel>, #tpu.dimension_semantics<subcore_parallel>], iteration_bounds = array<i64: 2, 16>, scalar_prefetch = 0 : i64, scratch_operands = 5 : i64, tpu.core_type = #tpu.core_type<sc_vector_subcore>, window_params = [{transform_indices = #map}, {transform_indices = #map}, {transform_indices = #map1}, {transform_indices = #map}, {transform_indices = #map}, {transform_indices = #map}, {transform_indices = #map}]} {
    %mul3A = arith.constant 2 : i32
    %mul3A_0 = arith.muli %arg1, %mul3A : i32
    %add3A = arith.addi %mul3A_0, %arg0 : i32
    %mul3A_1 = arith.constant 5120 : i32
    %mul3A_2 = arith.muli %add3A, %mul3A_1 : i32
    "tpu.region"() ({
      %run_scoped3A = tpu.sem_alloc : memref<!tpu.dma_semaphore, #tpu.memory_space<semaphore_mem>>
      %dma_start3A = arith.constant 0 : i32
      %dma_start3A_34 = arith.constant 0 : i32
      %dma_start3A_35 = tpu.memref_slice %arg4[%dma_start3A, %dma_start3A_34] : memref<640x128xf32, #tpu.memory_space<hbm>> -> memref<320x128xf32, #tpu.memory_space<hbm>>
      %dma_start3A_36 = arith.constant 0 : i32
      %dma_start3A_37 = arith.constant 0 : i32
      %dma_start3A_38 = tpu.memref_slice %arg4[%dma_start3A_36, %dma_start3A_37] : memref<640x128xf32, #tpu.memory_space<hbm>> -> memref<320x128xf32, #tpu.memory_space<hbm>>
      tpu.enqueue_dma source(%dma_start3A_38 : memref<320x128xf32, #tpu.memory_space<hbm>>) target(%arg11 : memref<320x128xf32, #tpu.memory_space<vmem>>) target_semaphore(%run_scoped3A : memref<!tpu.dma_semaphore, #tpu.memory_space<semaphore_mem>>)
      %dma_wait3A = arith.constant 0 : i32
      %dma_wait3A_39 = arith.constant 0 : i32
      %dma_wait3A_40 = tpu.memref_slice %arg4[%dma_wait3A, %dma_wait3A_39] : memref<640x128xf32, #tpu.memory_space<hbm>> -> memref<320x128xf32, #tpu.memory_space<hbm>>
      %dma_wait3A_41 = arith.constant 0 : i32
      %dma_wait3A_42 = arith.constant 0 : i32
      %dma_wait3A_43 = tpu.memref_slice %arg4[%dma_wait3A_41, %dma_wait3A_42] : memref<640x128xf32, #tpu.memory_space<hbm>> -> memref<320x128xf32, #tpu.memory_space<hbm>>
      tpu.wait_dma2 semaphore(%run_scoped3A : memref<!tpu.dma_semaphore, #tpu.memory_space<semaphore_mem>>) src(%dma_wait3A_43 : memref<320x128xf32, #tpu.memory_space<hbm>>) dst(%arg11 : memref<320x128xf32, #tpu.memory_space<vmem>>)
      tpu.yield
    }) : () -> ()
    "tpu.region"() ({
      %run_scoped3A = tpu.sem_alloc : memref<!tpu.dma_semaphore, #tpu.memory_space<semaphore_mem>>
      %dma_start3A = arith.constant 320 : i32
      %dma_start3A_34 = arith.constant 0 : i32
      %dma_start3A_35 = tpu.memref_slice %arg4[%dma_start3A, %dma_start3A_34] : memref<640x128xf32, #tpu.memory_space<hbm>> -> memref<320x128xf32, #tpu.memory_space<hbm>>
      %dma_start3A_36 = arith.constant 320 : i32
      %dma_start3A_37 = arith.constant 0 : i32
      %dma_start3A_38 = tpu.memref_slice %arg4[%dma_start3A_36, %dma_start3A_37] : memref<640x128xf32, #tpu.memory_space<hbm>> -> memref<320x128xf32, #tpu.memory_space<hbm>>
      tpu.enqueue_dma source(%dma_start3A_38 : memref<320x128xf32, #tpu.memory_space<hbm>>) target(%arg12 : memref<320x128xf32, #tpu.memory_space<vmem>>) target_semaphore(%run_scoped3A : memref<!tpu.dma_semaphore, #tpu.memory_space<semaphore_mem>>)
      %dma_wait3A = arith.constant 320 : i32
      %dma_wait3A_39 = arith.constant 0 : i32
      %dma_wait3A_40 = tpu.memref_slice %arg4[%dma_wait3A, %dma_wait3A_39] : memref<640x128xf32, #tpu.memory_space<hbm>> -> memref<320x128xf32, #tpu.memory_space<hbm>>
      %dma_wait3A_41 = arith.constant 320 : i32
      %dma_wait3A_42 = arith.constant 0 : i32
      %dma_wait3A_43 = tpu.memref_slice %arg4[%dma_wait3A_41, %dma_wait3A_42] : memref<640x128xf32, #tpu.memory_space<hbm>> -> memref<320x128xf32, #tpu.memory_space<hbm>>
      tpu.wait_dma2 semaphore(%run_scoped3A : memref<!tpu.dma_semaphore, #tpu.memory_space<semaphore_mem>>) src(%dma_wait3A_43 : memref<320x128xf32, #tpu.memory_space<hbm>>) dst(%arg12 : memref<320x128xf32, #tpu.memory_space<vmem>>)
      tpu.yield
    }) : () -> ()
    "tpu.region"() ({
      %run_scoped3A = tpu.sem_alloc : memref<!tpu.dma_semaphore, #tpu.memory_space<semaphore_mem>>
      %dma_start3A = tpu.memref_slice %arg2[%mul3A_2] : memref<163840xi32, #tpu.memory_space<hbm>> -> memref<5120xi32, #tpu.memory_space<hbm>>
      %dma_start3A_34 = tpu.memref_slice %arg2[%mul3A_2] : memref<163840xi32, #tpu.memory_space<hbm>> -> memref<5120xi32, #tpu.memory_space<hbm>>
      tpu.enqueue_dma source(%dma_start3A_34 : memref<5120xi32, #tpu.memory_space<hbm>>) target(%arg9 : memref<5120xi32, #tpu.memory_space<vmem>>) target_semaphore(%run_scoped3A : memref<!tpu.dma_semaphore, #tpu.memory_space<semaphore_mem>>)
      %dma_wait3A = tpu.memref_slice %arg2[%mul3A_2] : memref<163840xi32, #tpu.memory_space<hbm>> -> memref<5120xi32, #tpu.memory_space<hbm>>
      %dma_wait3A_35 = tpu.memref_slice %arg2[%mul3A_2] : memref<163840xi32, #tpu.memory_space<hbm>> -> memref<5120xi32, #tpu.memory_space<hbm>>
      tpu.wait_dma2 semaphore(%run_scoped3A : memref<!tpu.dma_semaphore, #tpu.memory_space<semaphore_mem>>) src(%dma_wait3A_35 : memref<5120xi32, #tpu.memory_space<hbm>>) dst(%arg9 : memref<5120xi32, #tpu.memory_space<vmem>>)
      tpu.yield
    }) : () -> ()
    %mul3A_3 = arith.constant 4 : i32
    %mul3A_4 = arith.muli %mul3A_2, %mul3A_3 : i32
    "tpu.region"() ({
      %run_scoped3A = tpu.sem_alloc : memref<!tpu.dma_semaphore, #tpu.memory_space<semaphore_mem>>
      %dma_start3A = tpu.memref_slice %arg3[%mul3A_4] : memref<655360xf32, #tpu.memory_space<hbm>> -> memref<20480xf32, #tpu.memory_space<hbm>>
      %dma_start3A_34 = tpu.memref_slice %arg3[%mul3A_4] : memref<655360xf32, #tpu.memory_space<hbm>> -> memref<20480xf32, #tpu.memory_space<hbm>>
      tpu.enqueue_dma source(%dma_start3A_34 : memref<20480xf32, #tpu.memory_space<hbm>>) target(%arg10 : memref<20480xf32, #tpu.memory_space<vmem>>) target_semaphore(%run_scoped3A : memref<!tpu.dma_semaphore, #tpu.memory_space<semaphore_mem>>)
      %dma_wait3A = tpu.memref_slice %arg3[%mul3A_4] : memref<655360xf32, #tpu.memory_space<hbm>> -> memref<20480xf32, #tpu.memory_space<hbm>>
      %dma_wait3A_35 = tpu.memref_slice %arg3[%mul3A_4] : memref<655360xf32, #tpu.memory_space<hbm>> -> memref<20480xf32, #tpu.memory_space<hbm>>
      tpu.wait_dma2 semaphore(%run_scoped3A : memref<!tpu.dma_semaphore, #tpu.memory_space<semaphore_mem>>) src(%dma_wait3A_35 : memref<20480xf32, #tpu.memory_space<hbm>>) dst(%arg10 : memref<20480xf32, #tpu.memory_space<vmem>>)
      tpu.yield
    }) : () -> ()
    %scan3A = arith.constant 0 : i32
    %scan3A_5 = arith.constant 0 : i32
    %scan3A_6 = arith.constant 2560 : i32
    %scan3A_7 = arith.addi %scan3A_5, %scan3A_6 : i32
    %scan3A_8 = arith.constant 1 : i32
    scf.for %scan3A_34 = %scan3A_5 to %scan3A_7 step %scan3A_8  : i32 {
      %jit3A = arith.constant 8 : i32
      %div3A = arith.divsi %scan3A_34, %jit3A : i32
      %sign3A = arith.constant 0 : i32
      %sign3A_35 = arith.cmpi sgt, %scan3A_34, %sign3A : i32
      %sign3A_36 = arith.extui %sign3A_35 : i1 to i32
      %sign3A_37 = arith.constant 0 : i32
      %sign3A_38 = arith.cmpi slt, %scan3A_34, %sign3A_37 : i32
      %sign3A_39 = arith.extui %sign3A_38 : i1 to i32
      %sign3A_40 = arith.subi %sign3A_36, %sign3A_39 : i32
      %sign3A_41 = arith.constant 0 : i32
      %sign3A_42 = arith.cmpi sgt, %jit3A, %sign3A_41 : i32
      %sign3A_43 = arith.extui %sign3A_42 : i1 to i32
      %sign3A_44 = arith.constant 0 : i32
      %sign3A_45 = arith.cmpi slt, %jit3A, %sign3A_44 : i32
      %sign3A_46 = arith.extui %sign3A_45 : i1 to i32
      %sign3A_47 = arith.subi %sign3A_43, %sign3A_46 : i32
      %ne3A = arith.cmpi ne, %sign3A_40, %sign3A_47 : i32
      %rem3A = arith.remsi %scan3A_34, %jit3A : i32
      %ne3A_48 = arith.constant 0 : i32
      %ne3A_49 = arith.cmpi ne, %rem3A, %ne3A_48 : i32
      %and3A = arith.andi %ne3A, %ne3A_49 : i1
      %sub3A = arith.constant 1 : i32
      %sub3A_50 = arith.subi %div3A, %sub3A : i32
      %select_n3A = arith.select %and3A, %sub3A_50, %div3A : i32
      %jit3A_51 = arith.constant 8 : i32
      %eq3A = arith.constant 0 : i32
      %eq3A_52 = arith.cmpi eq, %jit3A_51, %eq3A : i32
      %jit3A_53 = arith.constant 1 : i32
      %select_n3A_54 = arith.select %eq3A_52, %jit3A_53, %jit3A_51 : i32
      %rem3A_55 = arith.remsi %scan3A_34, %select_n3A_54 : i32
      %ne3A_56 = arith.constant 0 : i32
      %ne3A_57 = arith.cmpi ne, %rem3A_55, %ne3A_56 : i32
      %lt3A = arith.constant 0 : i32
      %lt3A_58 = arith.cmpi slt, %rem3A_55, %lt3A : i32
      %lt3A_59 = arith.constant 0 : i32
      %lt3A_60 = arith.cmpi slt, %select_n3A_54, %lt3A_59 : i32
      %ne3A_61 = arith.xori %lt3A_58, %lt3A_60 : i1
      %and3A_62 = arith.andi %ne3A_61, %ne3A_57 : i1
      %add3A_63 = arith.addi %rem3A_55, %select_n3A_54 : i32
      %select_n3A_64 = arith.select %and3A_62, %add3A_63, %rem3A_55 : i32
      %mul3A_65 = arith.constant 16 : i32
      %mul3A_66 = arith.muli %select_n3A_64, %mul3A_65 : i32
      %get3A = arith.index_cast %select_n3A : i32 to index
      %get3A_67 = arith.index_cast %mul3A_66 : i32 to index
      %get3A_68 = tpu.vector_load %arg11[%get3A, %get3A_67] {strides = array<i32>} : memref<320x128xf32, #tpu.memory_space<vmem>>, vector<16xf32>,
      %get3A_69 = arith.index_cast %select_n3A : i32 to index
      %get3A_70 = arith.index_cast %mul3A_66 : i32 to index
      %get3A_71 = tpu.vector_load %arg12[%get3A_69, %get3A_70] {strides = array<i32>} : memref<320x128xf32, #tpu.memory_space<vmem>>, vector<16xf32>,
      %add3A_72 = arith.addf %get3A_68, %get3A_71 : vector<16xf32>
      %swap3A = arith.index_cast %select_n3A : i32 to index
      %swap3A_73 = arith.index_cast %mul3A_66 : i32 to index
      %swap3A_74 = tpu.vector_load %arg11[%swap3A, %swap3A_73] {strides = array<i32>} : memref<320x128xf32, #tpu.memory_space<vmem>>, vector<16xf32>,
      tpu.vector_store %arg11[%swap3A, %swap3A_73], %add3A_72 {strides = array<i32>} : memref<320x128xf32, #tpu.memory_space<vmem>>, vector<16xf32>,
    }
    %scan3A_9 = arith.constant 2560 : i32
    %iota3A = tpu.iota {dimensions = array<i32: 0>} : vector<16xi32>
    %scan3A_10 = arith.constant 0 : i32
    %scan3A_11 = arith.constant 0 : i32
    %scan3A_12 = arith.constant 320 : i32
    %scan3A_13 = arith.addi %scan3A_11, %scan3A_12 : i32
    %scan3A_14 = arith.constant 1 : i32
    scf.for %scan3A_34 = %scan3A_11 to %scan3A_13 step %scan3A_14  : i32 {
      %mul3A_35 = arith.constant 16 : i32
      %mul3A_36 = arith.muli %scan3A_34, %mul3A_35 : i32
      %get3A = arith.index_cast %mul3A_36 : i32 to index
      %get3A_37 = tpu.vector_load %arg9[%get3A] {strides = array<i32>} : memref<5120xi32, #tpu.memory_space<vmem>>, vector<16xi32>,
      %mul3A_38 = arith.constant 16 : i32
      %mul3A_39 = arith.muli %scan3A_34, %mul3A_38 : i32
      %add3A_40 = vector.broadcast %mul3A_39 : i32 to vector<16xi32>
      %add3A_41 = arith.addi %add3A_40, %iota3A : vector<16xi32>
      %mul3A_42 = arith.constant 4 : i32
      %mul3A_43 = vector.broadcast %mul3A_42 : i32 to vector<16xi32>
      %mul3A_44 = arith.muli %add3A_41, %mul3A_43 : vector<16xi32>
      %mul3A_45 = arith.constant 4 : i32
      %mul3A_46 = vector.broadcast %mul3A_45 : i32 to vector<16xi32>
      %mul3A_47 = arith.muli %get3A_37, %mul3A_46 : vector<16xi32>
      %add3A_48 = arith.constant 0 : i32
      %add3A_49 = vector.broadcast %add3A_48 : i32 to vector<16xi32>
      %add3A_50 = arith.addi %mul3A_47, %add3A_49 : vector<16xi32>
      %shift_right_arithmetic3A = arith.constant 7 : i32
      %shift_right_arithmetic3A_51 = vector.broadcast %shift_right_arithmetic3A : i32 to vector<16xi32>
      %shift_right_arithmetic3A_52 = arith.shrsi %add3A_50, %shift_right_arithmetic3A_51 : vector<16xi32>
      %and3A = arith.constant 127 : i32
      %and3A_53 = vector.broadcast %and3A : i32 to vector<16xi32>
      %and3A_54 = arith.andi %add3A_50, %and3A_53 : vector<16xi32>
      %gather3A = tpu.vector_load_idx %arg11[%shift_right_arithmetic3A_52, %and3A_54] : memref<320x128xf32, #tpu.memory_space<vmem>>[vector<16xi32>, vector<16xi32>], vector<16xf32>,
      %add3A_55 = arith.constant 0 : i32
      %add3A_56 = vector.broadcast %add3A_55 : i32 to vector<16xi32>
      %add3A_57 = arith.addi %mul3A_44, %add3A_56 : vector<16xi32>
      %gather3A_58 = tpu.vector_load_idx %arg10[%add3A_57] : memref<20480xf32, #tpu.memory_space<vmem>>[vector<16xi32>], vector<16xf32>,
      %add3A_59 = arith.constant 1.000000e-16 : f32
      %add3A_60 = vector.broadcast %add3A_59 : f32 to vector<16xf32>
      %add3A_61 = arith.addf %gather3A, %add3A_60 : vector<16xf32>
      %div3A = arith.divf %gather3A_58, %add3A_61 : vector<16xf32>
      %mul3A_62 = arith.constant 16 : i32
      %mul3A_63 = arith.muli %scan3A_34, %mul3A_62 : i32
      %swap3A = arith.index_cast %mul3A_63 : i32 to index
      %swap3A_64 = tpu.vector_load %arg13[%swap3A] {strides = array<i32>} : memref<5120xf32, #tpu.memory_space<vmem>>, vector<16xf32>,
      tpu.vector_store %arg13[%swap3A], %div3A {strides = array<i32>} : memref<5120xf32, #tpu.memory_space<vmem>>, vector<16xf32>,
    }
    %scan3A_15 = arith.constant 320 : i32
    "tpu.region"() ({
      %run_scoped3A = tpu.sem_alloc : memref<!tpu.dma_semaphore, #tpu.memory_space<semaphore_mem>>
      %dma_start3A = tpu.memref_slice %arg5[%mul3A_2] : memref<163840xf32, #tpu.memory_space<hbm>> -> memref<5120xf32, #tpu.memory_space<hbm>>
      %dma_start3A_34 = tpu.memref_slice %arg5[%mul3A_2] : memref<163840xf32, #tpu.memory_space<hbm>> -> memref<5120xf32, #tpu.memory_space<hbm>>
      tpu.enqueue_dma source(%arg13 : memref<5120xf32, #tpu.memory_space<vmem>>) target(%dma_start3A_34 : memref<5120xf32, #tpu.memory_space<hbm>>) target_semaphore(%run_scoped3A : memref<!tpu.dma_semaphore, #tpu.memory_space<semaphore_mem>>)
      %dma_wait3A = tpu.memref_slice %arg5[%mul3A_2] : memref<163840xf32, #tpu.memory_space<hbm>> -> memref<5120xf32, #tpu.memory_space<hbm>>
      %dma_wait3A_35 = tpu.memref_slice %arg5[%mul3A_2] : memref<163840xf32, #tpu.memory_space<hbm>> -> memref<5120xf32, #tpu.memory_space<hbm>>
      tpu.wait_dma2 semaphore(%run_scoped3A : memref<!tpu.dma_semaphore, #tpu.memory_space<semaphore_mem>>) src(%arg13 : memref<5120xf32, #tpu.memory_space<vmem>>) dst(%dma_wait3A_35 : memref<5120xf32, #tpu.memory_space<hbm>>)
      tpu.yield
    }) : () -> ()
    %scan3A_16 = arith.constant 0 : i32
    %scan3A_17 = arith.constant 0 : i32
    %scan3A_18 = arith.constant 320 : i32
    %scan3A_19 = arith.addi %scan3A_17, %scan3A_18 : i32
    %scan3A_20 = arith.constant 1 : i32
    scf.for %scan3A_34 = %scan3A_17 to %scan3A_19 step %scan3A_20  : i32 {
      %mul3A_35 = arith.constant 16 : i32
      %mul3A_36 = arith.muli %scan3A_34, %mul3A_35 : i32
      %get3A = arith.index_cast %mul3A_36 : i32 to index
      %get3A_37 = tpu.vector_load %arg9[%get3A] {strides = array<i32>} : memref<5120xi32, #tpu.memory_space<vmem>>, vector<16xi32>,
      %mul3A_38 = arith.constant 16 : i32
      %mul3A_39 = arith.muli %scan3A_34, %mul3A_38 : i32
      %add3A_40 = vector.broadcast %mul3A_39 : i32 to vector<16xi32>
      %add3A_41 = arith.addi %add3A_40, %iota3A : vector<16xi32>
      %mul3A_42 = arith.constant 4 : i32
      %mul3A_43 = vector.broadcast %mul3A_42 : i32 to vector<16xi32>
      %mul3A_44 = arith.muli %add3A_41, %mul3A_43 : vector<16xi32>
      %mul3A_45 = arith.constant 4 : i32
      %mul3A_46 = vector.broadcast %mul3A_45 : i32 to vector<16xi32>
      %mul3A_47 = arith.muli %get3A_37, %mul3A_46 : vector<16xi32>
      %add3A_48 = arith.constant 1 : i32
      %add3A_49 = vector.broadcast %add3A_48 : i32 to vector<16xi32>
      %add3A_50 = arith.addi %mul3A_47, %add3A_49 : vector<16xi32>
      %shift_right_arithmetic3A = arith.constant 7 : i32
      %shift_right_arithmetic3A_51 = vector.broadcast %shift_right_arithmetic3A : i32 to vector<16xi32>
      %shift_right_arithmetic3A_52 = arith.shrsi %add3A_50, %shift_right_arithmetic3A_51 : vector<16xi32>
      %and3A = arith.constant 127 : i32
      %and3A_53 = vector.broadcast %and3A : i32 to vector<16xi32>
      %and3A_54 = arith.andi %add3A_50, %and3A_53 : vector<16xi32>
      %gather3A = tpu.vector_load_idx %arg11[%shift_right_arithmetic3A_52, %and3A_54] : memref<320x128xf32, #tpu.memory_space<vmem>>[vector<16xi32>, vector<16xi32>], vector<16xf32>,
      %add3A_55 = arith.constant 1 : i32
      %add3A_56 = vector.broadcast %add3A_55 : i32 to vector<16xi32>
      %add3A_57 = arith.addi %mul3A_44, %add3A_56 : vector<16xi32>
      %gather3A_58 = tpu.vector_load_idx %arg10[%add3A_57] : memref<20480xf32, #tpu.memory_space<vmem>>[vector<16xi32>], vector<16xf32>,
      %add3A_59 = arith.constant 1.000000e-16 : f32
      %add3A_60 = vector.broadcast %add3A_59 : f32 to vector<16xf32>
      %add3A_61 = arith.addf %gather3A, %add3A_60 : vector<16xf32>
      %div3A = arith.divf %gather3A_58, %add3A_61 : vector<16xf32>
      %mul3A_62 = arith.constant 16 : i32
      %mul3A_63 = arith.muli %scan3A_34, %mul3A_62 : i32
      %swap3A = arith.index_cast %mul3A_63 : i32 to index
      %swap3A_64 = tpu.vector_load %arg13[%swap3A] {strides = array<i32>} : memref<5120xf32, #tpu.memory_space<vmem>>, vector<16xf32>,
      tpu.vector_store %arg13[%swap3A], %div3A {strides = array<i32>} : memref<5120xf32, #tpu.memory_space<vmem>>, vector<16xf32>,
    }
    %scan3A_21 = arith.constant 320 : i32
    "tpu.region"() ({
      %run_scoped3A = tpu.sem_alloc : memref<!tpu.dma_semaphore, #tpu.memory_space<semaphore_mem>>
      %dma_start3A = tpu.memref_slice %arg6[%mul3A_2] : memref<163840xf32, #tpu.memory_space<hbm>> -> memref<5120xf32, #tpu.memory_space<hbm>>
      %dma_start3A_34 = tpu.memref_slice %arg6[%mul3A_2] : memref<163840xf32, #tpu.memory_space<hbm>> -> memref<5120xf32, #tpu.memory_space<hbm>>
      tpu.enqueue_dma source(%arg13 : memref<5120xf32, #tpu.memory_space<vmem>>) target(%dma_start3A_34 : memref<5120xf32, #tpu.memory_space<hbm>>) target_semaphore(%run_scoped3A : memref<!tpu.dma_semaphore, #tpu.memory_space<semaphore_mem>>)
      %dma_wait3A = tpu.memref_slice %arg6[%mul3A_2] : memref<163840xf32, #tpu.memory_space<hbm>> -> memref<5120xf32, #tpu.memory_space<hbm>>
      %dma_wait3A_35 = tpu.memref_slice %arg6[%mul3A_2] : memref<163840xf32, #tpu.memory_space<hbm>> -> memref<5120xf32, #tpu.memory_space<hbm>>
      tpu.wait_dma2 semaphore(%run_scoped3A : memref<!tpu.dma_semaphore, #tpu.memory_space<semaphore_mem>>) src(%arg13 : memref<5120xf32, #tpu.memory_space<vmem>>) dst(%dma_wait3A_35 : memref<5120xf32, #tpu.memory_space<hbm>>)
      tpu.yield
    }) : () -> ()
    %scan3A_22 = arith.constant 0 : i32
    %scan3A_23 = arith.constant 0 : i32
    %scan3A_24 = arith.constant 320 : i32
    %scan3A_25 = arith.addi %scan3A_23, %scan3A_24 : i32
    %scan3A_26 = arith.constant 1 : i32
    scf.for %scan3A_34 = %scan3A_23 to %scan3A_25 step %scan3A_26  : i32 {
      %mul3A_35 = arith.constant 16 : i32
      %mul3A_36 = arith.muli %scan3A_34, %mul3A_35 : i32
      %get3A = arith.index_cast %mul3A_36 : i32 to index
      %get3A_37 = tpu.vector_load %arg9[%get3A] {strides = array<i32>} : memref<5120xi32, #tpu.memory_space<vmem>>, vector<16xi32>,
      %mul3A_38 = arith.constant 16 : i32
      %mul3A_39 = arith.muli %scan3A_34, %mul3A_38 : i32
      %add3A_40 = vector.broadcast %mul3A_39 : i32 to vector<16xi32>
      %add3A_41 = arith.addi %add3A_40, %iota3A : vector<16xi32>
      %mul3A_42 = arith.constant 4 : i32
      %mul3A_43 = vector.broadcast %mul3A_42 : i32 to vector<16xi32>
      %mul3A_44 = arith.muli %add3A_41, %mul3A_43 : vector<16xi32>
      %mul3A_45 = arith.constant 4 : i32
      %mul3A_46 = vector.broadcast %mul3A_45 : i32 to vector<16xi32>
      %mul3A_47 = arith.muli %get3A_37, %mul3A_46 : vector<16xi32>
      %add3A_48 = arith.constant 2 : i32
      %add3A_49 = vector.broadcast %add3A_48 : i32 to vector<16xi32>
      %add3A_50 = arith.addi %mul3A_47, %add3A_49 : vector<16xi32>
      %shift_right_arithmetic3A = arith.constant 7 : i32
      %shift_right_arithmetic3A_51 = vector.broadcast %shift_right_arithmetic3A : i32 to vector<16xi32>
      %shift_right_arithmetic3A_52 = arith.shrsi %add3A_50, %shift_right_arithmetic3A_51 : vector<16xi32>
      %and3A = arith.constant 127 : i32
      %and3A_53 = vector.broadcast %and3A : i32 to vector<16xi32>
      %and3A_54 = arith.andi %add3A_50, %and3A_53 : vector<16xi32>
      %gather3A = tpu.vector_load_idx %arg11[%shift_right_arithmetic3A_52, %and3A_54] : memref<320x128xf32, #tpu.memory_space<vmem>>[vector<16xi32>, vector<16xi32>], vector<16xf32>,
      %add3A_55 = arith.constant 2 : i32
      %add3A_56 = vector.broadcast %add3A_55 : i32 to vector<16xi32>
      %add3A_57 = arith.addi %mul3A_44, %add3A_56 : vector<16xi32>
      %gather3A_58 = tpu.vector_load_idx %arg10[%add3A_57] : memref<20480xf32, #tpu.memory_space<vmem>>[vector<16xi32>], vector<16xf32>,
      %add3A_59 = arith.constant 1.000000e-16 : f32
      %add3A_60 = vector.broadcast %add3A_59 : f32 to vector<16xf32>
      %add3A_61 = arith.addf %gather3A, %add3A_60 : vector<16xf32>
      %div3A = arith.divf %gather3A_58, %add3A_61 : vector<16xf32>
      %mul3A_62 = arith.constant 16 : i32
      %mul3A_63 = arith.muli %scan3A_34, %mul3A_62 : i32
      %swap3A = arith.index_cast %mul3A_63 : i32 to index
      %swap3A_64 = tpu.vector_load %arg13[%swap3A] {strides = array<i32>} : memref<5120xf32, #tpu.memory_space<vmem>>, vector<16xf32>,
      tpu.vector_store %arg13[%swap3A], %div3A {strides = array<i32>} : memref<5120xf32, #tpu.memory_space<vmem>>, vector<16xf32>,
    }
    %scan3A_27 = arith.constant 320 : i32
    "tpu.region"() ({
      %run_scoped3A = tpu.sem_alloc : memref<!tpu.dma_semaphore, #tpu.memory_space<semaphore_mem>>
      %dma_start3A = tpu.memref_slice %arg7[%mul3A_2] : memref<163840xf32, #tpu.memory_space<hbm>> -> memref<5120xf32, #tpu.memory_space<hbm>>
      %dma_start3A_34 = tpu.memref_slice %arg7[%mul3A_2] : memref<163840xf32, #tpu.memory_space<hbm>> -> memref<5120xf32, #tpu.memory_space<hbm>>
      tpu.enqueue_dma source(%arg13 : memref<5120xf32, #tpu.memory_space<vmem>>) target(%dma_start3A_34 : memref<5120xf32, #tpu.memory_space<hbm>>) target_semaphore(%run_scoped3A : memref<!tpu.dma_semaphore, #tpu.memory_space<semaphore_mem>>)
      %dma_wait3A = tpu.memref_slice %arg7[%mul3A_2] : memref<163840xf32, #tpu.memory_space<hbm>> -> memref<5120xf32, #tpu.memory_space<hbm>>
      %dma_wait3A_35 = tpu.memref_slice %arg7[%mul3A_2] : memref<163840xf32, #tpu.memory_space<hbm>> -> memref<5120xf32, #tpu.memory_space<hbm>>
      tpu.wait_dma2 semaphore(%run_scoped3A : memref<!tpu.dma_semaphore, #tpu.memory_space<semaphore_mem>>) src(%arg13 : memref<5120xf32, #tpu.memory_space<vmem>>) dst(%dma_wait3A_35 : memref<5120xf32, #tpu.memory_space<hbm>>)
      tpu.yield
    }) : () -> ()
    %scan3A_28 = arith.constant 0 : i32
    %scan3A_29 = arith.constant 0 : i32
    %scan3A_30 = arith.constant 320 : i32
    %scan3A_31 = arith.addi %scan3A_29, %scan3A_30 : i32
    %scan3A_32 = arith.constant 1 : i32
    scf.for %scan3A_34 = %scan3A_29 to %scan3A_31 step %scan3A_32  : i32 {
      %mul3A_35 = arith.constant 16 : i32
      %mul3A_36 = arith.muli %scan3A_34, %mul3A_35 : i32
      %get3A = arith.index_cast %mul3A_36 : i32 to index
      %get3A_37 = tpu.vector_load %arg9[%get3A] {strides = array<i32>} : memref<5120xi32, #tpu.memory_space<vmem>>, vector<16xi32>,
      %mul3A_38 = arith.constant 16 : i32
      %mul3A_39 = arith.muli %scan3A_34, %mul3A_38 : i32
      %add3A_40 = vector.broadcast %mul3A_39 : i32 to vector<16xi32>
      %add3A_41 = arith.addi %add3A_40, %iota3A : vector<16xi32>
      %mul3A_42 = arith.constant 4 : i32
      %mul3A_43 = vector.broadcast %mul3A_42 : i32 to vector<16xi32>
      %mul3A_44 = arith.muli %add3A_41, %mul3A_43 : vector<16xi32>
      %mul3A_45 = arith.constant 4 : i32
      %mul3A_46 = vector.broadcast %mul3A_45 : i32 to vector<16xi32>
      %mul3A_47 = arith.muli %get3A_37, %mul3A_46 : vector<16xi32>
      %add3A_48 = arith.constant 3 : i32
      %add3A_49 = vector.broadcast %add3A_48 : i32 to vector<16xi32>
      %add3A_50 = arith.addi %mul3A_47, %add3A_49 : vector<16xi32>
      %shift_right_arithmetic3A = arith.constant 7 : i32
      %shift_right_arithmetic3A_51 = vector.broadcast %shift_right_arithmetic3A : i32 to vector<16xi32>
      %shift_right_arithmetic3A_52 = arith.shrsi %add3A_50, %shift_right_arithmetic3A_51 : vector<16xi32>
      %and3A = arith.constant 127 : i32
      %and3A_53 = vector.broadcast %and3A : i32 to vector<16xi32>
      %and3A_54 = arith.andi %add3A_50, %and3A_53 : vector<16xi32>
      %gather3A = tpu.vector_load_idx %arg11[%shift_right_arithmetic3A_52, %and3A_54] : memref<320x128xf32, #tpu.memory_space<vmem>>[vector<16xi32>, vector<16xi32>], vector<16xf32>,
      %add3A_55 = arith.constant 3 : i32
      %add3A_56 = vector.broadcast %add3A_55 : i32 to vector<16xi32>
      %add3A_57 = arith.addi %mul3A_44, %add3A_56 : vector<16xi32>
      %gather3A_58 = tpu.vector_load_idx %arg10[%add3A_57] : memref<20480xf32, #tpu.memory_space<vmem>>[vector<16xi32>], vector<16xf32>,
      %add3A_59 = arith.constant 1.000000e-16 : f32
      %add3A_60 = vector.broadcast %add3A_59 : f32 to vector<16xf32>
      %add3A_61 = arith.addf %gather3A, %add3A_60 : vector<16xf32>
      %div3A = arith.divf %gather3A_58, %add3A_61 : vector<16xf32>
      %mul3A_62 = arith.constant 16 : i32
      %mul3A_63 = arith.muli %scan3A_34, %mul3A_62 : i32
      %swap3A = arith.index_cast %mul3A_63 : i32 to index
      %swap3A_64 = tpu.vector_load %arg13[%swap3A] {strides = array<i32>} : memref<5120xf32, #tpu.memory_space<vmem>>, vector<16xf32>,
      tpu.vector_store %arg13[%swap3A], %div3A {strides = array<i32>} : memref<5120xf32, #tpu.memory_space<vmem>>, vector<16xf32>,
    }
    %scan3A_33 = arith.constant 320 : i32
    "tpu.region"() ({
      %run_scoped3A = tpu.sem_alloc : memref<!tpu.dma_semaphore, #tpu.memory_space<semaphore_mem>>
      %dma_start3A = tpu.memref_slice %arg8[%mul3A_2] : memref<163840xf32, #tpu.memory_space<hbm>> -> memref<5120xf32, #tpu.memory_space<hbm>>
      %dma_start3A_34 = tpu.memref_slice %arg8[%mul3A_2] : memref<163840xf32, #tpu.memory_space<hbm>> -> memref<5120xf32, #tpu.memory_space<hbm>>
      tpu.enqueue_dma source(%arg13 : memref<5120xf32, #tpu.memory_space<vmem>>) target(%dma_start3A_34 : memref<5120xf32, #tpu.memory_space<hbm>>) target_semaphore(%run_scoped3A : memref<!tpu.dma_semaphore, #tpu.memory_space<semaphore_mem>>)
      %dma_wait3A = tpu.memref_slice %arg8[%mul3A_2] : memref<163840xf32, #tpu.memory_space<hbm>> -> memref<5120xf32, #tpu.memory_space<hbm>>
      %dma_wait3A_35 = tpu.memref_slice %arg8[%mul3A_2] : memref<163840xf32, #tpu.memory_space<hbm>> -> memref<5120xf32, #tpu.memory_space<hbm>>
      tpu.wait_dma2 semaphore(%run_scoped3A : memref<!tpu.dma_semaphore, #tpu.memory_space<semaphore_mem>>) src(%arg13 : memref<5120xf32, #tpu.memory_space<vmem>>) dst(%dma_wait3A_35 : memref<5120xf32, #tpu.memory_space<hbm>>)
      tpu.yield
    }) : () -> ()
    return
  }
}

#map = affine_map<(d0, d1) -> (0)>
#map1 = affine_map<(d0, d1) -> (0, 0)>
module attributes {stable_mosaic.version = 14 : i64} {
  func.func @_sc_scores(%arg0: i32, %arg1: i32, %arg2: memref<20480xf32, #tpu.memory_space<hbm>>, %arg3: memref<20480xf32, #tpu.memory_space<hbm>>, %arg4: memref<20480xf32, #tpu.memory_space<hbm>>, %arg5: memref<20480xf32, #tpu.memory_space<hbm>>, %arg6: memref<163840xi32, #tpu.memory_space<hbm>>, %arg7: memref<163840xi32, #tpu.memory_space<hbm>>, %arg8: memref<320x128xf32, #tpu.memory_space<hbm>>, %arg9: memref<655360xf32, #tpu.memory_space<hbm>>, %arg10: memref<640x128xf32, #tpu.memory_space<hbm>>, %arg11: memref<5120xi32, #tpu.memory_space<vmem>>, %arg12: memref<5120xi32, #tpu.memory_space<vmem>>, %arg13: memref<20480xf32, #tpu.memory_space<vmem>>, %arg14: memref<16x320x128xf32, #tpu.memory_space<vmem_shared>>) attributes {dimension_semantics = [#tpu.dimension_semantics<core_parallel>, #tpu.dimension_semantics<subcore_parallel>], iteration_bounds = array<i64: 2, 16>, scalar_prefetch = 0 : i64, scratch_operands = 4 : i64, tpu.core_type = #tpu.core_type<sc_vector_subcore>, window_params = [{transform_indices = #map}, {transform_indices = #map}, {transform_indices = #map}, {transform_indices = #map}, {transform_indices = #map}, {transform_indices = #map}, {transform_indices = #map1}, {transform_indices = #map}, {transform_indices = #map1}]} {
    %mul3A = arith.constant 2 : i32
    %mul3A_0 = arith.muli %arg1, %mul3A : i32
    %add3A = arith.addi %mul3A_0, %arg0 : i32
    %mul3A_1 = arith.constant 5120 : i32
    %mul3A_2 = arith.muli %add3A, %mul3A_1 : i32
    "tpu.region"() ({
      %run_scoped3A = tpu.sem_alloc : memref<!tpu.dma_semaphore, #tpu.memory_space<semaphore_mem>>
      %dma_start3A = tpu.memref_slice %arg6[%mul3A_2] : memref<163840xi32, #tpu.memory_space<hbm>> -> memref<5120xi32, #tpu.memory_space<hbm>>
      %dma_start3A_5 = tpu.memref_slice %arg6[%mul3A_2] : memref<163840xi32, #tpu.memory_space<hbm>> -> memref<5120xi32, #tpu.memory_space<hbm>>
      tpu.enqueue_dma source(%dma_start3A_5 : memref<5120xi32, #tpu.memory_space<hbm>>) target(%arg11 : memref<5120xi32, #tpu.memory_space<vmem>>) target_semaphore(%run_scoped3A : memref<!tpu.dma_semaphore, #tpu.memory_space<semaphore_mem>>)
      %dma_wait3A = tpu.memref_slice %arg6[%mul3A_2] : memref<163840xi32, #tpu.memory_space<hbm>> -> memref<5120xi32, #tpu.memory_space<hbm>>
      %dma_wait3A_6 = tpu.memref_slice %arg6[%mul3A_2] : memref<163840xi32, #tpu.memory_space<hbm>> -> memref<5120xi32, #tpu.memory_space<hbm>>
      tpu.wait_dma2 semaphore(%run_scoped3A : memref<!tpu.dma_semaphore, #tpu.memory_space<semaphore_mem>>) src(%dma_wait3A_6 : memref<5120xi32, #tpu.memory_space<hbm>>) dst(%arg11 : memref<5120xi32, #tpu.memory_space<vmem>>)
      tpu.yield
    }) : () -> ()
    "tpu.region"() ({
      %run_scoped3A = tpu.sem_alloc : memref<!tpu.dma_semaphore, #tpu.memory_space<semaphore_mem>>
      %dma_start3A = tpu.memref_slice %arg7[%mul3A_2] : memref<163840xi32, #tpu.memory_space<hbm>> -> memref<5120xi32, #tpu.memory_space<hbm>>
      %dma_start3A_5 = tpu.memref_slice %arg7[%mul3A_2] : memref<163840xi32, #tpu.memory_space<hbm>> -> memref<5120xi32, #tpu.memory_space<hbm>>
      tpu.enqueue_dma source(%dma_start3A_5 : memref<5120xi32, #tpu.memory_space<hbm>>) target(%arg12 : memref<5120xi32, #tpu.memory_space<vmem>>) target_semaphore(%run_scoped3A : memref<!tpu.dma_semaphore, #tpu.memory_space<semaphore_mem>>)
      %dma_wait3A = tpu.memref_slice %arg7[%mul3A_2] : memref<163840xi32, #tpu.memory_space<hbm>> -> memref<5120xi32, #tpu.memory_space<hbm>>
      %dma_wait3A_6 = tpu.memref_slice %arg7[%mul3A_2] : memref<163840xi32, #tpu.memory_space<hbm>> -> memref<5120xi32, #tpu.memory_space<hbm>>
      tpu.wait_dma2 semaphore(%run_scoped3A : memref<!tpu.dma_semaphore, #tpu.memory_space<semaphore_mem>>) src(%dma_wait3A_6 : memref<5120xi32, #tpu.memory_space<hbm>>) dst(%arg12 : memref<5120xi32, #tpu.memory_space<vmem>>)
      tpu.yield
    }) : () -> ()
    %iota3A = tpu.iota {dimensions = array<i32: 0>} : vector<16xi32>
    "tpu.region"() ({
      %run_scoped3A = memref.alloca() : memref<20480xf32, #tpu.memory_space<vmem>>
      %run_scoped3A_5 = memref.alloca() : memref<20480xf32, #tpu.memory_space<vmem>>
      "tpu.region"() ({
        %run_scoped3A_11 = tpu.sem_alloc : memref<!tpu.dma_semaphore, #tpu.memory_space<semaphore_mem>>
        tpu.enqueue_dma source(%arg2 : memref<20480xf32, #tpu.memory_space<hbm>>) target(%run_scoped3A : memref<20480xf32, #tpu.memory_space<vmem>>) target_semaphore(%run_scoped3A_11 : memref<!tpu.dma_semaphore, #tpu.memory_space<semaphore_mem>>)
        tpu.wait_dma2 semaphore(%run_scoped3A_11 : memref<!tpu.dma_semaphore, #tpu.memory_space<semaphore_mem>>) src(%arg2 : memref<20480xf32, #tpu.memory_space<hbm>>) dst(%run_scoped3A : memref<20480xf32, #tpu.memory_space<vmem>>)
        tpu.yield
      }) : () -> ()
      "tpu.region"() ({
        %run_scoped3A_11 = tpu.sem_alloc : memref<!tpu.dma_semaphore, #tpu.memory_space<semaphore_mem>>
        tpu.enqueue_dma source(%arg4 : memref<20480xf32, #tpu.memory_space<hbm>>) target(%run_scoped3A_5 : memref<20480xf32, #tpu.memory_space<vmem>>) target_semaphore(%run_scoped3A_11 : memref<!tpu.dma_semaphore, #tpu.memory_space<semaphore_mem>>)
        tpu.wait_dma2 semaphore(%run_scoped3A_11 : memref<!tpu.dma_semaphore, #tpu.memory_space<semaphore_mem>>) src(%arg4 : memref<20480xf32, #tpu.memory_space<hbm>>) dst(%run_scoped3A_5 : memref<20480xf32, #tpu.memory_space<vmem>>)
        tpu.yield
      }) : () -> ()
      %scan3A = arith.constant 0 : i32
      %scan3A_6 = arith.constant 0 : i32
      %scan3A_7 = arith.constant 320 : i32
      %scan3A_8 = arith.addi %scan3A_6, %scan3A_7 : i32
      %scan3A_9 = arith.constant 1 : i32
      scf.for %scan3A_11 = %scan3A_6 to %scan3A_8 step %scan3A_9  : i32 {
        %mul3A_12 = arith.constant 16 : i32
        %mul3A_13 = arith.muli %scan3A_11, %mul3A_12 : i32
        %get3A = arith.index_cast %mul3A_13 : i32 to index
        %get3A_14 = tpu.vector_load %arg11[%get3A] {strides = array<i32>} : memref<5120xi32, #tpu.memory_space<vmem>>, vector<16xi32>,
        %mul3A_15 = arith.constant 16 : i32
        %mul3A_16 = arith.muli %scan3A_11, %mul3A_15 : i32
        %get3A_17 = arith.index_cast %mul3A_16 : i32 to index
        %get3A_18 = tpu.vector_load %arg12[%get3A_17] {strides = array<i32>} : memref<5120xi32, #tpu.memory_space<vmem>>, vector<16xi32>,
        %mul3A_19 = arith.constant 16 : i32
        %mul3A_20 = arith.muli %scan3A_11, %mul3A_19 : i32
        %add3A_21 = vector.broadcast %mul3A_20 : i32 to vector<16xi32>
        %add3A_22 = arith.addi %add3A_21, %iota3A : vector<16xi32>
        %mul3A_23 = arith.constant 4 : i32
        %mul3A_24 = vector.broadcast %mul3A_23 : i32 to vector<16xi32>
        %mul3A_25 = arith.muli %add3A_22, %mul3A_24 : vector<16xi32>
        %mul3A_26 = arith.constant 2 : i32
        %mul3A_27 = vector.broadcast %mul3A_26 : i32 to vector<16xi32>
        %mul3A_28 = arith.muli %get3A_14, %mul3A_27 : vector<16xi32>
        %add3A_29 = arith.constant 0 : i32
        %add3A_30 = vector.broadcast %add3A_29 : i32 to vector<16xi32>
        %add3A_31 = arith.addi %mul3A_28, %add3A_30 : vector<16xi32>
        %gather3A = tpu.vector_load_idx %run_scoped3A[%add3A_31] : memref<20480xf32, #tpu.memory_space<vmem>>[vector<16xi32>], vector<16xf32>,
        %mul3A_32 = arith.constant 2 : i32
        %mul3A_33 = vector.broadcast %mul3A_32 : i32 to vector<16xi32>
        %mul3A_34 = arith.muli %get3A_18, %mul3A_33 : vector<16xi32>
        %add3A_35 = arith.constant 0 : i32
        %add3A_36 = vector.broadcast %add3A_35 : i32 to vector<16xi32>
        %add3A_37 = arith.addi %mul3A_34, %add3A_36 : vector<16xi32>
        %gather3A_38 = tpu.vector_load_idx %run_scoped3A_5[%add3A_37] : memref<20480xf32, #tpu.memory_space<vmem>>[vector<16xi32>], vector<16xf32>,
        %add3A_39 = arith.addf %gather3A, %gather3A_38 : vector<16xf32>
        %ge3A = arith.constant 0.000000e+00 : f32
        %ge3A_40 = vector.broadcast %ge3A : f32 to vector<16xf32>
        %ge3A_41 = arith.cmpf oge, %add3A_39, %ge3A_40 : vector<16xf32>
        %mul3A_42 = arith.constant 2.000000e-01 : f32
        %mul3A_43 = vector.broadcast %mul3A_42 : f32 to vector<16xf32>
        %mul3A_44 = arith.mulf %mul3A_43, %add3A_39 : vector<16xf32>
        %select_n3A = arith.select %ge3A_41, %add3A_39, %mul3A_44 : vector<16xi1>, vector<16xf32>
        %add3A_45 = arith.constant 0 : i32
        %add3A_46 = vector.broadcast %add3A_45 : i32 to vector<16xi32>
        %add3A_47 = arith.addi %mul3A_25, %add3A_46 : vector<16xi32>
        %exp3A = math.exp %select_n3A : vector<16xf32>
        tpu.vector_store_idx %arg13[%add3A_47], %exp3A : memref<20480xf32, #tpu.memory_space<vmem>>[vector<16xi32>], vector<16xf32>,
        %mul3A_48 = arith.constant 2 : i32
        %mul3A_49 = vector.broadcast %mul3A_48 : i32 to vector<16xi32>
        %mul3A_50 = arith.muli %get3A_14, %mul3A_49 : vector<16xi32>
        %add3A_51 = arith.constant 1 : i32
        %add3A_52 = vector.broadcast %add3A_51 : i32 to vector<16xi32>
        %add3A_53 = arith.addi %mul3A_50, %add3A_52 : vector<16xi32>
        %gather3A_54 = tpu.vector_load_idx %run_scoped3A[%add3A_53] : memref<20480xf32, #tpu.memory_space<vmem>>[vector<16xi32>], vector<16xf32>,
        %mul3A_55 = arith.constant 2 : i32
        %mul3A_56 = vector.broadcast %mul3A_55 : i32 to vector<16xi32>
        %mul3A_57 = arith.muli %get3A_18, %mul3A_56 : vector<16xi32>
        %add3A_58 = arith.constant 1 : i32
        %add3A_59 = vector.broadcast %add3A_58 : i32 to vector<16xi32>
        %add3A_60 = arith.addi %mul3A_57, %add3A_59 : vector<16xi32>
        %gather3A_61 = tpu.vector_load_idx %run_scoped3A_5[%add3A_60] : memref<20480xf32, #tpu.memory_space<vmem>>[vector<16xi32>], vector<16xf32>,
        %add3A_62 = arith.addf %gather3A_54, %gather3A_61 : vector<16xf32>
        %ge3A_63 = arith.constant 0.000000e+00 : f32
        %ge3A_64 = vector.broadcast %ge3A_63 : f32 to vector<16xf32>
        %ge3A_65 = arith.cmpf oge, %add3A_62, %ge3A_64 : vector<16xf32>
        %mul3A_66 = arith.constant 2.000000e-01 : f32
        %mul3A_67 = vector.broadcast %mul3A_66 : f32 to vector<16xf32>
        %mul3A_68 = arith.mulf %mul3A_67, %add3A_62 : vector<16xf32>
        %select_n3A_69 = arith.select %ge3A_65, %add3A_62, %mul3A_68 : vector<16xi1>, vector<16xf32>
        %add3A_70 = arith.constant 1 : i32
        %add3A_71 = vector.broadcast %add3A_70 : i32 to vector<16xi32>
        %add3A_72 = arith.addi %mul3A_25, %add3A_71 : vector<16xi32>
        %exp3A_73 = math.exp %select_n3A_69 : vector<16xf32>
        tpu.vector_store_idx %arg13[%add3A_72], %exp3A_73 : memref<20480xf32, #tpu.memory_space<vmem>>[vector<16xi32>], vector<16xf32>,
      }
      %scan3A_10 = arith.constant 320 : i32
      tpu.yield
    }) : () -> ()
    "tpu.region"() ({
      %run_scoped3A = memref.alloca() : memref<20480xf32, #tpu.memory_space<vmem>>
      %run_scoped3A_5 = memref.alloca() : memref<20480xf32, #tpu.memory_space<vmem>>
      "tpu.region"() ({
        %run_scoped3A_11 = tpu.sem_alloc : memref<!tpu.dma_semaphore, #tpu.memory_space<semaphore_mem>>
        tpu.enqueue_dma source(%arg3 : memref<20480xf32, #tpu.memory_space<hbm>>) target(%run_scoped3A : memref<20480xf32, #tpu.memory_space<vmem>>) target_semaphore(%run_scoped3A_11 : memref<!tpu.dma_semaphore, #tpu.memory_space<semaphore_mem>>)
        tpu.wait_dma2 semaphore(%run_scoped3A_11 : memref<!tpu.dma_semaphore, #tpu.memory_space<semaphore_mem>>) src(%arg3 : memref<20480xf32, #tpu.memory_space<hbm>>) dst(%run_scoped3A : memref<20480xf32, #tpu.memory_space<vmem>>)
        tpu.yield
      }) : () -> ()
      "tpu.region"() ({
        %run_scoped3A_11 = tpu.sem_alloc : memref<!tpu.dma_semaphore, #tpu.memory_space<semaphore_mem>>
        tpu.enqueue_dma source(%arg5 : memref<20480xf32, #tpu.memory_space<hbm>>) target(%run_scoped3A_5 : memref<20480xf32, #tpu.memory_space<vmem>>) target_semaphore(%run_scoped3A_11 : memref<!tpu.dma_semaphore, #tpu.memory_space<semaphore_mem>>)
        tpu.wait_dma2 semaphore(%run_scoped3A_11 : memref<!tpu.dma_semaphore, #tpu.memory_space<semaphore_mem>>) src(%arg5 : memref<20480xf32, #tpu.memory_space<hbm>>) dst(%run_scoped3A_5 : memref<20480xf32, #tpu.memory_space<vmem>>)
        tpu.yield
      }) : () -> ()
      %scan3A = arith.constant 0 : i32
      %scan3A_6 = arith.constant 0 : i32
      %scan3A_7 = arith.constant 320 : i32
      %scan3A_8 = arith.addi %scan3A_6, %scan3A_7 : i32
      %scan3A_9 = arith.constant 1 : i32
      scf.for %scan3A_11 = %scan3A_6 to %scan3A_8 step %scan3A_9  : i32 {
        %mul3A_12 = arith.constant 16 : i32
        %mul3A_13 = arith.muli %scan3A_11, %mul3A_12 : i32
        %get3A = arith.index_cast %mul3A_13 : i32 to index
        %get3A_14 = tpu.vector_load %arg11[%get3A] {strides = array<i32>} : memref<5120xi32, #tpu.memory_space<vmem>>, vector<16xi32>,
        %mul3A_15 = arith.constant 16 : i32
        %mul3A_16 = arith.muli %scan3A_11, %mul3A_15 : i32
        %get3A_17 = arith.index_cast %mul3A_16 : i32 to index
        %get3A_18 = tpu.vector_load %arg12[%get3A_17] {strides = array<i32>} : memref<5120xi32, #tpu.memory_space<vmem>>, vector<16xi32>,
        %mul3A_19 = arith.constant 16 : i32
        %mul3A_20 = arith.muli %scan3A_11, %mul3A_19 : i32
        %add3A_21 = vector.broadcast %mul3A_20 : i32 to vector<16xi32>
        %add3A_22 = arith.addi %add3A_21, %iota3A : vector<16xi32>
        %mul3A_23 = arith.constant 4 : i32
        %mul3A_24 = vector.broadcast %mul3A_23 : i32 to vector<16xi32>
        %mul3A_25 = arith.muli %add3A_22, %mul3A_24 : vector<16xi32>
        %mul3A_26 = arith.constant 2 : i32
        %mul3A_27 = vector.broadcast %mul3A_26 : i32 to vector<16xi32>
        %mul3A_28 = arith.muli %get3A_14, %mul3A_27 : vector<16xi32>
        %add3A_29 = arith.constant 0 : i32
        %add3A_30 = vector.broadcast %add3A_29 : i32 to vector<16xi32>
        %add3A_31 = arith.addi %mul3A_28, %add3A_30 : vector<16xi32>
        %gather3A = tpu.vector_load_idx %run_scoped3A[%add3A_31] : memref<20480xf32, #tpu.memory_space<vmem>>[vector<16xi32>], vector<16xf32>,
        %mul3A_32 = arith.constant 2 : i32
        %mul3A_33 = vector.broadcast %mul3A_32 : i32 to vector<16xi32>
        %mul3A_34 = arith.muli %get3A_18, %mul3A_33 : vector<16xi32>
        %add3A_35 = arith.constant 0 : i32
        %add3A_36 = vector.broadcast %add3A_35 : i32 to vector<16xi32>
        %add3A_37 = arith.addi %mul3A_34, %add3A_36 : vector<16xi32>
        %gather3A_38 = tpu.vector_load_idx %run_scoped3A_5[%add3A_37] : memref<20480xf32, #tpu.memory_space<vmem>>[vector<16xi32>], vector<16xf32>,
        %add3A_39 = arith.addf %gather3A, %gather3A_38 : vector<16xf32>
        %ge3A = arith.constant 0.000000e+00 : f32
        %ge3A_40 = vector.broadcast %ge3A : f32 to vector<16xf32>
        %ge3A_41 = arith.cmpf oge, %add3A_39, %ge3A_40 : vector<16xf32>
        %mul3A_42 = arith.constant 2.000000e-01 : f32
        %mul3A_43 = vector.broadcast %mul3A_42 : f32 to vector<16xf32>
        %mul3A_44 = arith.mulf %mul3A_43, %add3A_39 : vector<16xf32>
        %select_n3A = arith.select %ge3A_41, %add3A_39, %mul3A_44 : vector<16xi1>, vector<16xf32>
        %add3A_45 = arith.constant 2 : i32
        %add3A_46 = vector.broadcast %add3A_45 : i32 to vector<16xi32>
        %add3A_47 = arith.addi %mul3A_25, %add3A_46 : vector<16xi32>
        %exp3A = math.exp %select_n3A : vector<16xf32>
        tpu.vector_store_idx %arg13[%add3A_47], %exp3A : memref<20480xf32, #tpu.memory_space<vmem>>[vector<16xi32>], vector<16xf32>,
        %mul3A_48 = arith.constant 2 : i32
        %mul3A_49 = vector.broadcast %mul3A_48 : i32 to vector<16xi32>
        %mul3A_50 = arith.muli %get3A_14, %mul3A_49 : vector<16xi32>
        %add3A_51 = arith.constant 1 : i32
        %add3A_52 = vector.broadcast %add3A_51 : i32 to vector<16xi32>
        %add3A_53 = arith.addi %mul3A_50, %add3A_52 : vector<16xi32>
        %gather3A_54 = tpu.vector_load_idx %run_scoped3A[%add3A_53] : memref<20480xf32, #tpu.memory_space<vmem>>[vector<16xi32>], vector<16xf32>,
        %mul3A_55 = arith.constant 2 : i32
        %mul3A_56 = vector.broadcast %mul3A_55 : i32 to vector<16xi32>
        %mul3A_57 = arith.muli %get3A_18, %mul3A_56 : vector<16xi32>
        %add3A_58 = arith.constant 1 : i32
        %add3A_59 = vector.broadcast %add3A_58 : i32 to vector<16xi32>
        %add3A_60 = arith.addi %mul3A_57, %add3A_59 : vector<16xi32>
        %gather3A_61 = tpu.vector_load_idx %run_scoped3A_5[%add3A_60] : memref<20480xf32, #tpu.memory_space<vmem>>[vector<16xi32>], vector<16xf32>,
        %add3A_62 = arith.addf %gather3A_54, %gather3A_61 : vector<16xf32>
        %ge3A_63 = arith.constant 0.000000e+00 : f32
        %ge3A_64 = vector.broadcast %ge3A_63 : f32 to vector<16xf32>
        %ge3A_65 = arith.cmpf oge, %add3A_62, %ge3A_64 : vector<16xf32>
        %mul3A_66 = arith.constant 2.000000e-01 : f32
        %mul3A_67 = vector.broadcast %mul3A_66 : f32 to vector<16xf32>
        %mul3A_68 = arith.mulf %mul3A_67, %add3A_62 : vector<16xf32>
        %select_n3A_69 = arith.select %ge3A_65, %add3A_62, %mul3A_68 : vector<16xi1>, vector<16xf32>
        %add3A_70 = arith.constant 3 : i32
        %add3A_71 = vector.broadcast %add3A_70 : i32 to vector<16xi32>
        %add3A_72 = arith.addi %mul3A_25, %add3A_71 : vector<16xi32>
        %exp3A_73 = math.exp %select_n3A_69 : vector<16xf32>
        tpu.vector_store_idx %arg13[%add3A_72], %exp3A_73 : memref<20480xf32, #tpu.memory_space<vmem>>[vector<16xi32>], vector<16xf32>,
      }
      %scan3A_10 = arith.constant 320 : i32
      tpu.yield
    }) : () -> ()
    %mul3A_3 = arith.constant 4 : i32
    %mul3A_4 = arith.muli %mul3A_2, %mul3A_3 : i32
    "tpu.region"() ({
      %run_scoped3A = tpu.sem_alloc : memref<!tpu.dma_semaphore, #tpu.memory_space<semaphore_mem>>
      %dma_start3A = tpu.memref_slice %arg9[%mul3A_4] : memref<655360xf32, #tpu.memory_space<hbm>> -> memref<20480xf32, #tpu.memory_space<hbm>>
      %dma_start3A_5 = tpu.memref_slice %arg9[%mul3A_4] : memref<655360xf32, #tpu.memory_space<hbm>> -> memref<20480xf32, #tpu.memory_space<hbm>>
      tpu.enqueue_dma source(%arg13 : memref<20480xf32, #tpu.memory_space<vmem>>) target(%dma_start3A_5 : memref<20480xf32, #tpu.memory_space<hbm>>) target_semaphore(%run_scoped3A : memref<!tpu.dma_semaphore, #tpu.memory_space<semaphore_mem>>)
      %dma_wait3A = tpu.memref_slice %arg9[%mul3A_4] : memref<655360xf32, #tpu.memory_space<hbm>> -> memref<20480xf32, #tpu.memory_space<hbm>>
      %dma_wait3A_6 = tpu.memref_slice %arg9[%mul3A_4] : memref<655360xf32, #tpu.memory_space<hbm>> -> memref<20480xf32, #tpu.memory_space<hbm>>
      tpu.wait_dma2 semaphore(%run_scoped3A : memref<!tpu.dma_semaphore, #tpu.memory_space<semaphore_mem>>) src(%arg13 : memref<20480xf32, #tpu.memory_space<vmem>>) dst(%dma_wait3A_6 : memref<20480xf32, #tpu.memory_space<hbm>>)
      tpu.yield
    }) : () -> ()
    "tpu.region"() ({
      %run_scoped3A = memref.alloca() : memref<320x128xf32, #tpu.memory_space<vmem>>
      %run_scoped3A_5 = memref.alloca() : memref<40x128xf32, #tpu.memory_space<vmem>>
      %run_scoped3A_6 = memref.alloca() : memref<40x128xf32, #tpu.memory_space<vmem>>
      "tpu.region"() ({
        %run_scoped3A_14 = tpu.sem_alloc : memref<!tpu.dma_semaphore, #tpu.memory_space<semaphore_mem>>
        tpu.enqueue_dma source(%arg8 : memref<320x128xf32, #tpu.memory_space<hbm>>) target(%run_scoped3A : memref<320x128xf32, #tpu.memory_space<vmem>>) target_semaphore(%run_scoped3A_14 : memref<!tpu.dma_semaphore, #tpu.memory_space<semaphore_mem>>)
        tpu.wait_dma2 semaphore(%run_scoped3A_14 : memref<!tpu.dma_semaphore, #tpu.memory_space<semaphore_mem>>) src(%arg8 : memref<320x128xf32, #tpu.memory_space<hbm>>) dst(%run_scoped3A : memref<320x128xf32, #tpu.memory_space<vmem>>)
        tpu.yield
      }) : () -> ()
      %scan3A = arith.constant 0 : i32
      %scan3A_7 = arith.constant 0 : i32
      %scan3A_8 = arith.constant 320 : i32
      %scan3A_9 = arith.addi %scan3A_7, %scan3A_8 : i32
      %scan3A_10 = arith.constant 1 : i32
      scf.for %scan3A_14 = %scan3A_7 to %scan3A_9 step %scan3A_10  : i32 {
        %mul3A_15 = arith.constant 16 : i32
        %mul3A_16 = arith.muli %scan3A_14, %mul3A_15 : i32
        %get3A = arith.index_cast %mul3A_16 : i32 to index
        %get3A_17 = tpu.vector_load %arg12[%get3A] {strides = array<i32>} : memref<5120xi32, #tpu.memory_space<vmem>>, vector<16xi32>,
        %mul3A_18 = arith.constant 16 : i32
        %mul3A_19 = arith.muli %scan3A_14, %mul3A_18 : i32
        %add3A_20 = vector.broadcast %mul3A_19 : i32 to vector<16xi32>
        %add3A_21 = arith.addi %add3A_20, %iota3A : vector<16xi32>
        %mul3A_22 = arith.constant 4 : i32
        %mul3A_23 = vector.broadcast %mul3A_22 : i32 to vector<16xi32>
        %mul3A_24 = arith.muli %add3A_21, %mul3A_23 : vector<16xi32>
        %add3A_25 = arith.constant 0 : i32
        %add3A_26 = vector.broadcast %add3A_25 : i32 to vector<16xi32>
        %add3A_27 = arith.addi %mul3A_24, %add3A_26 : vector<16xi32>
        %gather3A = tpu.vector_load_idx %arg13[%add3A_27] : memref<20480xf32, #tpu.memory_space<vmem>>[vector<16xi32>], vector<16xf32>,
        %mul3A_28 = arith.constant 4 : i32
        %mul3A_29 = vector.broadcast %mul3A_28 : i32 to vector<16xi32>
        %mul3A_30 = arith.muli %get3A_17, %mul3A_29 : vector<16xi32>
        %add3A_31 = arith.constant 0 : i32
        %add3A_32 = vector.broadcast %add3A_31 : i32 to vector<16xi32>
        %add3A_33 = arith.addi %mul3A_30, %add3A_32 : vector<16xi32>
        %shift_right_arithmetic3A = arith.constant 7 : i32
        %shift_right_arithmetic3A_34 = vector.broadcast %shift_right_arithmetic3A : i32 to vector<16xi32>
        %shift_right_arithmetic3A_35 = arith.shrsi %add3A_33, %shift_right_arithmetic3A_34 : vector<16xi32>
        %and3A = arith.constant 127 : i32
        %and3A_36 = vector.broadcast %and3A : i32 to vector<16xi32>
        %and3A_37 = arith.andi %add3A_33, %and3A_36 : vector<16xi32>
        tpu.vector_store_idx %run_scoped3A[%shift_right_arithmetic3A_35, %and3A_37], %gather3A {add = true} : memref<320x128xf32, #tpu.memory_space<vmem>>[vector<16xi32>, vector<16xi32>], vector<16xf32>,
        %add3A_38 = arith.constant 1 : i32
        %add3A_39 = vector.broadcast %add3A_38 : i32 to vector<16xi32>
        %add3A_40 = arith.addi %mul3A_24, %add3A_39 : vector<16xi32>
        %gather3A_41 = tpu.vector_load_idx %arg13[%add3A_40] : memref<20480xf32, #tpu.memory_space<vmem>>[vector<16xi32>], vector<16xf32>,
        %mul3A_42 = arith.constant 4 : i32
        %mul3A_43 = vector.broadcast %mul3A_42 : i32 to vector<16xi32>
        %mul3A_44 = arith.muli %get3A_17, %mul3A_43 : vector<16xi32>
        %add3A_45 = arith.constant 1 : i32
        %add3A_46 = vector.broadcast %add3A_45 : i32 to vector<16xi32>
        %add3A_47 = arith.addi %mul3A_44, %add3A_46 : vector<16xi32>
        %shift_right_arithmetic3A_48 = arith.constant 7 : i32
        %shift_right_arithmetic3A_49 = vector.broadcast %shift_right_arithmetic3A_48 : i32 to vector<16xi32>
        %shift_right_arithmetic3A_50 = arith.shrsi %add3A_47, %shift_right_arithmetic3A_49 : vector<16xi32>
        %and3A_51 = arith.constant 127 : i32
        %and3A_52 = vector.broadcast %and3A_51 : i32 to vector<16xi32>
        %and3A_53 = arith.andi %add3A_47, %and3A_52 : vector<16xi32>
        tpu.vector_store_idx %run_scoped3A[%shift_right_arithmetic3A_50, %and3A_53], %gather3A_41 {add = true} : memref<320x128xf32, #tpu.memory_space<vmem>>[vector<16xi32>, vector<16xi32>], vector<16xf32>,
        %add3A_54 = arith.constant 2 : i32
        %add3A_55 = vector.broadcast %add3A_54 : i32 to vector<16xi32>
        %add3A_56 = arith.addi %mul3A_24, %add3A_55 : vector<16xi32>
        %gather3A_57 = tpu.vector_load_idx %arg13[%add3A_56] : memref<20480xf32, #tpu.memory_space<vmem>>[vector<16xi32>], vector<16xf32>,
        %mul3A_58 = arith.constant 4 : i32
        %mul3A_59 = vector.broadcast %mul3A_58 : i32 to vector<16xi32>
        %mul3A_60 = arith.muli %get3A_17, %mul3A_59 : vector<16xi32>
        %add3A_61 = arith.constant 2 : i32
        %add3A_62 = vector.broadcast %add3A_61 : i32 to vector<16xi32>
        %add3A_63 = arith.addi %mul3A_60, %add3A_62 : vector<16xi32>
        %shift_right_arithmetic3A_64 = arith.constant 7 : i32
        %shift_right_arithmetic3A_65 = vector.broadcast %shift_right_arithmetic3A_64 : i32 to vector<16xi32>
        %shift_right_arithmetic3A_66 = arith.shrsi %add3A_63, %shift_right_arithmetic3A_65 : vector<16xi32>
        %and3A_67 = arith.constant 127 : i32
        %and3A_68 = vector.broadcast %and3A_67 : i32 to vector<16xi32>
        %and3A_69 = arith.andi %add3A_63, %and3A_68 : vector<16xi32>
        tpu.vector_store_idx %run_scoped3A[%shift_right_arithmetic3A_66, %and3A_69], %gather3A_57 {add = true} : memref<320x128xf32, #tpu.memory_space<vmem>>[vector<16xi32>, vector<16xi32>], vector<16xf32>,
        %add3A_70 = arith.constant 3 : i32
        %add3A_71 = vector.broadcast %add3A_70 : i32 to vector<16xi32>
        %add3A_72 = arith.addi %mul3A_24, %add3A_71 : vector<16xi32>
        %gather3A_73 = tpu.vector_load_idx %arg13[%add3A_72] : memref<20480xf32, #tpu.memory_space<vmem>>[vector<16xi32>], vector<16xf32>,
        %mul3A_74 = arith.constant 4 : i32
        %mul3A_75 = vector.broadcast %mul3A_74 : i32 to vector<16xi32>
        %mul3A_76 = arith.muli %get3A_17, %mul3A_75 : vector<16xi32>
        %add3A_77 = arith.constant 3 : i32
        %add3A_78 = vector.broadcast %add3A_77 : i32 to vector<16xi32>
        %add3A_79 = arith.addi %mul3A_76, %add3A_78 : vector<16xi32>
        %shift_right_arithmetic3A_80 = arith.constant 7 : i32
        %shift_right_arithmetic3A_81 = vector.broadcast %shift_right_arithmetic3A_80 : i32 to vector<16xi32>
        %shift_right_arithmetic3A_82 = arith.shrsi %add3A_79, %shift_right_arithmetic3A_81 : vector<16xi32>
        %and3A_83 = arith.constant 127 : i32
        %and3A_84 = vector.broadcast %and3A_83 : i32 to vector<16xi32>
        %and3A_85 = arith.andi %add3A_79, %and3A_84 : vector<16xi32>
        tpu.vector_store_idx %run_scoped3A[%shift_right_arithmetic3A_82, %and3A_85], %gather3A_73 {add = true} : memref<320x128xf32, #tpu.memory_space<vmem>>[vector<16xi32>, vector<16xi32>], vector<16xf32>,
      }
      %scan3A_11 = arith.constant 320 : i32
      "tpu.region"() ({
        %run_scoped3A_14 = tpu.sem_alloc : memref<!tpu.dma_semaphore, #tpu.memory_space<semaphore_mem>>
        %dma_start3A = arith.constant 0 : i32
        %dma_start3A_15 = arith.constant 0 : i32
        %dma_start3A_16 = tpu.memref_slice %arg14[%arg1, %dma_start3A, %dma_start3A_15] : memref<16x320x128xf32, #tpu.memory_space<vmem_shared>> -> memref<1x320x128xf32, #tpu.memory_space<vmem_shared>>
        %dma_start3A_17 = tpu.memref_squeeze %dma_start3A_16 : memref<1x320x128xf32, #tpu.memory_space<vmem_shared>> -> memref<320x128xf32, #tpu.memory_space<vmem_shared>>
        %dma_start3A_18 = arith.constant 0 : i32
        %dma_start3A_19 = arith.constant 0 : i32
        %dma_start3A_20 = tpu.memref_slice %arg14[%arg1, %dma_start3A_18, %dma_start3A_19] : memref<16x320x128xf32, #tpu.memory_space<vmem_shared>> -> memref<1x320x128xf32, #tpu.memory_space<vmem_shared>>
        %dma_start3A_21 = tpu.memref_squeeze %dma_start3A_20 : memref<1x320x128xf32, #tpu.memory_space<vmem_shared>> -> memref<320x128xf32, #tpu.memory_space<vmem_shared>>
        tpu.enqueue_dma source(%run_scoped3A : memref<320x128xf32, #tpu.memory_space<vmem>>) target(%dma_start3A_21 : memref<320x128xf32, #tpu.memory_space<vmem_shared>>) target_semaphore(%run_scoped3A_14 : memref<!tpu.dma_semaphore, #tpu.memory_space<semaphore_mem>>)
        %dma_wait3A = arith.constant 0 : i32
        %dma_wait3A_22 = arith.constant 0 : i32
        %dma_wait3A_23 = tpu.memref_slice %arg14[%arg1, %dma_wait3A, %dma_wait3A_22] : memref<16x320x128xf32, #tpu.memory_space<vmem_shared>> -> memref<1x320x128xf32, #tpu.memory_space<vmem_shared>>
        %dma_wait3A_24 = tpu.memref_squeeze %dma_wait3A_23 : memref<1x320x128xf32, #tpu.memory_space<vmem_shared>> -> memref<320x128xf32, #tpu.memory_space<vmem_shared>>
        %dma_wait3A_25 = arith.constant 0 : i32
        %dma_wait3A_26 = arith.constant 0 : i32
        %dma_wait3A_27 = tpu.memref_slice %arg14[%arg1, %dma_wait3A_25, %dma_wait3A_26] : memref<16x320x128xf32, #tpu.memory_space<vmem_shared>> -> memref<1x320x128xf32, #tpu.memory_space<vmem_shared>>
        %dma_wait3A_28 = tpu.memref_squeeze %dma_wait3A_27 : memref<1x320x128xf32, #tpu.memory_space<vmem_shared>> -> memref<320x128xf32, #tpu.memory_space<vmem_shared>>
        tpu.wait_dma2 semaphore(%run_scoped3A_14 : memref<!tpu.dma_semaphore, #tpu.memory_space<semaphore_mem>>) src(%run_scoped3A : memref<320x128xf32, #tpu.memory_space<vmem>>) dst(%dma_wait3A_28 : memref<320x128xf32, #tpu.memory_space<vmem_shared>>)
        tpu.yield
      }) : () -> ()
      %barrier3A = arith.constant 0 : index
      tpu.barrier barrier_id(%barrier3A)
      %lt3A = arith.constant 8 : i32
      %lt3A_12 = arith.cmpi slt, %arg1, %lt3A : i32
      %convert_element_type3A = arith.extui %lt3A_12 : i1 to i32
      %cond3A = arith.constant 0 : i32
      %cond3A_13 = arith.cmpi ne, %convert_element_type3A, %cond3A : i32
      scf.if %cond3A_13 {
        %mul3A_14 = arith.constant 40 : i32
        %mul3A_15 = arith.muli %arg1, %mul3A_14 : i32
        %multiple_of3A = tpu.assume_multiple %mul3A_15, 8 : i32
        %run_scoped3A_16 = arith.constant 0 : i32
        "tpu.region"() ({
          %run_scoped3A_128 = tpu.sem_alloc : memref<!tpu.dma_semaphore, #tpu.memory_space<semaphore_mem>>
          %dma_start3A = arith.constant 0 : i32
          %dma_start3A_129 = arith.constant 0 : i32
          %dma_start3A_130 = tpu.memref_slice %arg14[%run_scoped3A_16, %dma_start3A, %dma_start3A_129] : memref<16x320x128xf32, #tpu.memory_space<vmem_shared>> -> memref<1x320x128xf32, #tpu.memory_space<vmem_shared>>
          %dma_start3A_131 = tpu.memref_squeeze %dma_start3A_130 : memref<1x320x128xf32, #tpu.memory_space<vmem_shared>> -> memref<320x128xf32, #tpu.memory_space<vmem_shared>>
          %dma_start3A_132 = arith.constant 0 : i32
          %dma_start3A_133 = tpu.memref_slice %dma_start3A_131[%multiple_of3A, %dma_start3A_132] : memref<320x128xf32, #tpu.memory_space<vmem_shared>> -> memref<40x128xf32, #tpu.memory_space<vmem_shared>>
          %dma_start3A_134 = arith.constant 0 : i32
          %dma_start3A_135 = arith.constant 0 : i32
          %dma_start3A_136 = tpu.memref_slice %arg14[%run_scoped3A_16, %dma_start3A_134, %dma_start3A_135] : memref<16x320x128xf32, #tpu.memory_space<vmem_shared>> -> memref<1x320x128xf32, #tpu.memory_space<vmem_shared>>
          %dma_start3A_137 = tpu.memref_squeeze %dma_start3A_136 : memref<1x320x128xf32, #tpu.memory_space<vmem_shared>> -> memref<320x128xf32, #tpu.memory_space<vmem_shared>>
          %dma_start3A_138 = arith.constant 0 : i32
          %dma_start3A_139 = tpu.memref_slice %dma_start3A_137[%multiple_of3A, %dma_start3A_138] : memref<320x128xf32, #tpu.memory_space<vmem_shared>> -> memref<40x128xf32, #tpu.memory_space<vmem_shared>>
          tpu.enqueue_dma source(%dma_start3A_139 : memref<40x128xf32, #tpu.memory_space<vmem_shared>>) target(%run_scoped3A_6 : memref<40x128xf32, #tpu.memory_space<vmem>>) target_semaphore(%run_scoped3A_128 : memref<!tpu.dma_semaphore, #tpu.memory_space<semaphore_mem>>)
          %dma_wait3A = arith.constant 0 : i32
          %dma_wait3A_140 = arith.constant 0 : i32
          %dma_wait3A_141 = tpu.memref_slice %arg14[%run_scoped3A_16, %dma_wait3A, %dma_wait3A_140] : memref<16x320x128xf32, #tpu.memory_space<vmem_shared>> -> memref<1x320x128xf32, #tpu.memory_space<vmem_shared>>
          %dma_wait3A_142 = tpu.memref_squeeze %dma_wait3A_141 : memref<1x320x128xf32, #tpu.memory_space<vmem_shared>> -> memref<320x128xf32, #tpu.memory_space<vmem_shared>>
          %dma_wait3A_143 = arith.constant 0 : i32
          %dma_wait3A_144 = tpu.memref_slice %dma_wait3A_142[%multiple_of3A, %dma_wait3A_143] : memref<320x128xf32, #tpu.memory_space<vmem_shared>> -> memref<40x128xf32, #tpu.memory_space<vmem_shared>>
          %dma_wait3A_145 = arith.constant 0 : i32
          %dma_wait3A_146 = arith.constant 0 : i32
          %dma_wait3A_147 = tpu.memref_slice %arg14[%run_scoped3A_16, %dma_wait3A_145, %dma_wait3A_146] : memref<16x320x128xf32, #tpu.memory_space<vmem_shared>> -> memref<1x320x128xf32, #tpu.memory_space<vmem_shared>>
          %dma_wait3A_148 = tpu.memref_squeeze %dma_wait3A_147 : memref<1x320x128xf32, #tpu.memory_space<vmem_shared>> -> memref<320x128xf32, #tpu.memory_space<vmem_shared>>
          %dma_wait3A_149 = arith.constant 0 : i32
          %dma_wait3A_150 = tpu.memref_slice %dma_wait3A_148[%multiple_of3A, %dma_wait3A_149] : memref<320x128xf32, #tpu.memory_space<vmem_shared>> -> memref<40x128xf32, #tpu.memory_space<vmem_shared>>
          tpu.wait_dma2 semaphore(%run_scoped3A_128 : memref<!tpu.dma_semaphore, #tpu.memory_space<semaphore_mem>>) src(%dma_wait3A_150 : memref<40x128xf32, #tpu.memory_space<vmem_shared>>) dst(%run_scoped3A_6 : memref<40x128xf32, #tpu.memory_space<vmem>>)
          tpu.yield
        }) : () -> ()
        %run_scoped3A_17 = arith.constant 1 : i32
        "tpu.region"() ({
          %run_scoped3A_128 = tpu.sem_alloc : memref<!tpu.dma_semaphore, #tpu.memory_space<semaphore_mem>>
          %dma_start3A = arith.constant 0 : i32
          %dma_start3A_129 = arith.constant 0 : i32
          %dma_start3A_130 = tpu.memref_slice %arg14[%run_scoped3A_17, %dma_start3A, %dma_start3A_129] : memref<16x320x128xf32, #tpu.memory_space<vmem_shared>> -> memref<1x320x128xf32, #tpu.memory_space<vmem_shared>>
          %dma_start3A_131 = tpu.memref_squeeze %dma_start3A_130 : memref<1x320x128xf32, #tpu.memory_space<vmem_shared>> -> memref<320x128xf32, #tpu.memory_space<vmem_shared>>
          %dma_start3A_132 = arith.constant 0 : i32
          %dma_start3A_133 = tpu.memref_slice %dma_start3A_131[%multiple_of3A, %dma_start3A_132] : memref<320x128xf32, #tpu.memory_space<vmem_shared>> -> memref<40x128xf32, #tpu.memory_space<vmem_shared>>
          %dma_start3A_134 = arith.constant 0 : i32
          %dma_start3A_135 = arith.constant 0 : i32
          %dma_start3A_136 = tpu.memref_slice %arg14[%run_scoped3A_17, %dma_start3A_134, %dma_start3A_135] : memref<16x320x128xf32, #tpu.memory_space<vmem_shared>> -> memref<1x320x128xf32, #tpu.memory_space<vmem_shared>>
          %dma_start3A_137 = tpu.memref_squeeze %dma_start3A_136 : memref<1x320x128xf32, #tpu.memory_space<vmem_shared>> -> memref<320x128xf32, #tpu.memory_space<vmem_shared>>
          %dma_start3A_138 = arith.constant 0 : i32
          %dma_start3A_139 = tpu.memref_slice %dma_start3A_137[%multiple_of3A, %dma_start3A_138] : memref<320x128xf32, #tpu.memory_space<vmem_shared>> -> memref<40x128xf32, #tpu.memory_space<vmem_shared>>
          tpu.enqueue_dma source(%dma_start3A_139 : memref<40x128xf32, #tpu.memory_space<vmem_shared>>) target(%run_scoped3A_5 : memref<40x128xf32, #tpu.memory_space<vmem>>) target_semaphore(%run_scoped3A_128 : memref<!tpu.dma_semaphore, #tpu.memory_space<semaphore_mem>>)
          %dma_wait3A = arith.constant 0 : i32
          %dma_wait3A_140 = arith.constant 0 : i32
          %dma_wait3A_141 = tpu.memref_slice %arg14[%run_scoped3A_17, %dma_wait3A, %dma_wait3A_140] : memref<16x320x128xf32, #tpu.memory_space<vmem_shared>> -> memref<1x320x128xf32, #tpu.memory_space<vmem_shared>>
          %dma_wait3A_142 = tpu.memref_squeeze %dma_wait3A_141 : memref<1x320x128xf32, #tpu.memory_space<vmem_shared>> -> memref<320x128xf32, #tpu.memory_space<vmem_shared>>
          %dma_wait3A_143 = arith.constant 0 : i32
          %dma_wait3A_144 = tpu.memref_slice %dma_wait3A_142[%multiple_of3A, %dma_wait3A_143] : memref<320x128xf32, #tpu.memory_space<vmem_shared>> -> memref<40x128xf32, #tpu.memory_space<vmem_shared>>
          %dma_wait3A_145 = arith.constant 0 : i32
          %dma_wait3A_146 = arith.constant 0 : i32
          %dma_wait3A_147 = tpu.memref_slice %arg14[%run_scoped3A_17, %dma_wait3A_145, %dma_wait3A_146] : memref<16x320x128xf32, #tpu.memory_space<vmem_shared>> -> memref<1x320x128xf32, #tpu.memory_space<vmem_shared>>
          %dma_wait3A_148 = tpu.memref_squeeze %dma_wait3A_147 : memref<1x320x128xf32, #tpu.memory_space<vmem_shared>> -> memref<320x128xf32, #tpu.memory_space<vmem_shared>>
          %dma_wait3A_149 = arith.constant 0 : i32
          %dma_wait3A_150 = tpu.memref_slice %dma_wait3A_148[%multiple_of3A, %dma_wait3A_149] : memref<320x128xf32, #tpu.memory_space<vmem_shared>> -> memref<40x128xf32, #tpu.memory_space<vmem_shared>>
          tpu.wait_dma2 semaphore(%run_scoped3A_128 : memref<!tpu.dma_semaphore, #tpu.memory_space<semaphore_mem>>) src(%dma_wait3A_150 : memref<40x128xf32, #tpu.memory_space<vmem_shared>>) dst(%run_scoped3A_5 : memref<40x128xf32, #tpu.memory_space<vmem>>)
          tpu.yield
        }) : () -> ()
        %scan3A_18 = arith.constant 0 : i32
        %scan3A_19 = arith.constant 0 : i32
        %scan3A_20 = arith.constant 320 : i32
        %scan3A_21 = arith.addi %scan3A_19, %scan3A_20 : i32
        %scan3A_22 = arith.constant 1 : i32
        scf.for %scan3A_128 = %scan3A_19 to %scan3A_21 step %scan3A_22  : i32 {
          %jit3A = arith.constant 8 : i32
          %div3A = arith.divsi %scan3A_128, %jit3A : i32
          %sign3A = arith.constant 0 : i32
          %sign3A_129 = arith.cmpi sgt, %scan3A_128, %sign3A : i32
          %sign3A_130 = arith.extui %sign3A_129 : i1 to i32
          %sign3A_131 = arith.constant 0 : i32
          %sign3A_132 = arith.cmpi slt, %scan3A_128, %sign3A_131 : i32
          %sign3A_133 = arith.extui %sign3A_132 : i1 to i32
          %sign3A_134 = arith.subi %sign3A_130, %sign3A_133 : i32
          %sign3A_135 = arith.constant 0 : i32
          %sign3A_136 = arith.cmpi sgt, %jit3A, %sign3A_135 : i32
          %sign3A_137 = arith.extui %sign3A_136 : i1 to i32
          %sign3A_138 = arith.constant 0 : i32
          %sign3A_139 = arith.cmpi slt, %jit3A, %sign3A_138 : i32
          %sign3A_140 = arith.extui %sign3A_139 : i1 to i32
          %sign3A_141 = arith.subi %sign3A_137, %sign3A_140 : i32
          %ne3A = arith.cmpi ne, %sign3A_134, %sign3A_141 : i32
          %rem3A = arith.remsi %scan3A_128, %jit3A : i32
          %ne3A_142 = arith.constant 0 : i32
          %ne3A_143 = arith.cmpi ne, %rem3A, %ne3A_142 : i32
          %and3A = arith.andi %ne3A, %ne3A_143 : i1
          %sub3A = arith.constant 1 : i32
          %sub3A_144 = arith.subi %div3A, %sub3A : i32
          %select_n3A = arith.select %and3A, %sub3A_144, %div3A : i32
          %jit3A_145 = arith.constant 8 : i32
          %eq3A = arith.constant 0 : i32
          %eq3A_146 = arith.cmpi eq, %jit3A_145, %eq3A : i32
          %jit3A_147 = arith.constant 1 : i32
          %select_n3A_148 = arith.select %eq3A_146, %jit3A_147, %jit3A_145 : i32
          %rem3A_149 = arith.remsi %scan3A_128, %select_n3A_148 : i32
          %ne3A_150 = arith.constant 0 : i32
          %ne3A_151 = arith.cmpi ne, %rem3A_149, %ne3A_150 : i32
          %lt3A_152 = arith.constant 0 : i32
          %lt3A_153 = arith.cmpi slt, %rem3A_149, %lt3A_152 : i32
          %lt3A_154 = arith.constant 0 : i32
          %lt3A_155 = arith.cmpi slt, %select_n3A_148, %lt3A_154 : i32
          %ne3A_156 = arith.xori %lt3A_153, %lt3A_155 : i1
          %and3A_157 = arith.andi %ne3A_156, %ne3A_151 : i1
          %add3A_158 = arith.addi %rem3A_149, %select_n3A_148 : i32
          %select_n3A_159 = arith.select %and3A_157, %add3A_158, %rem3A_149 : i32
          %mul3A_160 = arith.constant 16 : i32
          %mul3A_161 = arith.muli %select_n3A_159, %mul3A_160 : i32
          %get3A = arith.index_cast %select_n3A : i32 to index
          %get3A_162 = arith.index_cast %mul3A_161 : i32 to index
          %get3A_163 = tpu.vector_load %run_scoped3A_6[%get3A, %get3A_162] {strides = array<i32>} : memref<40x128xf32, #tpu.memory_space<vmem>>, vector<16xf32>,
          %get3A_164 = arith.index_cast %select_n3A : i32 to index
          %get3A_165 = arith.index_cast %mul3A_161 : i32 to index
          %get3A_166 = tpu.vector_load %run_scoped3A_5[%get3A_164, %get3A_165] {strides = array<i32>} : memref<40x128xf32, #tpu.memory_space<vmem>>, vector<16xf32>,
          %add3A_167 = arith.addf %get3A_163, %get3A_166 : vector<16xf32>
          %swap3A = arith.index_cast %select_n3A : i32 to index
          %swap3A_168 = arith.index_cast %mul3A_161 : i32 to index
          %swap3A_169 = tpu.vector_load %run_scoped3A_6[%swap3A, %swap3A_168] {strides = array<i32>} : memref<40x128xf32, #tpu.memory_space<vmem>>, vector<16xf32>,
          tpu.vector_store %run_scoped3A_6[%swap3A, %swap3A_168], %add3A_167 {strides = array<i32>} : memref<40x128xf32, #tpu.memory_space<vmem>>, vector<16xf32>,
        }
        %scan3A_23 = arith.constant 320 : i32
        %run_scoped3A_24 = arith.constant 2 : i32
        "tpu.region"() ({
          %run_scoped3A_128 = tpu.sem_alloc : memref<!tpu.dma_semaphore, #tpu.memory_space<semaphore_mem>>
          %dma_start3A = arith.constant 0 : i32
          %dma_start3A_129 = arith.constant 0 : i32
          %dma_start3A_130 = tpu.memref_slice %arg14[%run_scoped3A_24, %dma_start3A, %dma_start3A_129] : memref<16x320x128xf32, #tpu.memory_space<vmem_shared>> -> memref<1x320x128xf32, #tpu.memory_space<vmem_shared>>
          %dma_start3A_131 = tpu.memref_squeeze %dma_start3A_130 : memref<1x320x128xf32, #tpu.memory_space<vmem_shared>> -> memref<320x128xf32, #tpu.memory_space<vmem_shared>>
          %dma_start3A_132 = arith.constant 0 : i32
          %dma_start3A_133 = tpu.memref_slice %dma_start3A_131[%multiple_of3A, %dma_start3A_132] : memref<320x128xf32, #tpu.memory_space<vmem_shared>> -> memref<40x128xf32, #tpu.memory_space<vmem_shared>>
          %dma_start3A_134 = arith.constant 0 : i32
          %dma_start3A_135 = arith.constant 0 : i32
          %dma_start3A_136 = tpu.memref_slice %arg14[%run_scoped3A_24, %dma_start3A_134, %dma_start3A_135] : memref<16x320x128xf32, #tpu.memory_space<vmem_shared>> -> memref<1x320x128xf32, #tpu.memory_space<vmem_shared>>
          %dma_start3A_137 = tpu.memref_squeeze %dma_start3A_136 : memref<1x320x128xf32, #tpu.memory_space<vmem_shared>> -> memref<320x128xf32, #tpu.memory_space<vmem_shared>>
          %dma_start3A_138 = arith.constant 0 : i32
          %dma_start3A_139 = tpu.memref_slice %dma_start3A_137[%multiple_of3A, %dma_start3A_138] : memref<320x128xf32, #tpu.memory_space<vmem_shared>> -> memref<40x128xf32, #tpu.memory_space<vmem_shared>>
          tpu.enqueue_dma source(%dma_start3A_139 : memref<40x128xf32, #tpu.memory_space<vmem_shared>>) target(%run_scoped3A_5 : memref<40x128xf32, #tpu.memory_space<vmem>>) target_semaphore(%run_scoped3A_128 : memref<!tpu.dma_semaphore, #tpu.memory_space<semaphore_mem>>)
          %dma_wait3A = arith.constant 0 : i32
          %dma_wait3A_140 = arith.constant 0 : i32
          %dma_wait3A_141 = tpu.memref_slice %arg14[%run_scoped3A_24, %dma_wait3A, %dma_wait3A_140] : memref<16x320x128xf32, #tpu.memory_space<vmem_shared>> -> memref<1x320x128xf32, #tpu.memory_space<vmem_shared>>
          %dma_wait3A_142 = tpu.memref_squeeze %dma_wait3A_141 : memref<1x320x128xf32, #tpu.memory_space<vmem_shared>> -> memref<320x128xf32, #tpu.memory_space<vmem_shared>>
          %dma_wait3A_143 = arith.constant 0 : i32
          %dma_wait3A_144 = tpu.memref_slice %dma_wait3A_142[%multiple_of3A, %dma_wait3A_143] : memref<320x128xf32, #tpu.memory_space<vmem_shared>> -> memref<40x128xf32, #tpu.memory_space<vmem_shared>>
          %dma_wait3A_145 = arith.constant 0 : i32
          %dma_wait3A_146 = arith.constant 0 : i32
          %dma_wait3A_147 = tpu.memref_slice %arg14[%run_scoped3A_24, %dma_wait3A_145, %dma_wait3A_146] : memref<16x320x128xf32, #tpu.memory_space<vmem_shared>> -> memref<1x320x128xf32, #tpu.memory_space<vmem_shared>>
          %dma_wait3A_148 = tpu.memref_squeeze %dma_wait3A_147 : memref<1x320x128xf32, #tpu.memory_space<vmem_shared>> -> memref<320x128xf32, #tpu.memory_space<vmem_shared>>
          %dma_wait3A_149 = arith.constant 0 : i32
          %dma_wait3A_150 = tpu.memref_slice %dma_wait3A_148[%multiple_of3A, %dma_wait3A_149] : memref<320x128xf32, #tpu.memory_space<vmem_shared>> -> memref<40x128xf32, #tpu.memory_space<vmem_shared>>
          tpu.wait_dma2 semaphore(%run_scoped3A_128 : memref<!tpu.dma_semaphore, #tpu.memory_space<semaphore_mem>>) src(%dma_wait3A_150 : memref<40x128xf32, #tpu.memory_space<vmem_shared>>) dst(%run_scoped3A_5 : memref<40x128xf32, #tpu.memory_space<vmem>>)
          tpu.yield
        }) : () -> ()
        %scan3A_25 = arith.constant 0 : i32
        %scan3A_26 = arith.constant 0 : i32
        %scan3A_27 = arith.constant 320 : i32
        %scan3A_28 = arith.addi %scan3A_26, %scan3A_27 : i32
        %scan3A_29 = arith.constant 1 : i32
        scf.for %scan3A_128 = %scan3A_26 to %scan3A_28 step %scan3A_29  : i32 {
          %jit3A = arith.constant 8 : i32
          %div3A = arith.divsi %scan3A_128, %jit3A : i32
          %sign3A = arith.constant 0 : i32
          %sign3A_129 = arith.cmpi sgt, %scan3A_128, %sign3A : i32
          %sign3A_130 = arith.extui %sign3A_129 : i1 to i32
          %sign3A_131 = arith.constant 0 : i32
          %sign3A_132 = arith.cmpi slt, %scan3A_128, %sign3A_131 : i32
          %sign3A_133 = arith.extui %sign3A_132 : i1 to i32
          %sign3A_134 = arith.subi %sign3A_130, %sign3A_133 : i32
          %sign3A_135 = arith.constant 0 : i32
          %sign3A_136 = arith.cmpi sgt, %jit3A, %sign3A_135 : i32
          %sign3A_137 = arith.extui %sign3A_136 : i1 to i32
          %sign3A_138 = arith.constant 0 : i32
          %sign3A_139 = arith.cmpi slt, %jit3A, %sign3A_138 : i32
          %sign3A_140 = arith.extui %sign3A_139 : i1 to i32
          %sign3A_141 = arith.subi %sign3A_137, %sign3A_140 : i32
          %ne3A = arith.cmpi ne, %sign3A_134, %sign3A_141 : i32
          %rem3A = arith.remsi %scan3A_128, %jit3A : i32
          %ne3A_142 = arith.constant 0 : i32
          %ne3A_143 = arith.cmpi ne, %rem3A, %ne3A_142 : i32
          %and3A = arith.andi %ne3A, %ne3A_143 : i1
          %sub3A = arith.constant 1 : i32
          %sub3A_144 = arith.subi %div3A, %sub3A : i32
          %select_n3A = arith.select %and3A, %sub3A_144, %div3A : i32
          %jit3A_145 = arith.constant 8 : i32
          %eq3A = arith.constant 0 : i32
          %eq3A_146 = arith.cmpi eq, %jit3A_145, %eq3A : i32
          %jit3A_147 = arith.constant 1 : i32
          %select_n3A_148 = arith.select %eq3A_146, %jit3A_147, %jit3A_145 : i32
          %rem3A_149 = arith.remsi %scan3A_128, %select_n3A_148 : i32
          %ne3A_150 = arith.constant 0 : i32
          %ne3A_151 = arith.cmpi ne, %rem3A_149, %ne3A_150 : i32
          %lt3A_152 = arith.constant 0 : i32
          %lt3A_153 = arith.cmpi slt, %rem3A_149, %lt3A_152 : i32
          %lt3A_154 = arith.constant 0 : i32
          %lt3A_155 = arith.cmpi slt, %select_n3A_148, %lt3A_154 : i32
          %ne3A_156 = arith.xori %lt3A_153, %lt3A_155 : i1
          %and3A_157 = arith.andi %ne3A_156, %ne3A_151 : i1
          %add3A_158 = arith.addi %rem3A_149, %select_n3A_148 : i32
          %select_n3A_159 = arith.select %and3A_157, %add3A_158, %rem3A_149 : i32
          %mul3A_160 = arith.constant 16 : i32
          %mul3A_161 = arith.muli %select_n3A_159, %mul3A_160 : i32
          %get3A = arith.index_cast %select_n3A : i32 to index
          %get3A_162 = arith.index_cast %mul3A_161 : i32 to index
          %get3A_163 = tpu.vector_load %run_scoped3A_6[%get3A, %get3A_162] {strides = array<i32>} : memref<40x128xf32, #tpu.memory_space<vmem>>, vector<16xf32>,
          %get3A_164 = arith.index_cast %select_n3A : i32 to index
          %get3A_165 = arith.index_cast %mul3A_161 : i32 to index
          %get3A_166 = tpu.vector_load %run_scoped3A_5[%get3A_164, %get3A_165] {strides = array<i32>} : memref<40x128xf32, #tpu.memory_space<vmem>>, vector<16xf32>,
          %add3A_167 = arith.addf %get3A_163, %get3A_166 : vector<16xf32>
          %swap3A = arith.index_cast %select_n3A : i32 to index
          %swap3A_168 = arith.index_cast %mul3A_161 : i32 to index
          %swap3A_169 = tpu.vector_load %run_scoped3A_6[%swap3A, %swap3A_168] {strides = array<i32>} : memref<40x128xf32, #tpu.memory_space<vmem>>, vector<16xf32>,
          tpu.vector_store %run_scoped3A_6[%swap3A, %swap3A_168], %add3A_167 {strides = array<i32>} : memref<40x128xf32, #tpu.memory_space<vmem>>, vector<16xf32>,
        }
        %scan3A_30 = arith.constant 320 : i32
        %run_scoped3A_31 = arith.constant 3 : i32
        "tpu.region"() ({
          %run_scoped3A_128 = tpu.sem_alloc : memref<!tpu.dma_semaphore, #tpu.memory_space<semaphore_mem>>
          %dma_start3A = arith.constant 0 : i32
          %dma_start3A_129 = arith.constant 0 : i32
          %dma_start3A_130 = tpu.memref_slice %arg14[%run_scoped3A_31, %dma_start3A, %dma_start3A_129] : memref<16x320x128xf32, #tpu.memory_space<vmem_shared>> -> memref<1x320x128xf32, #tpu.memory_space<vmem_shared>>
          %dma_start3A_131 = tpu.memref_squeeze %dma_start3A_130 : memref<1x320x128xf32, #tpu.memory_space<vmem_shared>> -> memref<320x128xf32, #tpu.memory_space<vmem_shared>>
          %dma_start3A_132 = arith.constant 0 : i32
          %dma_start3A_133 = tpu.memref_slice %dma_start3A_131[%multiple_of3A, %dma_start3A_132] : memref<320x128xf32, #tpu.memory_space<vmem_shared>> -> memref<40x128xf32, #tpu.memory_space<vmem_shared>>
          %dma_start3A_134 = arith.constant 0 : i32
          %dma_start3A_135 = arith.constant 0 : i32
          %dma_start3A_136 = tpu.memref_slice %arg14[%run_scoped3A_31, %dma_start3A_134, %dma_start3A_135] : memref<16x320x128xf32, #tpu.memory_space<vmem_shared>> -> memref<1x320x128xf32, #tpu.memory_space<vmem_shared>>
          %dma_start3A_137 = tpu.memref_squeeze %dma_start3A_136 : memref<1x320x128xf32, #tpu.memory_space<vmem_shared>> -> memref<320x128xf32, #tpu.memory_space<vmem_shared>>
          %dma_start3A_138 = arith.constant 0 : i32
          %dma_start3A_139 = tpu.memref_slice %dma_start3A_137[%multiple_of3A, %dma_start3A_138] : memref<320x128xf32, #tpu.memory_space<vmem_shared>> -> memref<40x128xf32, #tpu.memory_space<vmem_shared>>
          tpu.enqueue_dma source(%dma_start3A_139 : memref<40x128xf32, #tpu.memory_space<vmem_shared>>) target(%run_scoped3A_5 : memref<40x128xf32, #tpu.memory_space<vmem>>) target_semaphore(%run_scoped3A_128 : memref<!tpu.dma_semaphore, #tpu.memory_space<semaphore_mem>>)
          %dma_wait3A = arith.constant 0 : i32
          %dma_wait3A_140 = arith.constant 0 : i32
          %dma_wait3A_141 = tpu.memref_slice %arg14[%run_scoped3A_31, %dma_wait3A, %dma_wait3A_140] : memref<16x320x128xf32, #tpu.memory_space<vmem_shared>> -> memref<1x320x128xf32, #tpu.memory_space<vmem_shared>>
          %dma_wait3A_142 = tpu.memref_squeeze %dma_wait3A_141 : memref<1x320x128xf32, #tpu.memory_space<vmem_shared>> -> memref<320x128xf32, #tpu.memory_space<vmem_shared>>
          %dma_wait3A_143 = arith.constant 0 : i32
          %dma_wait3A_144 = tpu.memref_slice %dma_wait3A_142[%multiple_of3A, %dma_wait3A_143] : memref<320x128xf32, #tpu.memory_space<vmem_shared>> -> memref<40x128xf32, #tpu.memory_space<vmem_shared>>
          %dma_wait3A_145 = arith.constant 0 : i32
          %dma_wait3A_146 = arith.constant 0 : i32
          %dma_wait3A_147 = tpu.memref_slice %arg14[%run_scoped3A_31, %dma_wait3A_145, %dma_wait3A_146] : memref<16x320x128xf32, #tpu.memory_space<vmem_shared>> -> memref<1x320x128xf32, #tpu.memory_space<vmem_shared>>
          %dma_wait3A_148 = tpu.memref_squeeze %dma_wait3A_147 : memref<1x320x128xf32, #tpu.memory_space<vmem_shared>> -> memref<320x128xf32, #tpu.memory_space<vmem_shared>>
          %dma_wait3A_149 = arith.constant 0 : i32
          %dma_wait3A_150 = tpu.memref_slice %dma_wait3A_148[%multiple_of3A, %dma_wait3A_149] : memref<320x128xf32, #tpu.memory_space<vmem_shared>> -> memref<40x128xf32, #tpu.memory_space<vmem_shared>>
          tpu.wait_dma2 semaphore(%run_scoped3A_128 : memref<!tpu.dma_semaphore, #tpu.memory_space<semaphore_mem>>) src(%dma_wait3A_150 : memref<40x128xf32, #tpu.memory_space<vmem_shared>>) dst(%run_scoped3A_5 : memref<40x128xf32, #tpu.memory_space<vmem>>)
          tpu.yield
        }) : () -> ()
        %scan3A_32 = arith.constant 0 : i32
        %scan3A_33 = arith.constant 0 : i32
        %scan3A_34 = arith.constant 320 : i32
        %scan3A_35 = arith.addi %scan3A_33, %scan3A_34 : i32
        %scan3A_36 = arith.constant 1 : i32
        scf.for %scan3A_128 = %scan3A_33 to %scan3A_35 step %scan3A_36  : i32 {
          %jit3A = arith.constant 8 : i32
          %div3A = arith.divsi %scan3A_128, %jit3A : i32
          %sign3A = arith.constant 0 : i32
          %sign3A_129 = arith.cmpi sgt, %scan3A_128, %sign3A : i32
          %sign3A_130 = arith.extui %sign3A_129 : i1 to i32
          %sign3A_131 = arith.constant 0 : i32
          %sign3A_132 = arith.cmpi slt, %scan3A_128, %sign3A_131 : i32
          %sign3A_133 = arith.extui %sign3A_132 : i1 to i32
          %sign3A_134 = arith.subi %sign3A_130, %sign3A_133 : i32
          %sign3A_135 = arith.constant 0 : i32
          %sign3A_136 = arith.cmpi sgt, %jit3A, %sign3A_135 : i32
          %sign3A_137 = arith.extui %sign3A_136 : i1 to i32
          %sign3A_138 = arith.constant 0 : i32
          %sign3A_139 = arith.cmpi slt, %jit3A, %sign3A_138 : i32
          %sign3A_140 = arith.extui %sign3A_139 : i1 to i32
          %sign3A_141 = arith.subi %sign3A_137, %sign3A_140 : i32
          %ne3A = arith.cmpi ne, %sign3A_134, %sign3A_141 : i32
          %rem3A = arith.remsi %scan3A_128, %jit3A : i32
          %ne3A_142 = arith.constant 0 : i32
          %ne3A_143 = arith.cmpi ne, %rem3A, %ne3A_142 : i32
          %and3A = arith.andi %ne3A, %ne3A_143 : i1
          %sub3A = arith.constant 1 : i32
          %sub3A_144 = arith.subi %div3A, %sub3A : i32
          %select_n3A = arith.select %and3A, %sub3A_144, %div3A : i32
          %jit3A_145 = arith.constant 8 : i32
          %eq3A = arith.constant 0 : i32
          %eq3A_146 = arith.cmpi eq, %jit3A_145, %eq3A : i32
          %jit3A_147 = arith.constant 1 : i32
          %select_n3A_148 = arith.select %eq3A_146, %jit3A_147, %jit3A_145 : i32
          %rem3A_149 = arith.remsi %scan3A_128, %select_n3A_148 : i32
          %ne3A_150 = arith.constant 0 : i32
          %ne3A_151 = arith.cmpi ne, %rem3A_149, %ne3A_150 : i32
          %lt3A_152 = arith.constant 0 : i32
          %lt3A_153 = arith.cmpi slt, %rem3A_149, %lt3A_152 : i32
          %lt3A_154 = arith.constant 0 : i32
          %lt3A_155 = arith.cmpi slt, %select_n3A_148, %lt3A_154 : i32
          %ne3A_156 = arith.xori %lt3A_153, %lt3A_155 : i1
          %and3A_157 = arith.andi %ne3A_156, %ne3A_151 : i1
          %add3A_158 = arith.addi %rem3A_149, %select_n3A_148 : i32
          %select_n3A_159 = arith.select %and3A_157, %add3A_158, %rem3A_149 : i32
          %mul3A_160 = arith.constant 16 : i32
          %mul3A_161 = arith.muli %select_n3A_159, %mul3A_160 : i32
          %get3A = arith.index_cast %select_n3A : i32 to index
          %get3A_162 = arith.index_cast %mul3A_161 : i32 to index
          %get3A_163 = tpu.vector_load %run_scoped3A_6[%get3A, %get3A_162] {strides = array<i32>} : memref<40x128xf32, #tpu.memory_space<vmem>>, vector<16xf32>,
          %get3A_164 = arith.index_cast %select_n3A : i32 to index
          %get3A_165 = arith.index_cast %mul3A_161 : i32 to index
          %get3A_166 = tpu.vector_load %run_scoped3A_5[%get3A_164, %get3A_165] {strides = array<i32>} : memref<40x128xf32, #tpu.memory_space<vmem>>, vector<16xf32>,
          %add3A_167 = arith.addf %get3A_163, %get3A_166 : vector<16xf32>
          %swap3A = arith.index_cast %select_n3A : i32 to index
          %swap3A_168 = arith.index_cast %mul3A_161 : i32 to index
          %swap3A_169 = tpu.vector_load %run_scoped3A_6[%swap3A, %swap3A_168] {strides = array<i32>} : memref<40x128xf32, #tpu.memory_space<vmem>>, vector<16xf32>,
          tpu.vector_store %run_scoped3A_6[%swap3A, %swap3A_168], %add3A_167 {strides = array<i32>} : memref<40x128xf32, #tpu.memory_space<vmem>>, vector<16xf32>,
        }
        %scan3A_37 = arith.constant 320 : i32
        %run_scoped3A_38 = arith.constant 4 : i32
        "tpu.region"() ({
          %run_scoped3A_128 = tpu.sem_alloc : memref<!tpu.dma_semaphore, #tpu.memory_space<semaphore_mem>>
          %dma_start3A = arith.constant 0 : i32
          %dma_start3A_129 = arith.constant 0 : i32
          %dma_start3A_130 = tpu.memref_slice %arg14[%run_scoped3A_38, %dma_start3A, %dma_start3A_129] : memref<16x320x128xf32, #tpu.memory_space<vmem_shared>> -> memref<1x320x128xf32, #tpu.memory_space<vmem_shared>>
          %dma_start3A_131 = tpu.memref_squeeze %dma_start3A_130 : memref<1x320x128xf32, #tpu.memory_space<vmem_shared>> -> memref<320x128xf32, #tpu.memory_space<vmem_shared>>
          %dma_start3A_132 = arith.constant 0 : i32
          %dma_start3A_133 = tpu.memref_slice %dma_start3A_131[%multiple_of3A, %dma_start3A_132] : memref<320x128xf32, #tpu.memory_space<vmem_shared>> -> memref<40x128xf32, #tpu.memory_space<vmem_shared>>
          %dma_start3A_134 = arith.constant 0 : i32
          %dma_start3A_135 = arith.constant 0 : i32
          %dma_start3A_136 = tpu.memref_slice %arg14[%run_scoped3A_38, %dma_start3A_134, %dma_start3A_135] : memref<16x320x128xf32, #tpu.memory_space<vmem_shared>> -> memref<1x320x128xf32, #tpu.memory_space<vmem_shared>>
          %dma_start3A_137 = tpu.memref_squeeze %dma_start3A_136 : memref<1x320x128xf32, #tpu.memory_space<vmem_shared>> -> memref<320x128xf32, #tpu.memory_space<vmem_shared>>
          %dma_start3A_138 = arith.constant 0 : i32
          %dma_start3A_139 = tpu.memref_slice %dma_start3A_137[%multiple_of3A, %dma_start3A_138] : memref<320x128xf32, #tpu.memory_space<vmem_shared>> -> memref<40x128xf32, #tpu.memory_space<vmem_shared>>
          tpu.enqueue_dma source(%dma_start3A_139 : memref<40x128xf32, #tpu.memory_space<vmem_shared>>) target(%run_scoped3A_5 : memref<40x128xf32, #tpu.memory_space<vmem>>) target_semaphore(%run_scoped3A_128 : memref<!tpu.dma_semaphore, #tpu.memory_space<semaphore_mem>>)
          %dma_wait3A = arith.constant 0 : i32
          %dma_wait3A_140 = arith.constant 0 : i32
          %dma_wait3A_141 = tpu.memref_slice %arg14[%run_scoped3A_38, %dma_wait3A, %dma_wait3A_140] : memref<16x320x128xf32, #tpu.memory_space<vmem_shared>> -> memref<1x320x128xf32, #tpu.memory_space<vmem_shared>>
          %dma_wait3A_142 = tpu.memref_squeeze %dma_wait3A_141 : memref<1x320x128xf32, #tpu.memory_space<vmem_shared>> -> memref<320x128xf32, #tpu.memory_space<vmem_shared>>
          %dma_wait3A_143 = arith.constant 0 : i32
          %dma_wait3A_144 = tpu.memref_slice %dma_wait3A_142[%multiple_of3A, %dma_wait3A_143] : memref<320x128xf32, #tpu.memory_space<vmem_shared>> -> memref<40x128xf32, #tpu.memory_space<vmem_shared>>
          %dma_wait3A_145 = arith.constant 0 : i32
          %dma_wait3A_146 = arith.constant 0 : i32
          %dma_wait3A_147 = tpu.memref_slice %arg14[%run_scoped3A_38, %dma_wait3A_145, %dma_wait3A_146] : memref<16x320x128xf32, #tpu.memory_space<vmem_shared>> -> memref<1x320x128xf32, #tpu.memory_space<vmem_shared>>
          %dma_wait3A_148 = tpu.memref_squeeze %dma_wait3A_147 : memref<1x320x128xf32, #tpu.memory_space<vmem_shared>> -> memref<320x128xf32, #tpu.memory_space<vmem_shared>>
          %dma_wait3A_149 = arith.constant 0 : i32
          %dma_wait3A_150 = tpu.memref_slice %dma_wait3A_148[%multiple_of3A, %dma_wait3A_149] : memref<320x128xf32, #tpu.memory_space<vmem_shared>> -> memref<40x128xf32, #tpu.memory_space<vmem_shared>>
          tpu.wait_dma2 semaphore(%run_scoped3A_128 : memref<!tpu.dma_semaphore, #tpu.memory_space<semaphore_mem>>) src(%dma_wait3A_150 : memref<40x128xf32, #tpu.memory_space<vmem_shared>>) dst(%run_scoped3A_5 : memref<40x128xf32, #tpu.memory_space<vmem>>)
          tpu.yield
        }) : () -> ()
        %scan3A_39 = arith.constant 0 : i32
        %scan3A_40 = arith.constant 0 : i32
        %scan3A_41 = arith.constant 320 : i32
        %scan3A_42 = arith.addi %scan3A_40, %scan3A_41 : i32
        %scan3A_43 = arith.constant 1 : i32
        scf.for %scan3A_128 = %scan3A_40 to %scan3A_42 step %scan3A_43  : i32 {
          %jit3A = arith.constant 8 : i32
          %div3A = arith.divsi %scan3A_128, %jit3A : i32
          %sign3A = arith.constant 0 : i32
          %sign3A_129 = arith.cmpi sgt, %scan3A_128, %sign3A : i32
          %sign3A_130 = arith.extui %sign3A_129 : i1 to i32
          %sign3A_131 = arith.constant 0 : i32
          %sign3A_132 = arith.cmpi slt, %scan3A_128, %sign3A_131 : i32
          %sign3A_133 = arith.extui %sign3A_132 : i1 to i32
          %sign3A_134 = arith.subi %sign3A_130, %sign3A_133 : i32
          %sign3A_135 = arith.constant 0 : i32
          %sign3A_136 = arith.cmpi sgt, %jit3A, %sign3A_135 : i32
          %sign3A_137 = arith.extui %sign3A_136 : i1 to i32
          %sign3A_138 = arith.constant 0 : i32
          %sign3A_139 = arith.cmpi slt, %jit3A, %sign3A_138 : i32
          %sign3A_140 = arith.extui %sign3A_139 : i1 to i32
          %sign3A_141 = arith.subi %sign3A_137, %sign3A_140 : i32
          %ne3A = arith.cmpi ne, %sign3A_134, %sign3A_141 : i32
          %rem3A = arith.remsi %scan3A_128, %jit3A : i32
          %ne3A_142 = arith.constant 0 : i32
          %ne3A_143 = arith.cmpi ne, %rem3A, %ne3A_142 : i32
          %and3A = arith.andi %ne3A, %ne3A_143 : i1
          %sub3A = arith.constant 1 : i32
          %sub3A_144 = arith.subi %div3A, %sub3A : i32
          %select_n3A = arith.select %and3A, %sub3A_144, %div3A : i32
          %jit3A_145 = arith.constant 8 : i32
          %eq3A = arith.constant 0 : i32
          %eq3A_146 = arith.cmpi eq, %jit3A_145, %eq3A : i32
          %jit3A_147 = arith.constant 1 : i32
          %select_n3A_148 = arith.select %eq3A_146, %jit3A_147, %jit3A_145 : i32
          %rem3A_149 = arith.remsi %scan3A_128, %select_n3A_148 : i32
          %ne3A_150 = arith.constant 0 : i32
          %ne3A_151 = arith.cmpi ne, %rem3A_149, %ne3A_150 : i32
          %lt3A_152 = arith.constant 0 : i32
          %lt3A_153 = arith.cmpi slt, %rem3A_149, %lt3A_152 : i32
          %lt3A_154 = arith.constant 0 : i32
          %lt3A_155 = arith.cmpi slt, %select_n3A_148, %lt3A_154 : i32
          %ne3A_156 = arith.xori %lt3A_153, %lt3A_155 : i1
          %and3A_157 = arith.andi %ne3A_156, %ne3A_151 : i1
          %add3A_158 = arith.addi %rem3A_149, %select_n3A_148 : i32
          %select_n3A_159 = arith.select %and3A_157, %add3A_158, %rem3A_149 : i32
          %mul3A_160 = arith.constant 16 : i32
          %mul3A_161 = arith.muli %select_n3A_159, %mul3A_160 : i32
          %get3A = arith.index_cast %select_n3A : i32 to index
          %get3A_162 = arith.index_cast %mul3A_161 : i32 to index
          %get3A_163 = tpu.vector_load %run_scoped3A_6[%get3A, %get3A_162] {strides = array<i32>} : memref<40x128xf32, #tpu.memory_space<vmem>>, vector<16xf32>,
          %get3A_164 = arith.index_cast %select_n3A : i32 to index
          %get3A_165 = arith.index_cast %mul3A_161 : i32 to index
          %get3A_166 = tpu.vector_load %run_scoped3A_5[%get3A_164, %get3A_165] {strides = array<i32>} : memref<40x128xf32, #tpu.memory_space<vmem>>, vector<16xf32>,
          %add3A_167 = arith.addf %get3A_163, %get3A_166 : vector<16xf32>
          %swap3A = arith.index_cast %select_n3A : i32 to index
          %swap3A_168 = arith.index_cast %mul3A_161 : i32 to index
          %swap3A_169 = tpu.vector_load %run_scoped3A_6[%swap3A, %swap3A_168] {strides = array<i32>} : memref<40x128xf32, #tpu.memory_space<vmem>>, vector<16xf32>,
          tpu.vector_store %run_scoped3A_6[%swap3A, %swap3A_168], %add3A_167 {strides = array<i32>} : memref<40x128xf32, #tpu.memory_space<vmem>>, vector<16xf32>,
        }
        %scan3A_44 = arith.constant 320 : i32
        %run_scoped3A_45 = arith.constant 5 : i32
        "tpu.region"() ({
          %run_scoped3A_128 = tpu.sem_alloc : memref<!tpu.dma_semaphore, #tpu.memory_space<semaphore_mem>>
          %dma_start3A = arith.constant 0 : i32
          %dma_start3A_129 = arith.constant 0 : i32
          %dma_start3A_130 = tpu.memref_slice %arg14[%run_scoped3A_45, %dma_start3A, %dma_start3A_129] : memref<16x320x128xf32, #tpu.memory_space<vmem_shared>> -> memref<1x320x128xf32, #tpu.memory_space<vmem_shared>>
          %dma_start3A_131 = tpu.memref_squeeze %dma_start3A_130 : memref<1x320x128xf32, #tpu.memory_space<vmem_shared>> -> memref<320x128xf32, #tpu.memory_space<vmem_shared>>
          %dma_start3A_132 = arith.constant 0 : i32
          %dma_start3A_133 = tpu.memref_slice %dma_start3A_131[%multiple_of3A, %dma_start3A_132] : memref<320x128xf32, #tpu.memory_space<vmem_shared>> -> memref<40x128xf32, #tpu.memory_space<vmem_shared>>
          %dma_start3A_134 = arith.constant 0 : i32
          %dma_start3A_135 = arith.constant 0 : i32
          %dma_start3A_136 = tpu.memref_slice %arg14[%run_scoped3A_45, %dma_start3A_134, %dma_start3A_135] : memref<16x320x128xf32, #tpu.memory_space<vmem_shared>> -> memref<1x320x128xf32, #tpu.memory_space<vmem_shared>>
          %dma_start3A_137 = tpu.memref_squeeze %dma_start3A_136 : memref<1x320x128xf32, #tpu.memory_space<vmem_shared>> -> memref<320x128xf32, #tpu.memory_space<vmem_shared>>
          %dma_start3A_138 = arith.constant 0 : i32
          %dma_start3A_139 = tpu.memref_slice %dma_start3A_137[%multiple_of3A, %dma_start3A_138] : memref<320x128xf32, #tpu.memory_space<vmem_shared>> -> memref<40x128xf32, #tpu.memory_space<vmem_shared>>
          tpu.enqueue_dma source(%dma_start3A_139 : memref<40x128xf32, #tpu.memory_space<vmem_shared>>) target(%run_scoped3A_5 : memref<40x128xf32, #tpu.memory_space<vmem>>) target_semaphore(%run_scoped3A_128 : memref<!tpu.dma_semaphore, #tpu.memory_space<semaphore_mem>>)
          %dma_wait3A = arith.constant 0 : i32
          %dma_wait3A_140 = arith.constant 0 : i32
          %dma_wait3A_141 = tpu.memref_slice %arg14[%run_scoped3A_45, %dma_wait3A, %dma_wait3A_140] : memref<16x320x128xf32, #tpu.memory_space<vmem_shared>> -> memref<1x320x128xf32, #tpu.memory_space<vmem_shared>>
          %dma_wait3A_142 = tpu.memref_squeeze %dma_wait3A_141 : memref<1x320x128xf32, #tpu.memory_space<vmem_shared>> -> memref<320x128xf32, #tpu.memory_space<vmem_shared>>
          %dma_wait3A_143 = arith.constant 0 : i32
          %dma_wait3A_144 = tpu.memref_slice %dma_wait3A_142[%multiple_of3A, %dma_wait3A_143] : memref<320x128xf32, #tpu.memory_space<vmem_shared>> -> memref<40x128xf32, #tpu.memory_space<vmem_shared>>
          %dma_wait3A_145 = arith.constant 0 : i32
          %dma_wait3A_146 = arith.constant 0 : i32
          %dma_wait3A_147 = tpu.memref_slice %arg14[%run_scoped3A_45, %dma_wait3A_145, %dma_wait3A_146] : memref<16x320x128xf32, #tpu.memory_space<vmem_shared>> -> memref<1x320x128xf32, #tpu.memory_space<vmem_shared>>
          %dma_wait3A_148 = tpu.memref_squeeze %dma_wait3A_147 : memref<1x320x128xf32, #tpu.memory_space<vmem_shared>> -> memref<320x128xf32, #tpu.memory_space<vmem_shared>>
          %dma_wait3A_149 = arith.constant 0 : i32
          %dma_wait3A_150 = tpu.memref_slice %dma_wait3A_148[%multiple_of3A, %dma_wait3A_149] : memref<320x128xf32, #tpu.memory_space<vmem_shared>> -> memref<40x128xf32, #tpu.memory_space<vmem_shared>>
          tpu.wait_dma2 semaphore(%run_scoped3A_128 : memref<!tpu.dma_semaphore, #tpu.memory_space<semaphore_mem>>) src(%dma_wait3A_150 : memref<40x128xf32, #tpu.memory_space<vmem_shared>>) dst(%run_scoped3A_5 : memref<40x128xf32, #tpu.memory_space<vmem>>)
          tpu.yield
        }) : () -> ()
        %scan3A_46 = arith.constant 0 : i32
        %scan3A_47 = arith.constant 0 : i32
        %scan3A_48 = arith.constant 320 : i32
        %scan3A_49 = arith.addi %scan3A_47, %scan3A_48 : i32
        %scan3A_50 = arith.constant 1 : i32
        scf.for %scan3A_128 = %scan3A_47 to %scan3A_49 step %scan3A_50  : i32 {
          %jit3A = arith.constant 8 : i32
          %div3A = arith.divsi %scan3A_128, %jit3A : i32
          %sign3A = arith.constant 0 : i32
          %sign3A_129 = arith.cmpi sgt, %scan3A_128, %sign3A : i32
          %sign3A_130 = arith.extui %sign3A_129 : i1 to i32
          %sign3A_131 = arith.constant 0 : i32
          %sign3A_132 = arith.cmpi slt, %scan3A_128, %sign3A_131 : i32
          %sign3A_133 = arith.extui %sign3A_132 : i1 to i32
          %sign3A_134 = arith.subi %sign3A_130, %sign3A_133 : i32
          %sign3A_135 = arith.constant 0 : i32
          %sign3A_136 = arith.cmpi sgt, %jit3A, %sign3A_135 : i32
          %sign3A_137 = arith.extui %sign3A_136 : i1 to i32
          %sign3A_138 = arith.constant 0 : i32
          %sign3A_139 = arith.cmpi slt, %jit3A, %sign3A_138 : i32
          %sign3A_140 = arith.extui %sign3A_139 : i1 to i32
          %sign3A_141 = arith.subi %sign3A_137, %sign3A_140 : i32
          %ne3A = arith.cmpi ne, %sign3A_134, %sign3A_141 : i32
          %rem3A = arith.remsi %scan3A_128, %jit3A : i32
          %ne3A_142 = arith.constant 0 : i32
          %ne3A_143 = arith.cmpi ne, %rem3A, %ne3A_142 : i32
          %and3A = arith.andi %ne3A, %ne3A_143 : i1
          %sub3A = arith.constant 1 : i32
          %sub3A_144 = arith.subi %div3A, %sub3A : i32
          %select_n3A = arith.select %and3A, %sub3A_144, %div3A : i32
          %jit3A_145 = arith.constant 8 : i32
          %eq3A = arith.constant 0 : i32
          %eq3A_146 = arith.cmpi eq, %jit3A_145, %eq3A : i32
          %jit3A_147 = arith.constant 1 : i32
          %select_n3A_148 = arith.select %eq3A_146, %jit3A_147, %jit3A_145 : i32
          %rem3A_149 = arith.remsi %scan3A_128, %select_n3A_148 : i32
          %ne3A_150 = arith.constant 0 : i32
          %ne3A_151 = arith.cmpi ne, %rem3A_149, %ne3A_150 : i32
          %lt3A_152 = arith.constant 0 : i32
          %lt3A_153 = arith.cmpi slt, %rem3A_149, %lt3A_152 : i32
          %lt3A_154 = arith.constant 0 : i32
          %lt3A_155 = arith.cmpi slt, %select_n3A_148, %lt3A_154 : i32
          %ne3A_156 = arith.xori %lt3A_153, %lt3A_155 : i1
          %and3A_157 = arith.andi %ne3A_156, %ne3A_151 : i1
          %add3A_158 = arith.addi %rem3A_149, %select_n3A_148 : i32
          %select_n3A_159 = arith.select %and3A_157, %add3A_158, %rem3A_149 : i32
          %mul3A_160 = arith.constant 16 : i32
          %mul3A_161 = arith.muli %select_n3A_159, %mul3A_160 : i32
          %get3A = arith.index_cast %select_n3A : i32 to index
          %get3A_162 = arith.index_cast %mul3A_161 : i32 to index
          %get3A_163 = tpu.vector_load %run_scoped3A_6[%get3A, %get3A_162] {strides = array<i32>} : memref<40x128xf32, #tpu.memory_space<vmem>>, vector<16xf32>,
          %get3A_164 = arith.index_cast %select_n3A : i32 to index
          %get3A_165 = arith.index_cast %mul3A_161 : i32 to index
          %get3A_166 = tpu.vector_load %run_scoped3A_5[%get3A_164, %get3A_165] {strides = array<i32>} : memref<40x128xf32, #tpu.memory_space<vmem>>, vector<16xf32>,
          %add3A_167 = arith.addf %get3A_163, %get3A_166 : vector<16xf32>
          %swap3A = arith.index_cast %select_n3A : i32 to index
          %swap3A_168 = arith.index_cast %mul3A_161 : i32 to index
          %swap3A_169 = tpu.vector_load %run_scoped3A_6[%swap3A, %swap3A_168] {strides = array<i32>} : memref<40x128xf32, #tpu.memory_space<vmem>>, vector<16xf32>,
          tpu.vector_store %run_scoped3A_6[%swap3A, %swap3A_168], %add3A_167 {strides = array<i32>} : memref<40x128xf32, #tpu.memory_space<vmem>>, vector<16xf32>,
        }
        %scan3A_51 = arith.constant 320 : i32
        %run_scoped3A_52 = arith.constant 6 : i32
        "tpu.region"() ({
          %run_scoped3A_128 = tpu.sem_alloc : memref<!tpu.dma_semaphore, #tpu.memory_space<semaphore_mem>>
          %dma_start3A = arith.constant 0 : i32
          %dma_start3A_129 = arith.constant 0 : i32
          %dma_start3A_130 = tpu.memref_slice %arg14[%run_scoped3A_52, %dma_start3A, %dma_start3A_129] : memref<16x320x128xf32, #tpu.memory_space<vmem_shared>> -> memref<1x320x128xf32, #tpu.memory_space<vmem_shared>>
          %dma_start3A_131 = tpu.memref_squeeze %dma_start3A_130 : memref<1x320x128xf32, #tpu.memory_space<vmem_shared>> -> memref<320x128xf32, #tpu.memory_space<vmem_shared>>
          %dma_start3A_132 = arith.constant 0 : i32
          %dma_start3A_133 = tpu.memref_slice %dma_start3A_131[%multiple_of3A, %dma_start3A_132] : memref<320x128xf32, #tpu.memory_space<vmem_shared>> -> memref<40x128xf32, #tpu.memory_space<vmem_shared>>
          %dma_start3A_134 = arith.constant 0 : i32
          %dma_start3A_135 = arith.constant 0 : i32
          %dma_start3A_136 = tpu.memref_slice %arg14[%run_scoped3A_52, %dma_start3A_134, %dma_start3A_135] : memref<16x320x128xf32, #tpu.memory_space<vmem_shared>> -> memref<1x320x128xf32, #tpu.memory_space<vmem_shared>>
          %dma_start3A_137 = tpu.memref_squeeze %dma_start3A_136 : memref<1x320x128xf32, #tpu.memory_space<vmem_shared>> -> memref<320x128xf32, #tpu.memory_space<vmem_shared>>
          %dma_start3A_138 = arith.constant 0 : i32
          %dma_start3A_139 = tpu.memref_slice %dma_start3A_137[%multiple_of3A, %dma_start3A_138] : memref<320x128xf32, #tpu.memory_space<vmem_shared>> -> memref<40x128xf32, #tpu.memory_space<vmem_shared>>
          tpu.enqueue_dma source(%dma_start3A_139 : memref<40x128xf32, #tpu.memory_space<vmem_shared>>) target(%run_scoped3A_5 : memref<40x128xf32, #tpu.memory_space<vmem>>) target_semaphore(%run_scoped3A_128 : memref<!tpu.dma_semaphore, #tpu.memory_space<semaphore_mem>>)
          %dma_wait3A = arith.constant 0 : i32
          %dma_wait3A_140 = arith.constant 0 : i32
          %dma_wait3A_141 = tpu.memref_slice %arg14[%run_scoped3A_52, %dma_wait3A, %dma_wait3A_140] : memref<16x320x128xf32, #tpu.memory_space<vmem_shared>> -> memref<1x320x128xf32, #tpu.memory_space<vmem_shared>>
          %dma_wait3A_142 = tpu.memref_squeeze %dma_wait3A_141 : memref<1x320x128xf32, #tpu.memory_space<vmem_shared>> -> memref<320x128xf32, #tpu.memory_space<vmem_shared>>
          %dma_wait3A_143 = arith.constant 0 : i32
          %dma_wait3A_144 = tpu.memref_slice %dma_wait3A_142[%multiple_of3A, %dma_wait3A_143] : memref<320x128xf32, #tpu.memory_space<vmem_shared>> -> memref<40x128xf32, #tpu.memory_space<vmem_shared>>
          %dma_wait3A_145 = arith.constant 0 : i32
          %dma_wait3A_146 = arith.constant 0 : i32
          %dma_wait3A_147 = tpu.memref_slice %arg14[%run_scoped3A_52, %dma_wait3A_145, %dma_wait3A_146] : memref<16x320x128xf32, #tpu.memory_space<vmem_shared>> -> memref<1x320x128xf32, #tpu.memory_space<vmem_shared>>
          %dma_wait3A_148 = tpu.memref_squeeze %dma_wait3A_147 : memref<1x320x128xf32, #tpu.memory_space<vmem_shared>> -> memref<320x128xf32, #tpu.memory_space<vmem_shared>>
          %dma_wait3A_149 = arith.constant 0 : i32
          %dma_wait3A_150 = tpu.memref_slice %dma_wait3A_148[%multiple_of3A, %dma_wait3A_149] : memref<320x128xf32, #tpu.memory_space<vmem_shared>> -> memref<40x128xf32, #tpu.memory_space<vmem_shared>>
          tpu.wait_dma2 semaphore(%run_scoped3A_128 : memref<!tpu.dma_semaphore, #tpu.memory_space<semaphore_mem>>) src(%dma_wait3A_150 : memref<40x128xf32, #tpu.memory_space<vmem_shared>>) dst(%run_scoped3A_5 : memref<40x128xf32, #tpu.memory_space<vmem>>)
          tpu.yield
        }) : () -> ()
        %scan3A_53 = arith.constant 0 : i32
        %scan3A_54 = arith.constant 0 : i32
        %scan3A_55 = arith.constant 320 : i32
        %scan3A_56 = arith.addi %scan3A_54, %scan3A_55 : i32
        %scan3A_57 = arith.constant 1 : i32
        scf.for %scan3A_128 = %scan3A_54 to %scan3A_56 step %scan3A_57  : i32 {
          %jit3A = arith.constant 8 : i32
          %div3A = arith.divsi %scan3A_128, %jit3A : i32
          %sign3A = arith.constant 0 : i32
          %sign3A_129 = arith.cmpi sgt, %scan3A_128, %sign3A : i32
          %sign3A_130 = arith.extui %sign3A_129 : i1 to i32
          %sign3A_131 = arith.constant 0 : i32
          %sign3A_132 = arith.cmpi slt, %scan3A_128, %sign3A_131 : i32
          %sign3A_133 = arith.extui %sign3A_132 : i1 to i32
          %sign3A_134 = arith.subi %sign3A_130, %sign3A_133 : i32
          %sign3A_135 = arith.constant 0 : i32
          %sign3A_136 = arith.cmpi sgt, %jit3A, %sign3A_135 : i32
          %sign3A_137 = arith.extui %sign3A_136 : i1 to i32
          %sign3A_138 = arith.constant 0 : i32
          %sign3A_139 = arith.cmpi slt, %jit3A, %sign3A_138 : i32
          %sign3A_140 = arith.extui %sign3A_139 : i1 to i32
          %sign3A_141 = arith.subi %sign3A_137, %sign3A_140 : i32
          %ne3A = arith.cmpi ne, %sign3A_134, %sign3A_141 : i32
          %rem3A = arith.remsi %scan3A_128, %jit3A : i32
          %ne3A_142 = arith.constant 0 : i32
          %ne3A_143 = arith.cmpi ne, %rem3A, %ne3A_142 : i32
          %and3A = arith.andi %ne3A, %ne3A_143 : i1
          %sub3A = arith.constant 1 : i32
          %sub3A_144 = arith.subi %div3A, %sub3A : i32
          %select_n3A = arith.select %and3A, %sub3A_144, %div3A : i32
          %jit3A_145 = arith.constant 8 : i32
          %eq3A = arith.constant 0 : i32
          %eq3A_146 = arith.cmpi eq, %jit3A_145, %eq3A : i32
          %jit3A_147 = arith.constant 1 : i32
          %select_n3A_148 = arith.select %eq3A_146, %jit3A_147, %jit3A_145 : i32
          %rem3A_149 = arith.remsi %scan3A_128, %select_n3A_148 : i32
          %ne3A_150 = arith.constant 0 : i32
          %ne3A_151 = arith.cmpi ne, %rem3A_149, %ne3A_150 : i32
          %lt3A_152 = arith.constant 0 : i32
          %lt3A_153 = arith.cmpi slt, %rem3A_149, %lt3A_152 : i32
          %lt3A_154 = arith.constant 0 : i32
          %lt3A_155 = arith.cmpi slt, %select_n3A_148, %lt3A_154 : i32
          %ne3A_156 = arith.xori %lt3A_153, %lt3A_155 : i1
          %and3A_157 = arith.andi %ne3A_156, %ne3A_151 : i1
          %add3A_158 = arith.addi %rem3A_149, %select_n3A_148 : i32
          %select_n3A_159 = arith.select %and3A_157, %add3A_158, %rem3A_149 : i32
          %mul3A_160 = arith.constant 16 : i32
          %mul3A_161 = arith.muli %select_n3A_159, %mul3A_160 : i32
          %get3A = arith.index_cast %select_n3A : i32 to index
          %get3A_162 = arith.index_cast %mul3A_161 : i32 to index
          %get3A_163 = tpu.vector_load %run_scoped3A_6[%get3A, %get3A_162] {strides = array<i32>} : memref<40x128xf32, #tpu.memory_space<vmem>>, vector<16xf32>,
          %get3A_164 = arith.index_cast %select_n3A : i32 to index
          %get3A_165 = arith.index_cast %mul3A_161 : i32 to index
          %get3A_166 = tpu.vector_load %run_scoped3A_5[%get3A_164, %get3A_165] {strides = array<i32>} : memref<40x128xf32, #tpu.memory_space<vmem>>, vector<16xf32>,
          %add3A_167 = arith.addf %get3A_163, %get3A_166 : vector<16xf32>
          %swap3A = arith.index_cast %select_n3A : i32 to index
          %swap3A_168 = arith.index_cast %mul3A_161 : i32 to index
          %swap3A_169 = tpu.vector_load %run_scoped3A_6[%swap3A, %swap3A_168] {strides = array<i32>} : memref<40x128xf32, #tpu.memory_space<vmem>>, vector<16xf32>,
          tpu.vector_store %run_scoped3A_6[%swap3A, %swap3A_168], %add3A_167 {strides = array<i32>} : memref<40x128xf32, #tpu.memory_space<vmem>>, vector<16xf32>,
        }
        %scan3A_58 = arith.constant 320 : i32
        %run_scoped3A_59 = arith.constant 7 : i32
        "tpu.region"() ({
          %run_scoped3A_128 = tpu.sem_alloc : memref<!tpu.dma_semaphore, #tpu.memory_space<semaphore_mem>>
          %dma_start3A = arith.constant 0 : i32
          %dma_start3A_129 = arith.constant 0 : i32
          %dma_start3A_130 = tpu.memref_slice %arg14[%run_scoped3A_59, %dma_start3A, %dma_start3A_129] : memref<16x320x128xf32, #tpu.memory_space<vmem_shared>> -> memref<1x320x128xf32, #tpu.memory_space<vmem_shared>>
          %dma_start3A_131 = tpu.memref_squeeze %dma_start3A_130 : memref<1x320x128xf32, #tpu.memory_space<vmem_shared>> -> memref<320x128xf32, #tpu.memory_space<vmem_shared>>
          %dma_start3A_132 = arith.constant 0 : i32
          %dma_start3A_133 = tpu.memref_slice %dma_start3A_131[%multiple_of3A, %dma_start3A_132] : memref<320x128xf32, #tpu.memory_space<vmem_shared>> -> memref<40x128xf32, #tpu.memory_space<vmem_shared>>
          %dma_start3A_134 = arith.constant 0 : i32
          %dma_start3A_135 = arith.constant 0 : i32
          %dma_start3A_136 = tpu.memref_slice %arg14[%run_scoped3A_59, %dma_start3A_134, %dma_start3A_135] : memref<16x320x128xf32, #tpu.memory_space<vmem_shared>> -> memref<1x320x128xf32, #tpu.memory_space<vmem_shared>>
          %dma_start3A_137 = tpu.memref_squeeze %dma_start3A_136 : memref<1x320x128xf32, #tpu.memory_space<vmem_shared>> -> memref<320x128xf32, #tpu.memory_space<vmem_shared>>
          %dma_start3A_138 = arith.constant 0 : i32
          %dma_start3A_139 = tpu.memref_slice %dma_start3A_137[%multiple_of3A, %dma_start3A_138] : memref<320x128xf32, #tpu.memory_space<vmem_shared>> -> memref<40x128xf32, #tpu.memory_space<vmem_shared>>
          tpu.enqueue_dma source(%dma_start3A_139 : memref<40x128xf32, #tpu.memory_space<vmem_shared>>) target(%run_scoped3A_5 : memref<40x128xf32, #tpu.memory_space<vmem>>) target_semaphore(%run_scoped3A_128 : memref<!tpu.dma_semaphore, #tpu.memory_space<semaphore_mem>>)
          %dma_wait3A = arith.constant 0 : i32
          %dma_wait3A_140 = arith.constant 0 : i32
          %dma_wait3A_141 = tpu.memref_slice %arg14[%run_scoped3A_59, %dma_wait3A, %dma_wait3A_140] : memref<16x320x128xf32, #tpu.memory_space<vmem_shared>> -> memref<1x320x128xf32, #tpu.memory_space<vmem_shared>>
          %dma_wait3A_142 = tpu.memref_squeeze %dma_wait3A_141 : memref<1x320x128xf32, #tpu.memory_space<vmem_shared>> -> memref<320x128xf32, #tpu.memory_space<vmem_shared>>
          %dma_wait3A_143 = arith.constant 0 : i32
          %dma_wait3A_144 = tpu.memref_slice %dma_wait3A_142[%multiple_of3A, %dma_wait3A_143] : memref<320x128xf32, #tpu.memory_space<vmem_shared>> -> memref<40x128xf32, #tpu.memory_space<vmem_shared>>
          %dma_wait3A_145 = arith.constant 0 : i32
          %dma_wait3A_146 = arith.constant 0 : i32
          %dma_wait3A_147 = tpu.memref_slice %arg14[%run_scoped3A_59, %dma_wait3A_145, %dma_wait3A_146] : memref<16x320x128xf32, #tpu.memory_space<vmem_shared>> -> memref<1x320x128xf32, #tpu.memory_space<vmem_shared>>
          %dma_wait3A_148 = tpu.memref_squeeze %dma_wait3A_147 : memref<1x320x128xf32, #tpu.memory_space<vmem_shared>> -> memref<320x128xf32, #tpu.memory_space<vmem_shared>>
          %dma_wait3A_149 = arith.constant 0 : i32
          %dma_wait3A_150 = tpu.memref_slice %dma_wait3A_148[%multiple_of3A, %dma_wait3A_149] : memref<320x128xf32, #tpu.memory_space<vmem_shared>> -> memref<40x128xf32, #tpu.memory_space<vmem_shared>>
          tpu.wait_dma2 semaphore(%run_scoped3A_128 : memref<!tpu.dma_semaphore, #tpu.memory_space<semaphore_mem>>) src(%dma_wait3A_150 : memref<40x128xf32, #tpu.memory_space<vmem_shared>>) dst(%run_scoped3A_5 : memref<40x128xf32, #tpu.memory_space<vmem>>)
          tpu.yield
        }) : () -> ()
        %scan3A_60 = arith.constant 0 : i32
        %scan3A_61 = arith.constant 0 : i32
        %scan3A_62 = arith.constant 320 : i32
        %scan3A_63 = arith.addi %scan3A_61, %scan3A_62 : i32
        %scan3A_64 = arith.constant 1 : i32
        scf.for %scan3A_128 = %scan3A_61 to %scan3A_63 step %scan3A_64  : i32 {
          %jit3A = arith.constant 8 : i32
          %div3A = arith.divsi %scan3A_128, %jit3A : i32
          %sign3A = arith.constant 0 : i32
          %sign3A_129 = arith.cmpi sgt, %scan3A_128, %sign3A : i32
          %sign3A_130 = arith.extui %sign3A_129 : i1 to i32
          %sign3A_131 = arith.constant 0 : i32
          %sign3A_132 = arith.cmpi slt, %scan3A_128, %sign3A_131 : i32
          %sign3A_133 = arith.extui %sign3A_132 : i1 to i32
          %sign3A_134 = arith.subi %sign3A_130, %sign3A_133 : i32
          %sign3A_135 = arith.constant 0 : i32
          %sign3A_136 = arith.cmpi sgt, %jit3A, %sign3A_135 : i32
          %sign3A_137 = arith.extui %sign3A_136 : i1 to i32
          %sign3A_138 = arith.constant 0 : i32
          %sign3A_139 = arith.cmpi slt, %jit3A, %sign3A_138 : i32
          %sign3A_140 = arith.extui %sign3A_139 : i1 to i32
          %sign3A_141 = arith.subi %sign3A_137, %sign3A_140 : i32
          %ne3A = arith.cmpi ne, %sign3A_134, %sign3A_141 : i32
          %rem3A = arith.remsi %scan3A_128, %jit3A : i32
          %ne3A_142 = arith.constant 0 : i32
          %ne3A_143 = arith.cmpi ne, %rem3A, %ne3A_142 : i32
          %and3A = arith.andi %ne3A, %ne3A_143 : i1
          %sub3A = arith.constant 1 : i32
          %sub3A_144 = arith.subi %div3A, %sub3A : i32
          %select_n3A = arith.select %and3A, %sub3A_144, %div3A : i32
          %jit3A_145 = arith.constant 8 : i32
          %eq3A = arith.constant 0 : i32
          %eq3A_146 = arith.cmpi eq, %jit3A_145, %eq3A : i32
          %jit3A_147 = arith.constant 1 : i32
          %select_n3A_148 = arith.select %eq3A_146, %jit3A_147, %jit3A_145 : i32
          %rem3A_149 = arith.remsi %scan3A_128, %select_n3A_148 : i32
          %ne3A_150 = arith.constant 0 : i32
          %ne3A_151 = arith.cmpi ne, %rem3A_149, %ne3A_150 : i32
          %lt3A_152 = arith.constant 0 : i32
          %lt3A_153 = arith.cmpi slt, %rem3A_149, %lt3A_152 : i32
          %lt3A_154 = arith.constant 0 : i32
          %lt3A_155 = arith.cmpi slt, %select_n3A_148, %lt3A_154 : i32
          %ne3A_156 = arith.xori %lt3A_153, %lt3A_155 : i1
          %and3A_157 = arith.andi %ne3A_156, %ne3A_151 : i1
          %add3A_158 = arith.addi %rem3A_149, %select_n3A_148 : i32
          %select_n3A_159 = arith.select %and3A_157, %add3A_158, %rem3A_149 : i32
          %mul3A_160 = arith.constant 16 : i32
          %mul3A_161 = arith.muli %select_n3A_159, %mul3A_160 : i32
          %get3A = arith.index_cast %select_n3A : i32 to index
          %get3A_162 = arith.index_cast %mul3A_161 : i32 to index
          %get3A_163 = tpu.vector_load %run_scoped3A_6[%get3A, %get3A_162] {strides = array<i32>} : memref<40x128xf32, #tpu.memory_space<vmem>>, vector<16xf32>,
          %get3A_164 = arith.index_cast %select_n3A : i32 to index
          %get3A_165 = arith.index_cast %mul3A_161 : i32 to index
          %get3A_166 = tpu.vector_load %run_scoped3A_5[%get3A_164, %get3A_165] {strides = array<i32>} : memref<40x128xf32, #tpu.memory_space<vmem>>, vector<16xf32>,
          %add3A_167 = arith.addf %get3A_163, %get3A_166 : vector<16xf32>
          %swap3A = arith.index_cast %select_n3A : i32 to index
          %swap3A_168 = arith.index_cast %mul3A_161 : i32 to index
          %swap3A_169 = tpu.vector_load %run_scoped3A_6[%swap3A, %swap3A_168] {strides = array<i32>} : memref<40x128xf32, #tpu.memory_space<vmem>>, vector<16xf32>,
          tpu.vector_store %run_scoped3A_6[%swap3A, %swap3A_168], %add3A_167 {strides = array<i32>} : memref<40x128xf32, #tpu.memory_space<vmem>>, vector<16xf32>,
        }
        %scan3A_65 = arith.constant 320 : i32
        %run_scoped3A_66 = arith.constant 8 : i32
        "tpu.region"() ({
          %run_scoped3A_128 = tpu.sem_alloc : memref<!tpu.dma_semaphore, #tpu.memory_space<semaphore_mem>>
          %dma_start3A = arith.constant 0 : i32
          %dma_start3A_129 = arith.constant 0 : i32
          %dma_start3A_130 = tpu.memref_slice %arg14[%run_scoped3A_66, %dma_start3A, %dma_start3A_129] : memref<16x320x128xf32, #tpu.memory_space<vmem_shared>> -> memref<1x320x128xf32, #tpu.memory_space<vmem_shared>>
          %dma_start3A_131 = tpu.memref_squeeze %dma_start3A_130 : memref<1x320x128xf32, #tpu.memory_space<vmem_shared>> -> memref<320x128xf32, #tpu.memory_space<vmem_shared>>
          %dma_start3A_132 = arith.constant 0 : i32
          %dma_start3A_133 = tpu.memref_slice %dma_start3A_131[%multiple_of3A, %dma_start3A_132] : memref<320x128xf32, #tpu.memory_space<vmem_shared>> -> memref<40x128xf32, #tpu.memory_space<vmem_shared>>
          %dma_start3A_134 = arith.constant 0 : i32
          %dma_start3A_135 = arith.constant 0 : i32
          %dma_start3A_136 = tpu.memref_slice %arg14[%run_scoped3A_66, %dma_start3A_134, %dma_start3A_135] : memref<16x320x128xf32, #tpu.memory_space<vmem_shared>> -> memref<1x320x128xf32, #tpu.memory_space<vmem_shared>>
          %dma_start3A_137 = tpu.memref_squeeze %dma_start3A_136 : memref<1x320x128xf32, #tpu.memory_space<vmem_shared>> -> memref<320x128xf32, #tpu.memory_space<vmem_shared>>
          %dma_start3A_138 = arith.constant 0 : i32
          %dma_start3A_139 = tpu.memref_slice %dma_start3A_137[%multiple_of3A, %dma_start3A_138] : memref<320x128xf32, #tpu.memory_space<vmem_shared>> -> memref<40x128xf32, #tpu.memory_space<vmem_shared>>
          tpu.enqueue_dma source(%dma_start3A_139 : memref<40x128xf32, #tpu.memory_space<vmem_shared>>) target(%run_scoped3A_5 : memref<40x128xf32, #tpu.memory_space<vmem>>) target_semaphore(%run_scoped3A_128 : memref<!tpu.dma_semaphore, #tpu.memory_space<semaphore_mem>>)
          %dma_wait3A = arith.constant 0 : i32
          %dma_wait3A_140 = arith.constant 0 : i32
          %dma_wait3A_141 = tpu.memref_slice %arg14[%run_scoped3A_66, %dma_wait3A, %dma_wait3A_140] : memref<16x320x128xf32, #tpu.memory_space<vmem_shared>> -> memref<1x320x128xf32, #tpu.memory_space<vmem_shared>>
          %dma_wait3A_142 = tpu.memref_squeeze %dma_wait3A_141 : memref<1x320x128xf32, #tpu.memory_space<vmem_shared>> -> memref<320x128xf32, #tpu.memory_space<vmem_shared>>
          %dma_wait3A_143 = arith.constant 0 : i32
          %dma_wait3A_144 = tpu.memref_slice %dma_wait3A_142[%multiple_of3A, %dma_wait3A_143] : memref<320x128xf32, #tpu.memory_space<vmem_shared>> -> memref<40x128xf32, #tpu.memory_space<vmem_shared>>
          %dma_wait3A_145 = arith.constant 0 : i32
          %dma_wait3A_146 = arith.constant 0 : i32
          %dma_wait3A_147 = tpu.memref_slice %arg14[%run_scoped3A_66, %dma_wait3A_145, %dma_wait3A_146] : memref<16x320x128xf32, #tpu.memory_space<vmem_shared>> -> memref<1x320x128xf32, #tpu.memory_space<vmem_shared>>
          %dma_wait3A_148 = tpu.memref_squeeze %dma_wait3A_147 : memref<1x320x128xf32, #tpu.memory_space<vmem_shared>> -> memref<320x128xf32, #tpu.memory_space<vmem_shared>>
          %dma_wait3A_149 = arith.constant 0 : i32
          %dma_wait3A_150 = tpu.memref_slice %dma_wait3A_148[%multiple_of3A, %dma_wait3A_149] : memref<320x128xf32, #tpu.memory_space<vmem_shared>> -> memref<40x128xf32, #tpu.memory_space<vmem_shared>>
          tpu.wait_dma2 semaphore(%run_scoped3A_128 : memref<!tpu.dma_semaphore, #tpu.memory_space<semaphore_mem>>) src(%dma_wait3A_150 : memref<40x128xf32, #tpu.memory_space<vmem_shared>>) dst(%run_scoped3A_5 : memref<40x128xf32, #tpu.memory_space<vmem>>)
          tpu.yield
        }) : () -> ()
        %scan3A_67 = arith.constant 0 : i32
        %scan3A_68 = arith.constant 0 : i32
        %scan3A_69 = arith.constant 320 : i32
        %scan3A_70 = arith.addi %scan3A_68, %scan3A_69 : i32
        %scan3A_71 = arith.constant 1 : i32
        scf.for %scan3A_128 = %scan3A_68 to %scan3A_70 step %scan3A_71  : i32 {
          %jit3A = arith.constant 8 : i32
          %div3A = arith.divsi %scan3A_128, %jit3A : i32
          %sign3A = arith.constant 0 : i32
          %sign3A_129 = arith.cmpi sgt, %scan3A_128, %sign3A : i32
          %sign3A_130 = arith.extui %sign3A_129 : i1 to i32
          %sign3A_131 = arith.constant 0 : i32
          %sign3A_132 = arith.cmpi slt, %scan3A_128, %sign3A_131 : i32
          %sign3A_133 = arith.extui %sign3A_132 : i1 to i32
          %sign3A_134 = arith.subi %sign3A_130, %sign3A_133 : i32
          %sign3A_135 = arith.constant 0 : i32
          %sign3A_136 = arith.cmpi sgt, %jit3A, %sign3A_135 : i32
          %sign3A_137 = arith.extui %sign3A_136 : i1 to i32
          %sign3A_138 = arith.constant 0 : i32
          %sign3A_139 = arith.cmpi slt, %jit3A, %sign3A_138 : i32
          %sign3A_140 = arith.extui %sign3A_139 : i1 to i32
          %sign3A_141 = arith.subi %sign3A_137, %sign3A_140 : i32
          %ne3A = arith.cmpi ne, %sign3A_134, %sign3A_141 : i32
          %rem3A = arith.remsi %scan3A_128, %jit3A : i32
          %ne3A_142 = arith.constant 0 : i32
          %ne3A_143 = arith.cmpi ne, %rem3A, %ne3A_142 : i32
          %and3A = arith.andi %ne3A, %ne3A_143 : i1
          %sub3A = arith.constant 1 : i32
          %sub3A_144 = arith.subi %div3A, %sub3A : i32
          %select_n3A = arith.select %and3A, %sub3A_144, %div3A : i32
          %jit3A_145 = arith.constant 8 : i32
          %eq3A = arith.constant 0 : i32
          %eq3A_146 = arith.cmpi eq, %jit3A_145, %eq3A : i32
          %jit3A_147 = arith.constant 1 : i32
          %select_n3A_148 = arith.select %eq3A_146, %jit3A_147, %jit3A_145 : i32
          %rem3A_149 = arith.remsi %scan3A_128, %select_n3A_148 : i32
          %ne3A_150 = arith.constant 0 : i32
          %ne3A_151 = arith.cmpi ne, %rem3A_149, %ne3A_150 : i32
          %lt3A_152 = arith.constant 0 : i32
          %lt3A_153 = arith.cmpi slt, %rem3A_149, %lt3A_152 : i32
          %lt3A_154 = arith.constant 0 : i32
          %lt3A_155 = arith.cmpi slt, %select_n3A_148, %lt3A_154 : i32
          %ne3A_156 = arith.xori %lt3A_153, %lt3A_155 : i1
          %and3A_157 = arith.andi %ne3A_156, %ne3A_151 : i1
          %add3A_158 = arith.addi %rem3A_149, %select_n3A_148 : i32
          %select_n3A_159 = arith.select %and3A_157, %add3A_158, %rem3A_149 : i32
          %mul3A_160 = arith.constant 16 : i32
          %mul3A_161 = arith.muli %select_n3A_159, %mul3A_160 : i32
          %get3A = arith.index_cast %select_n3A : i32 to index
          %get3A_162 = arith.index_cast %mul3A_161 : i32 to index
          %get3A_163 = tpu.vector_load %run_scoped3A_6[%get3A, %get3A_162] {strides = array<i32>} : memref<40x128xf32, #tpu.memory_space<vmem>>, vector<16xf32>,
          %get3A_164 = arith.index_cast %select_n3A : i32 to index
          %get3A_165 = arith.index_cast %mul3A_161 : i32 to index
          %get3A_166 = tpu.vector_load %run_scoped3A_5[%get3A_164, %get3A_165] {strides = array<i32>} : memref<40x128xf32, #tpu.memory_space<vmem>>, vector<16xf32>,
          %add3A_167 = arith.addf %get3A_163, %get3A_166 : vector<16xf32>
          %swap3A = arith.index_cast %select_n3A : i32 to index
          %swap3A_168 = arith.index_cast %mul3A_161 : i32 to index
          %swap3A_169 = tpu.vector_load %run_scoped3A_6[%swap3A, %swap3A_168] {strides = array<i32>} : memref<40x128xf32, #tpu.memory_space<vmem>>, vector<16xf32>,
          tpu.vector_store %run_scoped3A_6[%swap3A, %swap3A_168], %add3A_167 {strides = array<i32>} : memref<40x128xf32, #tpu.memory_space<vmem>>, vector<16xf32>,
        }
        %scan3A_72 = arith.constant 320 : i32
        %run_scoped3A_73 = arith.constant 9 : i32
        "tpu.region"() ({
          %run_scoped3A_128 = tpu.sem_alloc : memref<!tpu.dma_semaphore, #tpu.memory_space<semaphore_mem>>
          %dma_start3A = arith.constant 0 : i32
          %dma_start3A_129 = arith.constant 0 : i32
          %dma_start3A_130 = tpu.memref_slice %arg14[%run_scoped3A_73, %dma_start3A, %dma_start3A_129] : memref<16x320x128xf32, #tpu.memory_space<vmem_shared>> -> memref<1x320x128xf32, #tpu.memory_space<vmem_shared>>
          %dma_start3A_131 = tpu.memref_squeeze %dma_start3A_130 : memref<1x320x128xf32, #tpu.memory_space<vmem_shared>> -> memref<320x128xf32, #tpu.memory_space<vmem_shared>>
          %dma_start3A_132 = arith.constant 0 : i32
          %dma_start3A_133 = tpu.memref_slice %dma_start3A_131[%multiple_of3A, %dma_start3A_132] : memref<320x128xf32, #tpu.memory_space<vmem_shared>> -> memref<40x128xf32, #tpu.memory_space<vmem_shared>>
          %dma_start3A_134 = arith.constant 0 : i32
          %dma_start3A_135 = arith.constant 0 : i32
          %dma_start3A_136 = tpu.memref_slice %arg14[%run_scoped3A_73, %dma_start3A_134, %dma_start3A_135] : memref<16x320x128xf32, #tpu.memory_space<vmem_shared>> -> memref<1x320x128xf32, #tpu.memory_space<vmem_shared>>
          %dma_start3A_137 = tpu.memref_squeeze %dma_start3A_136 : memref<1x320x128xf32, #tpu.memory_space<vmem_shared>> -> memref<320x128xf32, #tpu.memory_space<vmem_shared>>
          %dma_start3A_138 = arith.constant 0 : i32
          %dma_start3A_139 = tpu.memref_slice %dma_start3A_137[%multiple_of3A, %dma_start3A_138] : memref<320x128xf32, #tpu.memory_space<vmem_shared>> -> memref<40x128xf32, #tpu.memory_space<vmem_shared>>
          tpu.enqueue_dma source(%dma_start3A_139 : memref<40x128xf32, #tpu.memory_space<vmem_shared>>) target(%run_scoped3A_5 : memref<40x128xf32, #tpu.memory_space<vmem>>) target_semaphore(%run_scoped3A_128 : memref<!tpu.dma_semaphore, #tpu.memory_space<semaphore_mem>>)
          %dma_wait3A = arith.constant 0 : i32
          %dma_wait3A_140 = arith.constant 0 : i32
          %dma_wait3A_141 = tpu.memref_slice %arg14[%run_scoped3A_73, %dma_wait3A, %dma_wait3A_140] : memref<16x320x128xf32, #tpu.memory_space<vmem_shared>> -> memref<1x320x128xf32, #tpu.memory_space<vmem_shared>>
          %dma_wait3A_142 = tpu.memref_squeeze %dma_wait3A_141 : memref<1x320x128xf32, #tpu.memory_space<vmem_shared>> -> memref<320x128xf32, #tpu.memory_space<vmem_shared>>
          %dma_wait3A_143 = arith.constant 0 : i32
          %dma_wait3A_144 = tpu.memref_slice %dma_wait3A_142[%multiple_of3A, %dma_wait3A_143] : memref<320x128xf32, #tpu.memory_space<vmem_shared>> -> memref<40x128xf32, #tpu.memory_space<vmem_shared>>
          %dma_wait3A_145 = arith.constant 0 : i32
          %dma_wait3A_146 = arith.constant 0 : i32
          %dma_wait3A_147 = tpu.memref_slice %arg14[%run_scoped3A_73, %dma_wait3A_145, %dma_wait3A_146] : memref<16x320x128xf32, #tpu.memory_space<vmem_shared>> -> memref<1x320x128xf32, #tpu.memory_space<vmem_shared>>
          %dma_wait3A_148 = tpu.memref_squeeze %dma_wait3A_147 : memref<1x320x128xf32, #tpu.memory_space<vmem_shared>> -> memref<320x128xf32, #tpu.memory_space<vmem_shared>>
          %dma_wait3A_149 = arith.constant 0 : i32
          %dma_wait3A_150 = tpu.memref_slice %dma_wait3A_148[%multiple_of3A, %dma_wait3A_149] : memref<320x128xf32, #tpu.memory_space<vmem_shared>> -> memref<40x128xf32, #tpu.memory_space<vmem_shared>>
          tpu.wait_dma2 semaphore(%run_scoped3A_128 : memref<!tpu.dma_semaphore, #tpu.memory_space<semaphore_mem>>) src(%dma_wait3A_150 : memref<40x128xf32, #tpu.memory_space<vmem_shared>>) dst(%run_scoped3A_5 : memref<40x128xf32, #tpu.memory_space<vmem>>)
          tpu.yield
        }) : () -> ()
        %scan3A_74 = arith.constant 0 : i32
        %scan3A_75 = arith.constant 0 : i32
        %scan3A_76 = arith.constant 320 : i32
        %scan3A_77 = arith.addi %scan3A_75, %scan3A_76 : i32
        %scan3A_78 = arith.constant 1 : i32
        scf.for %scan3A_128 = %scan3A_75 to %scan3A_77 step %scan3A_78  : i32 {
          %jit3A = arith.constant 8 : i32
          %div3A = arith.divsi %scan3A_128, %jit3A : i32
          %sign3A = arith.constant 0 : i32
          %sign3A_129 = arith.cmpi sgt, %scan3A_128, %sign3A : i32
          %sign3A_130 = arith.extui %sign3A_129 : i1 to i32
          %sign3A_131 = arith.constant 0 : i32
          %sign3A_132 = arith.cmpi slt, %scan3A_128, %sign3A_131 : i32
          %sign3A_133 = arith.extui %sign3A_132 : i1 to i32
          %sign3A_134 = arith.subi %sign3A_130, %sign3A_133 : i32
          %sign3A_135 = arith.constant 0 : i32
          %sign3A_136 = arith.cmpi sgt, %jit3A, %sign3A_135 : i32
          %sign3A_137 = arith.extui %sign3A_136 : i1 to i32
          %sign3A_138 = arith.constant 0 : i32
          %sign3A_139 = arith.cmpi slt, %jit3A, %sign3A_138 : i32
          %sign3A_140 = arith.extui %sign3A_139 : i1 to i32
          %sign3A_141 = arith.subi %sign3A_137, %sign3A_140 : i32
          %ne3A = arith.cmpi ne, %sign3A_134, %sign3A_141 : i32
          %rem3A = arith.remsi %scan3A_128, %jit3A : i32
          %ne3A_142 = arith.constant 0 : i32
          %ne3A_143 = arith.cmpi ne, %rem3A, %ne3A_142 : i32
          %and3A = arith.andi %ne3A, %ne3A_143 : i1
          %sub3A = arith.constant 1 : i32
          %sub3A_144 = arith.subi %div3A, %sub3A : i32
          %select_n3A = arith.select %and3A, %sub3A_144, %div3A : i32
          %jit3A_145 = arith.constant 8 : i32
          %eq3A = arith.constant 0 : i32
          %eq3A_146 = arith.cmpi eq, %jit3A_145, %eq3A : i32
          %jit3A_147 = arith.constant 1 : i32
          %select_n3A_148 = arith.select %eq3A_146, %jit3A_147, %jit3A_145 : i32
          %rem3A_149 = arith.remsi %scan3A_128, %select_n3A_148 : i32
          %ne3A_150 = arith.constant 0 : i32
          %ne3A_151 = arith.cmpi ne, %rem3A_149, %ne3A_150 : i32
          %lt3A_152 = arith.constant 0 : i32
          %lt3A_153 = arith.cmpi slt, %rem3A_149, %lt3A_152 : i32
          %lt3A_154 = arith.constant 0 : i32
          %lt3A_155 = arith.cmpi slt, %select_n3A_148, %lt3A_154 : i32
          %ne3A_156 = arith.xori %lt3A_153, %lt3A_155 : i1
          %and3A_157 = arith.andi %ne3A_156, %ne3A_151 : i1
          %add3A_158 = arith.addi %rem3A_149, %select_n3A_148 : i32
          %select_n3A_159 = arith.select %and3A_157, %add3A_158, %rem3A_149 : i32
          %mul3A_160 = arith.constant 16 : i32
          %mul3A_161 = arith.muli %select_n3A_159, %mul3A_160 : i32
          %get3A = arith.index_cast %select_n3A : i32 to index
          %get3A_162 = arith.index_cast %mul3A_161 : i32 to index
          %get3A_163 = tpu.vector_load %run_scoped3A_6[%get3A, %get3A_162] {strides = array<i32>} : memref<40x128xf32, #tpu.memory_space<vmem>>, vector<16xf32>,
          %get3A_164 = arith.index_cast %select_n3A : i32 to index
          %get3A_165 = arith.index_cast %mul3A_161 : i32 to index
          %get3A_166 = tpu.vector_load %run_scoped3A_5[%get3A_164, %get3A_165] {strides = array<i32>} : memref<40x128xf32, #tpu.memory_space<vmem>>, vector<16xf32>,
          %add3A_167 = arith.addf %get3A_163, %get3A_166 : vector<16xf32>
          %swap3A = arith.index_cast %select_n3A : i32 to index
          %swap3A_168 = arith.index_cast %mul3A_161 : i32 to index
          %swap3A_169 = tpu.vector_load %run_scoped3A_6[%swap3A, %swap3A_168] {strides = array<i32>} : memref<40x128xf32, #tpu.memory_space<vmem>>, vector<16xf32>,
          tpu.vector_store %run_scoped3A_6[%swap3A, %swap3A_168], %add3A_167 {strides = array<i32>} : memref<40x128xf32, #tpu.memory_space<vmem>>, vector<16xf32>,
        }
        %scan3A_79 = arith.constant 320 : i32
        %run_scoped3A_80 = arith.constant 10 : i32
        "tpu.region"() ({
          %run_scoped3A_128 = tpu.sem_alloc : memref<!tpu.dma_semaphore, #tpu.memory_space<semaphore_mem>>
          %dma_start3A = arith.constant 0 : i32
          %dma_start3A_129 = arith.constant 0 : i32
          %dma_start3A_130 = tpu.memref_slice %arg14[%run_scoped3A_80, %dma_start3A, %dma_start3A_129] : memref<16x320x128xf32, #tpu.memory_space<vmem_shared>> -> memref<1x320x128xf32, #tpu.memory_space<vmem_shared>>
          %dma_start3A_131 = tpu.memref_squeeze %dma_start3A_130 : memref<1x320x128xf32, #tpu.memory_space<vmem_shared>> -> memref<320x128xf32, #tpu.memory_space<vmem_shared>>
          %dma_start3A_132 = arith.constant 0 : i32
          %dma_start3A_133 = tpu.memref_slice %dma_start3A_131[%multiple_of3A, %dma_start3A_132] : memref<320x128xf32, #tpu.memory_space<vmem_shared>> -> memref<40x128xf32, #tpu.memory_space<vmem_shared>>
          %dma_start3A_134 = arith.constant 0 : i32
          %dma_start3A_135 = arith.constant 0 : i32
          %dma_start3A_136 = tpu.memref_slice %arg14[%run_scoped3A_80, %dma_start3A_134, %dma_start3A_135] : memref<16x320x128xf32, #tpu.memory_space<vmem_shared>> -> memref<1x320x128xf32, #tpu.memory_space<vmem_shared>>
          %dma_start3A_137 = tpu.memref_squeeze %dma_start3A_136 : memref<1x320x128xf32, #tpu.memory_space<vmem_shared>> -> memref<320x128xf32, #tpu.memory_space<vmem_shared>>
          %dma_start3A_138 = arith.constant 0 : i32
          %dma_start3A_139 = tpu.memref_slice %dma_start3A_137[%multiple_of3A, %dma_start3A_138] : memref<320x128xf32, #tpu.memory_space<vmem_shared>> -> memref<40x128xf32, #tpu.memory_space<vmem_shared>>
          tpu.enqueue_dma source(%dma_start3A_139 : memref<40x128xf32, #tpu.memory_space<vmem_shared>>) target(%run_scoped3A_5 : memref<40x128xf32, #tpu.memory_space<vmem>>) target_semaphore(%run_scoped3A_128 : memref<!tpu.dma_semaphore, #tpu.memory_space<semaphore_mem>>)
          %dma_wait3A = arith.constant 0 : i32
          %dma_wait3A_140 = arith.constant 0 : i32
          %dma_wait3A_141 = tpu.memref_slice %arg14[%run_scoped3A_80, %dma_wait3A, %dma_wait3A_140] : memref<16x320x128xf32, #tpu.memory_space<vmem_shared>> -> memref<1x320x128xf32, #tpu.memory_space<vmem_shared>>
          %dma_wait3A_142 = tpu.memref_squeeze %dma_wait3A_141 : memref<1x320x128xf32, #tpu.memory_space<vmem_shared>> -> memref<320x128xf32, #tpu.memory_space<vmem_shared>>
          %dma_wait3A_143 = arith.constant 0 : i32
          %dma_wait3A_144 = tpu.memref_slice %dma_wait3A_142[%multiple_of3A, %dma_wait3A_143] : memref<320x128xf32, #tpu.memory_space<vmem_shared>> -> memref<40x128xf32, #tpu.memory_space<vmem_shared>>
          %dma_wait3A_145 = arith.constant 0 : i32
          %dma_wait3A_146 = arith.constant 0 : i32
          %dma_wait3A_147 = tpu.memref_slice %arg14[%run_scoped3A_80, %dma_wait3A_145, %dma_wait3A_146] : memref<16x320x128xf32, #tpu.memory_space<vmem_shared>> -> memref<1x320x128xf32, #tpu.memory_space<vmem_shared>>
          %dma_wait3A_148 = tpu.memref_squeeze %dma_wait3A_147 : memref<1x320x128xf32, #tpu.memory_space<vmem_shared>> -> memref<320x128xf32, #tpu.memory_space<vmem_shared>>
          %dma_wait3A_149 = arith.constant 0 : i32
          %dma_wait3A_150 = tpu.memref_slice %dma_wait3A_148[%multiple_of3A, %dma_wait3A_149] : memref<320x128xf32, #tpu.memory_space<vmem_shared>> -> memref<40x128xf32, #tpu.memory_space<vmem_shared>>
          tpu.wait_dma2 semaphore(%run_scoped3A_128 : memref<!tpu.dma_semaphore, #tpu.memory_space<semaphore_mem>>) src(%dma_wait3A_150 : memref<40x128xf32, #tpu.memory_space<vmem_shared>>) dst(%run_scoped3A_5 : memref<40x128xf32, #tpu.memory_space<vmem>>)
          tpu.yield
        }) : () -> ()
        %scan3A_81 = arith.constant 0 : i32
        %scan3A_82 = arith.constant 0 : i32
        %scan3A_83 = arith.constant 320 : i32
        %scan3A_84 = arith.addi %scan3A_82, %scan3A_83 : i32
        %scan3A_85 = arith.constant 1 : i32
        scf.for %scan3A_128 = %scan3A_82 to %scan3A_84 step %scan3A_85  : i32 {
          %jit3A = arith.constant 8 : i32
          %div3A = arith.divsi %scan3A_128, %jit3A : i32
          %sign3A = arith.constant 0 : i32
          %sign3A_129 = arith.cmpi sgt, %scan3A_128, %sign3A : i32
          %sign3A_130 = arith.extui %sign3A_129 : i1 to i32
          %sign3A_131 = arith.constant 0 : i32
          %sign3A_132 = arith.cmpi slt, %scan3A_128, %sign3A_131 : i32
          %sign3A_133 = arith.extui %sign3A_132 : i1 to i32
          %sign3A_134 = arith.subi %sign3A_130, %sign3A_133 : i32
          %sign3A_135 = arith.constant 0 : i32
          %sign3A_136 = arith.cmpi sgt, %jit3A, %sign3A_135 : i32
          %sign3A_137 = arith.extui %sign3A_136 : i1 to i32
          %sign3A_138 = arith.constant 0 : i32
          %sign3A_139 = arith.cmpi slt, %jit3A, %sign3A_138 : i32
          %sign3A_140 = arith.extui %sign3A_139 : i1 to i32
          %sign3A_141 = arith.subi %sign3A_137, %sign3A_140 : i32
          %ne3A = arith.cmpi ne, %sign3A_134, %sign3A_141 : i32
          %rem3A = arith.remsi %scan3A_128, %jit3A : i32
          %ne3A_142 = arith.constant 0 : i32
          %ne3A_143 = arith.cmpi ne, %rem3A, %ne3A_142 : i32
          %and3A = arith.andi %ne3A, %ne3A_143 : i1
          %sub3A = arith.constant 1 : i32
          %sub3A_144 = arith.subi %div3A, %sub3A : i32
          %select_n3A = arith.select %and3A, %sub3A_144, %div3A : i32
          %jit3A_145 = arith.constant 8 : i32
          %eq3A = arith.constant 0 : i32
          %eq3A_146 = arith.cmpi eq, %jit3A_145, %eq3A : i32
          %jit3A_147 = arith.constant 1 : i32
          %select_n3A_148 = arith.select %eq3A_146, %jit3A_147, %jit3A_145 : i32
          %rem3A_149 = arith.remsi %scan3A_128, %select_n3A_148 : i32
          %ne3A_150 = arith.constant 0 : i32
          %ne3A_151 = arith.cmpi ne, %rem3A_149, %ne3A_150 : i32
          %lt3A_152 = arith.constant 0 : i32
          %lt3A_153 = arith.cmpi slt, %rem3A_149, %lt3A_152 : i32
          %lt3A_154 = arith.constant 0 : i32
          %lt3A_155 = arith.cmpi slt, %select_n3A_148, %lt3A_154 : i32
          %ne3A_156 = arith.xori %lt3A_153, %lt3A_155 : i1
          %and3A_157 = arith.andi %ne3A_156, %ne3A_151 : i1
          %add3A_158 = arith.addi %rem3A_149, %select_n3A_148 : i32
          %select_n3A_159 = arith.select %and3A_157, %add3A_158, %rem3A_149 : i32
          %mul3A_160 = arith.constant 16 : i32
          %mul3A_161 = arith.muli %select_n3A_159, %mul3A_160 : i32
          %get3A = arith.index_cast %select_n3A : i32 to index
          %get3A_162 = arith.index_cast %mul3A_161 : i32 to index
          %get3A_163 = tpu.vector_load %run_scoped3A_6[%get3A, %get3A_162] {strides = array<i32>} : memref<40x128xf32, #tpu.memory_space<vmem>>, vector<16xf32>,
          %get3A_164 = arith.index_cast %select_n3A : i32 to index
          %get3A_165 = arith.index_cast %mul3A_161 : i32 to index
          %get3A_166 = tpu.vector_load %run_scoped3A_5[%get3A_164, %get3A_165] {strides = array<i32>} : memref<40x128xf32, #tpu.memory_space<vmem>>, vector<16xf32>,
          %add3A_167 = arith.addf %get3A_163, %get3A_166 : vector<16xf32>
          %swap3A = arith.index_cast %select_n3A : i32 to index
          %swap3A_168 = arith.index_cast %mul3A_161 : i32 to index
          %swap3A_169 = tpu.vector_load %run_scoped3A_6[%swap3A, %swap3A_168] {strides = array<i32>} : memref<40x128xf32, #tpu.memory_space<vmem>>, vector<16xf32>,
          tpu.vector_store %run_scoped3A_6[%swap3A, %swap3A_168], %add3A_167 {strides = array<i32>} : memref<40x128xf32, #tpu.memory_space<vmem>>, vector<16xf32>,
        }
        %scan3A_86 = arith.constant 320 : i32
        %run_scoped3A_87 = arith.constant 11 : i32
        "tpu.region"() ({
          %run_scoped3A_128 = tpu.sem_alloc : memref<!tpu.dma_semaphore, #tpu.memory_space<semaphore_mem>>
          %dma_start3A = arith.constant 0 : i32
          %dma_start3A_129 = arith.constant 0 : i32
          %dma_start3A_130 = tpu.memref_slice %arg14[%run_scoped3A_87, %dma_start3A, %dma_start3A_129] : memref<16x320x128xf32, #tpu.memory_space<vmem_shared>> -> memref<1x320x128xf32, #tpu.memory_space<vmem_shared>>
          %dma_start3A_131 = tpu.memref_squeeze %dma_start3A_130 : memref<1x320x128xf32, #tpu.memory_space<vmem_shared>> -> memref<320x128xf32, #tpu.memory_space<vmem_shared>>
          %dma_start3A_132 = arith.constant 0 : i32
          %dma_start3A_133 = tpu.memref_slice %dma_start3A_131[%multiple_of3A, %dma_start3A_132] : memref<320x128xf32, #tpu.memory_space<vmem_shared>> -> memref<40x128xf32, #tpu.memory_space<vmem_shared>>
          %dma_start3A_134 = arith.constant 0 : i32
          %dma_start3A_135 = arith.constant 0 : i32
          %dma_start3A_136 = tpu.memref_slice %arg14[%run_scoped3A_87, %dma_start3A_134, %dma_start3A_135] : memref<16x320x128xf32, #tpu.memory_space<vmem_shared>> -> memref<1x320x128xf32, #tpu.memory_space<vmem_shared>>
          %dma_start3A_137 = tpu.memref_squeeze %dma_start3A_136 : memref<1x320x128xf32, #tpu.memory_space<vmem_shared>> -> memref<320x128xf32, #tpu.memory_space<vmem_shared>>
          %dma_start3A_138 = arith.constant 0 : i32
          %dma_start3A_139 = tpu.memref_slice %dma_start3A_137[%multiple_of3A, %dma_start3A_138] : memref<320x128xf32, #tpu.memory_space<vmem_shared>> -> memref<40x128xf32, #tpu.memory_space<vmem_shared>>
          tpu.enqueue_dma source(%dma_start3A_139 : memref<40x128xf32, #tpu.memory_space<vmem_shared>>) target(%run_scoped3A_5 : memref<40x128xf32, #tpu.memory_space<vmem>>) target_semaphore(%run_scoped3A_128 : memref<!tpu.dma_semaphore, #tpu.memory_space<semaphore_mem>>)
          %dma_wait3A = arith.constant 0 : i32
          %dma_wait3A_140 = arith.constant 0 : i32
          %dma_wait3A_141 = tpu.memref_slice %arg14[%run_scoped3A_87, %dma_wait3A, %dma_wait3A_140] : memref<16x320x128xf32, #tpu.memory_space<vmem_shared>> -> memref<1x320x128xf32, #tpu.memory_space<vmem_shared>>
          %dma_wait3A_142 = tpu.memref_squeeze %dma_wait3A_141 : memref<1x320x128xf32, #tpu.memory_space<vmem_shared>> -> memref<320x128xf32, #tpu.memory_space<vmem_shared>>
          %dma_wait3A_143 = arith.constant 0 : i32
          %dma_wait3A_144 = tpu.memref_slice %dma_wait3A_142[%multiple_of3A, %dma_wait3A_143] : memref<320x128xf32, #tpu.memory_space<vmem_shared>> -> memref<40x128xf32, #tpu.memory_space<vmem_shared>>
          %dma_wait3A_145 = arith.constant 0 : i32
          %dma_wait3A_146 = arith.constant 0 : i32
          %dma_wait3A_147 = tpu.memref_slice %arg14[%run_scoped3A_87, %dma_wait3A_145, %dma_wait3A_146] : memref<16x320x128xf32, #tpu.memory_space<vmem_shared>> -> memref<1x320x128xf32, #tpu.memory_space<vmem_shared>>
          %dma_wait3A_148 = tpu.memref_squeeze %dma_wait3A_147 : memref<1x320x128xf32, #tpu.memory_space<vmem_shared>> -> memref<320x128xf32, #tpu.memory_space<vmem_shared>>
          %dma_wait3A_149 = arith.constant 0 : i32
          %dma_wait3A_150 = tpu.memref_slice %dma_wait3A_148[%multiple_of3A, %dma_wait3A_149] : memref<320x128xf32, #tpu.memory_space<vmem_shared>> -> memref<40x128xf32, #tpu.memory_space<vmem_shared>>
          tpu.wait_dma2 semaphore(%run_scoped3A_128 : memref<!tpu.dma_semaphore, #tpu.memory_space<semaphore_mem>>) src(%dma_wait3A_150 : memref<40x128xf32, #tpu.memory_space<vmem_shared>>) dst(%run_scoped3A_5 : memref<40x128xf32, #tpu.memory_space<vmem>>)
          tpu.yield
        }) : () -> ()
        %scan3A_88 = arith.constant 0 : i32
        %scan3A_89 = arith.constant 0 : i32
        %scan3A_90 = arith.constant 320 : i32
        %scan3A_91 = arith.addi %scan3A_89, %scan3A_90 : i32
        %scan3A_92 = arith.constant 1 : i32
        scf.for %scan3A_128 = %scan3A_89 to %scan3A_91 step %scan3A_92  : i32 {
          %jit3A = arith.constant 8 : i32
          %div3A = arith.divsi %scan3A_128, %jit3A : i32
          %sign3A = arith.constant 0 : i32
          %sign3A_129 = arith.cmpi sgt, %scan3A_128, %sign3A : i32
          %sign3A_130 = arith.extui %sign3A_129 : i1 to i32
          %sign3A_131 = arith.constant 0 : i32
          %sign3A_132 = arith.cmpi slt, %scan3A_128, %sign3A_131 : i32
          %sign3A_133 = arith.extui %sign3A_132 : i1 to i32
          %sign3A_134 = arith.subi %sign3A_130, %sign3A_133 : i32
          %sign3A_135 = arith.constant 0 : i32
          %sign3A_136 = arith.cmpi sgt, %jit3A, %sign3A_135 : i32
          %sign3A_137 = arith.extui %sign3A_136 : i1 to i32
          %sign3A_138 = arith.constant 0 : i32
          %sign3A_139 = arith.cmpi slt, %jit3A, %sign3A_138 : i32
          %sign3A_140 = arith.extui %sign3A_139 : i1 to i32
          %sign3A_141 = arith.subi %sign3A_137, %sign3A_140 : i32
          %ne3A = arith.cmpi ne, %sign3A_134, %sign3A_141 : i32
          %rem3A = arith.remsi %scan3A_128, %jit3A : i32
          %ne3A_142 = arith.constant 0 : i32
          %ne3A_143 = arith.cmpi ne, %rem3A, %ne3A_142 : i32
          %and3A = arith.andi %ne3A, %ne3A_143 : i1
          %sub3A = arith.constant 1 : i32
          %sub3A_144 = arith.subi %div3A, %sub3A : i32
          %select_n3A = arith.select %and3A, %sub3A_144, %div3A : i32
          %jit3A_145 = arith.constant 8 : i32
          %eq3A = arith.constant 0 : i32
          %eq3A_146 = arith.cmpi eq, %jit3A_145, %eq3A : i32
          %jit3A_147 = arith.constant 1 : i32
          %select_n3A_148 = arith.select %eq3A_146, %jit3A_147, %jit3A_145 : i32
          %rem3A_149 = arith.remsi %scan3A_128, %select_n3A_148 : i32
          %ne3A_150 = arith.constant 0 : i32
          %ne3A_151 = arith.cmpi ne, %rem3A_149, %ne3A_150 : i32
          %lt3A_152 = arith.constant 0 : i32
          %lt3A_153 = arith.cmpi slt, %rem3A_149, %lt3A_152 : i32
          %lt3A_154 = arith.constant 0 : i32
          %lt3A_155 = arith.cmpi slt, %select_n3A_148, %lt3A_154 : i32
          %ne3A_156 = arith.xori %lt3A_153, %lt3A_155 : i1
          %and3A_157 = arith.andi %ne3A_156, %ne3A_151 : i1
          %add3A_158 = arith.addi %rem3A_149, %select_n3A_148 : i32
          %select_n3A_159 = arith.select %and3A_157, %add3A_158, %rem3A_149 : i32
          %mul3A_160 = arith.constant 16 : i32
          %mul3A_161 = arith.muli %select_n3A_159, %mul3A_160 : i32
          %get3A = arith.index_cast %select_n3A : i32 to index
          %get3A_162 = arith.index_cast %mul3A_161 : i32 to index
          %get3A_163 = tpu.vector_load %run_scoped3A_6[%get3A, %get3A_162] {strides = array<i32>} : memref<40x128xf32, #tpu.memory_space<vmem>>, vector<16xf32>,
          %get3A_164 = arith.index_cast %select_n3A : i32 to index
          %get3A_165 = arith.index_cast %mul3A_161 : i32 to index
          %get3A_166 = tpu.vector_load %run_scoped3A_5[%get3A_164, %get3A_165] {strides = array<i32>} : memref<40x128xf32, #tpu.memory_space<vmem>>, vector<16xf32>,
          %add3A_167 = arith.addf %get3A_163, %get3A_166 : vector<16xf32>
          %swap3A = arith.index_cast %select_n3A : i32 to index
          %swap3A_168 = arith.index_cast %mul3A_161 : i32 to index
          %swap3A_169 = tpu.vector_load %run_scoped3A_6[%swap3A, %swap3A_168] {strides = array<i32>} : memref<40x128xf32, #tpu.memory_space<vmem>>, vector<16xf32>,
          tpu.vector_store %run_scoped3A_6[%swap3A, %swap3A_168], %add3A_167 {strides = array<i32>} : memref<40x128xf32, #tpu.memory_space<vmem>>, vector<16xf32>,
        }
        %scan3A_93 = arith.constant 320 : i32
        %run_scoped3A_94 = arith.constant 12 : i32
        "tpu.region"() ({
          %run_scoped3A_128 = tpu.sem_alloc : memref<!tpu.dma_semaphore, #tpu.memory_space<semaphore_mem>>
          %dma_start3A = arith.constant 0 : i32
          %dma_start3A_129 = arith.constant 0 : i32
          %dma_start3A_130 = tpu.memref_slice %arg14[%run_scoped3A_94, %dma_start3A, %dma_start3A_129] : memref<16x320x128xf32, #tpu.memory_space<vmem_shared>> -> memref<1x320x128xf32, #tpu.memory_space<vmem_shared>>
          %dma_start3A_131 = tpu.memref_squeeze %dma_start3A_130 : memref<1x320x128xf32, #tpu.memory_space<vmem_shared>> -> memref<320x128xf32, #tpu.memory_space<vmem_shared>>
          %dma_start3A_132 = arith.constant 0 : i32
          %dma_start3A_133 = tpu.memref_slice %dma_start3A_131[%multiple_of3A, %dma_start3A_132] : memref<320x128xf32, #tpu.memory_space<vmem_shared>> -> memref<40x128xf32, #tpu.memory_space<vmem_shared>>
          %dma_start3A_134 = arith.constant 0 : i32
          %dma_start3A_135 = arith.constant 0 : i32
          %dma_start3A_136 = tpu.memref_slice %arg14[%run_scoped3A_94, %dma_start3A_134, %dma_start3A_135] : memref<16x320x128xf32, #tpu.memory_space<vmem_shared>> -> memref<1x320x128xf32, #tpu.memory_space<vmem_shared>>
          %dma_start3A_137 = tpu.memref_squeeze %dma_start3A_136 : memref<1x320x128xf32, #tpu.memory_space<vmem_shared>> -> memref<320x128xf32, #tpu.memory_space<vmem_shared>>
          %dma_start3A_138 = arith.constant 0 : i32
          %dma_start3A_139 = tpu.memref_slice %dma_start3A_137[%multiple_of3A, %dma_start3A_138] : memref<320x128xf32, #tpu.memory_space<vmem_shared>> -> memref<40x128xf32, #tpu.memory_space<vmem_shared>>
          tpu.enqueue_dma source(%dma_start3A_139 : memref<40x128xf32, #tpu.memory_space<vmem_shared>>) target(%run_scoped3A_5 : memref<40x128xf32, #tpu.memory_space<vmem>>) target_semaphore(%run_scoped3A_128 : memref<!tpu.dma_semaphore, #tpu.memory_space<semaphore_mem>>)
          %dma_wait3A = arith.constant 0 : i32
          %dma_wait3A_140 = arith.constant 0 : i32
          %dma_wait3A_141 = tpu.memref_slice %arg14[%run_scoped3A_94, %dma_wait3A, %dma_wait3A_140] : memref<16x320x128xf32, #tpu.memory_space<vmem_shared>> -> memref<1x320x128xf32, #tpu.memory_space<vmem_shared>>
          %dma_wait3A_142 = tpu.memref_squeeze %dma_wait3A_141 : memref<1x320x128xf32, #tpu.memory_space<vmem_shared>> -> memref<320x128xf32, #tpu.memory_space<vmem_shared>>
          %dma_wait3A_143 = arith.constant 0 : i32
          %dma_wait3A_144 = tpu.memref_slice %dma_wait3A_142[%multiple_of3A, %dma_wait3A_143] : memref<320x128xf32, #tpu.memory_space<vmem_shared>> -> memref<40x128xf32, #tpu.memory_space<vmem_shared>>
          %dma_wait3A_145 = arith.constant 0 : i32
          %dma_wait3A_146 = arith.constant 0 : i32
          %dma_wait3A_147 = tpu.memref_slice %arg14[%run_scoped3A_94, %dma_wait3A_145, %dma_wait3A_146] : memref<16x320x128xf32, #tpu.memory_space<vmem_shared>> -> memref<1x320x128xf32, #tpu.memory_space<vmem_shared>>
          %dma_wait3A_148 = tpu.memref_squeeze %dma_wait3A_147 : memref<1x320x128xf32, #tpu.memory_space<vmem_shared>> -> memref<320x128xf32, #tpu.memory_space<vmem_shared>>
          %dma_wait3A_149 = arith.constant 0 : i32
          %dma_wait3A_150 = tpu.memref_slice %dma_wait3A_148[%multiple_of3A, %dma_wait3A_149] : memref<320x128xf32, #tpu.memory_space<vmem_shared>> -> memref<40x128xf32, #tpu.memory_space<vmem_shared>>
          tpu.wait_dma2 semaphore(%run_scoped3A_128 : memref<!tpu.dma_semaphore, #tpu.memory_space<semaphore_mem>>) src(%dma_wait3A_150 : memref<40x128xf32, #tpu.memory_space<vmem_shared>>) dst(%run_scoped3A_5 : memref<40x128xf32, #tpu.memory_space<vmem>>)
          tpu.yield
        }) : () -> ()
        %scan3A_95 = arith.constant 0 : i32
        %scan3A_96 = arith.constant 0 : i32
        %scan3A_97 = arith.constant 320 : i32
        %scan3A_98 = arith.addi %scan3A_96, %scan3A_97 : i32
        %scan3A_99 = arith.constant 1 : i32
        scf.for %scan3A_128 = %scan3A_96 to %scan3A_98 step %scan3A_99  : i32 {
          %jit3A = arith.constant 8 : i32
          %div3A = arith.divsi %scan3A_128, %jit3A : i32
          %sign3A = arith.constant 0 : i32
          %sign3A_129 = arith.cmpi sgt, %scan3A_128, %sign3A : i32
          %sign3A_130 = arith.extui %sign3A_129 : i1 to i32
          %sign3A_131 = arith.constant 0 : i32
          %sign3A_132 = arith.cmpi slt, %scan3A_128, %sign3A_131 : i32
          %sign3A_133 = arith.extui %sign3A_132 : i1 to i32
          %sign3A_134 = arith.subi %sign3A_130, %sign3A_133 : i32
          %sign3A_135 = arith.constant 0 : i32
          %sign3A_136 = arith.cmpi sgt, %jit3A, %sign3A_135 : i32
          %sign3A_137 = arith.extui %sign3A_136 : i1 to i32
          %sign3A_138 = arith.constant 0 : i32
          %sign3A_139 = arith.cmpi slt, %jit3A, %sign3A_138 : i32
          %sign3A_140 = arith.extui %sign3A_139 : i1 to i32
          %sign3A_141 = arith.subi %sign3A_137, %sign3A_140 : i32
          %ne3A = arith.cmpi ne, %sign3A_134, %sign3A_141 : i32
          %rem3A = arith.remsi %scan3A_128, %jit3A : i32
          %ne3A_142 = arith.constant 0 : i32
          %ne3A_143 = arith.cmpi ne, %rem3A, %ne3A_142 : i32
          %and3A = arith.andi %ne3A, %ne3A_143 : i1
          %sub3A = arith.constant 1 : i32
          %sub3A_144 = arith.subi %div3A, %sub3A : i32
          %select_n3A = arith.select %and3A, %sub3A_144, %div3A : i32
          %jit3A_145 = arith.constant 8 : i32
          %eq3A = arith.constant 0 : i32
          %eq3A_146 = arith.cmpi eq, %jit3A_145, %eq3A : i32
          %jit3A_147 = arith.constant 1 : i32
          %select_n3A_148 = arith.select %eq3A_146, %jit3A_147, %jit3A_145 : i32
          %rem3A_149 = arith.remsi %scan3A_128, %select_n3A_148 : i32
          %ne3A_150 = arith.constant 0 : i32
          %ne3A_151 = arith.cmpi ne, %rem3A_149, %ne3A_150 : i32
          %lt3A_152 = arith.constant 0 : i32
          %lt3A_153 = arith.cmpi slt, %rem3A_149, %lt3A_152 : i32
          %lt3A_154 = arith.constant 0 : i32
          %lt3A_155 = arith.cmpi slt, %select_n3A_148, %lt3A_154 : i32
          %ne3A_156 = arith.xori %lt3A_153, %lt3A_155 : i1
          %and3A_157 = arith.andi %ne3A_156, %ne3A_151 : i1
          %add3A_158 = arith.addi %rem3A_149, %select_n3A_148 : i32
          %select_n3A_159 = arith.select %and3A_157, %add3A_158, %rem3A_149 : i32
          %mul3A_160 = arith.constant 16 : i32
          %mul3A_161 = arith.muli %select_n3A_159, %mul3A_160 : i32
          %get3A = arith.index_cast %select_n3A : i32 to index
          %get3A_162 = arith.index_cast %mul3A_161 : i32 to index
          %get3A_163 = tpu.vector_load %run_scoped3A_6[%get3A, %get3A_162] {strides = array<i32>} : memref<40x128xf32, #tpu.memory_space<vmem>>, vector<16xf32>,
          %get3A_164 = arith.index_cast %select_n3A : i32 to index
          %get3A_165 = arith.index_cast %mul3A_161 : i32 to index
          %get3A_166 = tpu.vector_load %run_scoped3A_5[%get3A_164, %get3A_165] {strides = array<i32>} : memref<40x128xf32, #tpu.memory_space<vmem>>, vector<16xf32>,
          %add3A_167 = arith.addf %get3A_163, %get3A_166 : vector<16xf32>
          %swap3A = arith.index_cast %select_n3A : i32 to index
          %swap3A_168 = arith.index_cast %mul3A_161 : i32 to index
          %swap3A_169 = tpu.vector_load %run_scoped3A_6[%swap3A, %swap3A_168] {strides = array<i32>} : memref<40x128xf32, #tpu.memory_space<vmem>>, vector<16xf32>,
          tpu.vector_store %run_scoped3A_6[%swap3A, %swap3A_168], %add3A_167 {strides = array<i32>} : memref<40x128xf32, #tpu.memory_space<vmem>>, vector<16xf32>,
        }
        %scan3A_100 = arith.constant 320 : i32
        %run_scoped3A_101 = arith.constant 13 : i32
        "tpu.region"() ({
          %run_scoped3A_128 = tpu.sem_alloc : memref<!tpu.dma_semaphore, #tpu.memory_space<semaphore_mem>>
          %dma_start3A = arith.constant 0 : i32
          %dma_start3A_129 = arith.constant 0 : i32
          %dma_start3A_130 = tpu.memref_slice %arg14[%run_scoped3A_101, %dma_start3A, %dma_start3A_129] : memref<16x320x128xf32, #tpu.memory_space<vmem_shared>> -> memref<1x320x128xf32, #tpu.memory_space<vmem_shared>>
          %dma_start3A_131 = tpu.memref_squeeze %dma_start3A_130 : memref<1x320x128xf32, #tpu.memory_space<vmem_shared>> -> memref<320x128xf32, #tpu.memory_space<vmem_shared>>
          %dma_start3A_132 = arith.constant 0 : i32
          %dma_start3A_133 = tpu.memref_slice %dma_start3A_131[%multiple_of3A, %dma_start3A_132] : memref<320x128xf32, #tpu.memory_space<vmem_shared>> -> memref<40x128xf32, #tpu.memory_space<vmem_shared>>
          %dma_start3A_134 = arith.constant 0 : i32
          %dma_start3A_135 = arith.constant 0 : i32
          %dma_start3A_136 = tpu.memref_slice %arg14[%run_scoped3A_101, %dma_start3A_134, %dma_start3A_135] : memref<16x320x128xf32, #tpu.memory_space<vmem_shared>> -> memref<1x320x128xf32, #tpu.memory_space<vmem_shared>>
          %dma_start3A_137 = tpu.memref_squeeze %dma_start3A_136 : memref<1x320x128xf32, #tpu.memory_space<vmem_shared>> -> memref<320x128xf32, #tpu.memory_space<vmem_shared>>
          %dma_start3A_138 = arith.constant 0 : i32
          %dma_start3A_139 = tpu.memref_slice %dma_start3A_137[%multiple_of3A, %dma_start3A_138] : memref<320x128xf32, #tpu.memory_space<vmem_shared>> -> memref<40x128xf32, #tpu.memory_space<vmem_shared>>
          tpu.enqueue_dma source(%dma_start3A_139 : memref<40x128xf32, #tpu.memory_space<vmem_shared>>) target(%run_scoped3A_5 : memref<40x128xf32, #tpu.memory_space<vmem>>) target_semaphore(%run_scoped3A_128 : memref<!tpu.dma_semaphore, #tpu.memory_space<semaphore_mem>>)
          %dma_wait3A = arith.constant 0 : i32
          %dma_wait3A_140 = arith.constant 0 : i32
          %dma_wait3A_141 = tpu.memref_slice %arg14[%run_scoped3A_101, %dma_wait3A, %dma_wait3A_140] : memref<16x320x128xf32, #tpu.memory_space<vmem_shared>> -> memref<1x320x128xf32, #tpu.memory_space<vmem_shared>>
          %dma_wait3A_142 = tpu.memref_squeeze %dma_wait3A_141 : memref<1x320x128xf32, #tpu.memory_space<vmem_shared>> -> memref<320x128xf32, #tpu.memory_space<vmem_shared>>
          %dma_wait3A_143 = arith.constant 0 : i32
          %dma_wait3A_144 = tpu.memref_slice %dma_wait3A_142[%multiple_of3A, %dma_wait3A_143] : memref<320x128xf32, #tpu.memory_space<vmem_shared>> -> memref<40x128xf32, #tpu.memory_space<vmem_shared>>
          %dma_wait3A_145 = arith.constant 0 : i32
          %dma_wait3A_146 = arith.constant 0 : i32
          %dma_wait3A_147 = tpu.memref_slice %arg14[%run_scoped3A_101, %dma_wait3A_145, %dma_wait3A_146] : memref<16x320x128xf32, #tpu.memory_space<vmem_shared>> -> memref<1x320x128xf32, #tpu.memory_space<vmem_shared>>
          %dma_wait3A_148 = tpu.memref_squeeze %dma_wait3A_147 : memref<1x320x128xf32, #tpu.memory_space<vmem_shared>> -> memref<320x128xf32, #tpu.memory_space<vmem_shared>>
          %dma_wait3A_149 = arith.constant 0 : i32
          %dma_wait3A_150 = tpu.memref_slice %dma_wait3A_148[%multiple_of3A, %dma_wait3A_149] : memref<320x128xf32, #tpu.memory_space<vmem_shared>> -> memref<40x128xf32, #tpu.memory_space<vmem_shared>>
          tpu.wait_dma2 semaphore(%run_scoped3A_128 : memref<!tpu.dma_semaphore, #tpu.memory_space<semaphore_mem>>) src(%dma_wait3A_150 : memref<40x128xf32, #tpu.memory_space<vmem_shared>>) dst(%run_scoped3A_5 : memref<40x128xf32, #tpu.memory_space<vmem>>)
          tpu.yield
        }) : () -> ()
        %scan3A_102 = arith.constant 0 : i32
        %scan3A_103 = arith.constant 0 : i32
        %scan3A_104 = arith.constant 320 : i32
        %scan3A_105 = arith.addi %scan3A_103, %scan3A_104 : i32
        %scan3A_106 = arith.constant 1 : i32
        scf.for %scan3A_128 = %scan3A_103 to %scan3A_105 step %scan3A_106  : i32 {
          %jit3A = arith.constant 8 : i32
          %div3A = arith.divsi %scan3A_128, %jit3A : i32
          %sign3A = arith.constant 0 : i32
          %sign3A_129 = arith.cmpi sgt, %scan3A_128, %sign3A : i32
          %sign3A_130 = arith.extui %sign3A_129 : i1 to i32
          %sign3A_131 = arith.constant 0 : i32
          %sign3A_132 = arith.cmpi slt, %scan3A_128, %sign3A_131 : i32
          %sign3A_133 = arith.extui %sign3A_132 : i1 to i32
          %sign3A_134 = arith.subi %sign3A_130, %sign3A_133 : i32
          %sign3A_135 = arith.constant 0 : i32
          %sign3A_136 = arith.cmpi sgt, %jit3A, %sign3A_135 : i32
          %sign3A_137 = arith.extui %sign3A_136 : i1 to i32
          %sign3A_138 = arith.constant 0 : i32
          %sign3A_139 = arith.cmpi slt, %jit3A, %sign3A_138 : i32
          %sign3A_140 = arith.extui %sign3A_139 : i1 to i32
          %sign3A_141 = arith.subi %sign3A_137, %sign3A_140 : i32
          %ne3A = arith.cmpi ne, %sign3A_134, %sign3A_141 : i32
          %rem3A = arith.remsi %scan3A_128, %jit3A : i32
          %ne3A_142 = arith.constant 0 : i32
          %ne3A_143 = arith.cmpi ne, %rem3A, %ne3A_142 : i32
          %and3A = arith.andi %ne3A, %ne3A_143 : i1
          %sub3A = arith.constant 1 : i32
          %sub3A_144 = arith.subi %div3A, %sub3A : i32
          %select_n3A = arith.select %and3A, %sub3A_144, %div3A : i32
          %jit3A_145 = arith.constant 8 : i32
          %eq3A = arith.constant 0 : i32
          %eq3A_146 = arith.cmpi eq, %jit3A_145, %eq3A : i32
          %jit3A_147 = arith.constant 1 : i32
          %select_n3A_148 = arith.select %eq3A_146, %jit3A_147, %jit3A_145 : i32
          %rem3A_149 = arith.remsi %scan3A_128, %select_n3A_148 : i32
          %ne3A_150 = arith.constant 0 : i32
          %ne3A_151 = arith.cmpi ne, %rem3A_149, %ne3A_150 : i32
          %lt3A_152 = arith.constant 0 : i32
          %lt3A_153 = arith.cmpi slt, %rem3A_149, %lt3A_152 : i32
          %lt3A_154 = arith.constant 0 : i32
          %lt3A_155 = arith.cmpi slt, %select_n3A_148, %lt3A_154 : i32
          %ne3A_156 = arith.xori %lt3A_153, %lt3A_155 : i1
          %and3A_157 = arith.andi %ne3A_156, %ne3A_151 : i1
          %add3A_158 = arith.addi %rem3A_149, %select_n3A_148 : i32
          %select_n3A_159 = arith.select %and3A_157, %add3A_158, %rem3A_149 : i32
          %mul3A_160 = arith.constant 16 : i32
          %mul3A_161 = arith.muli %select_n3A_159, %mul3A_160 : i32
          %get3A = arith.index_cast %select_n3A : i32 to index
          %get3A_162 = arith.index_cast %mul3A_161 : i32 to index
          %get3A_163 = tpu.vector_load %run_scoped3A_6[%get3A, %get3A_162] {strides = array<i32>} : memref<40x128xf32, #tpu.memory_space<vmem>>, vector<16xf32>,
          %get3A_164 = arith.index_cast %select_n3A : i32 to index
          %get3A_165 = arith.index_cast %mul3A_161 : i32 to index
          %get3A_166 = tpu.vector_load %run_scoped3A_5[%get3A_164, %get3A_165] {strides = array<i32>} : memref<40x128xf32, #tpu.memory_space<vmem>>, vector<16xf32>,
          %add3A_167 = arith.addf %get3A_163, %get3A_166 : vector<16xf32>
          %swap3A = arith.index_cast %select_n3A : i32 to index
          %swap3A_168 = arith.index_cast %mul3A_161 : i32 to index
          %swap3A_169 = tpu.vector_load %run_scoped3A_6[%swap3A, %swap3A_168] {strides = array<i32>} : memref<40x128xf32, #tpu.memory_space<vmem>>, vector<16xf32>,
          tpu.vector_store %run_scoped3A_6[%swap3A, %swap3A_168], %add3A_167 {strides = array<i32>} : memref<40x128xf32, #tpu.memory_space<vmem>>, vector<16xf32>,
        }
        %scan3A_107 = arith.constant 320 : i32
        %run_scoped3A_108 = arith.constant 14 : i32
        "tpu.region"() ({
          %run_scoped3A_128 = tpu.sem_alloc : memref<!tpu.dma_semaphore, #tpu.memory_space<semaphore_mem>>
          %dma_start3A = arith.constant 0 : i32
          %dma_start3A_129 = arith.constant 0 : i32
          %dma_start3A_130 = tpu.memref_slice %arg14[%run_scoped3A_108, %dma_start3A, %dma_start3A_129] : memref<16x320x128xf32, #tpu.memory_space<vmem_shared>> -> memref<1x320x128xf32, #tpu.memory_space<vmem_shared>>
          %dma_start3A_131 = tpu.memref_squeeze %dma_start3A_130 : memref<1x320x128xf32, #tpu.memory_space<vmem_shared>> -> memref<320x128xf32, #tpu.memory_space<vmem_shared>>
          %dma_start3A_132 = arith.constant 0 : i32
          %dma_start3A_133 = tpu.memref_slice %dma_start3A_131[%multiple_of3A, %dma_start3A_132] : memref<320x128xf32, #tpu.memory_space<vmem_shared>> -> memref<40x128xf32, #tpu.memory_space<vmem_shared>>
          %dma_start3A_134 = arith.constant 0 : i32
          %dma_start3A_135 = arith.constant 0 : i32
          %dma_start3A_136 = tpu.memref_slice %arg14[%run_scoped3A_108, %dma_start3A_134, %dma_start3A_135] : memref<16x320x128xf32, #tpu.memory_space<vmem_shared>> -> memref<1x320x128xf32, #tpu.memory_space<vmem_shared>>
          %dma_start3A_137 = tpu.memref_squeeze %dma_start3A_136 : memref<1x320x128xf32, #tpu.memory_space<vmem_shared>> -> memref<320x128xf32, #tpu.memory_space<vmem_shared>>
          %dma_start3A_138 = arith.constant 0 : i32
          %dma_start3A_139 = tpu.memref_slice %dma_start3A_137[%multiple_of3A, %dma_start3A_138] : memref<320x128xf32, #tpu.memory_space<vmem_shared>> -> memref<40x128xf32, #tpu.memory_space<vmem_shared>>
          tpu.enqueue_dma source(%dma_start3A_139 : memref<40x128xf32, #tpu.memory_space<vmem_shared>>) target(%run_scoped3A_5 : memref<40x128xf32, #tpu.memory_space<vmem>>) target_semaphore(%run_scoped3A_128 : memref<!tpu.dma_semaphore, #tpu.memory_space<semaphore_mem>>)
          %dma_wait3A = arith.constant 0 : i32
          %dma_wait3A_140 = arith.constant 0 : i32
          %dma_wait3A_141 = tpu.memref_slice %arg14[%run_scoped3A_108, %dma_wait3A, %dma_wait3A_140] : memref<16x320x128xf32, #tpu.memory_space<vmem_shared>> -> memref<1x320x128xf32, #tpu.memory_space<vmem_shared>>
          %dma_wait3A_142 = tpu.memref_squeeze %dma_wait3A_141 : memref<1x320x128xf32, #tpu.memory_space<vmem_shared>> -> memref<320x128xf32, #tpu.memory_space<vmem_shared>>
          %dma_wait3A_143 = arith.constant 0 : i32
          %dma_wait3A_144 = tpu.memref_slice %dma_wait3A_142[%multiple_of3A, %dma_wait3A_143] : memref<320x128xf32, #tpu.memory_space<vmem_shared>> -> memref<40x128xf32, #tpu.memory_space<vmem_shared>>
          %dma_wait3A_145 = arith.constant 0 : i32
          %dma_wait3A_146 = arith.constant 0 : i32
          %dma_wait3A_147 = tpu.memref_slice %arg14[%run_scoped3A_108, %dma_wait3A_145, %dma_wait3A_146] : memref<16x320x128xf32, #tpu.memory_space<vmem_shared>> -> memref<1x320x128xf32, #tpu.memory_space<vmem_shared>>
          %dma_wait3A_148 = tpu.memref_squeeze %dma_wait3A_147 : memref<1x320x128xf32, #tpu.memory_space<vmem_shared>> -> memref<320x128xf32, #tpu.memory_space<vmem_shared>>
          %dma_wait3A_149 = arith.constant 0 : i32
          %dma_wait3A_150 = tpu.memref_slice %dma_wait3A_148[%multiple_of3A, %dma_wait3A_149] : memref<320x128xf32, #tpu.memory_space<vmem_shared>> -> memref<40x128xf32, #tpu.memory_space<vmem_shared>>
          tpu.wait_dma2 semaphore(%run_scoped3A_128 : memref<!tpu.dma_semaphore, #tpu.memory_space<semaphore_mem>>) src(%dma_wait3A_150 : memref<40x128xf32, #tpu.memory_space<vmem_shared>>) dst(%run_scoped3A_5 : memref<40x128xf32, #tpu.memory_space<vmem>>)
          tpu.yield
        }) : () -> ()
        %scan3A_109 = arith.constant 0 : i32
        %scan3A_110 = arith.constant 0 : i32
        %scan3A_111 = arith.constant 320 : i32
        %scan3A_112 = arith.addi %scan3A_110, %scan3A_111 : i32
        %scan3A_113 = arith.constant 1 : i32
        scf.for %scan3A_128 = %scan3A_110 to %scan3A_112 step %scan3A_113  : i32 {
          %jit3A = arith.constant 8 : i32
          %div3A = arith.divsi %scan3A_128, %jit3A : i32
          %sign3A = arith.constant 0 : i32
          %sign3A_129 = arith.cmpi sgt, %scan3A_128, %sign3A : i32
          %sign3A_130 = arith.extui %sign3A_129 : i1 to i32
          %sign3A_131 = arith.constant 0 : i32
          %sign3A_132 = arith.cmpi slt, %scan3A_128, %sign3A_131 : i32
          %sign3A_133 = arith.extui %sign3A_132 : i1 to i32
          %sign3A_134 = arith.subi %sign3A_130, %sign3A_133 : i32
          %sign3A_135 = arith.constant 0 : i32
          %sign3A_136 = arith.cmpi sgt, %jit3A, %sign3A_135 : i32
          %sign3A_137 = arith.extui %sign3A_136 : i1 to i32
          %sign3A_138 = arith.constant 0 : i32
          %sign3A_139 = arith.cmpi slt, %jit3A, %sign3A_138 : i32
          %sign3A_140 = arith.extui %sign3A_139 : i1 to i32
          %sign3A_141 = arith.subi %sign3A_137, %sign3A_140 : i32
          %ne3A = arith.cmpi ne, %sign3A_134, %sign3A_141 : i32
          %rem3A = arith.remsi %scan3A_128, %jit3A : i32
          %ne3A_142 = arith.constant 0 : i32
          %ne3A_143 = arith.cmpi ne, %rem3A, %ne3A_142 : i32
          %and3A = arith.andi %ne3A, %ne3A_143 : i1
          %sub3A = arith.constant 1 : i32
          %sub3A_144 = arith.subi %div3A, %sub3A : i32
          %select_n3A = arith.select %and3A, %sub3A_144, %div3A : i32
          %jit3A_145 = arith.constant 8 : i32
          %eq3A = arith.constant 0 : i32
          %eq3A_146 = arith.cmpi eq, %jit3A_145, %eq3A : i32
          %jit3A_147 = arith.constant 1 : i32
          %select_n3A_148 = arith.select %eq3A_146, %jit3A_147, %jit3A_145 : i32
          %rem3A_149 = arith.remsi %scan3A_128, %select_n3A_148 : i32
          %ne3A_150 = arith.constant 0 : i32
          %ne3A_151 = arith.cmpi ne, %rem3A_149, %ne3A_150 : i32
          %lt3A_152 = arith.constant 0 : i32
          %lt3A_153 = arith.cmpi slt, %rem3A_149, %lt3A_152 : i32
          %lt3A_154 = arith.constant 0 : i32
          %lt3A_155 = arith.cmpi slt, %select_n3A_148, %lt3A_154 : i32
          %ne3A_156 = arith.xori %lt3A_153, %lt3A_155 : i1
          %and3A_157 = arith.andi %ne3A_156, %ne3A_151 : i1
          %add3A_158 = arith.addi %rem3A_149, %select_n3A_148 : i32
          %select_n3A_159 = arith.select %and3A_157, %add3A_158, %rem3A_149 : i32
          %mul3A_160 = arith.constant 16 : i32
          %mul3A_161 = arith.muli %select_n3A_159, %mul3A_160 : i32
          %get3A = arith.index_cast %select_n3A : i32 to index
          %get3A_162 = arith.index_cast %mul3A_161 : i32 to index
          %get3A_163 = tpu.vector_load %run_scoped3A_6[%get3A, %get3A_162] {strides = array<i32>} : memref<40x128xf32, #tpu.memory_space<vmem>>, vector<16xf32>,
          %get3A_164 = arith.index_cast %select_n3A : i32 to index
          %get3A_165 = arith.index_cast %mul3A_161 : i32 to index
          %get3A_166 = tpu.vector_load %run_scoped3A_5[%get3A_164, %get3A_165] {strides = array<i32>} : memref<40x128xf32, #tpu.memory_space<vmem>>, vector<16xf32>,
          %add3A_167 = arith.addf %get3A_163, %get3A_166 : vector<16xf32>
          %swap3A = arith.index_cast %select_n3A : i32 to index
          %swap3A_168 = arith.index_cast %mul3A_161 : i32 to index
          %swap3A_169 = tpu.vector_load %run_scoped3A_6[%swap3A, %swap3A_168] {strides = array<i32>} : memref<40x128xf32, #tpu.memory_space<vmem>>, vector<16xf32>,
          tpu.vector_store %run_scoped3A_6[%swap3A, %swap3A_168], %add3A_167 {strides = array<i32>} : memref<40x128xf32, #tpu.memory_space<vmem>>, vector<16xf32>,
        }
        %scan3A_114 = arith.constant 320 : i32
        %run_scoped3A_115 = arith.constant 15 : i32
        "tpu.region"() ({
          %run_scoped3A_128 = tpu.sem_alloc : memref<!tpu.dma_semaphore, #tpu.memory_space<semaphore_mem>>
          %dma_start3A = arith.constant 0 : i32
          %dma_start3A_129 = arith.constant 0 : i32
          %dma_start3A_130 = tpu.memref_slice %arg14[%run_scoped3A_115, %dma_start3A, %dma_start3A_129] : memref<16x320x128xf32, #tpu.memory_space<vmem_shared>> -> memref<1x320x128xf32, #tpu.memory_space<vmem_shared>>
          %dma_start3A_131 = tpu.memref_squeeze %dma_start3A_130 : memref<1x320x128xf32, #tpu.memory_space<vmem_shared>> -> memref<320x128xf32, #tpu.memory_space<vmem_shared>>
          %dma_start3A_132 = arith.constant 0 : i32
          %dma_start3A_133 = tpu.memref_slice %dma_start3A_131[%multiple_of3A, %dma_start3A_132] : memref<320x128xf32, #tpu.memory_space<vmem_shared>> -> memref<40x128xf32, #tpu.memory_space<vmem_shared>>
          %dma_start3A_134 = arith.constant 0 : i32
          %dma_start3A_135 = arith.constant 0 : i32
          %dma_start3A_136 = tpu.memref_slice %arg14[%run_scoped3A_115, %dma_start3A_134, %dma_start3A_135] : memref<16x320x128xf32, #tpu.memory_space<vmem_shared>> -> memref<1x320x128xf32, #tpu.memory_space<vmem_shared>>
          %dma_start3A_137 = tpu.memref_squeeze %dma_start3A_136 : memref<1x320x128xf32, #tpu.memory_space<vmem_shared>> -> memref<320x128xf32, #tpu.memory_space<vmem_shared>>
          %dma_start3A_138 = arith.constant 0 : i32
          %dma_start3A_139 = tpu.memref_slice %dma_start3A_137[%multiple_of3A, %dma_start3A_138] : memref<320x128xf32, #tpu.memory_space<vmem_shared>> -> memref<40x128xf32, #tpu.memory_space<vmem_shared>>
          tpu.enqueue_dma source(%dma_start3A_139 : memref<40x128xf32, #tpu.memory_space<vmem_shared>>) target(%run_scoped3A_5 : memref<40x128xf32, #tpu.memory_space<vmem>>) target_semaphore(%run_scoped3A_128 : memref<!tpu.dma_semaphore, #tpu.memory_space<semaphore_mem>>)
          %dma_wait3A = arith.constant 0 : i32
          %dma_wait3A_140 = arith.constant 0 : i32
          %dma_wait3A_141 = tpu.memref_slice %arg14[%run_scoped3A_115, %dma_wait3A, %dma_wait3A_140] : memref<16x320x128xf32, #tpu.memory_space<vmem_shared>> -> memref<1x320x128xf32, #tpu.memory_space<vmem_shared>>
          %dma_wait3A_142 = tpu.memref_squeeze %dma_wait3A_141 : memref<1x320x128xf32, #tpu.memory_space<vmem_shared>> -> memref<320x128xf32, #tpu.memory_space<vmem_shared>>
          %dma_wait3A_143 = arith.constant 0 : i32
          %dma_wait3A_144 = tpu.memref_slice %dma_wait3A_142[%multiple_of3A, %dma_wait3A_143] : memref<320x128xf32, #tpu.memory_space<vmem_shared>> -> memref<40x128xf32, #tpu.memory_space<vmem_shared>>
          %dma_wait3A_145 = arith.constant 0 : i32
          %dma_wait3A_146 = arith.constant 0 : i32
          %dma_wait3A_147 = tpu.memref_slice %arg14[%run_scoped3A_115, %dma_wait3A_145, %dma_wait3A_146] : memref<16x320x128xf32, #tpu.memory_space<vmem_shared>> -> memref<1x320x128xf32, #tpu.memory_space<vmem_shared>>
          %dma_wait3A_148 = tpu.memref_squeeze %dma_wait3A_147 : memref<1x320x128xf32, #tpu.memory_space<vmem_shared>> -> memref<320x128xf32, #tpu.memory_space<vmem_shared>>
          %dma_wait3A_149 = arith.constant 0 : i32
          %dma_wait3A_150 = tpu.memref_slice %dma_wait3A_148[%multiple_of3A, %dma_wait3A_149] : memref<320x128xf32, #tpu.memory_space<vmem_shared>> -> memref<40x128xf32, #tpu.memory_space<vmem_shared>>
          tpu.wait_dma2 semaphore(%run_scoped3A_128 : memref<!tpu.dma_semaphore, #tpu.memory_space<semaphore_mem>>) src(%dma_wait3A_150 : memref<40x128xf32, #tpu.memory_space<vmem_shared>>) dst(%run_scoped3A_5 : memref<40x128xf32, #tpu.memory_space<vmem>>)
          tpu.yield
        }) : () -> ()
        %scan3A_116 = arith.constant 0 : i32
        %scan3A_117 = arith.constant 0 : i32
        %scan3A_118 = arith.constant 320 : i32
        %scan3A_119 = arith.addi %scan3A_117, %scan3A_118 : i32
        %scan3A_120 = arith.constant 1 : i32
        scf.for %scan3A_128 = %scan3A_117 to %scan3A_119 step %scan3A_120  : i32 {
          %jit3A = arith.constant 8 : i32
          %div3A = arith.divsi %scan3A_128, %jit3A : i32
          %sign3A = arith.constant 0 : i32
          %sign3A_129 = arith.cmpi sgt, %scan3A_128, %sign3A : i32
          %sign3A_130 = arith.extui %sign3A_129 : i1 to i32
          %sign3A_131 = arith.constant 0 : i32
          %sign3A_132 = arith.cmpi slt, %scan3A_128, %sign3A_131 : i32
          %sign3A_133 = arith.extui %sign3A_132 : i1 to i32
          %sign3A_134 = arith.subi %sign3A_130, %sign3A_133 : i32
          %sign3A_135 = arith.constant 0 : i32
          %sign3A_136 = arith.cmpi sgt, %jit3A, %sign3A_135 : i32
          %sign3A_137 = arith.extui %sign3A_136 : i1 to i32
          %sign3A_138 = arith.constant 0 : i32
          %sign3A_139 = arith.cmpi slt, %jit3A, %sign3A_138 : i32
          %sign3A_140 = arith.extui %sign3A_139 : i1 to i32
          %sign3A_141 = arith.subi %sign3A_137, %sign3A_140 : i32
          %ne3A = arith.cmpi ne, %sign3A_134, %sign3A_141 : i32
          %rem3A = arith.remsi %scan3A_128, %jit3A : i32
          %ne3A_142 = arith.constant 0 : i32
          %ne3A_143 = arith.cmpi ne, %rem3A, %ne3A_142 : i32
          %and3A = arith.andi %ne3A, %ne3A_143 : i1
          %sub3A = arith.constant 1 : i32
          %sub3A_144 = arith.subi %div3A, %sub3A : i32
          %select_n3A = arith.select %and3A, %sub3A_144, %div3A : i32
          %jit3A_145 = arith.constant 8 : i32
          %eq3A = arith.constant 0 : i32
          %eq3A_146 = arith.cmpi eq, %jit3A_145, %eq3A : i32
          %jit3A_147 = arith.constant 1 : i32
          %select_n3A_148 = arith.select %eq3A_146, %jit3A_147, %jit3A_145 : i32
          %rem3A_149 = arith.remsi %scan3A_128, %select_n3A_148 : i32
          %ne3A_150 = arith.constant 0 : i32
          %ne3A_151 = arith.cmpi ne, %rem3A_149, %ne3A_150 : i32
          %lt3A_152 = arith.constant 0 : i32
          %lt3A_153 = arith.cmpi slt, %rem3A_149, %lt3A_152 : i32
          %lt3A_154 = arith.constant 0 : i32
          %lt3A_155 = arith.cmpi slt, %select_n3A_148, %lt3A_154 : i32
          %ne3A_156 = arith.xori %lt3A_153, %lt3A_155 : i1
          %and3A_157 = arith.andi %ne3A_156, %ne3A_151 : i1
          %add3A_158 = arith.addi %rem3A_149, %select_n3A_148 : i32
          %select_n3A_159 = arith.select %and3A_157, %add3A_158, %rem3A_149 : i32
          %mul3A_160 = arith.constant 16 : i32
          %mul3A_161 = arith.muli %select_n3A_159, %mul3A_160 : i32
          %get3A = arith.index_cast %select_n3A : i32 to index
          %get3A_162 = arith.index_cast %mul3A_161 : i32 to index
          %get3A_163 = tpu.vector_load %run_scoped3A_6[%get3A, %get3A_162] {strides = array<i32>} : memref<40x128xf32, #tpu.memory_space<vmem>>, vector<16xf32>,
          %get3A_164 = arith.index_cast %select_n3A : i32 to index
          %get3A_165 = arith.index_cast %mul3A_161 : i32 to index
          %get3A_166 = tpu.vector_load %run_scoped3A_5[%get3A_164, %get3A_165] {strides = array<i32>} : memref<40x128xf32, #tpu.memory_space<vmem>>, vector<16xf32>,
          %add3A_167 = arith.addf %get3A_163, %get3A_166 : vector<16xf32>
          %swap3A = arith.index_cast %select_n3A : i32 to index
          %swap3A_168 = arith.index_cast %mul3A_161 : i32 to index
          %swap3A_169 = tpu.vector_load %run_scoped3A_6[%swap3A, %swap3A_168] {strides = array<i32>} : memref<40x128xf32, #tpu.memory_space<vmem>>, vector<16xf32>,
          tpu.vector_store %run_scoped3A_6[%swap3A, %swap3A_168], %add3A_167 {strides = array<i32>} : memref<40x128xf32, #tpu.memory_space<vmem>>, vector<16xf32>,
        }
        %scan3A_121 = arith.constant 320 : i32
        %mul3A_122 = arith.constant 320 : i32
        %mul3A_123 = arith.muli %arg0, %mul3A_122 : i32
        %mul3A_124 = arith.constant 40 : i32
        %mul3A_125 = arith.muli %arg1, %mul3A_124 : i32
        %add3A_126 = arith.addi %mul3A_123, %mul3A_125 : i32
        %multiple_of3A_127 = tpu.assume_multiple %add3A_126, 8 : i32
        "tpu.region"() ({
          %run_scoped3A_128 = tpu.sem_alloc : memref<!tpu.dma_semaphore, #tpu.memory_space<semaphore_mem>>
          %dma_start3A = arith.constant 0 : i32
          %dma_start3A_129 = tpu.memref_slice %arg10[%multiple_of3A_127, %dma_start3A] : memref<640x128xf32, #tpu.memory_space<hbm>> -> memref<40x128xf32, #tpu.memory_space<hbm>>
          %dma_start3A_130 = arith.constant 0 : i32
          %dma_start3A_131 = tpu.memref_slice %arg10[%multiple_of3A_127, %dma_start3A_130] : memref<640x128xf32, #tpu.memory_space<hbm>> -> memref<40x128xf32, #tpu.memory_space<hbm>>
          tpu.enqueue_dma source(%run_scoped3A_6 : memref<40x128xf32, #tpu.memory_space<vmem>>) target(%dma_start3A_131 : memref<40x128xf32, #tpu.memory_space<hbm>>) target_semaphore(%run_scoped3A_128 : memref<!tpu.dma_semaphore, #tpu.memory_space<semaphore_mem>>)
          %dma_wait3A = arith.constant 0 : i32
          %dma_wait3A_132 = tpu.memref_slice %arg10[%multiple_of3A_127, %dma_wait3A] : memref<640x128xf32, #tpu.memory_space<hbm>> -> memref<40x128xf32, #tpu.memory_space<hbm>>
          %dma_wait3A_133 = arith.constant 0 : i32
          %dma_wait3A_134 = tpu.memref_slice %arg10[%multiple_of3A_127, %dma_wait3A_133] : memref<640x128xf32, #tpu.memory_space<hbm>> -> memref<40x128xf32, #tpu.memory_space<hbm>>
          tpu.wait_dma2 semaphore(%run_scoped3A_128 : memref<!tpu.dma_semaphore, #tpu.memory_space<semaphore_mem>>) src(%run_scoped3A_6 : memref<40x128xf32, #tpu.memory_space<vmem>>) dst(%dma_wait3A_134 : memref<40x128xf32, #tpu.memory_space<hbm>>)
          tpu.yield
        }) : () -> ()
      } else {
      }
      tpu.yield
    }) : () -> ()
    return
  }
}

</mosaic_0001>

<sc_bundles>
// kernel: kernel.11.cloned.1.call-start
scs
__scs_entry_jumppad:
0x0: {  	(pc) =	sbr.rel $0x88, $3  }
0x1: {  	(tag) =	ssettag $0x0;
	lr =	simm.s32 $0x1  }
0x2: {  	[smem:$0x3F9C] =	sst lr;
	_ =	strace $0xD0000000  }
0x3: {  	_ = 	snop  }
0x4: {  	_ = 	snop  }
0x5: {  	_ = 	snop  }
0x6: {  	_ = 	snop  }
0x7: {  	_ = 	snop  }
__scs_overlays_trampoline_lowered:
0x8: {  	[smem:$0x3FAB] =	sst s0  }
0x9: {  	[smem:$0x3FAC] =	sst s1  }
0xa: {  	[smem:$0x3FAD] =	sst s2  }
0xb: {  	[smem:$0x3FAE] =	sst s3  }
0xc: {  	[smem:$0x3FAF] =	sst s4  }
0xd: {  	[smem:$0x3FB0] =	sst s5  }
0xe: {  	[smem:$0x3FB1] =	sst s6  }
0xf: {  	[smem:$0x3FB2] =	sst s7  }
0x10: {  	[smem:$0x3FB3] =	sst s8  }
0x11: {  	[smem:$0x3FB4] =	sst s9;
	s0 =	simm.s32 @!p0 $0x0  }
0x12: {  	s1 =	sld [smem:$0x3F9A];
	s0 =	simm.s32 @p0 $0x1  }
0x13: {  	[smem:$0x3FB5] =	sst s0;
	s0 =	simm.s32 @!p1 $0x0  }
0x14: {  	s2 =	sld [smem:$0x3F99];
	s0 =	simm.s32 @p1 $0x1  }
0x15: {  	[smem:$0x3FB6] =	sst s0;
	s0 =	simm.s32 @!p2 $0x0  }
0x16: {  	s3 =	sld [smem:$0x3FDB];
	s0 =	simm.s32 @p2 $0x1  }
0x17: {  	s4 =	simm.s32 $0x1BF5;
	[smem:$0x3FB8] =	sst s0  }
0x18: {  	s0 =	sld [smem:$0x3F9B];
	_ =	swait.ge [sflag:s4], $0x0  }
0x19: {  	s7 =	sld [smem:$0x3F9C]  }
0x1a: {  	s8 =	sadd.s32 $0xFFFFE003, lr  }
0x1b: {  	s9 =	sadd.s32 $0xFFFFFEF7, lr;
	s5 =	simm.s32 $0xFFFFFFFF;
	p2 =	slt.u32 s8, $0xFFFFF086  }
0x1c: {  	p1 =	slt.u32 s9, $0xF7A;
	s5 =	simm.s32 @!p2 $0x0  }
0x1d: {  	s5 =	simm.s32 @p1 $0x1;
	p0 =	seq.s32 s7, s2  }
0x1e: {  	s7 =	smul.u32 @!p0 $0xF7A, s2;
	p2 =	seq.s32 @!p0 s5, $0x0  }
0x1f: {  	s9 =	smul.u32 $0xF7A, s1;
	s8 =	simm.s32 @!p0 $0x1BF5;
	p2 =	por !p2, p0  }
0x20: {  	[sflag:s8] =	ssyncset.s32 @!p0 $0xFFFFF086;
	s6 =	sadd.s32 @!p0 s3, s7;
	s7 =	simm.s32 @!p0 $0x108  }
0x21: {  	s3 =	sadd.s32 s3, s9;
	s6 =	sadd.s32 @!p0 $0x88, s6;
	s7 =	simm.s32 @p2 $0x1082  }
0x22: {  	[simem:s7], [sflag:s8] =	dma.local @!p0 [hbm:s6], $0xF7A  }
0x23: {  	s9 =	sor.u32 $0xD0000000, s2;
	s6 =	simm.s32 $0x108;
	_ =	swait.ge @!p0 [sflag:s8], $0x0  }
0x24: {  	s3 =	sadd.s32 $0x88, s3;
	s6 =	simm.s32 @!p1 $0x1082;
	[sflag:s4] =	ssyncset.s32 $0xFFFFF086  }
0x25: {  	[simem:s6], [sflag:s4] =	dma.local [hbm:s3], $0xF7A  }
0x26: {  	[smem:$0x3F9C] =	sst s1;
	(tag) =	ssettag s2;
	_ =	strace s9  }
0x27: {  	s1 =	sld [smem:$0x3FAC]  }
0x28: {  	s2 =	sld [smem:$0x3FAD]  }
0x29: {  	s4 =	sld [smem:$0x3FAF]  }
0x2a: {  	p0 =	seq.s32 s5, $0x0;
	s5 =	sld [smem:$0x3FB0]  }
0x2b: {  	s6 =	sld [smem:$0x3FB1]  }
0x2c: {  	s7 =	sld [smem:$0x3FB2]  }
0x2d: {  	s3 =	simm.s32 $0x108;
	s8 =	sld [smem:$0x3FB3]  }
0x2e: {  	s3 =	simm.s32 @!p0 $0x1082;
	s9 =	sld [smem:$0x3FB4]  }
0x2f: {  	lr =	sadd.s32 s0, s3;
	s0 =	sld [smem:$0x3FAB]  }
0x30: {  	s3 =	sld [smem:$0x3FAE]  }
0x31: {  	[smem:$0x3FB7] =	sst s10  }
0x32: {  	s10 =	sld [smem:$0x3FB5];
	_ =	sdelay $0x3  }
0x33: {  	p0 =	seq.s32 s10, $0x1;
	s10 =	sld [smem:$0x3FB7];
	_ =	sdelay $0x3  }
0x34: {  	[smem:$0x3FB7] =	sst s10  }
0x35: {  	s10 =	sld [smem:$0x3FB6];
	_ =	sdelay $0x3  }
0x36: {  	p1 =	seq.s32 s10, $0x1;
	s10 =	sld [smem:$0x3FB7];
	_ =	sdelay $0x3  }
0x37: {  	[smem:$0x3FB7] =	sst s10  }
0x38: {  	s10 =	sld [smem:$0x3FB8]  }
0x39: {  	_ = 	snop;
	(pc) =	sbr.ind lr, $3  }
0x3a: {  	_ = 	snop  }
0x3b: {  	_ = 	snop  }
0x3c: {  	p2 =	seq.s32 s10, $0x1;
	s10 =	sld [smem:$0x3FB7]  }
0x3d: {  	_ =	shalt  }
0x3e: {  	_ =	shalt  }
0x3f: {  	_ =	shalt  }
0x40: {  	_ =	shalt  }
0x41: {  	_ =	shalt  }
0x42: {  	_ =	shalt  }
0x43: {  	_ =	shalt  }
0x44: {  	_ =	shalt  }
0x45: {  	_ =	shalt  }
0x46: {  	_ =	shalt  }
0x47: {  	_ =	shalt  }
0x48: {  	_ =	shalt  }
0x49: {  	_ =	shalt  }
0x4a: {  	_ =	shalt  }
0x4b: {  	_ =	shalt  }
0x4c: {  	_ =	shalt  }
0x4d: {  	_ =	shalt  }
0x4e: {  	_ =	shalt  }
0x4f: {  	_ =	shalt  }
0x50: {  	_ =	shalt  }
0x51: {  	_ =	shalt  }
0x52: {  	_ =	shalt  }
0x53: {  	_ =	shalt  }
0x54: {  	_ =	shalt  }
0x55: {  	_ =	shalt  }
0x56: {  	_ =	shalt  }
0x57: {  	_ =	shalt  }
0x58: {  	_ =	shalt  }
0x59: {  	_ =	shalt  }
0x5a: {  	_ =	shalt  }
0x5b: {  	_ =	shalt  }
0x5c: {  	_ =	shalt  }
0x5d: {  	_ =	shalt  }
0x5e: {  	_ =	shalt  }
0x5f: {  	_ =	shalt  }
0x60: {  	_ =	shalt  }
0x61: {  	_ =	shalt  }
0x62: {  	_ =	shalt  }
0x63: {  	_ =	shalt  }
0x64: {  	_ =	shalt  }
0x65: {  	_ =	shalt  }
0x66: {  	_ =	shalt  }
0x67: {  	_ =	shalt  }
0x68: {  	_ =	shalt  }
0x69: {  	_ =	shalt  }
0x6a: {  	_ =	shalt  }
0x6b: {  	_ =	shalt  }
0x6c: {  	_ =	shalt  }
0x6d: {  	_ =	shalt  }
0x6e: {  	_ =	shalt  }
0x6f: {  	_ =	shalt  }
0x70: {  	_ =	shalt  }
0x71: {  	_ =	shalt  }
0x72: {  	_ =	shalt  }
0x73: {  	_ =	shalt  }
0x74: {  	_ =	shalt  }
0x75: {  	_ =	shalt  }
0x76: {  	_ =	shalt  }
0x77: {  	_ =	shalt  }
0x78: {  	_ =	shalt  }
0x79: {  	_ =	shalt  }
0x7a: {  	_ =	shalt  }
0x7b: {  	_ =	shalt  }
0x7c: {  	_ =	shalt  }
0x7d: {  	_ =	shalt  }
0x7e: {  	_ =	shalt  }
0x7f: {  	_ =	shalt  }
0x80: {  	_ =	shalt  }
0x81: {  	_ =	shalt  }
0x82: {  	_ =	shalt  }
0x83: {  	_ =	shalt  }
0x84: {  	_ =	shalt  }
0x85: {  	_ =	shalt  }
0x86: {  	_ =	shalt  }
0x87: {  	_ =	shalt  }
.Lfunc_end0:
.L_simem_size_0:
called_computation.2_lowered:
.L_overlay_start_0:
0x88: {  	s2 =	sld [smem:$0x3FD9]  }
0x89: {  	s3 =	sld [smem:$0x3FFE];
	_ =	sdelay $0x1  }
0x8a: {  	s1 =	srdreg.scid  }
0x8b: {  	s0 =	sand.u32 $0x1, s1  }
0x8c: {  	s16 =	sshll.u32 s0, $0xA;
	s2 =	sadd.s32 s3, s2  }
0x8d: {  	s2 =	sadd.s32 s2, s16  }
0x8e: {  	[smem:$0x3FC3] =	sst s2  }
0x8f: {  	_ = 	snop  }
0x90: {  	(tm) =	ssettm $0x1  }
0x91: {  	s17 =	sld [smem:$0x3FFB];
	_ =	sdelay $0x3  }
0x92: {  	_ =	strace s17  }
0x93: {  	s2 =	sld [smem:$0x3FFC];
	_ =	sdelay $0x3  }
0x94: {  	_ =	strace s2  }
0x95: {  	s2 =	sld [smem:$0x3FFD];
	_ =	sdelay $0x3  }
0x96: {  	_ =	strace s2  }
0x97: {  	_ =	strace $0x8FFFFFFF  }
0x98: {  	s18 =	sld [smem:$0x3FDB];
	_ =	sdelay $0x1  }
0x99: {  	s19 =	simm.s32 $_scs_section_size  }
0x9a: {  	s4 =	simm.s32 $_size__tile_overlayer_lowered;
	s5 =	simm.s32 $_tile_overlayer_lowered  }
0x9b: {  	s22 =	simm.s32 $0x1BFF;
	s21 =	sshll.u32 s5, $0x1;
	s2 =	sadd.s32 s19, s18  }
0x9c: {  	s6 =	simm.s32 $0x0;
	s20 =	sshll.u32 s4, $0x1;
	s4 =	sadd.s32 s21, s2  }
0x9d: {  	[timem:s6], [sflag:s22] =	dma.local [hbm:s4], s20  }
0x9e: {  	_ =	swait.ge [sflag:s22], s20  }
0x9f: {  	s3 =	ssub.s32 $0x0, s20;
	[sflag:s22] =	ssyncset.done $0x0  }
0xa0: {  	[sflag:s22] =	ssyncadd.s32 s3;
	_ =	sdelay $0x1  }
0xa1: {  	s23 =	simm.s32 $0x1B8B  }
0xa2: {  	_ =	swait.ge [sflag:s23], $0x1  }
0xa3: {  	[sflag:s23] =	ssyncset.done $0x0  }
0xa4: {  	s25 =	simm.s32 $0x1B8E;
	s24 =	sld [smem:$0x3FFE];
	[sflag:s23] =	ssyncadd.s32 $0xFFFFFFFF  }
0xa5: {  	s26 =	simm.s32 $execute0_lowered;
	[smem:$0x3FD2] =	sst s25  }
0xa6: {  	s4 =	sshll.u32 s26, $0x1;
	_ =	strace $0x8000004C;
	[dreg:$0x1] =	wrdreg $0xFFFFFFFF  }
0xa7: {  	s28 =	simm.s32 $_size_execute0_lowered;
	s2 =	sadd.s32 s2, s4;
	[dreg:$0x0] =	wrdreg $0x0  }
0xa8: {  	s4 =	sshll.u32 s28, $0x1;
	[dreg:$0x2] =	wrdreg s2  }
0xa9: {  	[dreg:$0x3] =	wrdreg s4  }
0xaa: {  	[dreg:$0x4] =	wrdreg $0xC0  }
0xab: {  	_ =	task [dreg:s6], $0x5FFFF  }
0xac: {  	[dreg:$0x1] =	wrdreg $0xFFFFFFFF  }
0xad: {  	[dreg:$0x0] =	wrdreg $0x60  }
0xae: {  	[dreg:$0x2] =	wrdreg s24  }
0xaf: {  	[dreg:$0x3] =	wrdreg $0x9  }
0xb0: {  	_ =	task.clear_ibuf [dreg:s6], $0x4FFFF;
	_ =	strace $0x9000004C  }
0xb1: {  	s29 =	simm.s32 $0x9;
	_ =	strace $0x8000004E  }
0xb2: {  	_ =	swait.ge [sflag:s29], $0x1  }
0xb3: {  	[sflag:s29] =	ssyncadd.s32 $0xFFFFFFFF  }
0xb4: {  	_ =	strace $0x9000004E  }
0xb5: {  	_ =	sfence  }
0xb6: {  	s30 =	sld [smem:$0x0];
	_ =	sdelay $0x2  }
0xb7: {  	s31 =	sshll.u32 s1, $0xD;
	s1 =	sshrl.u32 s1, $0x2  }
0xb8: {  	s3 =	sand.u32 $0x4000, s31;
	s1 =	sadd.s32 s1, s30  }
0xb9: {  	s0 =	sor.u32 s3, s0;
	s1 =	sshll.u32 s1, $0x11  }
0xba: {  	s0 =	sor.u32 s1, s0  }
0xbb: {  	s0 =	sadd.s32 $0x8F2B, s0  }
0xbc: {  	[sflag:s0] =	ssyncadd.remote.s32 $0x1  }
0xbd: {  	_ =	sfence.sel $0xFFFF  }
0xbe: {  	[dreg:$0x0] =	wrdreg $0xFFFFFFFF;
	(pc) =	sbr.abs _section_cstart, $3  }
0xbf: {  	[dreg:$0x1] =	wrdreg $0xFFFFFFFF  }
0xc0: {  	_ =	task.clear_ibuf [dreg:s6], $0x2FFFF;
	_ =	strace $0x9FFFFFFF  }
0xc1: {  	(tm) =	ssettm $0x7FFFFFFF  }
tec
execute0_lowered:
.L_overlay_start_1:
0x0: {  	(tag) =	ssettag $0x1  }
0x1: {  	s0 =	rddreg [dreg:$0x0];
	s2 =	simm.s32 $0x0;
	s1 =	srdreg.scid  }
0x2: {  	s3 =	stileid.u32;
	s29 =	simm.s32 $0x1;
	s30 =	simm.s32 $0x16800  }
0x3: {  	s18 =	simm.s32 $0x14000;
	s15 =	simm.s32 $0x17B00;
	s20 =	simm.s32 $0x17D00  }
0x4: {  	s10 =	simm.s32 $0x17F00;
	s12 =	simm.s32 $0x18100;
	s13 =	simm.s32 $0x18300  }
0x5: {  	s16 =	simm.s32 $0x5;
	s19 =	simm.s32 $0x6;
	[smem:$0x7FF] =	sst s2  }
0x6: {  	s11 =	sadd.s32 $0x9200, s0;
	s1 =	sand.u32 $0x1, s1;
	s4 =	sadd.s32 $0x4200, s0  }
0x7: {  	s21 =	sadd.s32 $0x11E00, s0;
	_ =	strace $0x8000004D;
	[dreg:$0x3] =	wrdreg s4  }
0x8: {  	s3 =	sshll.u32 s3, $0x1;
	s22 =	sadd.s32 $0x16E00, s0;
	[dreg:$0x4] =	wrdreg s21  }
0x9: {  	s5 =	sadd.s32 $0x1BE00, s0;
	s24 =	sadd.s32 $0x20E00, s0;
	[dreg:$0x5] =	wrdreg s22  }
0xa: {  	v0 =	vlaneseq.u32;
	s9 =	sadd.s32 $0x25E00, s0;
	s17 =	sadd.s32 $0x4600, s0;
	[dreg:$0x6] =	wrdreg s5  }
0xb: {  	v3 =	vimm.s32 $0x0;
	vm0 =	vmmov $0xffff;
	vm1 =	vmxor vm1, vm1;
	s3 =	sor.u32 s1, s3;
	s1 =	ssub.s32 $0x2, s1;
	[dreg:$0x7] =	wrdreg s24  }
0xc: {  	v5 =	vshrl.u32 v0, $0x3;
	v4 =	vand.u32 $0x7, v0;
	v6 =	vor.u32 $0x8, v0;
	s21 =	simm.s32 $0x17A00;
	s22 =	simm.s32 $0x17C00;
	s24 =	simm.s32 $0x18000  }
0xd: {  	v7 =	vor.u32 $0x10, v0;
	v8 =	vor.u32 $0x20, v0;
	v9 =	vor.u32 $0x30, v0;
	[dreg:$0x2] =	wrdreg s11;
	s23 =	smul.u32 $0x2800, s3;
	s25 =	sshrl.u32 s1, $0x1  }
0xe: {  	v10 =	vor.u32 $0x40, v0;
	v11 =	vor.u32 $0x50, v0;
	v12 =	vor.u32 $0x60, v0;
	[dreg:$0x9] =	wrdreg s17;
	s26 =	smul.u32 $0x140, s3;
	s1 =	ssub.s32 s1, s25  }
0xf: {  	v13 =	vor.u32 $0x70, v0;
	v14 =	vor.u32 $0x400, v0;
	v1 =	vmov s3;
	s3 =	simm.s32 $0x0;
	s4 =	sadd.s32 s23, s0;
	s31 =	smax.u32 s1, $0x1  }
0x10: {  	v15 =	vor.u32 $0x410, v0;
	v16 =	vor.u32 $0x420, v0;
	v17 =	vor.u32 $0x430, v0;
	s25 =	simm.s32 $0x18200;
	s6 =	sadd.s32 $0x75E00, s4;
	[dreg:$0xb] =	wrdreg s31  }
0x11: {  	v18 =	vor.u32 $0x440, v0;
	v19 =	vor.u32 $0x450, v0;
	v20 =	vor.u32 $0x460, v0;
	s1 =	simm.s32 $0x7;
	s28 =	sadd.s32 $0xC5E00, s4;
	[dreg:$0x8] =	wrdreg s6  }
0x12: {  	v21 =	vor.u32 $0x470, v0;
	v5 =	vmul.u32 $0x8, v5;
	v2 =	vmov s26;
	s23 =	simm.s32 $0x17E00;
	s26 =	simm.s32 $0x3;
	[dreg:$0xa] =	wrdreg s28  }
.LBB2_1:
0x13: {  	[dreg:$0xc] =	wrdreg s3  }
0x14: {  	s0 =	rddreg [dreg:$0x8]  }
0x15: {  	[tilespmem:s2], [sflag:$0x7] =	stream.linear.gather [hbm4b:s0+s2], $0x14000, $0x38;
	[tilespmem:$0x1C400] =	vst v63  }
0x16: {  	_ =	swait.ge [sflag:s1], $0x14000  }
0x17: {  	[sflag:s1] =	ssyncset.done $0x0  }
0x18: {  	s3 =	simm.s32 $0x0;
	s0 =	simm.s32 $0x40;
	[sflag:s1] =	ssyncadd.s32 $0xFFFEC000  }
.LBB2_2:
0x19: {  	p0 =	sne.s32 s0, $0x5FC0;
	[tilespmem:s3+$0x14000] =	vst v3;
	s3 =	smov.u32 s0;
	s0 =	sadd.s32 $0x40, s0  }
.Ltmp0:
0x1a: {  	(pc) =	sbr.rel @p0 .LBB2_2-.Ltmp0, $2  }
0x1b: {  	_ =	sdelay $0x2  }
0x1c: {  	s3 =	sshra.s32 s3, $0x2  }
0x1d: {  	s0 =	simm.s32 $0x0  }
0x1e: {  	s1 =	rddreg [dreg:$0x3];
	s31 =	simm.s32 $0x15800;
	s4 =	simm.s32 $0x1000  }
0x1f: {  	[tilespmem:s3+$0x14000] =	vst v3;
	s5 =	simm.s32 $0x0;
	s3 =	simm.s32 $0x0;
	s6 =	simm.s32 $0x0  }
0x20: {  	[tilespmem:s31], [sflag:$0x1] =	stream.linear.gather [hbm4b:s1+s0], $0x1000, $0x38;
	[tilespmem:$0x1C400] =	vst v63  }
.LBB2_4:
0x21: {  	_ =	swait.ge [sflag:s29], $0x1000  }
0x22: {  	s7 =	sshll.u32 s6, $0xA;
	s1 =	rddreg [dreg:$0x3]  }
0x23: {  	[sflag:s29] =	ssyncset.done $0x0;
	s7 =	sadd.s32 s7, s1  }
0x24: {  	s31 =	simm.s32 $0x0;
	[sflag:s29] =	ssyncadd.s32 $0xFFFFF000;
	s7 =	sadd.s32 $0x200, s7  }
0x25: {  	[tilespmem:s30], [sflag:$0x2] =	stream.linear.gather [hbm4b:s7+s0], $0x1000, $0x38;
	[tilespmem:$0x1C400] =	vst v63  }
0x26: {  	v22 =	vld [tilespmem:s31+$0x15800];
	_ =	sdelay $0x4  }
0x27: {  	v22 =	vmul.u32 $0x3334, v22;
	_ =	sdelay $0x1  }
0x28: {  	v22 =	vshra.s32 v22, $0x16  }
0x29: {  	vm2 =	veq.s32 v22, v1  }
0x2a: {  	v22 =	vsel vm2, $0x1, v3  }
0x2b: {  	(xrf0) =	vadd.scan.msk.s32 $0xffff, v22;
	_ =	sdelay $0x2  }
0x2c: {  	v22 =	vmov s3  }
0x2d: {  	v22 =	vadd.s32 $0xFFFFFFFF, v22  }
0x2e: {  	v22 =	vbroadcast v22, $0x0  }
0x2f: {  	v23, _, _ =	vpop (xrf0)  }
0x30: {  	v22 =	vadd.s32 v23, v22;
	(v2sf) =	vpush v23, $0xF;
	_ =	sdelay $0x3  }
0x31: {  	v24 =	vor.u32 s5, v0  }
0x32: {  	s14 =	simm.s32 $0x10;
	s8 =	simm.s32 $0x80;
	s7 =	smov.u32 s5;
	[tilespmem:v22+s18+$0x0] =	vst.idx.msk vm2, v24  }
.LBB2_5:
0x33: {  	p0 =	sne.s32 s8, $0x3FC0;
	v22 =	vld [tilespmem:s14+$0x15800];
	_ =	sdelay $0x4  }
0x34: {  	v22 =	vmul.u32 $0x3334, v22;
	_ =	sdelay $0x1  }
0x35: {  	v22 =	vshra.s32 v22, $0x16  }
0x36: {  	vm2 =	veq.s32 v22, v1  }
0x37: {  	v22 =	vsel vm2, $0x1, v3;
	s14 =	spop (v2sf)  }
0x38: {  	(xrf0) =	vadd.scan.msk.s32 $0xffff, v22;
	s3 =	sadd.s32 s3, s14  }
0x39: {  	v22 =	vmov s3  }
0x3a: {  	v22 =	vadd.s32 $0xFFFFFFFF, v22  }
0x3b: {  	v22 =	vbroadcast v22, $0x0;
	_ =	sdelay $0x2  }
0x3c: {  	v23, _, _ =	vpop (xrf0)  }
0x3d: {  	v22 =	vadd.s32 v23, v22;
	(v2sf) =	vpush v23, $0xF  }
.Ltmp1:
0x3e: {  	(pc) =	sbr.rel @p0 .LBB2_5-.Ltmp1, $4  }
0x3f: {  	_ = 	snop  }
0x40: {  	s7 =	sadd.s32 $0x10, s7  }
0x41: {  	v23 =	vor.u32 s7, v0  }
0x42: {  	s14 =	sshra.s32 s8, $0x2;
	s8 =	sadd.s32 $0x40, s8;
	[tilespmem:v22+s18+$0x0] =	vst.idx.msk vm2, v23  }
0x43: {  	v22 =	vld [tilespmem:s14+$0x15800];
	_ =	sdelay $0x4  }
0x44: {  	v22 =	vmul.u32 $0x3334, v22;
	_ =	sdelay $0x1  }
0x45: {  	v22 =	vshra.s32 v22, $0x16  }
0x46: {  	vm2 =	veq.s32 v22, v1  }
0x47: {  	v22 =	vsel vm2, $0x1, v3  }
0x48: {  	(xrf0) =	vadd.scan.msk.s32 $0xffff, v22;
	_ =	sdelay $0x5  }
0x49: {  	v22, _, _ =	vpop (xrf0)  }
0x4a: {  	(v2sf) =	vpush v22, $0xF;
	_ =	sdelay $0x3  }
0x4b: {  	s8 =	spop (v2sf)  }
0x4c: {  	s3 =	sadd.s32 s3, s8  }
0x4d: {  	v23 =	vmov s3  }
0x4e: {  	v23 =	vadd.s32 $0xFFFFFFFF, v23  }
0x4f: {  	v23 =	vbroadcast v23, $0x0;
	_ =	sdelay $0x1  }
0x50: {  	v22 =	vadd.s32 v22, v23;
	_ =	sdelay $0x2  }
0x51: {  	s7 =	sadd.s32 $0x10, s7  }
0x52: {  	v23 =	vor.u32 s7, v0  }
0x53: {  	s1 =	simm.s32 $0x2;
	[tilespmem:v22+s18+$0x0] =	vst.idx.msk vm2, v23;
	s7 =	spop (v2sf)  }
0x54: {  	p0 =	seq.s32 s6, $0x13;
	s31 =	simm.s32 $0x0;
	_ =	swait.ge [sflag:s1], $0x1000  }
0x55: {  	s14 =	simm.s32 @!p0 $0x0;
	s8 =	sshll.u32 @!p0 s6, $0xA;
	[sflag:s1] =	ssyncset.done $0x0  }
0x56: {  	s28 =	simm.s32 @!p0 $0x15800;
	s8 =	sadd.s32 @!p0 s8, s17;
	[sflag:s1] =	ssyncadd.s32 $0xFFFFF000  }
0x57: {  	[tilespmem:s28], [sflag:$0x1] =	stream.linear.gather @!p0 [hbm4b:s8+s14], $0x1000, $0x38;
	[tilespmem:$0x1C400] =	vst v63  }
0x58: {  	v22 =	vld [tilespmem:s31+$0x16800];
	_ =	sdelay $0x4  }
0x59: {  	v22 =	vmul.u32 $0x3334, v22;
	_ =	sdelay $0x1  }
0x5a: {  	v22 =	vshra.s32 v22, $0x16  }
0x5b: {  	vm2 =	veq.s32 v22, v1  }
0x5c: {  	v22 =	vsel vm2, $0x1, v3  }
0x5d: {  	(xrf0) =	vadd.scan.msk.s32 $0xffff, v22;
	_ =	sdelay $0x1  }
0x5e: {  	s3 =	sadd.s32 s3, s7  }
0x5f: {  	v22 =	vmov s3  }
0x60: {  	v22 =	vadd.s32 $0xFFFFFFFF, v22  }
0x61: {  	v22 =	vbroadcast v22, $0x0  }
0x62: {  	v23, _, _ =	vpop (xrf0)  }
0x63: {  	v22 =	vadd.s32 v23, v22;
	(v2sf) =	vpush v23, $0xF;
	_ =	sdelay $0x3  }
0x64: {  	v24 =	vor.u32 s4, v0  }
0x65: {  	s7 =	smov.u32 s4;
	s14 =	simm.s32 $0x10;
	s8 =	simm.s32 $0x80;
	[tilespmem:v22+s18+$0x0] =	vst.idx.msk vm2, v24  }
.LBB2_7:
0x66: {  	p0 =	sne.s32 s8, $0x3FC0;
	v22 =	vld [tilespmem:s14+$0x16800];
	_ =	sdelay $0x4  }
0x67: {  	v22 =	vmul.u32 $0x3334, v22;
	_ =	sdelay $0x1  }
0x68: {  	v22 =	vshra.s32 v22, $0x16  }
0x69: {  	vm2 =	veq.s32 v22, v1  }
0x6a: {  	v22 =	vsel vm2, $0x1, v3;
	s14 =	spop (v2sf)  }
0x6b: {  	(xrf0) =	vadd.scan.msk.s32 $0xffff, v22;
	s3 =	sadd.s32 s3, s14  }
0x6c: {  	v22 =	vmov s3  }
0x6d: {  	v22 =	vadd.s32 $0xFFFFFFFF, v22  }
0x6e: {  	v22 =	vbroadcast v22, $0x0;
	_ =	sdelay $0x2  }
0x6f: {  	v23, _, _ =	vpop (xrf0)  }
0x70: {  	v22 =	vadd.s32 v23, v22;
	(v2sf) =	vpush v23, $0xF  }
.Ltmp2:
0x71: {  	(pc) =	sbr.rel @p0 .LBB2_7-.Ltmp2, $4  }
0x72: {  	_ = 	snop  }
0x73: {  	s7 =	sadd.s32 $0x10, s7  }
0x74: {  	v23 =	vor.u32 s7, v0  }
0x75: {  	s14 =	sshra.s32 s8, $0x2;
	s8 =	sadd.s32 $0x40, s8;
	[tilespmem:v22+s18+$0x0] =	vst.idx.msk vm2, v23  }
0x76: {  	v22 =	vld [tilespmem:s14+$0x16800];
	_ =	sdelay $0x4  }
0x77: {  	v22 =	vmul.u32 $0x3334, v22;
	_ =	sdelay $0x1  }
0x78: {  	v22 =	vshra.s32 v22, $0x16  }
0x79: {  	vm2 =	veq.s32 v22, v1  }
0x7a: {  	v22 =	vsel vm2, $0x1, v3  }
0x7b: {  	(xrf0) =	vadd.scan.msk.s32 $0xffff, v22;
	_ =	sdelay $0x5  }
0x7c: {  	v22, _, _ =	vpop (xrf0)  }
0x7d: {  	(v2sf) =	vpush v22, $0xF;
	_ =	sdelay $0x4  }
0x7e: {  	s8 =	spop (v2sf)  }
0x7f: {  	s3 =	sadd.s32 s3, s8  }
0x80: {  	v23 =	vmov s3  }
0x81: {  	v23 =	vadd.s32 $0xFFFFFFFF, v23  }
0x82: {  	v23 =	vbroadcast v23, $0x0  }
0x83: {  	s6 =	sadd.s32 $0x1, s6  }
0x84: {  	p0 =	sne.s32 s6, $0x14;
	v22 =	vadd.s32 v22, v23  }
.Ltmp3:
0x85: {  	_ = 	snop;
	(pc) =	sbr.rel @p0 .LBB2_4-.Ltmp3, $4  }
0x86: {  	_ = 	snop  }
0x87: {  	s7 =	sadd.s32 $0x10, s7  }
0x88: {  	v23 =	vor.u32 s7, v0;
	s31 =	spop (v2sf)  }
0x89: {  	s5 =	sadd.s32 $0x2000, s5;
	s4 =	sadd.s32 $0x2000, s4;
	[tilespmem:v22+s18+$0x0] =	vst.idx.msk vm2, v23;
	s3 =	sadd.s32 s3, s31  }
0x8a: {  	s4 =	simm.s32 $0x100;
	s0 =	simm.s32 $0x17800;
	s5 =	rddreg [dreg:$0x3]  }
0x8b: {  	[tilespmem:s0], [sflag:$0x3] =	stream.indirect.gather [hbm4b:s11+s4], $0x1, s18, s4, $0xb8;
	[tilespmem:$0x1C400] =	vst v63  }
0x8c: {  	s6 =	rddreg [dreg:$0x4]  }
0x8d: {  	[tilespmem:s21], [sflag:$0x3] =	stream.indirect.gather [hbm4b:s5+s4], $0x1, s18, s4, $0xb8;
	[tilespmem:$0x1C400] =	vst v63  }
0x8e: {  	s7 =	rddreg [dreg:$0x5]  }
0x8f: {  	[tilespmem:s22], [sflag:$0x3] =	stream.indirect.gather [hbm4b:s6+s4], $0x1, s18, s4, $0xb8;
	[tilespmem:$0x1C400] =	vst v63  }
0x90: {  	s8 =	rddreg [dreg:$0x6]  }
0x91: {  	[tilespmem:s23], [sflag:$0x3] =	stream.indirect.gather [hbm4b:s7+s4], $0x1, s18, s4, $0xb8;
	[tilespmem:$0x1C400] =	vst v63  }
0x92: {  	s14 =	rddreg [dreg:$0x7];
	s1 =	simm.s32 $0x100  }
0x93: {  	[tilespmem:s24], [sflag:$0x3] =	stream.indirect.gather [hbm4b:s8+s4], $0x1, s18, s4, $0xb8;
	[tilespmem:$0x1C400] =	vst v63  }
0x94: {  	[dreg:$0xd] =	wrdreg s1  }
0x95: {  	[tilespmem:s25], [sflag:$0x3] =	stream.indirect.gather [hbm4b:s14+s4], $0x1, s18, s4, $0xb8;
	[tilespmem:$0x1C400] =	vst v63  }
0x96: {  	_ =	swait.ge [sflag:s26], $0x100  }
0x97: {  	[sflag:s26] =	ssyncset.done $0x0  }
0x98: {  	[sflag:s26] =	ssyncadd.s32 $0xFFFFFF00  }
0x99: {  	_ =	swait.ge [sflag:s26], $0x100  }
0x9a: {  	[sflag:s26] =	ssyncset.done $0x0  }
0x9b: {  	[sflag:s26] =	ssyncadd.s32 $0xFFFFFF00  }
0x9c: {  	_ =	swait.ge [sflag:s26], $0x100  }
0x9d: {  	[sflag:s26] =	ssyncset.done $0x0  }
0x9e: {  	[sflag:s26] =	ssyncadd.s32 $0xFFFFFF00  }
0x9f: {  	_ =	swait.ge [sflag:s26], $0x100  }
0xa0: {  	[sflag:s26] =	ssyncset.done $0x0  }
0xa1: {  	[sflag:s26] =	ssyncadd.s32 $0xFFFFFF00  }
0xa2: {  	_ =	swait.ge [sflag:s26], $0x100  }
0xa3: {  	[sflag:s26] =	ssyncset.done $0x0  }
0xa4: {  	[sflag:s26] =	ssyncadd.s32 $0xFFFFFF00  }
0xa5: {  	_ =	swait.ge [sflag:s26], $0x100  }
0xa6: {  	[sflag:s26] =	ssyncset.done $0x0  }
0xa7: {  	[sflag:s26] =	ssyncadd.s32 $0xFFFFFF00  }
0xa8: {  	v22 =	vld [tilespmem:$0x17800];
	_ =	sdelay $0x4  }
0xa9: {  	v23 =	vshll.u32 v22, $0x1  }
0xaa: {  	v22 =	vand.u32 $0x7, v22;
	v23 =	vand.u32 $0xFFFFFFF0, v23  }
0xab: {  	v22 =	vor.u32 v22, v23  }
0xac: {  	v23 =	vperm.xlane v22, v4;
	_ =	sdelay $0x1  }
0xad: {  	v22 =	vperm.xlane v22, v6;
	v23 =	vadd.s32 v5, v23;
	_ =	sdelay $0x1  }
0xae: {  	v22 =	vadd.s32 v5, v22;
	_ =	sdelay $0x1  }
0xaf: {  	s17 =	simm.s32 $0x18400;
	s6 =	simm.s32 $0x0  }
0xb0: {  	[tilespmem:s17], [sflag:$0x5] =	stream.indirect_vreg.gather [hbm4b:s9+s6], $0x80, v23, vm0, $0xb8;
	[tilespmem:$0x1C400] =	vst v63  }
0xb1: {  	s28 =	simm.s32 $0x18C00  }
0xb2: {  	[tilespmem:s28], [sflag:$0x5] =	stream.indirect_vreg.gather [hbm4b:s9+s6], $0x80, v22, vm0, $0xb8;
	[tilespmem:$0x1C400] =	vst v63  }
0xb3: {  	v22 =	vld [tilespmem:$0x17810];
	_ =	sdelay $0x4  }
0xb4: {  	v23 =	vshll.u32 v22, $0x1  }
0xb5: {  	v22 =	vand.u32 $0x7, v22;
	v23 =	vand.u32 $0xFFFFFFF0, v23  }
0xb6: {  	v22 =	vor.u32 v22, v23  }
0xb7: {  	v23 =	vperm.xlane v22, v4;
	_ =	sdelay $0x1  }
0xb8: {  	v22 =	vperm.xlane v22, v6;
	v23 =	vadd.s32 v5, v23;
	_ =	sdelay $0x1  }
0xb9: {  	v22 =	vadd.s32 v5, v22;
	_ =	sdelay $0x1  }
0xba: {  	s29 =	simm.s32 $0x19400;
	s30 =	simm.s32 $0x19C00;
	s31 =	simm.s32 $0x120  }
0xbb: {  	[tilespmem:s29], [sflag:$0x5] =	stream.indirect_vreg.gather [hbm4b:s9+s6], $0x80, v23, vm0, $0xb8;
	[tilespmem:$0x1C400] =	vst v63  }
0xbc: {  	s1 =	simm.s32 $0x0;
	s7 =	simm.s32 $0x20;
	[dreg:$0x10] =	wrdreg s31  }
0xbd: {  	[tilespmem:s30], [sflag:$0x5] =	stream.indirect_vreg.gather [hbm4b:s9+s6], $0x80, v22, vm0, $0xb8;
	[tilespmem:$0x1C400] =	vst v63  }
.LBB2_10:
0xbe: {  	s0 =	sshll.u32 s1, $0x9  }
0xbf: {  	[dreg:$0x11] =	wrdreg s1;
	s0 =	sor.u32 $0x100, s0  }
0xc0: {  	s4 =	simm.s32 $0x100;
	s17 =	rddreg [dreg:$0x3];
	s0 =	sand.u32 $0x3FFFFF00, s0  }
0xc1: {  	s14 =	simm.s32 $0x17900;
	s28 =	rddreg [dreg:$0x4];
	s0 =	sadd.s32 $0x14000, s0  }
0xc2: {  	[tilespmem:s14], [sflag:$0x4] =	stream.indirect.gather [hbm4b:s11+s4], $0x1, s0, s4, $0xb8;
	[tilespmem:$0x1C400] =	vst v63  }
0xc3: {  	s29 =	rddreg [dreg:$0x5]  }
0xc4: {  	[tilespmem:s15], [sflag:$0x4] =	stream.indirect.gather [hbm4b:s17+s4], $0x1, s0, s4, $0xb8;
	[tilespmem:$0x1C400] =	vst v63  }
0xc5: {  	s30 =	rddreg [dreg:$0x6]  }
0xc6: {  	[tilespmem:s20], [sflag:$0x4] =	stream.indirect.gather [hbm4b:s28+s4], $0x1, s0, s4, $0xb8;
	[tilespmem:$0x1C400] =	vst v63  }
0xc7: {  	s31 =	rddreg [dreg:$0x7]  }
0xc8: {  	[tilespmem:s10], [sflag:$0x4] =	stream.indirect.gather [hbm4b:s29+s4], $0x1, s0, s4, $0xb8;
	[tilespmem:$0x1C400] =	vst v63  }
0xc9: {  	[dreg:$0xf] =	wrdreg s7  }
0xca: {  	[tilespmem:s12], [sflag:$0x4] =	stream.indirect.gather [hbm4b:s30+s4], $0x1, s0, s4, $0xb8;
	[tilespmem:$0x1C400] =	vst v63  }
0xcb: {  	[dreg:$0xe] =	wrdreg s6;
	s8 =	simm.s32 $0x0  }
0xcc: {  	[tilespmem:s13], [sflag:$0x4] =	stream.indirect.gather [hbm4b:s31+s4], $0x1, s0, s4, $0xb8;
	[tilespmem:$0x1C400] =	vst v63  }
.LBB2_11:
0xcd: {  	s0 =	sshllo.u32 s8, $0x1  }
0xce: {  	s5 =	sshll.u32 s0, $0x5  }
0xcf: {  	s4 =	sand.u32 $0x3FFFFFE0, s5  }
0xd0: {  	v22 =	vld [tilespmem:s4+$0x17800];
	_ =	sdelay $0x4  }
0xd1: {  	v23 =	vshll.u32 v22, $0x1  }
0xd2: {  	v22 =	vand.u32 $0x7, v22;
	v23 =	vand.u32 $0xFFFFFFF0, v23  }
0xd3: {  	v22 =	vor.u32 v22, v23  }
0xd4: {  	v23 =	vperm.xlane v22, v4;
	_ =	sdelay $0x1  }
0xd5: {  	v22 =	vperm.xlane v22, v6;
	v23 =	vadd.s32 v5, v23;
	_ =	sdelay $0x1  }
0xd6: {  	v22 =	vadd.s32 v5, v22;
	_ =	sdelay $0x1  }
0xd7: {  	s1 =	simm.s32 $0x1A400;
	s0 =	simm.s32 $0x0  }
0xd8: {  	[tilespmem:s1], [sflag:$0x6] =	stream.indirect_vreg.gather [hbm4b:s9+s0], $0x80, v23, vm0, $0xb8;
	[tilespmem:$0x1C400] =	vst v63  }
0xd9: {  	s14 =	simm.s32 $0x1AC00  }
0xda: {  	[tilespmem:s14], [sflag:$0x6] =	stream.indirect_vreg.gather [hbm4b:s9+s0], $0x80, v22, vm0, $0xb8;
	[tilespmem:$0x1C400] =	vst v63  }
0xdb: {  	v22 =	vld [tilespmem:s4+$0x17810];
	_ =	sdelay $0x4  }
0xdc: {  	v23 =	vshll.u32 v22, $0x1  }
0xdd: {  	v22 =	vand.u32 $0x7, v22;
	v23 =	vand.u32 $0xFFFFFFF0, v23  }
0xde: {  	v22 =	vor.u32 v22, v23  }
0xdf: {  	v23 =	vperm.xlane v22, v4;
	_ =	sdelay $0x1  }
0xe0: {  	v22 =	vperm.xlane v22, v6;
	v23 =	vadd.s32 v5, v23;
	_ =	sdelay $0x1  }
0xe1: {  	v22 =	vadd.s32 v5, v22  }
0xe2: {  	s4 =	sshll.u32 s8, $0x6  }
0xe3: {  	s17 =	simm.s32 $0x1B400;
	s14 =	sadd.s32 $0x0, s4  }
0xe4: {  	[tilespmem:s17], [sflag:$0x6] =	stream.indirect_vreg.gather [hbm4b:s9+s0], $0x80, v23, vm0, $0xb8;
	[tilespmem:$0x1C400] =	vst v63  }
0xe5: {  	s30 =	simm.s32 $0x1BC00;
	v23 =	vmov s14  }
0xe6: {  	[tilespmem:s30], [sflag:$0x6] =	stream.indirect_vreg.gather [hbm4b:s9+s0], $0x80, v22, vm0, $0xb8;
	[tilespmem:$0x1C400] =	vst v63  }
0xe7: {  	_ =	swait.ge [sflag:s16], $0x2000  }
0xe8: {  	[sflag:s16] =	ssyncset.done $0x0  }
0xe9: {  	[sflag:s16] =	ssyncadd.s32 $0xFFFFE000  }
0xea: {  	v22 =	vld.idx.msk [tilespmem:v23+s21+$0x0], $0xffff;
	_ =	sdelay $0x4  }
0xeb: {  	s31 =	sand.u32 $0x1800, s0;
	s28 =	sand.u32 $0x380, s0;
	v24 =	vsub.s32 v22, v2  }
0xec: {  	s29 =	sadd.s32 $0x0, s6;
	s14 =	sor.u32 s28, s31;
	v25 =	vld.idx.msk [tilespmem:v23+s22+$0x0], $0xffff;
	v22 =	vshll.u32 v22, $0x7;
	v24 =	vshll.u32 v24, $0x8  }
0xed: {  	vm2 =	vmmov vm1;
	p0 =	slt.s32 s29, s3;
	v26 =	vld [tilespmem:s14+$0x18400];
	v22 =	vand.u32 $0x380, v22;
	v24 =	vand.u32 $0xFFFFF800, v24  }
0xee: {  	vm2 =	vmneg @p0 vm2;
	v22 =	vor.u32 v22, v24  }
0xef: {  	v24 =	vor.u32 v0, v22;
	_ =	sdelay $0x2  }
0xf0: {  	v26 =	vmul.f32 v26, v25;
	_ =	sdelay $0x1  }
0xf1: {  	[tilespmem:v24+s2+$0x0] =	vst.idx.add.f32.msk vm2, v26  }
0xf2: {  	v24 =	vld [tilespmem:s14+$0x18410];
	_ =	sdelay $0x1  }
0xf3: {  	v26 =	vor.u32 v7, v22;
	_ =	sdelay $0x2  }
0xf4: {  	v24 =	vmul.f32 v24, v25;
	_ =	sdelay $0x1  }
0xf5: {  	[tilespmem:v26+s2+$0x0] =	vst.idx.add.f32.msk vm2, v24  }
0xf6: {  	v24 =	vld [tilespmem:s14+$0x18420];
	_ =	sdelay $0x1  }
0xf7: {  	v26 =	vor.u32 v8, v22;
	_ =	sdelay $0x2  }
0xf8: {  	v24 =	vmul.f32 v24, v25;
	_ =	sdelay $0x1  }
0xf9: {  	[tilespmem:v26+s2+$0x0] =	vst.idx.add.f32.msk vm2, v24  }
0xfa: {  	v24 =	vld [tilespmem:s14+$0x18430];
	_ =	sdelay $0x1  }
0xfb: {  	v26 =	vor.u32 v9, v22;
	_ =	sdelay $0x2  }
0xfc: {  	v24 =	vmul.f32 v24, v25;
	_ =	sdelay $0x1  }
0xfd: {  	[tilespmem:v26+s2+$0x0] =	vst.idx.add.f32.msk vm2, v24  }
0xfe: {  	v24 =	vld.idx.msk [tilespmem:v23+s23+$0x0], $0xffff  }
0xff: {  	v25 =	vld [tilespmem:s14+$0x18440];
	_ =	sdelay $0x1  }
0x100: {  	v26 =	vor.u32 v10, v22;
	_ =	sdelay $0x2  }
0x101: {  	v25 =	vmul.f32 v25, v24;
	_ =	sdelay $0x1  }
0x102: {  	[tilespmem:v26+s2+$0x0] =	vst.idx.add.f32.msk vm2, v25  }
0x103: {  	v25 =	vld [tilespmem:s14+$0x18450];
	_ =	sdelay $0x1  }
0x104: {  	v26 =	vor.u32 v11, v22;
	_ =	sdelay $0x2  }
0x105: {  	v25 =	vmul.f32 v25, v24;
	_ =	sdelay $0x1  }
0x106: {  	[tilespmem:v26+s2+$0x0] =	vst.idx.add.f32.msk vm2, v25  }
0x107: {  	v25 =	vld [tilespmem:s14+$0x18460];
	_ =	sdelay $0x1  }
0x108: {  	v26 =	vor.u32 v12, v22;
	_ =	sdelay $0x2  }
0x109: {  	v25 =	vmul.f32 v25, v24;
	_ =	sdelay $0x1  }
0x10a: {  	[tilespmem:v26+s2+$0x0] =	vst.idx.add.f32.msk vm2, v25  }
0x10b: {  	v25 =	vld [tilespmem:s14+$0x18470];
	_ =	sdelay $0x1  }
0x10c: {  	v26 =	vor.u32 v13, v22;
	_ =	sdelay $0x2  }
0x10d: {  	v24 =	vmul.f32 v25, v24;
	_ =	sdelay $0x1  }
0x10e: {  	[tilespmem:v26+s2+$0x0] =	vst.idx.add.f32.msk vm2, v24  }
0x10f: {  	v24 =	vld.idx.msk [tilespmem:v23+s24+$0x0], $0xffff  }
0x110: {  	v25 =	vld [tilespmem:s14+$0x18800];
	_ =	sdelay $0x1  }
0x111: {  	v26 =	vor.u32 v14, v22;
	_ =	sdelay $0x2  }
0x112: {  	v25 =	vmul.f32 v25, v24;
	_ =	sdelay $0x1  }
0x113: {  	[tilespmem:v26+s2+$0x0] =	vst.idx.add.f32.msk vm2, v25  }
0x114: {  	v25 =	vld [tilespmem:s14+$0x18810];
	_ =	sdelay $0x1  }
0x115: {  	v26 =	vor.u32 v15, v22;
	_ =	sdelay $0x2  }
0x116: {  	v25 =	vmul.f32 v25, v24;
	_ =	sdelay $0x1  }
0x117: {  	[tilespmem:v26+s2+$0x0] =	vst.idx.add.f32.msk vm2, v25  }
0x118: {  	v25 =	vld [tilespmem:s14+$0x18820];
	_ =	sdelay $0x1  }
0x119: {  	v26 =	vor.u32 v16, v22;
	_ =	sdelay $0x2  }
0x11a: {  	v25 =	vmul.f32 v25, v24;
	_ =	sdelay $0x1  }
0x11b: {  	[tilespmem:v26+s2+$0x0] =	vst.idx.add.f32.msk vm2, v25  }
0x11c: {  	v25 =	vld [tilespmem:s14+$0x18830];
	_ =	sdelay $0x1  }
0x11d: {  	v26 =	vor.u32 v17, v22;
	_ =	sdelay $0x2  }
0x11e: {  	v24 =	vmul.f32 v25, v24;
	_ =	sdelay $0x1  }
0x11f: {  	[tilespmem:v26+s2+$0x0] =	vst.idx.add.f32.msk vm2, v24  }
0x120: {  	v24 =	vld.idx.msk [tilespmem:v23+s25+$0x0], $0xffff  }
0x121: {  	v23 =	vld [tilespmem:s14+$0x18840];
	_ =	sdelay $0x1  }
0x122: {  	v25 =	vor.u32 v18, v22;
	_ =	sdelay $0x2  }
0x123: {  	v23 =	vmul.f32 v23, v24;
	_ =	sdelay $0x1  }
0x124: {  	[tilespmem:v25+s2+$0x0] =	vst.idx.add.f32.msk vm2, v23  }
0x125: {  	v23 =	vld [tilespmem:s14+$0x18850];
	_ =	sdelay $0x1  }
0x126: {  	v25 =	vor.u32 v19, v22;
	_ =	sdelay $0x2  }
0x127: {  	v23 =	vmul.f32 v23, v24;
	_ =	sdelay $0x1  }
0x128: {  	[tilespmem:v25+s2+$0x0] =	vst.idx.add.f32.msk vm2, v23  }
0x129: {  	v23 =	vld [tilespmem:s14+$0x18860];
	_ =	sdelay $0x1  }
0x12a: {  	v25 =	vor.u32 v20, v22;
	_ =	sdelay $0x2  }
0x12b: {  	v23 =	vmul.f32 v23, v24;
	_ =	sdelay $0x1  }
0x12c: {  	[tilespmem:v25+s2+$0x0] =	vst.idx.add.f32.msk vm2, v23  }
0x12d: {  	v25 =	vld [tilespmem:s14+$0x18870];
	_ =	sdelay $0x1  }
0x12e: {  	s29 =	sadd.s32 $0x1, s4;
	v23 =	vor.u32 v21, v22  }
0x12f: {  	v22 =	vmov s29;
	_ =	sdelay $0x1  }
0x130: {  	s28 =	simm.s32 $0x1;
	s29 =	simm.s32 $0x0;
	s14 =	simm.s32 $0x2;
	v24 =	vmul.f32 v25, v24  }
.LBB2_12:
0x131: {  	s0 =	sadd.s32 $0x80, s0  }
0x132: {  	s29 =	sadd.s32 $0x100, s29;
	s17 =	smov.u32 s14;
	s30 =	sadd.s32 $0x1, s14;
	[tilespmem:v23+s2+$0x0] =	vst.idx.add.f32.msk vm2, v24  }
0x133: {  	p0 =	sne.s32 s14, $0x1F;
	v23 =	vld.idx.msk [tilespmem:v22+s21+$0x0], $0xffff;
	_ =	sdelay $0x5  }
0x134: {  	s14 =	sand.u32 $0x1800, s29;
	s31 =	sand.u32 $0x380, s0;
	v24 =	vsub.s32 v23, v2;
	v23 =	vshll.u32 v23, $0x7  }
0x135: {  	s1 =	sadd.s32 s28, s6;
	s28 =	smov.u32 s17;
	s31 =	sor.u32 s31, s14;
	v24 =	vshll.u32 v24, $0x8;
	v25 =	vld.idx.msk [tilespmem:v22+s22+$0x0], $0xffff  }
0x136: {  	p1 =	slt.s32 s1, s3;
	vm2 =	vmmov vm1;
	v23 =	vand.u32 $0x380, v23;
	v24 =	vand.u32 $0xFFFFF800, v24;
	v26 =	vld [tilespmem:s31+$0x18400]  }
0x137: {  	vm2 =	vmneg @p1 vm2;
	v23 =	vor.u32 v23, v24  }
0x138: {  	v24 =	vor.u32 v0, v23;
	_ =	sdelay $0x2  }
0x139: {  	v26 =	vmul.f32 v26, v25;
	_ =	sdelay $0x1  }
0x13a: {  	[tilespmem:v24+s2+$0x0] =	vst.idx.add.f32.msk vm2, v26  }
0x13b: {  	v24 =	vld [tilespmem:s31+$0x18410];
	_ =	sdelay $0x1  }
0x13c: {  	v26 =	vor.u32 v7, v23;
	_ =	sdelay $0x2  }
0x13d: {  	v24 =	vmul.f32 v24, v25;
	_ =	sdelay $0x1  }
0x13e: {  	[tilespmem:v26+s2+$0x0] =	vst.idx.add.f32.msk vm2, v24  }
0x13f: {  	v24 =	vld [tilespmem:s31+$0x18420];
	_ =	sdelay $0x1  }
0x140: {  	v26 =	vor.u32 v8, v23;
	_ =	sdelay $0x2  }
0x141: {  	v24 =	vmul.f32 v24, v25;
	_ =	sdelay $0x1  }
0x142: {  	[tilespmem:v26+s2+$0x0] =	vst.idx.add.f32.msk vm2, v24  }
0x143: {  	v24 =	vld [tilespmem:s31+$0x18430];
	_ =	sdelay $0x1  }
0x144: {  	v26 =	vor.u32 v9, v23;
	_ =	sdelay $0x2  }
0x145: {  	v24 =	vmul.f32 v24, v25;
	_ =	sdelay $0x1  }
0x146: {  	[tilespmem:v26+s2+$0x0] =	vst.idx.add.f32.msk vm2, v24  }
0x147: {  	v24 =	vld.idx.msk [tilespmem:v22+s23+$0x0], $0xffff  }
0x148: {  	v25 =	vld [tilespmem:s31+$0x18440];
	_ =	sdelay $0x1  }
0x149: {  	v26 =	vor.u32 v10, v23;
	_ =	sdelay $0x2  }
0x14a: {  	v25 =	vmul.f32 v25, v24;
	_ =	sdelay $0x1  }
0x14b: {  	[tilespmem:v26+s2+$0x0] =	vst.idx.add.f32.msk vm2, v25  }
0x14c: {  	v25 =	vld [tilespmem:s31+$0x18450];
	_ =	sdelay $0x1  }
0x14d: {  	v26 =	vor.u32 v11, v23;
	_ =	sdelay $0x2  }
0x14e: {  	v25 =	vmul.f32 v25, v24;
	_ =	sdelay $0x1  }
0x14f: {  	[tilespmem:v26+s2+$0x0] =	vst.idx.add.f32.msk vm2, v25  }
0x150: {  	v25 =	vld [tilespmem:s31+$0x18460];
	_ =	sdelay $0x1  }
0x151: {  	v26 =	vor.u32 v12, v23;
	_ =	sdelay $0x2  }
0x152: {  	v25 =	vmul.f32 v25, v24;
	_ =	sdelay $0x1  }
0x153: {  	[tilespmem:v26+s2+$0x0] =	vst.idx.add.f32.msk vm2, v25  }
0x154: {  	v25 =	vld [tilespmem:s31+$0x18470];
	_ =	sdelay $0x1  }
0x155: {  	v26 =	vor.u32 v13, v23;
	_ =	sdelay $0x2  }
0x156: {  	v24 =	vmul.f32 v25, v24;
	_ =	sdelay $0x1  }
0x157: {  	[tilespmem:v26+s2+$0x0] =	vst.idx.add.f32.msk vm2, v24  }
0x158: {  	v24 =	vld.idx.msk [tilespmem:v22+s24+$0x0], $0xffff  }
0x159: {  	v25 =	vld [tilespmem:s31+$0x18800];
	_ =	sdelay $0x1  }
0x15a: {  	v26 =	vor.u32 v14, v23;
	_ =	sdelay $0x2  }
0x15b: {  	v25 =	vmul.f32 v25, v24;
	_ =	sdelay $0x1  }
0x15c: {  	[tilespmem:v26+s2+$0x0] =	vst.idx.add.f32.msk vm2, v25  }
0x15d: {  	v25 =	vld [tilespmem:s31+$0x18810];
	_ =	sdelay $0x1  }
0x15e: {  	v26 =	vor.u32 v15, v23;
	_ =	sdelay $0x2  }
0x15f: {  	v25 =	vmul.f32 v25, v24;
	_ =	sdelay $0x1  }
0x160: {  	[tilespmem:v26+s2+$0x0] =	vst.idx.add.f32.msk vm2, v25  }
0x161: {  	v25 =	vld [tilespmem:s31+$0x18820];
	_ =	sdelay $0x1  }
0x162: {  	v26 =	vor.u32 v16, v23;
	_ =	sdelay $0x2  }
0x163: {  	v25 =	vmul.f32 v25, v24;
	_ =	sdelay $0x1  }
0x164: {  	[tilespmem:v26+s2+$0x0] =	vst.idx.add.f32.msk vm2, v25  }
0x165: {  	v25 =	vld [tilespmem:s31+$0x18830];
	_ =	sdelay $0x1  }
0x166: {  	v26 =	vor.u32 v17, v23;
	_ =	sdelay $0x2  }
0x167: {  	v24 =	vmul.f32 v25, v24;
	_ =	sdelay $0x1  }
0x168: {  	[tilespmem:v26+s2+$0x0] =	vst.idx.add.f32.msk vm2, v24  }
0x169: {  	v24 =	vld.idx.msk [tilespmem:v22+s25+$0x0], $0xffff  }
0x16a: {  	v22 =	vld [tilespmem:s31+$0x18840];
	_ =	sdelay $0x1  }
0x16b: {  	v25 =	vor.u32 v18, v23;
	_ =	sdelay $0x2  }
0x16c: {  	v22 =	vmul.f32 v22, v24;
	_ =	sdelay $0x1  }
0x16d: {  	[tilespmem:v25+s2+$0x0] =	vst.idx.add.f32.msk vm2, v22  }
0x16e: {  	v22 =	vld [tilespmem:s31+$0x18850];
	_ =	sdelay $0x1  }
0x16f: {  	v25 =	vor.u32 v19, v23;
	_ =	sdelay $0x2  }
0x170: {  	v22 =	vmul.f32 v22, v24;
	_ =	sdelay $0x1  }
0x171: {  	[tilespmem:v25+s2+$0x0] =	vst.idx.add.f32.msk vm2, v22  }
0x172: {  	v22 =	vld [tilespmem:s31+$0x18860];
	_ =	sdelay $0x1  }
0x173: {  	v25 =	vor.u32 v20, v23;
	_ =	sdelay $0x2  }
0x174: {  	v22 =	vmul.f32 v22, v24;
	_ =	sdelay $0x1  }
0x175: {  	[tilespmem:v25+s2+$0x0] =	vst.idx.add.f32.msk vm2, v22  }
0x176: {  	v25 =	vld [tilespmem:s31+$0x18870]  }
.Ltmp4:
0x177: {  	(pc) =	sbr.rel @p0 .LBB2_12-.Ltmp4, $3  }
0x178: {  	s1 =	sadd.s32 s4, s28;
	v23 =	vor.u32 v21, v23  }
0x179: {  	v22 =	vmov s1;
	_ =	sdelay $0x1  }
0x17a: {  	s14 =	smov.u32 s30;
	v24 =	vmul.f32 v25, v24  }
0x17b: {  	_ =	sdelay $0x4  }
0x17c: {  	[tilespmem:v23+s2+$0x0] =	vst.idx.add.f32.msk vm2, v24  }
0x17d: {  	v23 =	vld.idx.msk [tilespmem:v22+s21+$0x0], $0xffff;
	_ =	sdelay $0x3  }
0x17e: {  	s0 =	sadd.s32 $0x80, s0;
	s1 =	sadd.s32 $0x100, s29  }
0x17f: {  	s1 =	sand.u32 $0x1800, s1;
	s0 =	sand.u32 $0x380, s0;
	v24 =	vsub.s32 v23, v2  }
0x180: {  	s4 =	sadd.s32 s28, s6;
	v25 =	vld.idx.msk [tilespmem:v22+s22+$0x0], $0xffff;
	s0 =	sor.u32 s0, s1;
	v23 =	vshll.u32 v23, $0x7;
	v24 =	vshll.u32 v24, $0x8  }
0x181: {  	p0 =	slt.s32 s4, s3;
	vm2 =	vmmov vm1;
	v26 =	vld [tilespmem:s0+$0x18400];
	v23 =	vand.u32 $0x380, v23;
	v24 =	vand.u32 $0xFFFFF800, v24  }
0x182: {  	vm2 =	vmneg @p0 vm2;
	v23 =	vor.u32 v23, v24  }
0x183: {  	v24 =	vor.u32 v0, v23;
	_ =	sdelay $0x2  }
0x184: {  	v26 =	vmul.f32 v26, v25;
	_ =	sdelay $0x1  }
0x185: {  	[tilespmem:v24+s2+$0x0] =	vst.idx.add.f32.msk vm2, v26  }
0x186: {  	v24 =	vld [tilespmem:s0+$0x18410];
	_ =	sdelay $0x1  }
0x187: {  	v26 =	vor.u32 v7, v23;
	_ =	sdelay $0x2  }
0x188: {  	v24 =	vmul.f32 v24, v25;
	_ =	sdelay $0x1  }
0x189: {  	[tilespmem:v26+s2+$0x0] =	vst.idx.add.f32.msk vm2, v24  }
0x18a: {  	v24 =	vld [tilespmem:s0+$0x18420];
	_ =	sdelay $0x1  }
0x18b: {  	v26 =	vor.u32 v8, v23;
	_ =	sdelay $0x2  }
0x18c: {  	v24 =	vmul.f32 v24, v25;
	_ =	sdelay $0x1  }
0x18d: {  	[tilespmem:v26+s2+$0x0] =	vst.idx.add.f32.msk vm2, v24  }
0x18e: {  	v24 =	vld [tilespmem:s0+$0x18430];
	_ =	sdelay $0x1  }
0x18f: {  	v26 =	vor.u32 v9, v23;
	_ =	sdelay $0x2  }
0x190: {  	v24 =	vmul.f32 v24, v25;
	_ =	sdelay $0x1  }
0x191: {  	[tilespmem:v26+s2+$0x0] =	vst.idx.add.f32.msk vm2, v24  }
0x192: {  	v24 =	vld.idx.msk [tilespmem:v22+s23+$0x0], $0xffff  }
0x193: {  	v25 =	vld [tilespmem:s0+$0x18440];
	_ =	sdelay $0x1  }
0x194: {  	v26 =	vor.u32 v10, v23;
	_ =	sdelay $0x2  }
0x195: {  	v25 =	vmul.f32 v25, v24;
	_ =	sdelay $0x1  }
0x196: {  	[tilespmem:v26+s2+$0x0] =	vst.idx.add.f32.msk vm2, v25  }
0x197: {  	v25 =	vld [tilespmem:s0+$0x18450];
	_ =	sdelay $0x1  }
0x198: {  	v26 =	vor.u32 v11, v23;
	_ =	sdelay $0x2  }
0x199: {  	v25 =	vmul.f32 v25, v24;
	_ =	sdelay $0x1  }
0x19a: {  	[tilespmem:v26+s2+$0x0] =	vst.idx.add.f32.msk vm2, v25  }
0x19b: {  	v25 =	vld [tilespmem:s0+$0x18460];
	_ =	sdelay $0x1  }
0x19c: {  	v26 =	vor.u32 v12, v23;
	_ =	sdelay $0x2  }
0x19d: {  	v25 =	vmul.f32 v25, v24;
	_ =	sdelay $0x1  }
0x19e: {  	[tilespmem:v26+s2+$0x0] =	vst.idx.add.f32.msk vm2, v25  }
0x19f: {  	v25 =	vld [tilespmem:s0+$0x18470];
	_ =	sdelay $0x1  }
0x1a0: {  	v26 =	vor.u32 v13, v23;
	_ =	sdelay $0x2  }
0x1a1: {  	v24 =	vmul.f32 v25, v24;
	_ =	sdelay $0x1  }
0x1a2: {  	[tilespmem:v26+s2+$0x0] =	vst.idx.add.f32.msk vm2, v24  }
0x1a3: {  	v24 =	vld.idx.msk [tilespmem:v22+s24+$0x0], $0xffff  }
0x1a4: {  	v25 =	vld [tilespmem:s0+$0x18800];
	_ =	sdelay $0x1  }
0x1a5: {  	v26 =	vor.u32 v14, v23;
	_ =	sdelay $0x2  }
0x1a6: {  	v25 =	vmul.f32 v25, v24;
	_ =	sdelay $0x1  }
0x1a7: {  	[tilespmem:v26+s2+$0x0] =	vst.idx.add.f32.msk vm2, v25  }
0x1a8: {  	v25 =	vld [tilespmem:s0+$0x18810];
	_ =	sdelay $0x1  }
0x1a9: {  	v26 =	vor.u32 v15, v23;
	_ =	sdelay $0x2  }
0x1aa: {  	v25 =	vmul.f32 v25, v24;
	_ =	sdelay $0x1  }
0x1ab: {  	[tilespmem:v26+s2+$0x0] =	vst.idx.add.f32.msk vm2, v25  }
0x1ac: {  	v25 =	vld [tilespmem:s0+$0x18820];
	_ =	sdelay $0x1  }
0x1ad: {  	v26 =	vor.u32 v16, v23;
	_ =	sdelay $0x2  }
0x1ae: {  	v25 =	vmul.f32 v25, v24;
	_ =	sdelay $0x1  }
0x1af: {  	[tilespmem:v26+s2+$0x0] =	vst.idx.add.f32.msk vm2, v25  }
0x1b0: {  	v25 =	vld [tilespmem:s0+$0x18830];
	_ =	sdelay $0x1  }
0x1b1: {  	v26 =	vor.u32 v17, v23;
	_ =	sdelay $0x2  }
0x1b2: {  	v24 =	vmul.f32 v25, v24;
	_ =	sdelay $0x1  }
0x1b3: {  	[tilespmem:v26+s2+$0x0] =	vst.idx.add.f32.msk vm2, v24  }
0x1b4: {  	v22 =	vld.idx.msk [tilespmem:v22+s25+$0x0], $0xffff  }
0x1b5: {  	v24 =	vld [tilespmem:s0+$0x18840];
	_ =	sdelay $0x1  }
0x1b6: {  	v25 =	vor.u32 v18, v23;
	_ =	sdelay $0x2  }
0x1b7: {  	v24 =	vmul.f32 v24, v22;
	_ =	sdelay $0x1  }
0x1b8: {  	[tilespmem:v25+s2+$0x0] =	vst.idx.add.f32.msk vm2, v24  }
0x1b9: {  	v24 =	vld [tilespmem:s0+$0x18850];
	_ =	sdelay $0x1  }
0x1ba: {  	v25 =	vor.u32 v19, v23;
	_ =	sdelay $0x2  }
0x1bb: {  	v24 =	vmul.f32 v24, v22;
	_ =	sdelay $0x1  }
0x1bc: {  	[tilespmem:v25+s2+$0x0] =	vst.idx.add.f32.msk vm2, v24  }
0x1bd: {  	v24 =	vld [tilespmem:s0+$0x18860];
	_ =	sdelay $0x1  }
0x1be: {  	v25 =	vor.u32 v20, v23;
	_ =	sdelay $0x2  }
0x1bf: {  	v24 =	vmul.f32 v24, v22;
	_ =	sdelay $0x1  }
0x1c0: {  	[tilespmem:v25+s2+$0x0] =	vst.idx.add.f32.msk vm2, v24  }
0x1c1: {  	v24 =	vld [tilespmem:s0+$0x18870];
	_ =	sdelay $0x1  }
0x1c2: {  	v23 =	vor.u32 v21, v23;
	_ =	sdelay $0x2  }
0x1c3: {  	v22 =	vmul.f32 v24, v22  }
0x1c4: {  	p0 =	seq.s32 s8, $0x3  }
0x1c5: {  	s0 =	simm.s32 @p0 $0x4;
	[tilespmem:v23+s2+$0x0] =	vst.idx.add.f32.msk vm2, v22  }
0x1c6: {  	_ =	swait.ge @p0 [sflag:s0], $0x100  }
0x1c7: {  	[sflag:s0] =	ssyncset.done @p0 $0x0  }
0x1c8: {  	[sflag:s0] =	ssyncadd.s32 @p0 $0xFFFFFF00  }
0x1c9: {  	_ =	swait.ge @p0 [sflag:s0], $0x100  }
0x1ca: {  	[sflag:s0] =	ssyncset.done @p0 $0x0  }
0x1cb: {  	[sflag:s0] =	ssyncadd.s32 @p0 $0xFFFFFF00  }
0x1cc: {  	_ =	swait.ge @p0 [sflag:s0], $0x100  }
0x1cd: {  	[sflag:s0] =	ssyncset.done @p0 $0x0  }
0x1ce: {  	[sflag:s0] =	ssyncadd.s32 @p0 $0xFFFFFF00  }
0x1cf: {  	_ =	swait.ge @p0 [sflag:s0], $0x100  }
0x1d0: {  	[sflag:s0] =	ssyncset.done @p0 $0x0  }
0x1d1: {  	[sflag:s0] =	ssyncadd.s32 @p0 $0xFFFFFF00  }
0x1d2: {  	_ =	swait.ge @p0 [sflag:s0], $0x100  }
0x1d3: {  	[sflag:s0] =	ssyncset.done @p0 $0x0  }
0x1d4: {  	[sflag:s0] =	ssyncadd.s32 @p0 $0xFFFFFF00  }
0x1d5: {  	_ =	swait.ge @p0 [sflag:s0], $0x100  }
0x1d6: {  	[sflag:s0] =	ssyncset.done @p0 $0x0  }
0x1d7: {  	[sflag:s0] =	ssyncadd.s32 @p0 $0xFFFFFF00  }
0x1d8: {  	v22 =	vld @p0 [tilespmem:$0x17900];
	_ =	sdelay $0x4  }
0x1d9: {  	v23 =	vshll.u32 @p0 v22, $0x1  }
0x1da: {  	v24 =	vlaneseq.u32 @p0;
	v22 =	vand.u32 @p0 $0x7, v22;
	v23 =	vand.u32 @p0 $0xFFFFFFF0, v23  }
0x1db: {  	v25 =	vshrl.u32 @p0 v24, $0x3;
	v22 =	vor.u32 @p0 v22, v23;
	v23 =	vand.u32 @p0 $0x7, v24  }
0x1dc: {  	v25 =	vmul.u32 @p0 $0x8, v25;
	v23 =	vperm.xlane @p0 v22, v23  }
0x1dd: {  	v24 =	vor.u32 @p0 $0x8, v24  }
0x1de: {  	v22 =	vperm.xlane @p0 v22, v24;
	v23 =	vadd.s32 @p0 v25, v23;
	_ =	sdelay $0x1  }
0x1df: {  	v22 =	vadd.s32 @p0 v25, v22;
	_ =	sdelay $0x1  }
0x1e0: {  	s1 =	simm.s32 @p0 $0x18400;
	vm2 =	vmmov @p0 $0xffff;
	s0 =	simm.s32 @p0 $0x0  }
0x1e1: {  	[tilespmem:s1], [sflag:$0x5] =	stream.indirect_vreg.gather @p0 [hbm4b:s9+s0], $0x80, v23, vm2, $0xb8;
	[tilespmem:$0x1C400] =	vst v63  }
0x1e2: {  	s1 =	simm.s32 @p0 $0x18C00  }
0x1e3: {  	[tilespmem:s1], [sflag:$0x5] =	stream.indirect_vreg.gather @p0 [hbm4b:s9+s0], $0x80, v22, vm2, $0xb8;
	[tilespmem:$0x1C400] =	vst v63  }
0x1e4: {  	s0 =	sshll.u32 @!p0 s8, $0x6  }
0x1e5: {  	s0 =	sand.u32 @!p0 $0x3FFFFFC0, s0  }
0x1e6: {  	v22 =	vld @!p0 [tilespmem:s0+$0x17840];
	_ =	sdelay $0x4  }
0x1e7: {  	v23 =	vshll.u32 @!p0 v22, $0x1  }
0x1e8: {  	v24 =	vlaneseq.u32 @!p0;
	v22 =	vand.u32 @!p0 $0x7, v22;
	v23 =	vand.u32 @!p0 $0xFFFFFFF0, v23  }
0x1e9: {  	v25 =	vshrl.u32 @!p0 v24, $0x3;
	v22 =	vor.u32 @!p0 v22, v23;
	v23 =	vand.u32 @!p0 $0x7, v24  }
0x1ea: {  	v25 =	vmul.u32 @!p0 $0x8, v25;
	v23 =	vperm.xlane @!p0 v22, v23  }
0x1eb: {  	v24 =	vor.u32 @!p0 $0x8, v24  }
0x1ec: {  	v22 =	vperm.xlane @!p0 v22, v24;
	v23 =	vadd.s32 @!p0 v25, v23;
	_ =	sdelay $0x1  }
0x1ed: {  	v22 =	vadd.s32 @!p0 v25, v22;
	_ =	sdelay $0x1  }
0x1ee: {  	s4 =	simm.s32 @!p0 $0x18400;
	vm2 =	vmmov @!p0 $0xffff;
	s1 =	simm.s32 @!p0 $0x0;
	s0 =	sadd.s32 @!p0 $0x17850, s0  }
0x1ef: {  	[tilespmem:s4], [sflag:$0x5] =	stream.indirect_vreg.gather @!p0 [hbm4b:s9+s1], $0x80, v23, vm2, $0xb8;
	[tilespmem:$0x1C400] =	vst v63  }
0x1f0: {  	s0 =	simm.s32 @p0 $0x17910;
	s4 =	simm.s32 @!p0 $0x18C00  }
0x1f1: {  	[tilespmem:s4], [sflag:$0x5] =	stream.indirect_vreg.gather @!p0 [hbm4b:s9+s1], $0x80, v22, vm2, $0xb8;
	[tilespmem:$0x1C400] =	vst v63  }
0x1f2: {  	v22 =	vld [tilespmem:s0+$0x0];
	_ =	sdelay $0x4  }
0x1f3: {  	v23 =	vshll.u32 v22, $0x1  }
0x1f4: {  	v22 =	vand.u32 $0x7, v22;
	v23 =	vand.u32 $0xFFFFFFF0, v23  }
0x1f5: {  	v22 =	vor.u32 v22, v23  }
0x1f6: {  	v23 =	vperm.xlane v22, v4;
	_ =	sdelay $0x1  }
0x1f7: {  	v22 =	vperm.xlane v22, v6;
	v23 =	vadd.s32 v5, v23;
	_ =	sdelay $0x1  }
0x1f8: {  	v22 =	vadd.s32 v5, v22;
	_ =	sdelay $0x1  }
0x1f9: {  	s14 =	sadd.s32 $0x0, s5;
	s4 =	simm.s32 $0x19400;
	s0 =	simm.s32 $0x0  }
0x1fa: {  	[tilespmem:s4], [sflag:$0x5] =	stream.indirect_vreg.gather [hbm4b:s9+s0], $0x80, v23, vm0, $0xb8;
	[tilespmem:$0x1C400] =	vst v63  }
0x1fb: {  	s17 =	simm.s32 $0x19C00;
	v23 =	vmov s14  }
0x1fc: {  	[tilespmem:s17], [sflag:$0x5] =	stream.indirect_vreg.gather [hbm4b:s9+s0], $0x80, v22, vm0, $0xb8;
	[tilespmem:$0x1C400] =	vst v63  }
0x1fd: {  	_ =	swait.ge [sflag:s19], $0x2000  }
0x1fe: {  	[sflag:s19] =	ssyncset.done $0x0  }
0x1ff: {  	[sflag:s19] =	ssyncadd.s32 $0xFFFFE000  }
0x200: {  	v22 =	vld.idx.msk [tilespmem:v23+s21+$0x0], $0xffff;
	_ =	sdelay $0x4  }
0x201: {  	s29 =	sand.u32 $0x1800, s0;
	s30 =	sand.u32 $0x380, s0;
	v24 =	vsub.s32 v22, v2  }
0x202: {  	s14 =	sadd.s32 $0x0, s7;
	s4 =	sor.u32 s30, s29;
	v25 =	vld.idx.msk [tilespmem:v23+s22+$0x0], $0xffff;
	v22 =	vshll.u32 v22, $0x7;
	v24 =	vshll.u32 v24, $0x8  }
0x203: {  	vm2 =	vmmov vm1;
	p0 =	slt.s32 s14, s3;
	v26 =	vld [tilespmem:s4+$0x1A400];
	v22 =	vand.u32 $0x380, v22;
	v24 =	vand.u32 $0xFFFFF800, v24  }
0x204: {  	vm2 =	vmneg @p0 vm2;
	v22 =	vor.u32 v22, v24  }
0x205: {  	v24 =	vor.u32 v0, v22;
	_ =	sdelay $0x2  }
0x206: {  	v26 =	vmul.f32 v26, v25;
	_ =	sdelay $0x1  }
0x207: {  	[tilespmem:v24+s2+$0x0] =	vst.idx.add.f32.msk vm2, v26  }
0x208: {  	v24 =	vld [tilespmem:s4+$0x1A410];
	_ =	sdelay $0x1  }
0x209: {  	v26 =	vor.u32 v7, v22;
	_ =	sdelay $0x2  }
0x20a: {  	v24 =	vmul.f32 v24, v25;
	_ =	sdelay $0x1  }
0x20b: {  	[tilespmem:v26+s2+$0x0] =	vst.idx.add.f32.msk vm2, v24  }
0x20c: {  	v24 =	vld [tilespmem:s4+$0x1A420];
	_ =	sdelay $0x1  }
0x20d: {  	v26 =	vor.u32 v8, v22;
	_ =	sdelay $0x2  }
0x20e: {  	v24 =	vmul.f32 v24, v25;
	_ =	sdelay $0x1  }
0x20f: {  	[tilespmem:v26+s2+$0x0] =	vst.idx.add.f32.msk vm2, v24  }
0x210: {  	v24 =	vld [tilespmem:s4+$0x1A430];
	_ =	sdelay $0x1  }
0x211: {  	v26 =	vor.u32 v9, v22;
	_ =	sdelay $0x2  }
0x212: {  	v24 =	vmul.f32 v24, v25;
	_ =	sdelay $0x1  }
0x213: {  	[tilespmem:v26+s2+$0x0] =	vst.idx.add.f32.msk vm2, v24  }
0x214: {  	v24 =	vld.idx.msk [tilespmem:v23+s23+$0x0], $0xffff  }
0x215: {  	v25 =	vld [tilespmem:s4+$0x1A440];
	_ =	sdelay $0x1  }
0x216: {  	v26 =	vor.u32 v10, v22;
	_ =	sdelay $0x2  }
0x217: {  	v25 =	vmul.f32 v25, v24;
	_ =	sdelay $0x1  }
0x218: {  	[tilespmem:v26+s2+$0x0] =	vst.idx.add.f32.msk vm2, v25  }
0x219: {  	v25 =	vld [tilespmem:s4+$0x1A450];
	_ =	sdelay $0x1  }
0x21a: {  	v26 =	vor.u32 v11, v22;
	_ =	sdelay $0x2  }
0x21b: {  	v25 =	vmul.f32 v25, v24;
	_ =	sdelay $0x1  }
0x21c: {  	[tilespmem:v26+s2+$0x0] =	vst.idx.add.f32.msk vm2, v25  }
0x21d: {  	v25 =	vld [tilespmem:s4+$0x1A460];
	_ =	sdelay $0x1  }
0x21e: {  	v26 =	vor.u32 v12, v22;
	_ =	sdelay $0x2  }
0x21f: {  	v25 =	vmul.f32 v25, v24;
	_ =	sdelay $0x1  }
0x220: {  	[tilespmem:v26+s2+$0x0] =	vst.idx.add.f32.msk vm2, v25  }
0x221: {  	v25 =	vld [tilespmem:s4+$0x1A470];
	_ =	sdelay $0x1  }
0x222: {  	v26 =	vor.u32 v13, v22;
	_ =	sdelay $0x2  }
0x223: {  	v24 =	vmul.f32 v25, v24;
	_ =	sdelay $0x1  }
0x224: {  	[tilespmem:v26+s2+$0x0] =	vst.idx.add.f32.msk vm2, v24  }
0x225: {  	v24 =	vld.idx.msk [tilespmem:v23+s24+$0x0], $0xffff  }
0x226: {  	v25 =	vld [tilespmem:s4+$0x1A800];
	_ =	sdelay $0x1  }
0x227: {  	v26 =	vor.u32 v14, v22;
	_ =	sdelay $0x2  }
0x228: {  	v25 =	vmul.f32 v25, v24;
	_ =	sdelay $0x1  }
0x229: {  	[tilespmem:v26+s2+$0x0] =	vst.idx.add.f32.msk vm2, v25  }
0x22a: {  	v25 =	vld [tilespmem:s4+$0x1A810];
	_ =	sdelay $0x1  }
0x22b: {  	v26 =	vor.u32 v15, v22;
	_ =	sdelay $0x2  }
0x22c: {  	v25 =	vmul.f32 v25, v24;
	_ =	sdelay $0x1  }
0x22d: {  	[tilespmem:v26+s2+$0x0] =	vst.idx.add.f32.msk vm2, v25  }
0x22e: {  	v25 =	vld [tilespmem:s4+$0x1A820];
	_ =	sdelay $0x1  }
0x22f: {  	v26 =	vor.u32 v16, v22;
	_ =	sdelay $0x2  }
0x230: {  	v25 =	vmul.f32 v25, v24;
	_ =	sdelay $0x1  }
0x231: {  	[tilespmem:v26+s2+$0x0] =	vst.idx.add.f32.msk vm2, v25  }
0x232: {  	v25 =	vld [tilespmem:s4+$0x1A830];
	_ =	sdelay $0x1  }
0x233: {  	v26 =	vor.u32 v17, v22;
	_ =	sdelay $0x2  }
0x234: {  	v24 =	vmul.f32 v25, v24;
	_ =	sdelay $0x1  }
0x235: {  	[tilespmem:v26+s2+$0x0] =	vst.idx.add.f32.msk vm2, v24  }
0x236: {  	v24 =	vld.idx.msk [tilespmem:v23+s25+$0x0], $0xffff  }
0x237: {  	v23 =	vld [tilespmem:s4+$0x1A840];
	_ =	sdelay $0x1  }
0x238: {  	v25 =	vor.u32 v18, v22;
	_ =	sdelay $0x2  }
0x239: {  	v23 =	vmul.f32 v23, v24;
	_ =	sdelay $0x1  }
0x23a: {  	[tilespmem:v25+s2+$0x0] =	vst.idx.add.f32.msk vm2, v23  }
0x23b: {  	v23 =	vld [tilespmem:s4+$0x1A850];
	_ =	sdelay $0x1  }
0x23c: {  	v25 =	vor.u32 v19, v22;
	_ =	sdelay $0x2  }
0x23d: {  	v23 =	vmul.f32 v23, v24;
	_ =	sdelay $0x1  }
0x23e: {  	[tilespmem:v25+s2+$0x0] =	vst.idx.add.f32.msk vm2, v23  }
0x23f: {  	v23 =	vld [tilespmem:s4+$0x1A860];
	_ =	sdelay $0x1  }
0x240: {  	v25 =	vor.u32 v20, v22;
	_ =	sdelay $0x2  }
0x241: {  	v23 =	vmul.f32 v23, v24;
	_ =	sdelay $0x1  }
0x242: {  	[tilespmem:v25+s2+$0x0] =	vst.idx.add.f32.msk vm2, v23  }
0x243: {  	v25 =	vld [tilespmem:s4+$0x1A870];
	_ =	sdelay $0x1  }
0x244: {  	s31 =	sadd.s32 $0x1, s5;
	v23 =	vor.u32 v21, v22  }
0x245: {  	v22 =	vmov s31;
	_ =	sdelay $0x1  }
0x246: {  	s28 =	simm.s32 $0x0;
	s14 =	simm.s32 $0x2;
	s4 =	simm.s32 $0x1;
	v24 =	vmul.f32 v25, v24  }
.LBB2_14:
0x247: {  	s0 =	sadd.s32 $0x80, s0  }
0x248: {  	s28 =	sadd.s32 $0x100, s28;
	s1 =	smov.u32 s14;
	s29 =	sadd.s32 $0x1, s14;
	[tilespmem:v23+s2+$0x0] =	vst.idx.add.f32.msk vm2, v24  }
0x249: {  	p0 =	sne.s32 s14, $0x1F;
	v23 =	vld.idx.msk [tilespmem:v22+s21+$0x0], $0xffff;
	_ =	sdelay $0x5  }
0x24a: {  	s14 =	sand.u32 $0x1800, s28;
	s17 =	sand.u32 $0x380, s0;
	v24 =	vsub.s32 v23, v2;
	v23 =	vshll.u32 v23, $0x7  }
0x24b: {  	s31 =	sadd.s32 s4, s7;
	s4 =	smov.u32 s1;
	s30 =	sor.u32 s17, s14;
	v24 =	vshll.u32 v24, $0x8;
	v25 =	vld.idx.msk [tilespmem:v22+s22+$0x0], $0xffff  }
0x24c: {  	p1 =	slt.s32 s31, s3;
	vm2 =	vmmov vm1;
	v23 =	vand.u32 $0x380, v23;
	v24 =	vand.u32 $0xFFFFF800, v24;
	v26 =	vld [tilespmem:s30+$0x1A400]  }
0x24d: {  	vm2 =	vmneg @p1 vm2;
	v23 =	vor.u32 v23, v24  }
0x24e: {  	v24 =	vor.u32 v0, v23;
	_ =	sdelay $0x2  }
0x24f: {  	v26 =	vmul.f32 v26, v25;
	_ =	sdelay $0x1  }
0x250: {  	[tilespmem:v24+s2+$0x0] =	vst.idx.add.f32.msk vm2, v26  }
0x251: {  	v24 =	vld [tilespmem:s30+$0x1A410];
	_ =	sdelay $0x1  }
0x252: {  	v26 =	vor.u32 v7, v23;
	_ =	sdelay $0x2  }
0x253: {  	v24 =	vmul.f32 v24, v25;
	_ =	sdelay $0x1  }
0x254: {  	[tilespmem:v26+s2+$0x0] =	vst.idx.add.f32.msk vm2, v24  }
0x255: {  	v24 =	vld [tilespmem:s30+$0x1A420];
	_ =	sdelay $0x1  }
0x256: {  	v26 =	vor.u32 v8, v23;
	_ =	sdelay $0x2  }
0x257: {  	v24 =	vmul.f32 v24, v25;
	_ =	sdelay $0x1  }
0x258: {  	[tilespmem:v26+s2+$0x0] =	vst.idx.add.f32.msk vm2, v24  }
0x259: {  	v24 =	vld [tilespmem:s30+$0x1A430];
	_ =	sdelay $0x1  }
0x25a: {  	v26 =	vor.u32 v9, v23;
	_ =	sdelay $0x2  }
0x25b: {  	v24 =	vmul.f32 v24, v25;
	_ =	sdelay $0x1  }
0x25c: {  	[tilespmem:v26+s2+$0x0] =	vst.idx.add.f32.msk vm2, v24  }
0x25d: {  	v24 =	vld.idx.msk [tilespmem:v22+s23+$0x0], $0xffff  }
0x25e: {  	v25 =	vld [tilespmem:s30+$0x1A440];
	_ =	sdelay $0x1  }
0x25f: {  	v26 =	vor.u32 v10, v23;
	_ =	sdelay $0x2  }
0x260: {  	v25 =	vmul.f32 v25, v24;
	_ =	sdelay $0x1  }
0x261: {  	[tilespmem:v26+s2+$0x0] =	vst.idx.add.f32.msk vm2, v25  }
0x262: {  	v25 =	vld [tilespmem:s30+$0x1A450];
	_ =	sdelay $0x1  }
0x263: {  	v26 =	vor.u32 v11, v23;
	_ =	sdelay $0x2  }
0x264: {  	v25 =	vmul.f32 v25, v24;
	_ =	sdelay $0x1  }
0x265: {  	[tilespmem:v26+s2+$0x0] =	vst.idx.add.f32.msk vm2, v25  }
0x266: {  	v25 =	vld [tilespmem:s30+$0x1A460];
	_ =	sdelay $0x1  }
0x267: {  	v26 =	vor.u32 v12, v23;
	_ =	sdelay $0x2  }
0x268: {  	v25 =	vmul.f32 v25, v24;
	_ =	sdelay $0x1  }
0x269: {  	[tilespmem:v26+s2+$0x0] =	vst.idx.add.f32.msk vm2, v25  }
0x26a: {  	v25 =	vld [tilespmem:s30+$0x1A470];
	_ =	sdelay $0x1  }
0x26b: {  	v26 =	vor.u32 v13, v23;
	_ =	sdelay $0x2  }
0x26c: {  	v24 =	vmul.f32 v25, v24;
	_ =	sdelay $0x1  }
0x26d: {  	[tilespmem:v26+s2+$0x0] =	vst.idx.add.f32.msk vm2, v24  }
0x26e: {  	v24 =	vld.idx.msk [tilespmem:v22+s24+$0x0], $0xffff  }
0x26f: {  	v25 =	vld [tilespmem:s30+$0x1A800];
	_ =	sdelay $0x1  }
0x270: {  	v26 =	vor.u32 v14, v23;
	_ =	sdelay $0x2  }
0x271: {  	v25 =	vmul.f32 v25, v24;
	_ =	sdelay $0x1  }
0x272: {  	[tilespmem:v26+s2+$0x0] =	vst.idx.add.f32.msk vm2, v25  }
0x273: {  	v25 =	vld [tilespmem:s30+$0x1A810];
	_ =	sdelay $0x1  }
0x274: {  	v26 =	vor.u32 v15, v23;
	_ =	sdelay $0x2  }
0x275: {  	v25 =	vmul.f32 v25, v24;
	_ =	sdelay $0x1  }
0x276: {  	[tilespmem:v26+s2+$0x0] =	vst.idx.add.f32.msk vm2, v25  }
0x277: {  	v25 =	vld [tilespmem:s30+$0x1A820];
	_ =	sdelay $0x1  }
0x278: {  	v26 =	vor.u32 v16, v23;
	_ =	sdelay $0x2  }
0x279: {  	v25 =	vmul.f32 v25, v24;
	_ =	sdelay $0x1  }
0x27a: {  	[tilespmem:v26+s2+$0x0] =	vst.idx.add.f32.msk vm2, v25  }
0x27b: {  	v25 =	vld [tilespmem:s30+$0x1A830];
	_ =	sdelay $0x1  }
0x27c: {  	v26 =	vor.u32 v17, v23;
	_ =	sdelay $0x2  }
0x27d: {  	v24 =	vmul.f32 v25, v24;
	_ =	sdelay $0x1  }
0x27e: {  	[tilespmem:v26+s2+$0x0] =	vst.idx.add.f32.msk vm2, v24  }
0x27f: {  	v24 =	vld.idx.msk [tilespmem:v22+s25+$0x0], $0xffff  }
0x280: {  	v22 =	vld [tilespmem:s30+$0x1A840];
	_ =	sdelay $0x1  }
0x281: {  	v25 =	vor.u32 v18, v23;
	_ =	sdelay $0x2  }
0x282: {  	v22 =	vmul.f32 v22, v24;
	_ =	sdelay $0x1  }
0x283: {  	[tilespmem:v25+s2+$0x0] =	vst.idx.add.f32.msk vm2, v22  }
0x284: {  	v22 =	vld [tilespmem:s30+$0x1A850];
	_ =	sdelay $0x1  }
0x285: {  	v25 =	vor.u32 v19, v23;
	_ =	sdelay $0x2  }
0x286: {  	v22 =	vmul.f32 v22, v24;
	_ =	sdelay $0x1  }
0x287: {  	[tilespmem:v25+s2+$0x0] =	vst.idx.add.f32.msk vm2, v22  }
0x288: {  	v22 =	vld [tilespmem:s30+$0x1A860];
	_ =	sdelay $0x1  }
0x289: {  	v25 =	vor.u32 v20, v23;
	_ =	sdelay $0x2  }
0x28a: {  	v22 =	vmul.f32 v22, v24;
	_ =	sdelay $0x1  }
0x28b: {  	[tilespmem:v25+s2+$0x0] =	vst.idx.add.f32.msk vm2, v22  }
0x28c: {  	v25 =	vld [tilespmem:s30+$0x1A870]  }
.Ltmp5:
0x28d: {  	(pc) =	sbr.rel @p0 .LBB2_14-.Ltmp5, $3  }
0x28e: {  	s1 =	sadd.s32 s5, s4;
	v23 =	vor.u32 v21, v23  }
0x28f: {  	v22 =	vmov s1;
	_ =	sdelay $0x1  }
0x290: {  	s14 =	smov.u32 s29;
	v24 =	vmul.f32 v25, v24  }
0x291: {  	_ =	sdelay $0x4  }
0x292: {  	[tilespmem:v23+s2+$0x0] =	vst.idx.add.f32.msk vm2, v24  }
0x293: {  	v23 =	vld.idx.msk [tilespmem:v22+s21+$0x0], $0xffff;
	_ =	sdelay $0x3  }
0x294: {  	s0 =	sadd.s32 $0x80, s0;
	s1 =	sadd.s32 $0x100, s28  }
0x295: {  	s1 =	sand.u32 $0x1800, s1;
	s0 =	sand.u32 $0x380, s0;
	v47 =	vsub.s32 v23, v2  }
0x296: {  	s4 =	sadd.s32 s4, s7;
	v25 =	vld.idx.msk [tilespmem:v22+s22+$0x0], $0xffff;
	s0 =	sor.u32 s0, s1;
	v23 =	vshll.u32 v23, $0x7;
	v24 =	vshll.u32 v47, $0x8  }
0x297: {  	p0 =	slt.s32 s4, s3;
	vm2 =	vmmov vm1;
	v26 =	vld [tilespmem:s0+$0x1A400];
	v23 =	vand.u32 $0x380, v23;
	v24 =	vand.u32 $0xFFFFF800, v24  }
0x298: {  	vm2 =	vmneg @p0 vm2;
	v23 =	vor.u32 v23, v24  }
0x299: {  	v24 =	vor.u32 v0, v23;
	_ =	sdelay $0x2  }
0x29a: {  	v26 =	vmul.f32 v26, v25;
	_ =	sdelay $0x1  }
0x29b: {  	[tilespmem:v24+s2+$0x0] =	vst.idx.add.f32.msk vm2, v26  }
0x29c: {  	v24 =	vld [tilespmem:s0+$0x1A410];
	_ =	sdelay $0x1  }
0x29d: {  	v48 =	vor.u32 v7, v23;
	_ =	sdelay $0x2  }
0x29e: {  	v24 =	vmul.f32 v24, v25;
	_ =	sdelay $0x1  }
0x29f: {  	[tilespmem:v48+s2+$0x0] =	vst.idx.add.f32.msk vm2, v24  }
0x2a0: {  	v24 =	vld [tilespmem:s0+$0x1A420];
	_ =	sdelay $0x1  }
0x2a1: {  	v49 =	vor.u32 v8, v23;
	_ =	sdelay $0x2  }
0x2a2: {  	v24 =	vmul.f32 v24, v25;
	_ =	sdelay $0x1  }
0x2a3: {  	[tilespmem:v49+s2+$0x0] =	vst.idx.add.f32.msk vm2, v24  }
0x2a4: {  	v24 =	vld [tilespmem:s0+$0x1A430];
	_ =	sdelay $0x1  }
0x2a5: {  	v50 =	vor.u32 v9, v23;
	_ =	sdelay $0x2  }
0x2a6: {  	v24 =	vmul.f32 v24, v25;
	_ =	sdelay $0x1  }
0x2a7: {  	[tilespmem:v50+s2+$0x0] =	vst.idx.add.f32.msk vm2, v24  }
0x2a8: {  	v24 =	vld.idx.msk [tilespmem:v22+s23+$0x0], $0xffff  }
0x2a9: {  	v51 =	vld [tilespmem:s0+$0x1A440];
	_ =	sdelay $0x1  }
0x2aa: {  	v52 =	vor.u32 v10, v23;
	_ =	sdelay $0x2  }
0x2ab: {  	v25 =	vmul.f32 v51, v24;
	_ =	sdelay $0x1  }
0x2ac: {  	[tilespmem:v52+s2+$0x0] =	vst.idx.add.f32.msk vm2, v25  }
0x2ad: {  	v25 =	vld [tilespmem:s0+$0x1A450];
	_ =	sdelay $0x1  }
0x2ae: {  	v53 =	vor.u32 v11, v23;
	_ =	sdelay $0x2  }
0x2af: {  	v25 =	vmul.f32 v25, v24;
	_ =	sdelay $0x1  }
0x2b0: {  	[tilespmem:v53+s2+$0x0] =	vst.idx.add.f32.msk vm2, v25  }
0x2b1: {  	v25 =	vld [tilespmem:s0+$0x1A460];
	_ =	sdelay $0x1  }
0x2b2: {  	v54 =	vor.u32 v12, v23;
	_ =	sdelay $0x2  }
0x2b3: {  	v25 =	vmul.f32 v25, v24;
	_ =	sdelay $0x1  }
0x2b4: {  	[tilespmem:v54+s2+$0x0] =	vst.idx.add.f32.msk vm2, v25  }
0x2b5: {  	v25 =	vld [tilespmem:s0+$0x1A470];
	_ =	sdelay $0x1  }
0x2b6: {  	v55 =	vor.u32 v13, v23;
	_ =	sdelay $0x2  }
0x2b7: {  	v24 =	vmul.f32 v25, v24;
	_ =	sdelay $0x1  }
0x2b8: {  	[tilespmem:v55+s2+$0x0] =	vst.idx.add.f32.msk vm2, v24  }
0x2b9: {  	v24 =	vld.idx.msk [tilespmem:v22+s24+$0x0], $0xffff  }
0x2ba: {  	v56 =	vld [tilespmem:s0+$0x1A800];
	_ =	sdelay $0x1  }
0x2bb: {  	v57 =	vor.u32 v14, v23;
	_ =	sdelay $0x2  }
0x2bc: {  	v25 =	vmul.f32 v56, v24;
	_ =	sdelay $0x1  }
0x2bd: {  	[tilespmem:v57+s2+$0x0] =	vst.idx.add.f32.msk vm2, v25  }
0x2be: {  	v25 =	vld [tilespmem:s0+$0x1A810];
	_ =	sdelay $0x1  }
0x2bf: {  	v58 =	vor.u32 v15, v23;
	_ =	sdelay $0x2  }
0x2c0: {  	v25 =	vmul.f32 v25, v24;
	_ =	sdelay $0x1  }
0x2c1: {  	[tilespmem:v58+s2+$0x0] =	vst.idx.add.f32.msk vm2, v25  }
0x2c2: {  	v25 =	vld [tilespmem:s0+$0x1A820];
	_ =	sdelay $0x1  }
0x2c3: {  	v59 =	vor.u32 v16, v23;
	_ =	sdelay $0x2  }
0x2c4: {  	v25 =	vmul.f32 v25, v24;
	_ =	sdelay $0x1  }
0x2c5: {  	[tilespmem:v59+s2+$0x0] =	vst.idx.add.f32.msk vm2, v25  }
0x2c6: {  	v25 =	vld [tilespmem:s0+$0x1A830];
	_ =	sdelay $0x1  }
0x2c7: {  	v60 =	vor.u32 v17, v23;
	_ =	sdelay $0x2  }
0x2c8: {  	v24 =	vmul.f32 v25, v24;
	_ =	sdelay $0x1  }
0x2c9: {  	[tilespmem:v60+s2+$0x0] =	vst.idx.add.f32.msk vm2, v24  }
0x2ca: {  	v22 =	vld.idx.msk [tilespmem:v22+s25+$0x0], $0xffff  }
0x2cb: {  	v24 =	vld [tilespmem:s0+$0x1A840];
	_ =	sdelay $0x1  }
0x2cc: {  	v61 =	vor.u32 v18, v23;
	_ =	sdelay $0x2  }
0x2cd: {  	v24 =	vmul.f32 v24, v22;
	_ =	sdelay $0x1  }
0x2ce: {  	[tilespmem:v61+s2+$0x0] =	vst.idx.add.f32.msk vm2, v24  }
0x2cf: {  	v24 =	vld [tilespmem:s0+$0x1A850];
	_ =	sdelay $0x1  }
0x2d0: {  	v62 =	vor.u32 v19, v23;
	_ =	sdelay $0x2  }
0x2d1: {  	v24 =	vmul.f32 v24, v22;
	_ =	sdelay $0x1  }
0x2d2: {  	[tilespmem:v62+s2+$0x0] =	vst.idx.add.f32.msk vm2, v24  }
0x2d3: {  	v24 =	vld [tilespmem:s0+$0x1A860];
	_ =	sdelay $0x1  }
0x2d4: {  	v63 =	vor.u32 v20, v23;
	_ =	sdelay $0x2  }
0x2d5: {  	v24 =	vmul.f32 v24, v22;
	_ =	sdelay $0x1  }
0x2d6: {  	[tilespmem:v63+s2+$0x0] =	vst.idx.add.f32.msk vm2, v24  }
0x2d7: {  	v24 =	vld [tilespmem:s0+$0x1A870]  }
0x2d8: {  	s8 =	sadd.s32 $0x1, s8  }
0x2d9: {  	p0 =	sne.s32 s8, $0x4;
	v23 =	vor.u32 v21, v23  }
.Ltmp6:
0x2da: {  	_ = 	snop;
	(pc) =	sbr.rel @p0 .LBB2_11-.Ltmp6, $3  }
0x2db: {  	_ = 	snop  }
0x2dc: {  	v22 =	vmul.f32 v24, v22;
	_ =	sdelay $0x1  }
0x2dd: {  	s6 =	sadd.s32 $0x40, s6;
	s7 =	sadd.s32 $0x40, s7;
	[tilespmem:v23+s2+$0x0] =	vst.idx.add.f32.msk vm2, v22  }
0x2de: {  	s0 =	rddreg [dreg:$0x11]  }
0x2df: {  	p0 =	seq.s32 s0, $0xB  }
0x2e0: {  	s0 =	sshll.u32 @!p0 s0, $0x9  }
0x2e1: {  	s5 =	rddreg [dreg:$0x3];
	s0 =	sand.u32 @!p0 $0x3FFFFE00, s0  }
0x2e2: {  	s1 =	simm.s32 @!p0 $0x100;
	s4 =	simm.s32 @!p0 $0x17800;
	s0 =	sadd.s32 @!p0 $0x14200, s0  }
0x2e3: {  	[tilespmem:s4], [sflag:$0x3] =	stream.indirect.gather @!p0 [hbm4b:s11+s1], $0x1, s0, s1, $0xb8;
	[tilespmem:$0x1C400] =	vst v63  }
0x2e4: {  	s7 =	rddreg [dreg:$0x10];
	s4 =	simm.s32 @!p0 $0x17A00  }
0x2e5: {  	[tilespmem:s4], [sflag:$0x3] =	stream.indirect.gather @!p0 [hbm4b:s5+s1], $0x1, s0, s1, $0xb8;
	[tilespmem:$0x1C400] =	vst v63  }
0x2e6: {  	s4 =	simm.s32 @!p0 $0x17C00;
	s5 =	rddreg [dreg:$0x4]  }
0x2e7: {  	[tilespmem:s4], [sflag:$0x3] =	stream.indirect.gather @!p0 [hbm4b:s5+s1], $0x1, s0, s1, $0xb8;
	[tilespmem:$0x1C400] =	vst v63  }
0x2e8: {  	s4 =	simm.s32 @!p0 $0x17E00;
	s5 =	rddreg [dreg:$0x5]  }
0x2e9: {  	[tilespmem:s4], [sflag:$0x3] =	stream.indirect.gather @!p0 [hbm4b:s5+s1], $0x1, s0, s1, $0xb8;
	[tilespmem:$0x1C400] =	vst v63  }
0x2ea: {  	s4 =	simm.s32 @!p0 $0x18000;
	s5 =	rddreg [dreg:$0x6]  }
0x2eb: {  	[tilespmem:s4], [sflag:$0x3] =	stream.indirect.gather @!p0 [hbm4b:s5+s1], $0x1, s0, s1, $0xb8;
	[tilespmem:$0x1C400] =	vst v63  }
0x2ec: {  	s4 =	simm.s32 @!p0 $0x18200;
	s5 =	rddreg [dreg:$0x7]  }
0x2ed: {  	[tilespmem:s4], [sflag:$0x3] =	stream.indirect.gather @!p0 [hbm4b:s5+s1], $0x1, s0, s1, $0xb8;
	[tilespmem:$0x1C400] =	vst v63  }
0x2ee: {  	s6 =	simm.s32 $0x0;
	s8 =	rddreg [dreg:$0xd];
	s5 =	simm.s32 $0x0  }
.LBB2_17:
0x2ef: {  	s0 =	sshllo.u32 s5, $0x1  }
0x2f0: {  	s0 =	sshll.u32 s0, $0x5  }
0x2f1: {  	s1 =	sand.u32 $0x3FFFFFE0, s0  }
0x2f2: {  	v22 =	vld [tilespmem:s1+$0x17900];
	_ =	sdelay $0x4  }
0x2f3: {  	v23 =	vshll.u32 v22, $0x1  }
0x2f4: {  	v22 =	vand.u32 $0x7, v22;
	v23 =	vand.u32 $0xFFFFFFF0, v23  }
0x2f5: {  	v22 =	vor.u32 v22, v23  }
0x2f6: {  	v23 =	vperm.xlane v22, v4;
	_ =	sdelay $0x1  }
0x2f7: {  	v22 =	vperm.xlane v22, v6;
	v23 =	vadd.s32 v5, v23;
	_ =	sdelay $0x1  }
0x2f8: {  	v22 =	vadd.s32 v5, v22;
	_ =	sdelay $0x1  }
0x2f9: {  	s4 =	simm.s32 $0x1A400  }
0x2fa: {  	[tilespmem:s4], [sflag:$0x6] =	stream.indirect_vreg.gather [hbm4b:s9+s6], $0x80, v23, vm0, $0xb8;
	[tilespmem:$0x1C400] =	vst v63  }
0x2fb: {  	s11 =	simm.s32 $0x1AC00  }
0x2fc: {  	[tilespmem:s11], [sflag:$0x6] =	stream.indirect_vreg.gather [hbm4b:s9+s6], $0x80, v22, vm0, $0xb8;
	[tilespmem:$0x1C400] =	vst v63  }
0x2fd: {  	v22 =	vld [tilespmem:s1+$0x17910];
	_ =	sdelay $0x4  }
0x2fe: {  	v23 =	vshll.u32 v22, $0x1  }
0x2ff: {  	v22 =	vand.u32 $0x7, v22;
	v23 =	vand.u32 $0xFFFFFFF0, v23  }
0x300: {  	v22 =	vor.u32 v22, v23  }
0x301: {  	v23 =	vperm.xlane v22, v4;
	_ =	sdelay $0x1  }
0x302: {  	v22 =	vperm.xlane v22, v6;
	v23 =	vadd.s32 v5, v23;
	_ =	sdelay $0x1  }
0x303: {  	v22 =	vadd.s32 v5, v22  }
0x304: {  	s4 =	sshll.u32 s5, $0x6  }
0x305: {  	s14 =	simm.s32 $0x1B400;
	s17 =	sadd.s32 $0x0, s4  }
0x306: {  	[tilespmem:s14], [sflag:$0x6] =	stream.indirect_vreg.gather [hbm4b:s9+s6], $0x80, v23, vm0, $0xb8;
	[tilespmem:$0x1C400] =	vst v63  }
0x307: {  	s31 =	simm.s32 $0x1BC00;
	v23 =	vmov s17  }
0x308: {  	[tilespmem:s31], [sflag:$0x6] =	stream.indirect_vreg.gather [hbm4b:s9+s6], $0x80, v22, vm0, $0xb8;
	[tilespmem:$0x1C400] =	vst v63  }
0x309: {  	_ =	swait.ge [sflag:s16], $0x2000  }
0x30a: {  	[sflag:s16] =	ssyncset.done $0x0  }
0x30b: {  	[sflag:s16] =	ssyncadd.s32 $0xFFFFE000  }
0x30c: {  	v22 =	vld.idx.msk [tilespmem:v23+s15+$0x0], $0xffff;
	_ =	sdelay $0x4  }
0x30d: {  	s11 =	sand.u32 $0x1800, s6;
	s14 =	sand.u32 $0x380, s6;
	v24 =	vsub.s32 v22, v2  }
0x30e: {  	s17 =	sadd.s32 $0x0, s8;
	s14 =	sor.u32 s14, s11;
	v25 =	vld.idx.msk [tilespmem:v23+s20+$0x0], $0xffff;
	v22 =	vshll.u32 v22, $0x7;
	v24 =	vshll.u32 v24, $0x8  }
0x30f: {  	vm2 =	vmmov vm1;
	p1 =	slt.s32 s17, s3;
	v26 =	vld [tilespmem:s14+$0x18400];
	v22 =	vand.u32 $0x380, v22;
	v24 =	vand.u32 $0xFFFFF800, v24  }
0x310: {  	vm2 =	vmneg @p1 vm2;
	v22 =	vor.u32 v22, v24  }
0x311: {  	v24 =	vor.u32 v0, v22;
	_ =	sdelay $0x2  }
0x312: {  	v26 =	vmul.f32 v26, v25;
	_ =	sdelay $0x1  }
0x313: {  	[tilespmem:v24+s2+$0x0] =	vst.idx.add.f32.msk vm2, v26  }
0x314: {  	v24 =	vld [tilespmem:s14+$0x18410];
	_ =	sdelay $0x1  }
0x315: {  	v26 =	vor.u32 v7, v22;
	_ =	sdelay $0x2  }
0x316: {  	v24 =	vmul.f32 v24, v25;
	_ =	sdelay $0x1  }
0x317: {  	[tilespmem:v26+s2+$0x0] =	vst.idx.add.f32.msk vm2, v24  }
0x318: {  	v24 =	vld [tilespmem:s14+$0x18420];
	_ =	sdelay $0x1  }
0x319: {  	v26 =	vor.u32 v8, v22;
	_ =	sdelay $0x2  }
0x31a: {  	v24 =	vmul.f32 v24, v25;
	_ =	sdelay $0x1  }
0x31b: {  	[tilespmem:v26+s2+$0x0] =	vst.idx.add.f32.msk vm2, v24  }
0x31c: {  	v24 =	vld [tilespmem:s14+$0x18430];
	_ =	sdelay $0x1  }
0x31d: {  	v26 =	vor.u32 v9, v22;
	_ =	sdelay $0x2  }
0x31e: {  	v24 =	vmul.f32 v24, v25;
	_ =	sdelay $0x1  }
0x31f: {  	[tilespmem:v26+s2+$0x0] =	vst.idx.add.f32.msk vm2, v24  }
0x320: {  	v24 =	vld.idx.msk [tilespmem:v23+s10+$0x0], $0xffff  }
0x321: {  	v25 =	vld [tilespmem:s14+$0x18440];
	_ =	sdelay $0x1  }
0x322: {  	v26 =	vor.u32 v10, v22;
	_ =	sdelay $0x2  }
0x323: {  	v25 =	vmul.f32 v25, v24;
	_ =	sdelay $0x1  }
0x324: {  	[tilespmem:v26+s2+$0x0] =	vst.idx.add.f32.msk vm2, v25  }
0x325: {  	v25 =	vld [tilespmem:s14+$0x18450];
	_ =	sdelay $0x1  }
0x326: {  	v26 =	vor.u32 v11, v22;
	_ =	sdelay $0x2  }
0x327: {  	v25 =	vmul.f32 v25, v24;
	_ =	sdelay $0x1  }
0x328: {  	[tilespmem:v26+s2+$0x0] =	vst.idx.add.f32.msk vm2, v25  }
0x329: {  	v25 =	vld [tilespmem:s14+$0x18460];
	_ =	sdelay $0x1  }
0x32a: {  	v26 =	vor.u32 v12, v22;
	_ =	sdelay $0x2  }
0x32b: {  	v25 =	vmul.f32 v25, v24;
	_ =	sdelay $0x1  }
0x32c: {  	[tilespmem:v26+s2+$0x0] =	vst.idx.add.f32.msk vm2, v25  }
0x32d: {  	v25 =	vld [tilespmem:s14+$0x18470];
	_ =	sdelay $0x1  }
0x32e: {  	v26 =	vor.u32 v13, v22;
	_ =	sdelay $0x2  }
0x32f: {  	v24 =	vmul.f32 v25, v24;
	_ =	sdelay $0x1  }
0x330: {  	[tilespmem:v26+s2+$0x0] =	vst.idx.add.f32.msk vm2, v24  }
0x331: {  	v24 =	vld.idx.msk [tilespmem:v23+s12+$0x0], $0xffff  }
0x332: {  	v25 =	vld [tilespmem:s14+$0x18800];
	_ =	sdelay $0x1  }
0x333: {  	v26 =	vor.u32 v14, v22;
	_ =	sdelay $0x2  }
0x334: {  	v25 =	vmul.f32 v25, v24;
	_ =	sdelay $0x1  }
0x335: {  	[tilespmem:v26+s2+$0x0] =	vst.idx.add.f32.msk vm2, v25  }
0x336: {  	v25 =	vld [tilespmem:s14+$0x18810];
	_ =	sdelay $0x1  }
0x337: {  	v26 =	vor.u32 v15, v22;
	_ =	sdelay $0x2  }
0x338: {  	v25 =	vmul.f32 v25, v24;
	_ =	sdelay $0x1  }
0x339: {  	[tilespmem:v26+s2+$0x0] =	vst.idx.add.f32.msk vm2, v25  }
0x33a: {  	v25 =	vld [tilespmem:s14+$0x18820];
	_ =	sdelay $0x1  }
0x33b: {  	v26 =	vor.u32 v16, v22;
	_ =	sdelay $0x2  }
0x33c: {  	v25 =	vmul.f32 v25, v24;
	_ =	sdelay $0x1  }
0x33d: {  	[tilespmem:v26+s2+$0x0] =	vst.idx.add.f32.msk vm2, v25  }
0x33e: {  	v25 =	vld [tilespmem:s14+$0x18830];
	_ =	sdelay $0x1  }
0x33f: {  	v26 =	vor.u32 v17, v22;
	_ =	sdelay $0x2  }
0x340: {  	v24 =	vmul.f32 v25, v24;
	_ =	sdelay $0x1  }
0x341: {  	[tilespmem:v26+s2+$0x0] =	vst.idx.add.f32.msk vm2, v24  }
0x342: {  	v24 =	vld.idx.msk [tilespmem:v23+s13+$0x0], $0xffff  }
0x343: {  	v23 =	vld [tilespmem:s14+$0x18840];
	_ =	sdelay $0x1  }
0x344: {  	v25 =	vor.u32 v18, v22;
	_ =	sdelay $0x2  }
0x345: {  	v23 =	vmul.f32 v23, v24;
	_ =	sdelay $0x1  }
0x346: {  	[tilespmem:v25+s2+$0x0] =	vst.idx.add.f32.msk vm2, v23  }
0x347: {  	v23 =	vld [tilespmem:s14+$0x18850];
	_ =	sdelay $0x1  }
0x348: {  	v25 =	vor.u32 v19, v22;
	_ =	sdelay $0x2  }
0x349: {  	v23 =	vmul.f32 v23, v24;
	_ =	sdelay $0x1  }
0x34a: {  	[tilespmem:v25+s2+$0x0] =	vst.idx.add.f32.msk vm2, v23  }
0x34b: {  	v23 =	vld [tilespmem:s14+$0x18860];
	_ =	sdelay $0x1  }
0x34c: {  	v25 =	vor.u32 v20, v22;
	_ =	sdelay $0x2  }
0x34d: {  	v23 =	vmul.f32 v23, v24;
	_ =	sdelay $0x1  }
0x34e: {  	[tilespmem:v25+s2+$0x0] =	vst.idx.add.f32.msk vm2, v23  }
0x34f: {  	v25 =	vld [tilespmem:s14+$0x18870];
	_ =	sdelay $0x1  }
0x350: {  	s31 =	sadd.s32 $0x1, s4;
	v23 =	vor.u32 v21, v22  }
0x351: {  	v22 =	vmov s31  }
0x352: {  	s28 =	simm.s32 $0x1  }
0x353: {  	s29 =	simm.s32 $0x0;
	s30 =	simm.s32 $0x0;
	s14 =	simm.s32 $0x2;
	v24 =	vmul.f32 v25, v24  }
.LBB2_18:
0x354: {  	s29 =	sadd.s32 $0x80, s29  }
0x355: {  	s30 =	sadd.s32 $0x100, s30;
	s1 =	smov.u32 s14;
	s31 =	sadd.s32 $0x1, s14;
	[tilespmem:v23+s2+$0x0] =	vst.idx.add.f32.msk vm2, v24  }
0x356: {  	p1 =	sne.s32 s14, $0x1F;
	v23 =	vld.idx.msk [tilespmem:v22+s15+$0x0], $0xffff;
	_ =	sdelay $0x5  }
0x357: {  	s14 =	sand.u32 $0x1800, s30;
	s17 =	sand.u32 $0x380, s29;
	v24 =	vsub.s32 v23, v2;
	v23 =	vshll.u32 v23, $0x7  }
0x358: {  	s11 =	sadd.s32 s28, s8;
	s28 =	smov.u32 s1;
	s14 =	sor.u32 s17, s14;
	v24 =	vshll.u32 v24, $0x8;
	v25 =	vld.idx.msk [tilespmem:v22+s20+$0x0], $0xffff  }
0x359: {  	p2 =	slt.s32 s11, s3;
	vm2 =	vmmov vm1;
	v23 =	vand.u32 $0x380, v23;
	v24 =	vand.u32 $0xFFFFF800, v24;
	v26 =	vld [tilespmem:s14+$0x18400]  }
0x35a: {  	vm2 =	vmneg @p2 vm2;
	v23 =	vor.u32 v23, v24  }
0x35b: {  	v24 =	vor.u32 v0, v23;
	_ =	sdelay $0x2  }
0x35c: {  	v26 =	vmul.f32 v26, v25;
	_ =	sdelay $0x1  }
0x35d: {  	[tilespmem:v24+s2+$0x0] =	vst.idx.add.f32.msk vm2, v26  }
0x35e: {  	v24 =	vld [tilespmem:s14+$0x18410];
	_ =	sdelay $0x1  }
0x35f: {  	v26 =	vor.u32 v7, v23;
	_ =	sdelay $0x2  }
0x360: {  	v24 =	vmul.f32 v24, v25;
	_ =	sdelay $0x1  }
0x361: {  	[tilespmem:v26+s2+$0x0] =	vst.idx.add.f32.msk vm2, v24  }
0x362: {  	v24 =	vld [tilespmem:s14+$0x18420];
	_ =	sdelay $0x1  }
0x363: {  	v26 =	vor.u32 v8, v23;
	_ =	sdelay $0x2  }
0x364: {  	v24 =	vmul.f32 v24, v25;
	_ =	sdelay $0x1  }
0x365: {  	[tilespmem:v26+s2+$0x0] =	vst.idx.add.f32.msk vm2, v24  }
0x366: {  	v24 =	vld [tilespmem:s14+$0x18430];
	_ =	sdelay $0x1  }
0x367: {  	v26 =	vor.u32 v9, v23;
	_ =	sdelay $0x2  }
0x368: {  	v24 =	vmul.f32 v24, v25;
	_ =	sdelay $0x1  }
0x369: {  	[tilespmem:v26+s2+$0x0] =	vst.idx.add.f32.msk vm2, v24  }
0x36a: {  	v24 =	vld.idx.msk [tilespmem:v22+s10+$0x0], $0xffff  }
0x36b: {  	v25 =	vld [tilespmem:s14+$0x18440];
	_ =	sdelay $0x1  }
0x36c: {  	v26 =	vor.u32 v10, v23;
	_ =	sdelay $0x2  }
0x36d: {  	v25 =	vmul.f32 v25, v24;
	_ =	sdelay $0x1  }
0x36e: {  	[tilespmem:v26+s2+$0x0] =	vst.idx.add.f32.msk vm2, v25  }
0x36f: {  	v25 =	vld [tilespmem:s14+$0x18450];
	_ =	sdelay $0x1  }
0x370: {  	v26 =	vor.u32 v11, v23;
	_ =	sdelay $0x2  }
0x371: {  	v25 =	vmul.f32 v25, v24;
	_ =	sdelay $0x1  }
0x372: {  	[tilespmem:v26+s2+$0x0] =	vst.idx.add.f32.msk vm2, v25  }
0x373: {  	v25 =	vld [tilespmem:s14+$0x18460];
	_ =	sdelay $0x1  }
0x374: {  	v26 =	vor.u32 v12, v23;
	_ =	sdelay $0x2  }
0x375: {  	v25 =	vmul.f32 v25, v24;
	_ =	sdelay $0x1  }
0x376: {  	[tilespmem:v26+s2+$0x0] =	vst.idx.add.f32.msk vm2, v25  }
0x377: {  	v25 =	vld [tilespmem:s14+$0x18470];
	_ =	sdelay $0x1  }
0x378: {  	v26 =	vor.u32 v13, v23;
	_ =	sdelay $0x2  }
0x379: {  	v24 =	vmul.f32 v25, v24;
	_ =	sdelay $0x1  }
0x37a: {  	[tilespmem:v26+s2+$0x0] =	vst.idx.add.f32.msk vm2, v24  }
0x37b: {  	v24 =	vld.idx.msk [tilespmem:v22+s12+$0x0], $0xffff  }
0x37c: {  	v25 =	vld [tilespmem:s14+$0x18800];
	_ =	sdelay $0x1  }
0x37d: {  	v26 =	vor.u32 v14, v23;
	_ =	sdelay $0x2  }
0x37e: {  	v25 =	vmul.f32 v25, v24;
	_ =	sdelay $0x1  }
0x37f: {  	[tilespmem:v26+s2+$0x0] =	vst.idx.add.f32.msk vm2, v25  }
0x380: {  	v25 =	vld [tilespmem:s14+$0x18810];
	_ =	sdelay $0x1  }
0x381: {  	v26 =	vor.u32 v15, v23;
	_ =	sdelay $0x2  }
0x382: {  	v25 =	vmul.f32 v25, v24;
	_ =	sdelay $0x1  }
0x383: {  	[tilespmem:v26+s2+$0x0] =	vst.idx.add.f32.msk vm2, v25  }
0x384: {  	v25 =	vld [tilespmem:s14+$0x18820];
	_ =	sdelay $0x1  }
0x385: {  	v26 =	vor.u32 v16, v23;
	_ =	sdelay $0x2  }
0x386: {  	v25 =	vmul.f32 v25, v24;
	_ =	sdelay $0x1  }
0x387: {  	[tilespmem:v26+s2+$0x0] =	vst.idx.add.f32.msk vm2, v25  }
0x388: {  	v25 =	vld [tilespmem:s14+$0x18830];
	_ =	sdelay $0x1  }
0x389: {  	v26 =	vor.u32 v17, v23;
	_ =	sdelay $0x2  }
0x38a: {  	v24 =	vmul.f32 v25, v24;
	_ =	sdelay $0x1  }
0x38b: {  	[tilespmem:v26+s2+$0x0] =	vst.idx.add.f32.msk vm2, v24  }
0x38c: {  	v24 =	vld.idx.msk [tilespmem:v22+s13+$0x0], $0xffff  }
0x38d: {  	v22 =	vld [tilespmem:s14+$0x18840];
	_ =	sdelay $0x1  }
0x38e: {  	v25 =	vor.u32 v18, v23;
	_ =	sdelay $0x2  }
0x38f: {  	v22 =	vmul.f32 v22, v24;
	_ =	sdelay $0x1  }
0x390: {  	[tilespmem:v25+s2+$0x0] =	vst.idx.add.f32.msk vm2, v22  }
0x391: {  	v22 =	vld [tilespmem:s14+$0x18850];
	_ =	sdelay $0x1  }
0x392: {  	v25 =	vor.u32 v19, v23;
	_ =	sdelay $0x2  }
0x393: {  	v22 =	vmul.f32 v22, v24;
	_ =	sdelay $0x1  }
0x394: {  	[tilespmem:v25+s2+$0x0] =	vst.idx.add.f32.msk vm2, v22  }
0x395: {  	v22 =	vld [tilespmem:s14+$0x18860];
	_ =	sdelay $0x1  }
0x396: {  	v25 =	vor.u32 v20, v23;
	_ =	sdelay $0x2  }
0x397: {  	v22 =	vmul.f32 v22, v24;
	_ =	sdelay $0x1  }
0x398: {  	[tilespmem:v25+s2+$0x0] =	vst.idx.add.f32.msk vm2, v22  }
0x399: {  	v25 =	vld [tilespmem:s14+$0x18870]  }
.Ltmp7:
0x39a: {  	(pc) =	sbr.rel @p1 .LBB2_18-.Ltmp7, $3  }
0x39b: {  	s1 =	sadd.s32 s4, s28;
	v23 =	vor.u32 v21, v23  }
0x39c: {  	v22 =	vmov s1;
	_ =	sdelay $0x1  }
0x39d: {  	s14 =	smov.u32 s31;
	v24 =	vmul.f32 v25, v24  }
0x39e: {  	_ =	sdelay $0x4  }
0x39f: {  	[tilespmem:v23+s2+$0x0] =	vst.idx.add.f32.msk vm2, v24  }
0x3a0: {  	v23 =	vld.idx.msk [tilespmem:v22+s15+$0x0], $0xffff;
	_ =	sdelay $0x3  }
0x3a1: {  	s1 =	sadd.s32 $0x80, s29;
	s11 =	sadd.s32 $0x100, s30  }
0x3a2: {  	s11 =	sand.u32 $0x1800, s11;
	s1 =	sand.u32 $0x380, s1;
	v47 =	vsub.s32 v23, v2  }
0x3a3: {  	s17 =	sadd.s32 s28, s8;
	v25 =	vld.idx.msk [tilespmem:v22+s20+$0x0], $0xffff;
	s14 =	sor.u32 s1, s11;
	v23 =	vshll.u32 v23, $0x7;
	v24 =	vshll.u32 v47, $0x8  }
0x3a4: {  	p1 =	slt.s32 s17, s3;
	vm2 =	vmmov vm1;
	v26 =	vld [tilespmem:s14+$0x18400];
	v23 =	vand.u32 $0x380, v23;
	v24 =	vand.u32 $0xFFFFF800, v24  }
0x3a5: {  	vm2 =	vmneg @p1 vm2;
	v23 =	vor.u32 v23, v24  }
0x3a6: {  	v24 =	vor.u32 v0, v23;
	_ =	sdelay $0x2  }
0x3a7: {  	v26 =	vmul.f32 v26, v25;
	_ =	sdelay $0x1  }
0x3a8: {  	[tilespmem:v24+s2+$0x0] =	vst.idx.add.f32.msk vm2, v26  }
0x3a9: {  	v24 =	vld [tilespmem:s14+$0x18410];
	_ =	sdelay $0x1  }
0x3aa: {  	v48 =	vor.u32 v7, v23;
	_ =	sdelay $0x2  }
0x3ab: {  	v24 =	vmul.f32 v24, v25;
	_ =	sdelay $0x1  }
0x3ac: {  	[tilespmem:v48+s2+$0x0] =	vst.idx.add.f32.msk vm2, v24  }
0x3ad: {  	v24 =	vld [tilespmem:s14+$0x18420];
	_ =	sdelay $0x1  }
0x3ae: {  	v49 =	vor.u32 v8, v23;
	_ =	sdelay $0x2  }
0x3af: {  	v24 =	vmul.f32 v24, v25;
	_ =	sdelay $0x1  }
0x3b0: {  	[tilespmem:v49+s2+$0x0] =	vst.idx.add.f32.msk vm2, v24  }
0x3b1: {  	v24 =	vld [tilespmem:s14+$0x18430];
	_ =	sdelay $0x1  }
0x3b2: {  	v50 =	vor.u32 v9, v23;
	_ =	sdelay $0x2  }
0x3b3: {  	v24 =	vmul.f32 v24, v25;
	_ =	sdelay $0x1  }
0x3b4: {  	[tilespmem:v50+s2+$0x0] =	vst.idx.add.f32.msk vm2, v24  }
0x3b5: {  	v24 =	vld.idx.msk [tilespmem:v22+s10+$0x0], $0xffff  }
0x3b6: {  	v51 =	vld [tilespmem:s14+$0x18440];
	_ =	sdelay $0x1  }
0x3b7: {  	v52 =	vor.u32 v10, v23;
	_ =	sdelay $0x2  }
0x3b8: {  	v25 =	vmul.f32 v51, v24;
	_ =	sdelay $0x1  }
0x3b9: {  	[tilespmem:v52+s2+$0x0] =	vst.idx.add.f32.msk vm2, v25  }
0x3ba: {  	v25 =	vld [tilespmem:s14+$0x18450];
	_ =	sdelay $0x1  }
0x3bb: {  	v53 =	vor.u32 v11, v23;
	_ =	sdelay $0x2  }
0x3bc: {  	v25 =	vmul.f32 v25, v24;
	_ =	sdelay $0x1  }
0x3bd: {  	[tilespmem:v53+s2+$0x0] =	vst.idx.add.f32.msk vm2, v25  }
0x3be: {  	v25 =	vld [tilespmem:s14+$0x18460];
	_ =	sdelay $0x1  }
0x3bf: {  	v54 =	vor.u32 v12, v23;
	_ =	sdelay $0x2  }
0x3c0: {  	v25 =	vmul.f32 v25, v24;
	_ =	sdelay $0x1  }
0x3c1: {  	[tilespmem:v54+s2+$0x0] =	vst.idx.add.f32.msk vm2, v25  }
0x3c2: {  	v25 =	vld [tilespmem:s14+$0x18470];
	_ =	sdelay $0x1  }
0x3c3: {  	v55 =	vor.u32 v13, v23;
	_ =	sdelay $0x2  }
0x3c4: {  	v24 =	vmul.f32 v25, v24;
	_ =	sdelay $0x1  }
0x3c5: {  	[tilespmem:v55+s2+$0x0] =	vst.idx.add.f32.msk vm2, v24  }
0x3c6: {  	v24 =	vld.idx.msk [tilespmem:v22+s12+$0x0], $0xffff  }
0x3c7: {  	v56 =	vld [tilespmem:s14+$0x18800];
	_ =	sdelay $0x1  }
0x3c8: {  	v57 =	vor.u32 v14, v23;
	_ =	sdelay $0x2  }
0x3c9: {  	v25 =	vmul.f32 v56, v24;
	_ =	sdelay $0x1  }
0x3ca: {  	[tilespmem:v57+s2+$0x0] =	vst.idx.add.f32.msk vm2, v25  }
0x3cb: {  	v25 =	vld [tilespmem:s14+$0x18810];
	_ =	sdelay $0x1  }
0x3cc: {  	v58 =	vor.u32 v15, v23;
	_ =	sdelay $0x2  }
0x3cd: {  	v25 =	vmul.f32 v25, v24;
	_ =	sdelay $0x1  }
0x3ce: {  	[tilespmem:v58+s2+$0x0] =	vst.idx.add.f32.msk vm2, v25  }
0x3cf: {  	v25 =	vld [tilespmem:s14+$0x18820];
	_ =	sdelay $0x1  }
0x3d0: {  	v59 =	vor.u32 v16, v23;
	_ =	sdelay $0x2  }
0x3d1: {  	v25 =	vmul.f32 v25, v24;
	_ =	sdelay $0x1  }
0x3d2: {  	[tilespmem:v59+s2+$0x0] =	vst.idx.add.f32.msk vm2, v25  }
0x3d3: {  	v25 =	vld [tilespmem:s14+$0x18830];
	_ =	sdelay $0x1  }
0x3d4: {  	v60 =	vor.u32 v17, v23;
	_ =	sdelay $0x2  }
0x3d5: {  	v24 =	vmul.f32 v25, v24;
	_ =	sdelay $0x1  }
0x3d6: {  	[tilespmem:v60+s2+$0x0] =	vst.idx.add.f32.msk vm2, v24  }
0x3d7: {  	v22 =	vld.idx.msk [tilespmem:v22+s13+$0x0], $0xffff  }
0x3d8: {  	v24 =	vld [tilespmem:s14+$0x18840];
	_ =	sdelay $0x1  }
0x3d9: {  	v61 =	vor.u32 v18, v23;
	_ =	sdelay $0x2  }
0x3da: {  	v24 =	vmul.f32 v24, v22;
	_ =	sdelay $0x1  }
0x3db: {  	[tilespmem:v61+s2+$0x0] =	vst.idx.add.f32.msk vm2, v24  }
0x3dc: {  	v24 =	vld [tilespmem:s14+$0x18850];
	_ =	sdelay $0x1  }
0x3dd: {  	v62 =	vor.u32 v19, v23;
	_ =	sdelay $0x2  }
0x3de: {  	v24 =	vmul.f32 v24, v22;
	_ =	sdelay $0x1  }
0x3df: {  	[tilespmem:v62+s2+$0x0] =	vst.idx.add.f32.msk vm2, v24  }
0x3e0: {  	v24 =	vld [tilespmem:s14+$0x18860];
	_ =	sdelay $0x1  }
0x3e1: {  	v63 =	vor.u32 v20, v23;
	_ =	sdelay $0x2  }
0x3e2: {  	v24 =	vmul.f32 v24, v22;
	_ =	sdelay $0x1  }
0x3e3: {  	[tilespmem:v63+s2+$0x0] =	vst.idx.add.f32.msk vm2, v24  }
0x3e4: {  	v24 =	vld [tilespmem:s14+$0x18870];
	_ =	sdelay $0x1  }
0x3e5: {  	p1 =	seq.s32 s5, $0x3;
	v23 =	vor.u32 v21, v23  }
.Ltmp8:
0x3e6: {  	_ = 	snop;
	(pc) =	sbr.rel @!p1 .LBB2_20-.Ltmp8, $3  }
0x3e7: {  	_ = 	snop  }
0x3e8: {  	v22 =	vmul.f32 v24, v22;
	_ =	sdelay $0x1  }
0x3e9: {  	[tilespmem:v23+s2+$0x0] =	vst.idx.add.f32.msk vm2, v22  }
.Ltmp9:
0x3ea: {  	(pc) =	sbr.rel @p0 .LBB2_24-.Ltmp9, $1  }
0x3eb: {  	_ =	sdelay $0x3  }
0x3ec: {  	_ =	swait.ge [sflag:s26], $0x100  }
0x3ed: {  	[sflag:s26] =	ssyncset.done $0x0  }
0x3ee: {  	[sflag:s26] =	ssyncadd.s32 $0xFFFFFF00  }
0x3ef: {  	_ =	swait.ge [sflag:s26], $0x100  }
0x3f0: {  	[sflag:s26] =	ssyncset.done $0x0  }
0x3f1: {  	[sflag:s26] =	ssyncadd.s32 $0xFFFFFF00  }
0x3f2: {  	_ =	swait.ge [sflag:s26], $0x100  }
0x3f3: {  	[sflag:s26] =	ssyncset.done $0x0  }
0x3f4: {  	[sflag:s26] =	ssyncadd.s32 $0xFFFFFF00  }
0x3f5: {  	_ =	swait.ge [sflag:s26], $0x100  }
0x3f6: {  	[sflag:s26] =	ssyncset.done $0x0  }
0x3f7: {  	[sflag:s26] =	ssyncadd.s32 $0xFFFFFF00  }
0x3f8: {  	_ =	swait.ge [sflag:s26], $0x100  }
0x3f9: {  	[sflag:s26] =	ssyncset.done $0x0  }
0x3fa: {  	[sflag:s26] =	ssyncadd.s32 $0xFFFFFF00  }
0x3fb: {  	_ =	swait.ge [sflag:s26], $0x100  }
0x3fc: {  	[sflag:s26] =	ssyncset.done $0x0  }
0x3fd: {  	[sflag:s26] =	ssyncadd.s32 $0xFFFFFF00  }
0x3fe: {  	v22 =	vld [tilespmem:$0x17800];
	_ =	sdelay $0x4  }
0x3ff: {  	v23 =	vshll.u32 v22, $0x1  }
0x400: {  	v22 =	vand.u32 $0x7, v22;
	v23 =	vand.u32 $0xFFFFFFF0, v23  }
0x401: {  	v22 =	vor.u32 v22, v23  }
0x402: {  	v23 =	vperm.xlane v22, v4;
	_ =	sdelay $0x1  }
0x403: {  	v22 =	vperm.xlane v22, v6;
	v23 =	vadd.s32 v5, v23;
	_ =	sdelay $0x1  }
0x404: {  	v22 =	vadd.s32 v5, v22  }
.Ltmp10:
0x405: {  	_ = 	snop;
	(pc) =	sbr.rel .LBB2_23-.Ltmp10, $4  }
0x406: {  	s1 =	simm.s32 $0x18400  }
0x407: {  	[tilespmem:s1], [sflag:$0x5] =	stream.indirect_vreg.gather [hbm4b:s9+s2], $0x80, v23, vm0, $0xb8;
	[tilespmem:$0x1C400] =	vst v63  }
0x408: {  	s31 =	simm.s32 $0x18C00;
	s4 =	simm.s32 $0x17810  }
0x409: {  	[tilespmem:s31], [sflag:$0x5] =	stream.indirect_vreg.gather [hbm4b:s9+s2], $0x80, v22, vm0, $0xb8;
	[tilespmem:$0x1C400] =	vst v63  }
.LBB2_20:
0x40a: {  	s1 =	sand.u32 $0x3FFFFFC0, s4  }
0x40b: {  	v22 =	vld [tilespmem:s1+$0x17940];
	_ =	sdelay $0x4  }
0x40c: {  	v23 =	vshll.u32 v22, $0x1  }
0x40d: {  	v22 =	vand.u32 $0x7, v22;
	v23 =	vand.u32 $0xFFFFFFF0, v23  }
0x40e: {  	v22 =	vor.u32 v22, v23  }
0x40f: {  	v23 =	vperm.xlane v22, v4;
	_ =	sdelay $0x1  }
0x410: {  	v22 =	vperm.xlane v22, v6;
	v23 =	vadd.s32 v5, v23;
	_ =	sdelay $0x1  }
0x411: {  	v22 =	vadd.s32 v5, v22;
	_ =	sdelay $0x1  }
0x412: {  	s30 =	simm.s32 $0x18400  }
0x413: {  	[tilespmem:s30], [sflag:$0x5] =	stream.indirect_vreg.gather [hbm4b:s9+s2], $0x80, v23, vm0, $0xb8;
	[tilespmem:$0x1C400] =	vst v63  }
0x414: {  	s31 =	simm.s32 $0x18C00;
	s4 =	sadd.s32 $0x17950, s1  }
0x415: {  	[tilespmem:s31], [sflag:$0x5] =	stream.indirect_vreg.gather [hbm4b:s9+s2], $0x80, v22, vm0, $0xb8;
	[tilespmem:$0x1C400] =	vst v63  }
.LBB2_23:
0x416: {  	v22 =	vld [tilespmem:s4+$0x0];
	_ =	sdelay $0x4  }
0x417: {  	v23 =	vshll.u32 v22, $0x1  }
0x418: {  	v22 =	vand.u32 $0x7, v22;
	v23 =	vand.u32 $0xFFFFFFF0, v23  }
0x419: {  	v22 =	vor.u32 v22, v23  }
0x41a: {  	v23 =	vperm.xlane v22, v4;
	_ =	sdelay $0x1  }
0x41b: {  	v22 =	vperm.xlane v22, v6;
	v23 =	vadd.s32 v5, v23;
	_ =	sdelay $0x1  }
0x41c: {  	v22 =	vadd.s32 v5, v22;
	_ =	sdelay $0x1  }
0x41d: {  	s1 =	simm.s32 $0x19400  }
0x41e: {  	[tilespmem:s1], [sflag:$0x5] =	stream.indirect_vreg.gather [hbm4b:s9+s2], $0x80, v23, vm0, $0xb8;
	[tilespmem:$0x1C400] =	vst v63  }
0x41f: {  	s31 =	simm.s32 $0x19C00  }
0x420: {  	[tilespmem:s31], [sflag:$0x5] =	stream.indirect_vreg.gather [hbm4b:s9+s2], $0x80, v22, vm0, $0xb8;
	[tilespmem:$0x1C400] =	vst v63  }
.LBB2_24:
0x421: {  	s1 =	sadd.s32 $0x0, s0  }
0x422: {  	v22 =	vmov s1;
	_ =	sdelay $0x1  }
0x423: {  	_ =	swait.ge [sflag:s19], $0x2000  }
0x424: {  	[sflag:s19] =	ssyncset.done $0x0  }
0x425: {  	[sflag:s19] =	ssyncadd.s32 $0xFFFFE000  }
0x426: {  	v23 =	vld.idx.msk [tilespmem:v22+s15+$0x0], $0xffff;
	_ =	sdelay $0x2  }
0x427: {  	s4 =	simm.s32 $0x0  }
0x428: {  	s30 =	sand.u32 $0x1800, s4;
	s11 =	sand.u32 $0x380, s4  }
0x429: {  	s14 =	sor.u32 s11, s30;
	v24 =	vsub.s32 v23, v2  }
0x42a: {  	s17 =	sadd.s32 $0x0, s7;
	v26 =	vld [tilespmem:s14+$0x1A400];
	v23 =	vshll.u32 v23, $0x7;
	v24 =	vshll.u32 v24, $0x8  }
0x42b: {  	vm2 =	vmmov vm1;
	p1 =	slt.s32 s17, s3;
	v25 =	vld.idx.msk [tilespmem:v22+s20+$0x0], $0xffff;
	v23 =	vand.u32 $0x380, v23;
	v24 =	vand.u32 $0xFFFFF800, v24  }
0x42c: {  	vm2 =	vmneg @p1 vm2;
	v23 =	vor.u32 v23, v24  }
0x42d: {  	v24 =	vor.u32 v0, v23;
	_ =	sdelay $0x2  }
0x42e: {  	v26 =	vmul.f32 v26, v25;
	_ =	sdelay $0x1  }
0x42f: {  	[tilespmem:v24+s2+$0x0] =	vst.idx.add.f32.msk vm2, v26  }
0x430: {  	v24 =	vld [tilespmem:s14+$0x1A410];
	_ =	sdelay $0x1  }
0x431: {  	v26 =	vor.u32 v7, v23;
	_ =	sdelay $0x2  }
0x432: {  	v24 =	vmul.f32 v24, v25;
	_ =	sdelay $0x1  }
0x433: {  	[tilespmem:v26+s2+$0x0] =	vst.idx.add.f32.msk vm2, v24  }
0x434: {  	v24 =	vld [tilespmem:s14+$0x1A420];
	_ =	sdelay $0x1  }
0x435: {  	v26 =	vor.u32 v8, v23;
	_ =	sdelay $0x2  }
0x436: {  	v24 =	vmul.f32 v24, v25;
	_ =	sdelay $0x1  }
0x437: {  	[tilespmem:v26+s2+$0x0] =	vst.idx.add.f32.msk vm2, v24  }
0x438: {  	v24 =	vld [tilespmem:s14+$0x1A430];
	_ =	sdelay $0x1  }
0x439: {  	v26 =	vor.u32 v9, v23;
	_ =	sdelay $0x2  }
0x43a: {  	v24 =	vmul.f32 v24, v25;
	_ =	sdelay $0x1  }
0x43b: {  	[tilespmem:v26+s2+$0x0] =	vst.idx.add.f32.msk vm2, v24  }
0x43c: {  	v24 =	vld.idx.msk [tilespmem:v22+s10+$0x0], $0xffff  }
0x43d: {  	v25 =	vld [tilespmem:s14+$0x1A440];
	_ =	sdelay $0x1  }
0x43e: {  	v26 =	vor.u32 v10, v23;
	_ =	sdelay $0x2  }
0x43f: {  	v25 =	vmul.f32 v25, v24;
	_ =	sdelay $0x1  }
0x440: {  	[tilespmem:v26+s2+$0x0] =	vst.idx.add.f32.msk vm2, v25  }
0x441: {  	v25 =	vld [tilespmem:s14+$0x1A450];
	_ =	sdelay $0x1  }
0x442: {  	v26 =	vor.u32 v11, v23;
	_ =	sdelay $0x2  }
0x443: {  	v25 =	vmul.f32 v25, v24;
	_ =	sdelay $0x1  }
0x444: {  	[tilespmem:v26+s2+$0x0] =	vst.idx.add.f32.msk vm2, v25  }
0x445: {  	v25 =	vld [tilespmem:s14+$0x1A460];
	_ =	sdelay $0x1  }
0x446: {  	v26 =	vor.u32 v12, v23;
	_ =	sdelay $0x2  }
0x447: {  	v25 =	vmul.f32 v25, v24;
	_ =	sdelay $0x1  }
0x448: {  	[tilespmem:v26+s2+$0x0] =	vst.idx.add.f32.msk vm2, v25  }
0x449: {  	v25 =	vld [tilespmem:s14+$0x1A470];
	_ =	sdelay $0x1  }
0x44a: {  	v26 =	vor.u32 v13, v23;
	_ =	sdelay $0x2  }
0x44b: {  	v24 =	vmul.f32 v25, v24;
	_ =	sdelay $0x1  }
0x44c: {  	[tilespmem:v26+s2+$0x0] =	vst.idx.add.f32.msk vm2, v24  }
0x44d: {  	v24 =	vld.idx.msk [tilespmem:v22+s12+$0x0], $0xffff  }
0x44e: {  	v25 =	vld [tilespmem:s14+$0x1A800];
	_ =	sdelay $0x1  }
0x44f: {  	v26 =	vor.u32 v14, v23;
	_ =	sdelay $0x2  }
0x450: {  	v25 =	vmul.f32 v25, v24;
	_ =	sdelay $0x1  }
0x451: {  	[tilespmem:v26+s2+$0x0] =	vst.idx.add.f32.msk vm2, v25  }
0x452: {  	v25 =	vld [tilespmem:s14+$0x1A810];
	_ =	sdelay $0x1  }
0x453: {  	v26 =	vor.u32 v15, v23;
	_ =	sdelay $0x2  }
0x454: {  	v25 =	vmul.f32 v25, v24;
	_ =	sdelay $0x1  }
0x455: {  	[tilespmem:v26+s2+$0x0] =	vst.idx.add.f32.msk vm2, v25  }
0x456: {  	v25 =	vld [tilespmem:s14+$0x1A820];
	_ =	sdelay $0x1  }
0x457: {  	v26 =	vor.u32 v16, v23;
	_ =	sdelay $0x2  }
0x458: {  	v25 =	vmul.f32 v25, v24;
	_ =	sdelay $0x1  }
0x459: {  	[tilespmem:v26+s2+$0x0] =	vst.idx.add.f32.msk vm2, v25  }
0x45a: {  	v25 =	vld [tilespmem:s14+$0x1A830];
	_ =	sdelay $0x1  }
0x45b: {  	v26 =	vor.u32 v17, v23;
	_ =	sdelay $0x2  }
0x45c: {  	v24 =	vmul.f32 v25, v24;
	_ =	sdelay $0x1  }
0x45d: {  	[tilespmem:v26+s2+$0x0] =	vst.idx.add.f32.msk vm2, v24  }
0x45e: {  	v24 =	vld.idx.msk [tilespmem:v22+s13+$0x0], $0xffff  }
0x45f: {  	v22 =	vld [tilespmem:s14+$0x1A840];
	_ =	sdelay $0x1  }
0x460: {  	v25 =	vor.u32 v18, v23;
	_ =	sdelay $0x2  }
0x461: {  	v22 =	vmul.f32 v22, v24;
	_ =	sdelay $0x1  }
0x462: {  	[tilespmem:v25+s2+$0x0] =	vst.idx.add.f32.msk vm2, v22  }
0x463: {  	v22 =	vld [tilespmem:s14+$0x1A850];
	_ =	sdelay $0x1  }
0x464: {  	v25 =	vor.u32 v19, v23;
	_ =	sdelay $0x2  }
0x465: {  	v22 =	vmul.f32 v22, v24;
	_ =	sdelay $0x1  }
0x466: {  	[tilespmem:v25+s2+$0x0] =	vst.idx.add.f32.msk vm2, v22  }
0x467: {  	v22 =	vld [tilespmem:s14+$0x1A860];
	_ =	sdelay $0x1  }
0x468: {  	v25 =	vor.u32 v20, v23;
	_ =	sdelay $0x2  }
0x469: {  	v22 =	vmul.f32 v22, v24;
	_ =	sdelay $0x1  }
0x46a: {  	[tilespmem:v25+s2+$0x0] =	vst.idx.add.f32.msk vm2, v22  }
0x46b: {  	v25 =	vld [tilespmem:s14+$0x1A870];
	_ =	sdelay $0x1  }
0x46c: {  	s31 =	sadd.s32 $0x1, s0;
	v23 =	vor.u32 v21, v23  }
0x46d: {  	v22 =	vmov s31;
	_ =	sdelay $0x1  }
0x46e: {  	s28 =	simm.s32 $0x1;
	s29 =	simm.s32 $0x0;
	s14 =	simm.s32 $0x2;
	v24 =	vmul.f32 v25, v24  }
.LBB2_25:
0x46f: {  	s4 =	sadd.s32 $0x80, s4  }
0x470: {  	s29 =	sadd.s32 $0x100, s29;
	s1 =	smov.u32 s14;
	s30 =	sadd.s32 $0x1, s14;
	[tilespmem:v23+s2+$0x0] =	vst.idx.add.f32.msk vm2, v24  }
0x471: {  	p1 =	sne.s32 s14, $0x1F;
	v23 =	vld.idx.msk [tilespmem:v22+s15+$0x0], $0xffff;
	_ =	sdelay $0x5  }
0x472: {  	s11 =	sand.u32 $0x1800, s29;
	s14 =	sand.u32 $0x380, s4;
	v24 =	vsub.s32 v23, v2;
	v23 =	vshll.u32 v23, $0x7  }
0x473: {  	s17 =	sadd.s32 s28, s7;
	s28 =	smov.u32 s1;
	s14 =	sor.u32 s14, s11;
	v24 =	vshll.u32 v24, $0x8;
	v25 =	vld.idx.msk [tilespmem:v22+s20+$0x0], $0xffff  }
0x474: {  	p2 =	slt.s32 s17, s3;
	vm2 =	vmmov vm1;
	v23 =	vand.u32 $0x380, v23;
	v24 =	vand.u32 $0xFFFFF800, v24;
	v26 =	vld [tilespmem:s14+$0x1A400]  }
0x475: {  	vm2 =	vmneg @p2 vm2;
	v23 =	vor.u32 v23, v24  }
0x476: {  	v24 =	vor.u32 v0, v23;
	_ =	sdelay $0x2  }
0x477: {  	v26 =	vmul.f32 v26, v25;
	_ =	sdelay $0x1  }
0x478: {  	[tilespmem:v24+s2+$0x0] =	vst.idx.add.f32.msk vm2, v26  }
0x479: {  	v24 =	vld [tilespmem:s14+$0x1A410];
	_ =	sdelay $0x1  }
0x47a: {  	v26 =	vor.u32 v7, v23;
	_ =	sdelay $0x2  }
0x47b: {  	v24 =	vmul.f32 v24, v25;
	_ =	sdelay $0x1  }
0x47c: {  	[tilespmem:v26+s2+$0x0] =	vst.idx.add.f32.msk vm2, v24  }
0x47d: {  	v24 =	vld [tilespmem:s14+$0x1A420];
	_ =	sdelay $0x1  }
0x47e: {  	v26 =	vor.u32 v8, v23;
	_ =	sdelay $0x2  }
0x47f: {  	v24 =	vmul.f32 v24, v25;
	_ =	sdelay $0x1  }
0x480: {  	[tilespmem:v26+s2+$0x0] =	vst.idx.add.f32.msk vm2, v24  }
0x481: {  	v24 =	vld [tilespmem:s14+$0x1A430];
	_ =	sdelay $0x1  }
0x482: {  	v26 =	vor.u32 v9, v23;
	_ =	sdelay $0x2  }
0x483: {  	v24 =	vmul.f32 v24, v25;
	_ =	sdelay $0x1  }
0x484: {  	[tilespmem:v26+s2+$0x0] =	vst.idx.add.f32.msk vm2, v24  }
0x485: {  	v24 =	vld.idx.msk [tilespmem:v22+s10+$0x0], $0xffff  }
0x486: {  	v25 =	vld [tilespmem:s14+$0x1A440];
	_ =	sdelay $0x1  }
0x487: {  	v26 =	vor.u32 v10, v23;
	_ =	sdelay $0x2  }
0x488: {  	v25 =	vmul.f32 v25, v24;
	_ =	sdelay $0x1  }
0x489: {  	[tilespmem:v26+s2+$0x0] =	vst.idx.add.f32.msk vm2, v25  }
0x48a: {  	v25 =	vld [tilespmem:s14+$0x1A450];
	_ =	sdelay $0x1  }
0x48b: {  	v26 =	vor.u32 v11, v23;
	_ =	sdelay $0x2  }
0x48c: {  	v25 =	vmul.f32 v25, v24;
	_ =	sdelay $0x1  }
0x48d: {  	[tilespmem:v26+s2+$0x0] =	vst.idx.add.f32.msk vm2, v25  }
0x48e: {  	v25 =	vld [tilespmem:s14+$0x1A460];
	_ =	sdelay $0x1  }
0x48f: {  	v26 =	vor.u32 v12, v23;
	_ =	sdelay $0x2  }
0x490: {  	v25 =	vmul.f32 v25, v24;
	_ =	sdelay $0x1  }
0x491: {  	[tilespmem:v26+s2+$0x0] =	vst.idx.add.f32.msk vm2, v25  }
0x492: {  	v25 =	vld [tilespmem:s14+$0x1A470];
	_ =	sdelay $0x1  }
0x493: {  	v26 =	vor.u32 v13, v23;
	_ =	sdelay $0x2  }
0x494: {  	v24 =	vmul.f32 v25, v24;
	_ =	sdelay $0x1  }
0x495: {  	[tilespmem:v26+s2+$0x0] =	vst.idx.add.f32.msk vm2, v24  }
0x496: {  	v24 =	vld.idx.msk [tilespmem:v22+s12+$0x0], $0xffff  }
0x497: {  	v25 =	vld [tilespmem:s14+$0x1A800];
	_ =	sdelay $0x1  }
0x498: {  	v26 =	vor.u32 v14, v23;
	_ =	sdelay $0x2  }
0x499: {  	v25 =	vmul.f32 v25, v24;
	_ =	sdelay $0x1  }
0x49a: {  	[tilespmem:v26+s2+$0x0] =	vst.idx.add.f32.msk vm2, v25  }
0x49b: {  	v25 =	vld [tilespmem:s14+$0x1A810];
	_ =	sdelay $0x1  }
0x49c: {  	v26 =	vor.u32 v15, v23;
	_ =	sdelay $0x2  }
0x49d: {  	v25 =	vmul.f32 v25, v24;
	_ =	sdelay $0x1  }
0x49e: {  	[tilespmem:v26+s2+$0x0] =	vst.idx.add.f32.msk vm2, v25  }
0x49f: {  	v25 =	vld [tilespmem:s14+$0x1A820];
	_ =	sdelay $0x1  }
0x4a0: {  	v26 =	vor.u32 v16, v23;
	_ =	sdelay $0x2  }
0x4a1: {  	v25 =	vmul.f32 v25, v24;
	_ =	sdelay $0x1  }
0x4a2: {  	[tilespmem:v26+s2+$0x0] =	vst.idx.add.f32.msk vm2, v25  }
0x4a3: {  	v25 =	vld [tilespmem:s14+$0x1A830];
	_ =	sdelay $0x1  }
0x4a4: {  	v26 =	vor.u32 v17, v23;
	_ =	sdelay $0x2  }
0x4a5: {  	v24 =	vmul.f32 v25, v24;
	_ =	sdelay $0x1  }
0x4a6: {  	[tilespmem:v26+s2+$0x0] =	vst.idx.add.f32.msk vm2, v24  }
0x4a7: {  	v24 =	vld.idx.msk [tilespmem:v22+s13+$0x0], $0xffff  }
0x4a8: {  	v22 =	vld [tilespmem:s14+$0x1A840];
	_ =	sdelay $0x1  }
0x4a9: {  	v25 =	vor.u32 v18, v23;
	_ =	sdelay $0x2  }
0x4aa: {  	v22 =	vmul.f32 v22, v24;
	_ =	sdelay $0x1  }
0x4ab: {  	[tilespmem:v25+s2+$0x0] =	vst.idx.add.f32.msk vm2, v22  }
0x4ac: {  	v22 =	vld [tilespmem:s14+$0x1A850];
	_ =	sdelay $0x1  }
0x4ad: {  	v25 =	vor.u32 v19, v23;
	_ =	sdelay $0x2  }
0x4ae: {  	v22 =	vmul.f32 v22, v24;
	_ =	sdelay $0x1  }
0x4af: {  	[tilespmem:v25+s2+$0x0] =	vst.idx.add.f32.msk vm2, v22  }
0x4b0: {  	v22 =	vld [tilespmem:s14+$0x1A860];
	_ =	sdelay $0x1  }
0x4b1: {  	v25 =	vor.u32 v20, v23;
	_ =	sdelay $0x2  }
0x4b2: {  	v22 =	vmul.f32 v22, v24;
	_ =	sdelay $0x1  }
0x4b3: {  	[tilespmem:v25+s2+$0x0] =	vst.idx.add.f32.msk vm2, v22  }
0x4b4: {  	v25 =	vld [tilespmem:s14+$0x1A870]  }
.Ltmp11:
0x4b5: {  	(pc) =	sbr.rel @p1 .LBB2_25-.Ltmp11, $3  }
0x4b6: {  	s1 =	sadd.s32 s0, s28;
	v23 =	vor.u32 v21, v23  }
0x4b7: {  	v22 =	vmov s1;
	_ =	sdelay $0x1  }
0x4b8: {  	s14 =	smov.u32 s30;
	v24 =	vmul.f32 v25, v24  }
0x4b9: {  	_ =	sdelay $0x4  }
0x4ba: {  	[tilespmem:v23+s2+$0x0] =	vst.idx.add.f32.msk vm2, v24  }
0x4bb: {  	v23 =	vld.idx.msk [tilespmem:v22+s15+$0x0], $0xffff;
	_ =	sdelay $0x3  }
0x4bc: {  	s0 =	sadd.s32 $0x80, s4;
	s1 =	sadd.s32 $0x100, s29  }
0x4bd: {  	s1 =	sand.u32 $0x1800, s1;
	s0 =	sand.u32 $0x380, s0;
	v47 =	vsub.s32 v23, v2  }
0x4be: {  	s31 =	sadd.s32 s28, s7;
	v25 =	vld.idx.msk [tilespmem:v22+s20+$0x0], $0xffff;
	s0 =	sor.u32 s0, s1;
	v23 =	vshll.u32 v23, $0x7;
	v24 =	vshll.u32 v47, $0x8  }
0x4bf: {  	p1 =	slt.s32 s31, s3;
	vm2 =	vmmov vm1;
	v26 =	vld [tilespmem:s0+$0x1A400];
	v23 =	vand.u32 $0x380, v23;
	v24 =	vand.u32 $0xFFFFF800, v24  }
0x4c0: {  	vm2 =	vmneg @p1 vm2;
	v23 =	vor.u32 v23, v24  }
0x4c1: {  	v24 =	vor.u32 v0, v23;
	_ =	sdelay $0x2  }
0x4c2: {  	v26 =	vmul.f32 v26, v25;
	_ =	sdelay $0x1  }
0x4c3: {  	[tilespmem:v24+s2+$0x0] =	vst.idx.add.f32.msk vm2, v26  }
0x4c4: {  	v24 =	vld [tilespmem:s0+$0x1A410];
	_ =	sdelay $0x1  }
0x4c5: {  	v48 =	vor.u32 v7, v23;
	_ =	sdelay $0x2  }
0x4c6: {  	v24 =	vmul.f32 v24, v25;
	_ =	sdelay $0x1  }
0x4c7: {  	[tilespmem:v48+s2+$0x0] =	vst.idx.add.f32.msk vm2, v24  }
0x4c8: {  	v24 =	vld [tilespmem:s0+$0x1A420];
	_ =	sdelay $0x1  }
0x4c9: {  	v49 =	vor.u32 v8, v23;
	_ =	sdelay $0x2  }
0x4ca: {  	v24 =	vmul.f32 v24, v25;
	_ =	sdelay $0x1  }
0x4cb: {  	[tilespmem:v49+s2+$0x0] =	vst.idx.add.f32.msk vm2, v24  }
0x4cc: {  	v24 =	vld [tilespmem:s0+$0x1A430];
	_ =	sdelay $0x1  }
0x4cd: {  	v50 =	vor.u32 v9, v23;
	_ =	sdelay $0x2  }
0x4ce: {  	v24 =	vmul.f32 v24, v25;
	_ =	sdelay $0x1  }
0x4cf: {  	[tilespmem:v50+s2+$0x0] =	vst.idx.add.f32.msk vm2, v24  }
0x4d0: {  	v24 =	vld.idx.msk [tilespmem:v22+s10+$0x0], $0xffff  }
0x4d1: {  	v51 =	vld [tilespmem:s0+$0x1A440];
	_ =	sdelay $0x1  }
0x4d2: {  	v52 =	vor.u32 v10, v23;
	_ =	sdelay $0x2  }
0x4d3: {  	v25 =	vmul.f32 v51, v24;
	_ =	sdelay $0x1  }
0x4d4: {  	[tilespmem:v52+s2+$0x0] =	vst.idx.add.f32.msk vm2, v25  }
0x4d5: {  	v25 =	vld [tilespmem:s0+$0x1A450];
	_ =	sdelay $0x1  }
0x4d6: {  	v53 =	vor.u32 v11, v23;
	_ =	sdelay $0x2  }
0x4d7: {  	v25 =	vmul.f32 v25, v24;
	_ =	sdelay $0x1  }
0x4d8: {  	[tilespmem:v53+s2+$0x0] =	vst.idx.add.f32.msk vm2, v25  }
0x4d9: {  	v25 =	vld [tilespmem:s0+$0x1A460];
	_ =	sdelay $0x1  }
0x4da: {  	v54 =	vor.u32 v12, v23;
	_ =	sdelay $0x2  }
0x4db: {  	v25 =	vmul.f32 v25, v24;
	_ =	sdelay $0x1  }
0x4dc: {  	[tilespmem:v54+s2+$0x0] =	vst.idx.add.f32.msk vm2, v25  }
0x4dd: {  	v25 =	vld [tilespmem:s0+$0x1A470];
	_ =	sdelay $0x1  }
0x4de: {  	v55 =	vor.u32 v13, v23;
	_ =	sdelay $0x2  }
0x4df: {  	v24 =	vmul.f32 v25, v24;
	_ =	sdelay $0x1  }
0x4e0: {  	[tilespmem:v55+s2+$0x0] =	vst.idx.add.f32.msk vm2, v24  }
0x4e1: {  	v24 =	vld.idx.msk [tilespmem:v22+s12+$0x0], $0xffff  }
0x4e2: {  	v56 =	vld [tilespmem:s0+$0x1A800];
	_ =	sdelay $0x1  }
0x4e3: {  	v57 =	vor.u32 v14, v23;
	_ =	sdelay $0x2  }
0x4e4: {  	v25 =	vmul.f32 v56, v24;
	_ =	sdelay $0x1  }
0x4e5: {  	[tilespmem:v57+s2+$0x0] =	vst.idx.add.f32.msk vm2, v25  }
0x4e6: {  	v25 =	vld [tilespmem:s0+$0x1A810];
	_ =	sdelay $0x1  }
0x4e7: {  	v58 =	vor.u32 v15, v23;
	_ =	sdelay $0x2  }
0x4e8: {  	v25 =	vmul.f32 v25, v24;
	_ =	sdelay $0x1  }
0x4e9: {  	[tilespmem:v58+s2+$0x0] =	vst.idx.add.f32.msk vm2, v25  }
0x4ea: {  	v25 =	vld [tilespmem:s0+$0x1A820];
	_ =	sdelay $0x1  }
0x4eb: {  	v59 =	vor.u32 v16, v23;
	_ =	sdelay $0x2  }
0x4ec: {  	v25 =	vmul.f32 v25, v24;
	_ =	sdelay $0x1  }
0x4ed: {  	[tilespmem:v59+s2+$0x0] =	vst.idx.add.f32.msk vm2, v25  }
0x4ee: {  	v25 =	vld [tilespmem:s0+$0x1A830];
	_ =	sdelay $0x1  }
0x4ef: {  	v60 =	vor.u32 v17, v23;
	_ =	sdelay $0x2  }
0x4f0: {  	v24 =	vmul.f32 v25, v24;
	_ =	sdelay $0x1  }
0x4f1: {  	[tilespmem:v60+s2+$0x0] =	vst.idx.add.f32.msk vm2, v24  }
0x4f2: {  	v22 =	vld.idx.msk [tilespmem:v22+s13+$0x0], $0xffff  }
0x4f3: {  	v24 =	vld [tilespmem:s0+$0x1A840];
	_ =	sdelay $0x1  }
0x4f4: {  	v61 =	vor.u32 v18, v23;
	_ =	sdelay $0x2  }
0x4f5: {  	v24 =	vmul.f32 v24, v22;
	_ =	sdelay $0x1  }
0x4f6: {  	[tilespmem:v61+s2+$0x0] =	vst.idx.add.f32.msk vm2, v24  }
0x4f7: {  	v24 =	vld [tilespmem:s0+$0x1A850];
	_ =	sdelay $0x1  }
0x4f8: {  	v62 =	vor.u32 v19, v23;
	_ =	sdelay $0x2  }
0x4f9: {  	v24 =	vmul.f32 v24, v22;
	_ =	sdelay $0x1  }
0x4fa: {  	[tilespmem:v62+s2+$0x0] =	vst.idx.add.f32.msk vm2, v24  }
0x4fb: {  	v24 =	vld [tilespmem:s0+$0x1A860];
	_ =	sdelay $0x1  }
0x4fc: {  	v63 =	vor.u32 v20, v23;
	_ =	sdelay $0x2  }
0x4fd: {  	v24 =	vmul.f32 v24, v22;
	_ =	sdelay $0x1  }
0x4fe: {  	[tilespmem:v63+s2+$0x0] =	vst.idx.add.f32.msk vm2, v24  }
0x4ff: {  	v24 =	vld [tilespmem:s0+$0x1A870]  }
0x500: {  	s5 =	sadd.s32 $0x1, s5  }
0x501: {  	p1 =	sne.s32 s5, $0x4;
	v23 =	vor.u32 v21, v23  }
.Ltmp12:
0x502: {  	_ = 	snop;
	(pc) =	sbr.rel @p1 .LBB2_17-.Ltmp12, $3  }
0x503: {  	_ = 	snop  }
0x504: {  	v22 =	vmul.f32 v24, v22;
	_ =	sdelay $0x1  }
0x505: {  	s8 =	sadd.s32 $0x40, s8;
	s7 =	sadd.s32 $0x40, s7;
	[tilespmem:v23+s2+$0x0] =	vst.idx.add.f32.msk vm2, v22  }
0x506: {  	s1 =	rddreg [dreg:$0x11]  }
0x507: {  	s6 =	rddreg [dreg:$0xe];
	s1 =	sadd.s32 $0x1, s1  }
0x508: {  	s7 =	rddreg [dreg:$0xf];
	p0 =	sne.s32 s1, $0xC  }
.Ltmp13:
0x509: {  	s0 =	rddreg [dreg:$0xd];
	(pc) =	sbr.rel @p0 .LBB2_10-.Ltmp13, $4  }
0x50a: {  	s31 =	rddreg [dreg:$0x10]  }
0x50b: {  	s11 =	rddreg [dreg:$0x2];
	s0 =	sadd.s32 $0x200, s0  }
0x50c: {  	[dreg:$0xd] =	wrdreg s0;
	s0 =	sadd.s32 $0x200, s31  }
0x50d: {  	s6 =	sadd.s32 $0x200, s6;
	s7 =	sadd.s32 $0x200, s7;
	[dreg:$0x10] =	wrdreg s0  }
0x50e: {  	s0 =	rddreg [dreg:$0xa];
	s1 =	simm.s32 $0x7  }
0x50f: {  	[hbm4b:s0+s2] =	stream.linear.scatter [tilespmem:s2], [sflag:$0x7], $0x14000, $0x38;
	[tilespmem:$0x1C400] =	vst v63  }
0x510: {  	_ =	swait.ge [sflag:s1], $0x14000  }
0x511: {  	s3 =	rddreg [dreg:$0xc]  }
0x512: {  	s31 =	rddreg [dreg:$0xb];
	s3 =	sadd.s32 $0x1, s3  }
0x513: {  	p0 =	sne.s32 s3, s31  }
.Ltmp14:
0x514: {  	_ = 	snop;
	(pc) =	sbr.rel @p0 .LBB2_1-.Ltmp14, $3  }
0x515: {  	_ =	sdelay $0x1  }
0x516: {  	s29 =	simm.s32 $0x1;
	[sflag:s1] =	ssyncset.done $0x0  }
0x517: {  	s30 =	simm.s32 $0x16800;
	s17 =	rddreg [dreg:$0x9];
	[sflag:s1] =	ssyncadd.s32 $0xFFFEC000  }
0x518: {  	_ =	sfence.sel $0x180000  }
0x519: {  	[bflag:$0x0] =	sbarrier.arrive $0xFFFF  }
0x51a: {  	_ =	strace $0x9000004D  }
0x51b: {  	s0 =	stileid.u32;
	[bflag:$0x2] =	sbarrier.arrive $0xFFFF  }
0x51c: {  	p0 =	sne.s32 s0, $0x0;
	s0 =	rddreg [dreg:$0x1]  }
0x51d: {  	s0 =	sadd.s32 @!p0 $0x100000, s0  }
0x51e: {  	[sflag:s0] =	ssyncadd.tile.s32 @!p0 $0x1;
	_ =	shalt  }
.Lfunc_end2:
_tile_overlayer_lowered:
.L_overlay_start_2:
0x51f: {  	(tag) =	ssettag $0x2  }
0x520: {  	s0 =	rddreg [dreg:$0x0];
	s2 =	stileid.u32  }
0x521: {  	s1 =	rddreg [dreg:$0x1];
	p0 =	sne.s32 s2, $0x0  }
0x522: {  	s3 =	rddreg [dreg:$0x2];
	[bflag:$0x3] =	sbarrier.arrive $0xFFFF;
	s2 =	simm.s32 @!p0 $0x1C07  }
0x523: {  	[timem:s3], [sflag:s2] =	dma.local @!p0 [hbm:s0], s1  }
0x524: {  	s0 =	simm.s32 @!p0 $0x7  }
0x525: {  	_ =	swait.ge @!p0 [sflag:s0], s1  }
0x526: {  	s1 =	ssub.s32 @!p0 $0x0, s1;
	[sflag:s0] =	ssyncset.done @!p0 $0x0  }
0x527: {  	[sflag:s0] =	ssyncadd.s32 @!p0 s1  }
0x528: {  	[bflag:$0x3] =	sbarrier.arrive $0xFFFF  }
0x529: {  	_ =	shalt  }

// kernel: kernel.5.cloned.1.call-start
scs
__scs_entry_jumppad:
0x0: {  	(pc) =	sbr.rel $0x88, $3  }
0x1: {  	(tag) =	ssettag $0x0;
	lr =	simm.s32 $0x1  }
0x2: {  	[smem:$0x3F9C] =	sst lr;
	_ =	strace $0xD0000000  }
0x3: {  	_ = 	snop  }
0x4: {  	_ = 	snop  }
0x5: {  	_ = 	snop  }
0x6: {  	_ = 	snop  }
0x7: {  	_ = 	snop  }
__scs_overlays_trampoline_lowered:
0x8: {  	[smem:$0x3FAB] =	sst s0  }
0x9: {  	[smem:$0x3FAC] =	sst s1  }
0xa: {  	[smem:$0x3FAD] =	sst s2  }
0xb: {  	[smem:$0x3FAE] =	sst s3  }
0xc: {  	[smem:$0x3FAF] =	sst s4  }
0xd: {  	[smem:$0x3FB0] =	sst s5  }
0xe: {  	[smem:$0x3FB1] =	sst s6  }
0xf: {  	[smem:$0x3FB2] =	sst s7  }
0x10: {  	[smem:$0x3FB3] =	sst s8  }
0x11: {  	[smem:$0x3FB4] =	sst s9;
	s0 =	simm.s32 @!p0 $0x0  }
0x12: {  	s1 =	sld [smem:$0x3F9A];
	s0 =	simm.s32 @p0 $0x1  }
0x13: {  	[smem:$0x3FB5] =	sst s0;
	s0 =	simm.s32 @!p1 $0x0  }
0x14: {  	s2 =	sld [smem:$0x3F99];
	s0 =	simm.s32 @p1 $0x1  }
0x15: {  	[smem:$0x3FB6] =	sst s0;
	s0 =	simm.s32 @!p2 $0x0  }
0x16: {  	s3 =	sld [smem:$0x3FDB];
	s0 =	simm.s32 @p2 $0x1  }
0x17: {  	s4 =	simm.s32 $0x1BF5;
	[smem:$0x3FB8] =	sst s0  }
0x18: {  	s0 =	sld [smem:$0x3F9B];
	_ =	swait.ge [sflag:s4], $0x0  }
0x19: {  	s7 =	sld [smem:$0x3F9C]  }
0x1a: {  	s8 =	sadd.s32 $0xFFFFE003, lr  }
0x1b: {  	s9 =	sadd.s32 $0xFFFFFEF7, lr;
	s5 =	simm.s32 $0xFFFFFFFF;
	p2 =	slt.u32 s8, $0xFFFFF086  }
0x1c: {  	p1 =	slt.u32 s9, $0xF7A;
	s5 =	simm.s32 @!p2 $0x0  }
0x1d: {  	s5 =	simm.s32 @p1 $0x1;
	p0 =	seq.s32 s7, s2  }
0x1e: {  	s7 =	smul.u32 @!p0 $0xF7A, s2;
	p2 =	seq.s32 @!p0 s5, $0x0  }
0x1f: {  	s9 =	smul.u32 $0xF7A, s1;
	s8 =	simm.s32 @!p0 $0x1BF5;
	p2 =	por !p2, p0  }
0x20: {  	[sflag:s8] =	ssyncset.s32 @!p0 $0xFFFFF086;
	s6 =	sadd.s32 @!p0 s3, s7;
	s7 =	simm.s32 @!p0 $0x108  }
0x21: {  	s3 =	sadd.s32 s3, s9;
	s6 =	sadd.s32 @!p0 $0x88, s6;
	s7 =	simm.s32 @p2 $0x1082  }
0x22: {  	[simem:s7], [sflag:s8] =	dma.local @!p0 [hbm:s6], $0xF7A  }
0x23: {  	s9 =	sor.u32 $0xD0000000, s2;
	s6 =	simm.s32 $0x108;
	_ =	swait.ge @!p0 [sflag:s8], $0x0  }
0x24: {  	s3 =	sadd.s32 $0x88, s3;
	s6 =	simm.s32 @!p1 $0x1082;
	[sflag:s4] =	ssyncset.s32 $0xFFFFF086  }
0x25: {  	[simem:s6], [sflag:s4] =	dma.local [hbm:s3], $0xF7A  }
0x26: {  	[smem:$0x3F9C] =	sst s1;
	(tag) =	ssettag s2;
	_ =	strace s9  }
0x27: {  	s1 =	sld [smem:$0x3FAC]  }
0x28: {  	s2 =	sld [smem:$0x3FAD]  }
0x29: {  	s4 =	sld [smem:$0x3FAF]  }
0x2a: {  	p0 =	seq.s32 s5, $0x0;
	s5 =	sld [smem:$0x3FB0]  }
0x2b: {  	s6 =	sld [smem:$0x3FB1]  }
0x2c: {  	s7 =	sld [smem:$0x3FB2]  }
0x2d: {  	s3 =	simm.s32 $0x108;
	s8 =	sld [smem:$0x3FB3]  }
0x2e: {  	s3 =	simm.s32 @!p0 $0x1082;
	s9 =	sld [smem:$0x3FB4]  }
0x2f: {  	lr =	sadd.s32 s0, s3;
	s0 =	sld [smem:$0x3FAB]  }
0x30: {  	s3 =	sld [smem:$0x3FAE]  }
0x31: {  	[smem:$0x3FB7] =	sst s10  }
0x32: {  	s10 =	sld [smem:$0x3FB5];
	_ =	sdelay $0x3  }
0x33: {  	p0 =	seq.s32 s10, $0x1;
	s10 =	sld [smem:$0x3FB7];
	_ =	sdelay $0x3  }
0x34: {  	[smem:$0x3FB7] =	sst s10  }
0x35: {  	s10 =	sld [smem:$0x3FB6];
	_ =	sdelay $0x3  }
0x36: {  	p1 =	seq.s32 s10, $0x1;
	s10 =	sld [smem:$0x3FB7];
	_ =	sdelay $0x3  }
0x37: {  	[smem:$0x3FB7] =	sst s10  }
0x38: {  	s10 =	sld [smem:$0x3FB8]  }
0x39: {  	_ = 	snop;
	(pc) =	sbr.ind lr, $3  }
0x3a: {  	_ = 	snop  }
0x3b: {  	_ = 	snop  }
0x3c: {  	p2 =	seq.s32 s10, $0x1;
	s10 =	sld [smem:$0x3FB7]  }
0x3d: {  	_ =	shalt  }
0x3e: {  	_ =	shalt  }
0x3f: {  	_ =	shalt  }
0x40: {  	_ =	shalt  }
0x41: {  	_ =	shalt  }
0x42: {  	_ =	shalt  }
0x43: {  	_ =	shalt  }
0x44: {  	_ =	shalt  }
0x45: {  	_ =	shalt  }
0x46: {  	_ =	shalt  }
0x47: {  	_ =	shalt  }
0x48: {  	_ =	shalt  }
0x49: {  	_ =	shalt  }
0x4a: {  	_ =	shalt  }
0x4b: {  	_ =	shalt  }
0x4c: {  	_ =	shalt  }
0x4d: {  	_ =	shalt  }
0x4e: {  	_ =	shalt  }
0x4f: {  	_ =	shalt  }
0x50: {  	_ =	shalt  }
0x51: {  	_ =	shalt  }
0x52: {  	_ =	shalt  }
0x53: {  	_ =	shalt  }
0x54: {  	_ =	shalt  }
0x55: {  	_ =	shalt  }
0x56: {  	_ =	shalt  }
0x57: {  	_ =	shalt  }
0x58: {  	_ =	shalt  }
0x59: {  	_ =	shalt  }
0x5a: {  	_ =	shalt  }
0x5b: {  	_ =	shalt  }
0x5c: {  	_ =	shalt  }
0x5d: {  	_ =	shalt  }
0x5e: {  	_ =	shalt  }
0x5f: {  	_ =	shalt  }
0x60: {  	_ =	shalt  }
0x61: {  	_ =	shalt  }
0x62: {  	_ =	shalt  }
0x63: {  	_ =	shalt  }
0x64: {  	_ =	shalt  }
0x65: {  	_ =	shalt  }
0x66: {  	_ =	shalt  }
0x67: {  	_ =	shalt  }
0x68: {  	_ =	shalt  }
0x69: {  	_ =	shalt  }
0x6a: {  	_ =	shalt  }
0x6b: {  	_ =	shalt  }
0x6c: {  	_ =	shalt  }
0x6d: {  	_ =	shalt  }
0x6e: {  	_ =	shalt  }
0x6f: {  	_ =	shalt  }
0x70: {  	_ =	shalt  }
0x71: {  	_ =	shalt  }
0x72: {  	_ =	shalt  }
0x73: {  	_ =	shalt  }
0x74: {  	_ =	shalt  }
0x75: {  	_ =	shalt  }
0x76: {  	_ =	shalt  }
0x77: {  	_ =	shalt  }
0x78: {  	_ =	shalt  }
0x79: {  	_ =	shalt  }
0x7a: {  	_ =	shalt  }
0x7b: {  	_ =	shalt  }
0x7c: {  	_ =	shalt  }
0x7d: {  	_ =	shalt  }
0x7e: {  	_ =	shalt  }
0x7f: {  	_ =	shalt  }
0x80: {  	_ =	shalt  }
0x81: {  	_ =	shalt  }
0x82: {  	_ =	shalt  }
0x83: {  	_ =	shalt  }
0x84: {  	_ =	shalt  }
0x85: {  	_ =	shalt  }
0x86: {  	_ =	shalt  }
0x87: {  	_ =	shalt  }
.Lfunc_end0:
.L_simem_size_0:
called_computation_lowered:
.L_overlay_start_0:
0x88: {  	s2 =	sld [smem:$0x3FD9]  }
0x89: {  	s3 =	sld [smem:$0x3FFE];
	_ =	sdelay $0x1  }
0x8a: {  	s1 =	srdreg.scid  }
0x8b: {  	s0 =	sand.u32 $0x1, s1  }
0x8c: {  	s14 =	sshll.u32 s0, $0xA;
	s2 =	sadd.s32 s3, s2  }
0x8d: {  	s2 =	sadd.s32 s2, s14  }
0x8e: {  	[smem:$0x3FC3] =	sst s2  }
0x8f: {  	_ = 	snop  }
0x90: {  	s2 =	sld [smem:$0x3FD0];
	_ =	sdelay $0x2  }
0x91: {  	s15 =	simm.s32 $0xA;
	s4 =	simm.s32 $0x10  }
0x92: {  	[smem:s4], [sflag:s15] =	dma.local [hbm:s2], $0x1  }
0x93: {  	_ =	swait.eq [sflag:s15], $0x1  }
0x94: {  	[sflag:s15] =	ssyncset.done $0x0  }
0x95: {  	[sflag:s15] =	ssyncadd.s32 $0xFFFFFFFF  }
0x96: {  	s16 =	sld [smem:$0x10];
	(tm) =	ssettm $0x1  }
0x97: {  	s17 =	sld [smem:$0x3FFB];
	_ =	sdelay $0x3  }
0x98: {  	_ =	strace s17  }
0x99: {  	s3 =	sld [smem:$0x3FFC];
	_ =	sdelay $0x3  }
0x9a: {  	_ =	strace s3  }
0x9b: {  	s3 =	sld [smem:$0x3FFD];
	_ =	sdelay $0x3  }
0x9c: {  	_ =	strace s3  }
0x9d: {  	_ =	strace $0x8FFFFFFF  }
0x9e: {  	s18 =	sld [smem:$0x3FDB];
	_ =	sdelay $0x1  }
0x9f: {  	s19 =	simm.s32 $_scs_section_size  }
0xa0: {  	s5 =	simm.s32 $_size__tile_overlayer_lowered;
	s6 =	simm.s32 $_tile_overlayer_lowered  }
0xa1: {  	s22 =	simm.s32 $0x1BFF;
	s21 =	sshll.u32 s6, $0x1;
	s3 =	sadd.s32 s19, s18  }
0xa2: {  	s7 =	simm.s32 $0x0;
	s20 =	sshll.u32 s5, $0x1;
	s5 =	sadd.s32 s21, s3  }
0xa3: {  	[timem:s7], [sflag:s22] =	dma.local [hbm:s5], s20  }
0xa4: {  	_ =	swait.ge [sflag:s22], s20  }
0xa5: {  	s4 =	ssub.s32 $0x0, s20;
	[sflag:s22] =	ssyncset.done $0x0  }
0xa6: {  	[sflag:s22] =	ssyncadd.s32 s4;
	_ =	sdelay $0x1  }
0xa7: {  	s23 =	simm.s32 $0x1B8B  }
0xa8: {  	_ =	swait.ge [sflag:s23], $0x1  }
0xa9: {  	[sflag:s23] =	ssyncset.done $0x0  }
0xaa: {  	s25 =	simm.s32 $0x1B8E;
	s24 =	sld [smem:$0x3FFE];
	[sflag:s23] =	ssyncadd.s32 $0xFFFFFFFF  }
0xab: {  	s26 =	simm.s32 $execute0_lowered;
	[smem:$0x3FD2] =	sst s25  }
0xac: {  	s5 =	sshll.u32 s26, $0x1;
	_ =	strace $0x80000046;
	[dreg:$0x1] =	wrdreg $0xFFFFFFFF  }
0xad: {  	s28 =	simm.s32 $_size_execute0_lowered;
	s3 =	sadd.s32 s3, s5;
	[dreg:$0x0] =	wrdreg $0x0  }
0xae: {  	s5 =	sshll.u32 s28, $0x1;
	[dreg:$0x2] =	wrdreg s3  }
0xaf: {  	[dreg:$0x3] =	wrdreg s5  }
0xb0: {  	[dreg:$0x4] =	wrdreg $0xC0  }
0xb1: {  	_ =	task [dreg:s7], $0x5FFFF  }
0xb2: {  	[dreg:$0x1] =	wrdreg $0xFFFFFFFF  }
0xb3: {  	[dreg:$0x0] =	wrdreg $0x60  }
0xb4: {  	[dreg:$0x2] =	wrdreg s24  }
0xb5: {  	[dreg:$0x3] =	wrdreg s16  }
0xb6: {  	[dreg:$0x4] =	wrdreg $0x78000  }
0xb7: {  	[dreg:$0x5] =	wrdreg $0x9  }
0xb8: {  	_ =	task.clear_ibuf [dreg:s7], $0x6FFFF;
	_ =	strace $0x90000046  }
0xb9: {  	s29 =	simm.s32 $0x9;
	_ =	strace $0x80000048  }
0xba: {  	_ =	swait.ge [sflag:s29], $0x1  }
0xbb: {  	[sflag:s29] =	ssyncadd.s32 $0xFFFFFFFF  }
0xbc: {  	_ =	strace $0x90000048  }
0xbd: {  	_ =	sfence  }
0xbe: {  	s30 =	sld [smem:$0x0];
	_ =	sdelay $0x2  }
0xbf: {  	s31 =	sshll.u32 s1, $0xD;
	s1 =	sshrl.u32 s1, $0x2  }
0xc0: {  	s3 =	sand.u32 $0x4000, s31;
	s1 =	sadd.s32 s1, s30  }
0xc1: {  	s0 =	sor.u32 s3, s0;
	s1 =	sshll.u32 s1, $0x11  }
0xc2: {  	s0 =	sor.u32 s1, s0  }
0xc3: {  	s0 =	sadd.s32 $0x8F2B, s0  }
0xc4: {  	[sflag:s0] =	ssyncadd.remote.s32 $0x1  }
0xc5: {  	_ =	sfence.sel $0xFFFF  }
0xc6: {  	[dreg:$0x0] =	wrdreg $0xFFFFFFFF;
	(pc) =	sbr.abs _section_cstart, $3  }
0xc7: {  	[dreg:$0x1] =	wrdreg $0xFFFFFFFF  }
0xc8: {  	_ =	task.clear_ibuf [dreg:s7], $0x2FFFF;
	_ =	strace $0x9FFFFFFF  }
0xc9: {  	(tm) =	ssettm $0x7FFFFFFF  }
tec
execute0_lowered:
.L_overlay_start_1:
0x0: {  	(tag) =	ssettag $0x1  }
0x1: {  	s0 =	rddreg [dreg:$0x0]  }
0x2: {  	s1 =	rddreg [dreg:$0x1]  }
0x3: {  	s12 =	rddreg [dreg:$0x2]  }
0x4: {  	s3 =	srdreg.scid;
	s17 =	stileid.u32  }
0x5: {  	s2 =	simm.s32 $0x0;
	s31 =	simm.s32 $0x1;
	s8 =	sand.u32 $0x1, s3  }
0x6: {  	s24 =	sshll.u32 s17, $0x1;
	[smem:$0x7FF] =	sst s2;
	s10 =	smul.u32 $0x280, s17  }
0x7: {  	s3 =	sadd.s32 $0x1A00, s0;
	s4 =	sadd.s32 $0x2400, s0;
	s26 =	smul.u32 $0x28000, s17  }
0x8: {  	s5 =	sadd.s32 $0x2E00, s0;
	s6 =	sadd.s32 $0x3800, s0;
	s15 =	smul.u32 $0x1400, s17  }
0x9: {  	p0 =	sgt.u32 s17, $0x7;
	s9 =	sor.u32 s8, s24;
	s11 =	smul.u32 $0x1400, s8  }
0xa: {  	_ =	strace $0x80000047;
	s8 =	ssub.s32 $0x2, s8;
	s7 =	smul.u32 $0x280, s9  }
0xb: {  	s14 =	smul.u32 $0xA00, s9;
	s16 =	sshrl.u32 s8, $0x1;
	s18 =	sshrl.u32 s26, $0x2  }
0xc: {  	s25 =	sadd.s32 s10, s11;
	s16 =	ssub.s32 s8, s16;
	s11 =	sadd.s32 s15, s12  }
0xd: {  	s12 =	sadd.s32 s18, s12;
	s15 =	simm.s32 $0x1B800;
	s13 =	sadd.s32 s7, s0  }
0xe: {  	s7 =	sadd.s32 $0xE200, s0;
	s0 =	sadd.s32 s25, s0;
	s19 =	sadd.s32 $0xA000, s11  }
0xf: {  	s10 =	sadd.s32 s1, s14;
	s20 =	sadd.s32 $0x14000, s11;
	[dreg:$0x4] =	wrdreg s19  }
0x10: {  	s21 =	sadd.s32 $0x1E000, s11;
	s22 =	sadd.s32 $0x28000, s11;
	[dreg:$0x5] =	wrdreg s20  }
0x11: {  	s23 =	sadd.s32 $0x32000, s11;
	s24 =	sadd.s32 $0x3C000, s11;
	[dreg:$0x6] =	wrdreg s21  }
0x12: {  	s25 =	sadd.s32 $0x46000, s11;
	s26 =	sadd.s32 $0x50000, s11;
	[dreg:$0x7] =	wrdreg s22  }
0x13: {  	s28 =	sadd.s32 $0x82000, s11;
	s29 =	sadd.s32 $0x8C000, s11;
	[dreg:$0x8] =	wrdreg s23  }
0x14: {  	s30 =	sadd.s32 $0x96000, s11;
	s1 =	simm.s32 $0x16800;
	[dreg:$0x9] =	wrdreg s24  }
.Ltmp0:
0x15: {  	s14 =	simm.s32 $0x2;
	[dreg:$0xa] =	wrdreg s25;
	(pc) =	sbr.rel .LBB2_1-.Ltmp0, $4  }
0x16: {  	s8 =	sadd.s32 $0x9200, s13;
	s9 =	sadd.s32 $0x4200, s13;
	[dreg:$0xb] =	wrdreg s26  }
0x17: {  	s21 =	sadd.s32 $0x5A000, s11;
	s22 =	sadd.s32 $0x64000, s11;
	s23 =	sadd.s32 $0x6E000, s11  }
0x18: {  	v0 =	vlaneseq.u32;
	s24 =	sadd.s32 $0xF600, s0;
	s25 =	smax.u32 s16, $0x1;
	s26 =	sadd.s32 $0x78000, s11  }
0x19: {  	v0 =	vmul.u32 $0x4, v0;
	s0 =	simm.s32 $0x11800;
	s13 =	simm.s32 $0x2800;
	s16 =	simm.s32 $0x0  }
.LBB2_38:
0x1a: {  	v2 =	vld [tilespmem:s17+$0x1CC00];
	_ =	sdelay $0x4  }
0x1b: {  	v1 =	vadd.f32 v1, v2;
	_ =	sdelay $0x1  }
0x1c: {  	s20 =	simm.s32 $0x1CC00;
	[tilespmem:s17+$0x1CC00] =	vst v1  }
0x1d: {  	[hbm4b:s24+s2] =	stream.linear.scatter [tilespmem:s20], [sflag:$0x1], $0x1400, $0x38;
	[tilespmem:$0x1E000] =	vst v63  }
0x1e: {  	_ =	swait.ge [sflag:s31], $0x1400  }
0x1f: {  	[sflag:s31] =	ssyncset.done $0x0  }
0x20: {  	[sflag:s31] =	ssyncadd.s32 $0xFFFFEC00  }
.LBB2_39:
0x21: {  	s16 =	sadd.s32 $0x1, s16  }
0x22: {  	p1 =	sne.s32 s16, s25  }
.Ltmp1:
0x23: {  	_ = 	snop;
	(pc) =	sbr.rel @!p1 .LBB2_40-.Ltmp1, $1  }
0x24: {  	_ =	sdelay $0x3  }
.LBB2_1:
0x25: {  	[tilespmem:s2], [sflag:$0x1] =	stream.linear.gather [hbm4b:s8+s2], $0x1400, $0x38;
	[tilespmem:$0x1E000] =	vst v63  }
0x26: {  	_ =	swait.ge [sflag:s31], $0x1400  }
0x27: {  	[sflag:s31] =	ssyncset.done $0x0  }
0x28: {  	s17 =	simm.s32 $0x1400;
	[sflag:s31] =	ssyncadd.s32 $0xFFFFEC00  }
0x29: {  	[tilespmem:s17], [sflag:$0x1] =	stream.linear.gather [hbm4b:s9+s2], $0x1400, $0x38;
	[tilespmem:$0x1E000] =	vst v63  }
0x2a: {  	_ =	swait.ge [sflag:s31], $0x1400  }
0x2b: {  	[sflag:s31] =	ssyncset.done $0x0  }
0x2c: {  	[sflag:s31] =	ssyncadd.s32 $0xFFFFEC00  }
0x2d: {  	[tilespmem:s0], [sflag:$0x1] =	stream.linear.gather [hbm4b:s3+s2], $0x5000, $0x38;
	[tilespmem:$0x1E000] =	vst v63  }
0x2e: {  	_ =	swait.ge [sflag:s31], $0x5000  }
0x2f: {  	[sflag:s31] =	ssyncset.done $0x0  }
0x30: {  	[sflag:s31] =	ssyncadd.s32 $0xFFFFB000  }
0x31: {  	[tilespmem:s1], [sflag:$0x1] =	stream.linear.gather [hbm4b:s5+s2], $0x5000, $0x38;
	[tilespmem:$0x1E000] =	vst v63  }
0x32: {  	_ =	swait.ge [sflag:s31], $0x5000  }
0x33: {  	[sflag:s31] =	ssyncset.done $0x0  }
0x34: {  	[sflag:s31] =	ssyncadd.s32 $0xFFFFB000  }
0x35: {  	v1 =	vld [tilespmem:s2+$0x0]  }
0x36: {  	v2 =	vld [tilespmem:s17+$0x0];
	_ =	sdelay $0x3  }
0x37: {  	v1 =	vshll.u32 v1, $0x1  }
0x38: {  	v2 =	vshll.u32 v2, $0x1;
	_ =	sdelay $0x3  }
0x39: {  	v3 =	vld.idx.msk [tilespmem:v1+s0+$0x0], $0xffff  }
0x3a: {  	v4 =	vld.idx.msk [tilespmem:v2+s1+$0x0], $0xffff;
	_ =	sdelay $0x4  }
0x3b: {  	v3 =	vadd.f32 v4, v3;
	_ =	sdelay $0x1  }
0x3c: {  	v4 =	vmul.f32 $2.000000030e-01, v3  }
0x3d: {  	vm0 =	vge.f32 v3, $0.0e+00  }
0x3e: {  	v3 =	vsel vm0, v3, v4  }
0x3f: {  	v3 =	vmul.f32 $1.442695020e+00, v3;
	_ =	sdelay $0x1  }
0x40: {  	(erf) = vpow2.f32 v3;
	_ =	sdelay $0x2  }
0x41: {  	v3 =	vmov s2  }
0x42: {  	v3 =	vshll.u32 v3, $0x2  }
0x43: {  	v3 =	vor.u32 v0, v3  }
0x44: {  	v1 =	vor.u32 $0x1, v1  }
0x45: {  	v2 =	vor.u32 $0x1, v2;
	_ =	sdelay $0x1  }
0x46: {  	v63 =	vpop (erf)  }
0x47: {  	[tilespmem:v3+s13+$0x0] =	vst.idx.msk $0xffff, v63  }
0x48: {  	v1 =	vld.idx.msk [tilespmem:v1+s0+$0x0], $0xffff  }
0x49: {  	v2 =	vld.idx.msk [tilespmem:v2+s1+$0x0], $0xffff;
	_ =	sdelay $0x4  }
0x4a: {  	v1 =	vadd.f32 v2, v1;
	_ =	sdelay $0x1  }
0x4b: {  	v2 =	vmul.f32 $2.000000030e-01, v1  }
0x4c: {  	vm15 =	vge.f32 v1, $0.0e+00  }
0x4d: {  	v1 =	vsel vm15, v1, v2  }
0x4e: {  	v1 =	vmul.f32 $1.442695020e+00, v1;
	_ =	sdelay $0x1  }
0x4f: {  	(erf) = vpow2.f32 v1;
	_ =	sdelay $0x3  }
0x50: {  	s18 =	simm.s32 $0x10;
	s19 =	simm.s32 $0x0;
	v1 =	vor.u32 $0x1, v3  }
.LBB2_2:
0x51: {  	_ =	sdelay $0x3  }
0x52: {  	p1 =	sne.s32 s18, $0x13F0;
	s19 =	sadd.s32 $0x10, s19;
	s17 =	sadd.s32 $0x10, s17;
	v2 =	vpop (erf)  }
0x53: {  	s20 =	smov.u32 s18;
	s18 =	sadd.s32 $0x10, s18;
	[tilespmem:v1+s13+$0x0] =	vst.idx.msk $0xffff, v2  }
0x54: {  	v1 =	vld [tilespmem:s19+$0x0]  }
0x55: {  	v2 =	vld [tilespmem:s17+$0x0];
	_ =	sdelay $0x3  }
0x56: {  	v1 =	vshll.u32 v1, $0x1  }
0x57: {  	v2 =	vshll.u32 v2, $0x1;
	_ =	sdelay $0x3  }
0x58: {  	v3 =	vld.idx.msk [tilespmem:v1+s0+$0x0], $0xffff  }
0x59: {  	v4 =	vld.idx.msk [tilespmem:v2+s1+$0x0], $0xffff;
	_ =	sdelay $0x5  }
0x5a: {  	v3 =	vadd.f32 v4, v3;
	_ =	sdelay $0x1  }
0x5b: {  	v4 =	vmul.f32 $2.000000030e-01, v3  }
0x5c: {  	vm0 =	vge.f32 v3, $0.0e+00  }
0x5d: {  	v3 =	vsel vm0, v3, v4  }
0x5e: {  	v3 =	vmul.f32 $1.442695020e+00, v3;
	_ =	sdelay $0x1  }
0x5f: {  	(erf) = vpow2.f32 v3;
	_ =	sdelay $0x2  }
0x60: {  	v3 =	vmov s20  }
0x61: {  	v3 =	vshll.u32 v3, $0x2  }
0x62: {  	v3 =	vor.u32 v0, v3  }
0x63: {  	v1 =	vor.u32 $0x1, v1;
	v2 =	vor.u32 $0x1, v2;
	_ =	sdelay $0x2  }
0x64: {  	v4 =	vpop (erf)  }
0x65: {  	[tilespmem:v3+s13+$0x0] =	vst.idx.msk $0xffff, v4  }
0x66: {  	v1 =	vld.idx.msk [tilespmem:v1+s0+$0x0], $0xffff  }
0x67: {  	v2 =	vld.idx.msk [tilespmem:v2+s1+$0x0], $0xffff;
	_ =	sdelay $0x5  }
0x68: {  	v1 =	vadd.f32 v2, v1;
	_ =	sdelay $0x1  }
0x69: {  	vm0 =	vge.f32 v1, $0.0e+00;
	v2 =	vmul.f32 $2.000000030e-01, v1;
	_ =	sdelay $0x1  }
0x6a: {  	v1 =	vsel vm0, v1, v2  }
0x6b: {  	v1 =	vmul.f32 $1.442695020e+00, v1;
	_ =	sdelay $0x1  }
.Ltmp2:
0x6c: {  	(erf) = vpow2.f32 v1;
	(pc) =	sbr.rel @p1 .LBB2_2-.Ltmp2, $2  }
0x6d: {  	_ =	sdelay $0x2  }
0x6e: {  	v1 =	vor.u32 $0x1, v3  }
0x6f: {  	_ =	sdelay $0x3  }
0x70: {  	v2 =	vpop (erf)  }
0x71: {  	s17 =	simm.s32 $0x0;
	[tilespmem:v1+s13+$0x0] =	vst.idx.msk $0xffff, v2  }
0x72: {  	[tilespmem:s0], [sflag:$0x1] =	stream.linear.gather [hbm4b:s4+s17], $0x5000, $0x38;
	[tilespmem:$0x1E000] =	vst v63  }
0x73: {  	_ =	swait.ge [sflag:s31], $0x5000  }
0x74: {  	[sflag:s31] =	ssyncset.done $0x0  }
0x75: {  	[sflag:s31] =	ssyncadd.s32 $0xFFFFB000  }
0x76: {  	[tilespmem:s1], [sflag:$0x1] =	stream.linear.gather [hbm4b:s6+s17], $0x5000, $0x38;
	[tilespmem:$0x1E000] =	vst v63  }
0x77: {  	_ =	swait.ge [sflag:s31], $0x5000  }
0x78: {  	[sflag:s31] =	ssyncset.done $0x0  }
0x79: {  	[sflag:s31] =	ssyncadd.s32 $0xFFFFB000  }
0x7a: {  	s18 =	simm.s32 $0x1400;
	v1 =	vld [tilespmem:s17+$0x0]  }
0x7b: {  	v2 =	vld [tilespmem:s18+$0x0];
	_ =	sdelay $0x3  }
0x7c: {  	v1 =	vshll.u32 v1, $0x1  }
0x7d: {  	v2 =	vshll.u32 v2, $0x1;
	_ =	sdelay $0x3  }
0x7e: {  	v3 =	vld.idx.msk [tilespmem:v1+s0+$0x0], $0xffff  }
0x7f: {  	v4 =	vld.idx.msk [tilespmem:v2+s1+$0x0], $0xffff;
	_ =	sdelay $0x4  }
0x80: {  	v3 =	vadd.f32 v4, v3;
	_ =	sdelay $0x1  }
0x81: {  	v4 =	vmul.f32 $2.000000030e-01, v3  }
0x82: {  	vm0 =	vge.f32 v3, $0.0e+00  }
0x83: {  	v3 =	vsel vm0, v3, v4  }
0x84: {  	v3 =	vmul.f32 $1.442695020e+00, v3;
	_ =	sdelay $0x1  }
0x85: {  	(erf) = vpow2.f32 v3;
	_ =	sdelay $0x1  }
0x86: {  	v3 =	vmov s17  }
0x87: {  	v3 =	vshll.u32 v3, $0x2  }
0x88: {  	v3 =	vor.u32 v0, v3  }
0x89: {  	v63 =	vor.u32 $0x2, v3  }
0x8a: {  	v1 =	vor.u32 $0x1, v1  }
0x8b: {  	v2 =	vor.u32 $0x1, v2;
	_ =	sdelay $0x1  }
0x8c: {  	v5 =	vpop (erf)  }
0x8d: {  	[tilespmem:v63+s13+$0x0] =	vst.idx.msk $0xffff, v5  }
0x8e: {  	v1 =	vld.idx.msk [tilespmem:v1+s0+$0x0], $0xffff  }
0x8f: {  	v2 =	vld.idx.msk [tilespmem:v2+s1+$0x0], $0xffff;
	_ =	sdelay $0x4  }
0x90: {  	v1 =	vadd.f32 v2, v1;
	_ =	sdelay $0x1  }
0x91: {  	v2 =	vmul.f32 $2.000000030e-01, v1  }
0x92: {  	vm15 =	vge.f32 v1, $0.0e+00  }
0x93: {  	v1 =	vsel vm15, v1, v2  }
0x94: {  	v1 =	vmul.f32 $1.442695020e+00, v1;
	_ =	sdelay $0x1  }
0x95: {  	(erf) = vpow2.f32 v1;
	_ =	sdelay $0x3  }
0x96: {  	s19 =	simm.s32 $0x10;
	v1 =	vor.u32 $0x3, v3  }
.LBB2_4:
0x97: {  	_ =	sdelay $0x3  }
0x98: {  	p1 =	sne.s32 s19, $0x13F0;
	s17 =	sadd.s32 $0x10, s17;
	s18 =	sadd.s32 $0x10, s18;
	v2 =	vpop (erf)  }
0x99: {  	s20 =	smov.u32 s19;
	s19 =	sadd.s32 $0x10, s19;
	[tilespmem:v1+s13+$0x0] =	vst.idx.msk $0xffff, v2  }
0x9a: {  	v1 =	vld [tilespmem:s17+$0x0]  }
0x9b: {  	v2 =	vld [tilespmem:s18+$0x0];
	_ =	sdelay $0x3  }
0x9c: {  	v1 =	vshll.u32 v1, $0x1  }
0x9d: {  	v2 =	vshll.u32 v2, $0x1;
	_ =	sdelay $0x3  }
0x9e: {  	v3 =	vld.idx.msk [tilespmem:v1+s0+$0x0], $0xffff  }
0x9f: {  	v4 =	vld.idx.msk [tilespmem:v2+s1+$0x0], $0xffff;
	_ =	sdelay $0x5  }
0xa0: {  	v3 =	vadd.f32 v4, v3;
	_ =	sdelay $0x1  }
0xa1: {  	v4 =	vmul.f32 $2.000000030e-01, v3  }
0xa2: {  	vm0 =	vge.f32 v3, $0.0e+00  }
0xa3: {  	v3 =	vsel vm0, v3, v4  }
0xa4: {  	v3 =	vmul.f32 $1.442695020e+00, v3;
	_ =	sdelay $0x1  }
0xa5: {  	(erf) = vpow2.f32 v3;
	_ =	sdelay $0x1  }
0xa6: {  	v3 =	vmov s20  }
0xa7: {  	v3 =	vshll.u32 v3, $0x2  }
0xa8: {  	v3 =	vor.u32 v0, v3  }
0xa9: {  	v4 =	vor.u32 $0x2, v3  }
0xaa: {  	v1 =	vor.u32 $0x1, v1;
	v2 =	vor.u32 $0x1, v2;
	_ =	sdelay $0x2  }
0xab: {  	v5 =	vpop (erf)  }
0xac: {  	[tilespmem:v4+s13+$0x0] =	vst.idx.msk $0xffff, v5  }
0xad: {  	v1 =	vld.idx.msk [tilespmem:v1+s0+$0x0], $0xffff  }
0xae: {  	v2 =	vld.idx.msk [tilespmem:v2+s1+$0x0], $0xffff;
	_ =	sdelay $0x5  }
0xaf: {  	v1 =	vadd.f32 v2, v1;
	_ =	sdelay $0x1  }
0xb0: {  	vm0 =	vge.f32 v1, $0.0e+00;
	v2 =	vmul.f32 $2.000000030e-01, v1;
	_ =	sdelay $0x1  }
0xb1: {  	v1 =	vsel vm0, v1, v2  }
0xb2: {  	v1 =	vmul.f32 $1.442695020e+00, v1;
	_ =	sdelay $0x1  }
.Ltmp3:
0xb3: {  	(erf) = vpow2.f32 v1;
	(pc) =	sbr.rel @p1 .LBB2_4-.Ltmp3, $2  }
0xb4: {  	_ =	sdelay $0x2  }
0xb5: {  	v1 =	vor.u32 $0x3, v3  }
0xb6: {  	_ =	sdelay $0x3  }
0xb7: {  	v2 =	vpop (erf)  }
0xb8: {  	s17 =	simm.s32 $0x0;
	[tilespmem:v1+s13+$0x0] =	vst.idx.msk $0xffff, v2  }
0xb9: {  	[hbm4b:s10+s17] =	stream.linear.scatter [tilespmem:s13], [sflag:$0x1], $0x5000, $0x38;
	[tilespmem:$0x1E000] =	vst v63  }
0xba: {  	_ =	swait.ge [sflag:s31], $0x5000  }
0xbb: {  	[sflag:s31] =	ssyncset.done $0x0  }
0xbc: {  	[sflag:s31] =	ssyncadd.s32 $0xFFFFB000  }
0xbd: {  	[tilespmem:s0], [sflag:$0x2] =	stream.linear.gather [hbm4b:s7+s17], $0xA000, $0x38;
	[tilespmem:$0x1E000] =	vst v63  }
0xbe: {  	_ =	swait.ge [sflag:s14], $0xA000  }
0xbf: {  	v1 =	vmov s17;
	[sflag:s14] =	ssyncset.done $0x0  }
0xc0: {  	v1 =	vshll.u32 v1, $0x2;
	s17 =	simm.s32 $0x1400;
	[sflag:s14] =	ssyncadd.s32 $0xFFFF6000  }
0xc1: {  	v1 =	vor.u32 v0, v1;
	v2 =	vld [tilespmem:s17+$0x0];
	_ =	sdelay $0x4  }
0xc2: {  	v3 =	vld.idx.msk [tilespmem:v1+s13+$0x0], $0xffff;
	v2 =	vshll.u32 v2, $0x2  }
0xc3: {  	v4 =	vor.u32 $0x1, v1;
	_ =	sdelay $0x3  }
0xc4: {  	[tilespmem:v2+s0+$0x0] =	vst.idx.add.f32.msk $0xffff, v3  }
0xc5: {  	v3 =	vld.idx.msk [tilespmem:v4+s13+$0x0], $0xffff;
	v4 =	vor.u32 $0x1, v2  }
0xc6: {  	v5 =	vor.u32 $0x2, v1;
	_ =	sdelay $0x3  }
0xc7: {  	[tilespmem:v4+s0+$0x0] =	vst.idx.add.f32.msk $0xffff, v3  }
0xc8: {  	v4 =	vor.u32 $0x2, v2;
	v3 =	vld.idx.msk [tilespmem:v5+s13+$0x0], $0xffff  }
0xc9: {  	v1 =	vor.u32 $0x3, v1;
	_ =	sdelay $0x3  }
0xca: {  	[tilespmem:v4+s0+$0x0] =	vst.idx.add.f32.msk $0xffff, v3  }
0xcb: {  	v2 =	vor.u32 $0x3, v2;
	v1 =	vld.idx.msk [tilespmem:v1+s13+$0x0], $0xffff  }
0xcc: {  	s18 =	simm.s32 $0x10  }
0xcd: {  	v3 =	vmov s18  }
0xce: {  	s18 =	simm.s32 $0x20;
	v3 =	vshll.u32 v3, $0x2  }
.LBB2_6:
0xcf: {  	p1 =	sne.s32 s18, $0x13F0  }
0xd0: {  	v3 =	vor.u32 v0, v3;
	[tilespmem:v2+s0+$0x0] =	vst.idx.add.f32.msk $0xffff, v1;
	s17 =	sadd.s32 $0x10, s17;
	s19 =	smov.u32 s18;
	s18 =	sadd.s32 $0x10, s18  }
0xd1: {  	v1 =	vld [tilespmem:s17+$0x0];
	_ =	sdelay $0x3  }
0xd2: {  	v2 =	vld.idx.msk [tilespmem:v3+s13+$0x0], $0xffff  }
0xd3: {  	v4 =	vshll.u32 v1, $0x2  }
0xd4: {  	v1 =	vor.u32 $0x1, v3;
	_ =	sdelay $0x3  }
0xd5: {  	[tilespmem:v4+s0+$0x0] =	vst.idx.add.f32.msk $0xffff, v2  }
0xd6: {  	v1 =	vld.idx.msk [tilespmem:v1+s13+$0x0], $0xffff  }
0xd7: {  	v2 =	vor.u32 $0x1, v4  }
0xd8: {  	v5 =	vor.u32 $0x2, v3;
	_ =	sdelay $0x3  }
0xd9: {  	[tilespmem:v2+s0+$0x0] =	vst.idx.add.f32.msk $0xffff, v1  }
0xda: {  	v1 =	vld.idx.msk [tilespmem:v5+s13+$0x0], $0xffff  }
0xdb: {  	v2 =	vor.u32 $0x2, v4  }
0xdc: {  	v3 =	vor.u32 $0x3, v3;
	_ =	sdelay $0x3  }
0xdd: {  	[tilespmem:v2+s0+$0x0] =	vst.idx.add.f32.msk $0xffff, v1  }
0xde: {  	v1 =	vld.idx.msk [tilespmem:v3+s13+$0x0], $0xffff  }
.Ltmp4:
0xdf: {  	v2 =	vor.u32 $0x3, v4;
	(pc) =	sbr.rel @p1 .LBB2_6-.Ltmp4, $3  }
0xe0: {  	_ =	sdelay $0x1  }
0xe1: {  	v3 =	vmov s19  }
0xe2: {  	v3 =	vshll.u32 v3, $0x2  }
0xe3: {  	_ =	sdelay $0x3  }
0xe4: {  	[tilespmem:v2+s0+$0x0] =	vst.idx.add.f32.msk $0xffff, v1;
	s17 =	sadd.s32 $0x10, s17  }
0xe5: {  	v1 =	vor.u32 v0, v3;
	v2 =	vld [tilespmem:s17+$0x0];
	_ =	sdelay $0x4  }
0xe6: {  	v3 =	vld.idx.msk [tilespmem:v1+s13+$0x0], $0xffff;
	v2 =	vshll.u32 v2, $0x2  }
0xe7: {  	v4 =	vor.u32 $0x1, v1;
	_ =	sdelay $0x3  }
0xe8: {  	[tilespmem:v2+s0+$0x0] =	vst.idx.add.f32.msk $0xffff, v3  }
0xe9: {  	v62 =	vor.u32 $0x1, v2;
	v3 =	vld.idx.msk [tilespmem:v4+s13+$0x0], $0xffff  }
0xea: {  	v5 =	vor.u32 $0x2, v1;
	_ =	sdelay $0x3  }
0xeb: {  	[tilespmem:v62+s0+$0x0] =	vst.idx.add.f32.msk $0xffff, v3  }
0xec: {  	v63 =	vor.u32 $0x2, v2;
	v3 =	vld.idx.msk [tilespmem:v5+s13+$0x0], $0xffff  }
0xed: {  	v1 =	vor.u32 $0x3, v1;
	_ =	sdelay $0x3  }
0xee: {  	[tilespmem:v63+s0+$0x0] =	vst.idx.add.f32.msk $0xffff, v3  }
0xef: {  	v2 =	vor.u32 $0x3, v2;
	v1 =	vld.idx.msk [tilespmem:v1+s13+$0x0], $0xffff;
	_ =	sdelay $0x4  }
0xf0: {  	[tilespmem:v2+s0+$0x0] =	vst.idx.add.f32.msk $0xffff, v1  }
0xf1: {  	[spmem:s12] =	stream.linear.scatter [tilespmem:s0], [sflag:$0x2], $0xA000, $0x38;
	[tilespmem:$0x1E000] =	vst v63  }
.Ltmp5:
0xf2: {  	_ =	swait.ge [sflag:s14], $0xA000;
	(pc) =	sbr.rel @p0 .LBB2_39-.Ltmp5, $3  }
0xf3: {  	[sflag:s14] =	ssyncset.done $0x0  }
0xf4: {  	[sflag:s14] =	ssyncadd.s32 $0xFFFF6000  }
0xf5: {  	[bflag:$0x0] =	sbarrier.arrive $0xFFFF;
	_ =	sdelay $0x1  }
0xf6: {  	s17 =	simm.s32 $0x1CC00  }
0xf7: {  	[tilespmem:s17], [sflag:$0x2] =	stream.linear.gather [spmem:s11], $0x1400, $0x38;
	[tilespmem:$0x1E000] =	vst v63  }
0xf8: {  	_ =	swait.ge [sflag:s14], $0x1400  }
0xf9: {  	[sflag:s14] =	ssyncset.done $0x0  }
0xfa: {  	s20 =	rddreg [dreg:$0x4];
	[sflag:s14] =	ssyncadd.s32 $0xFFFFEC00  }
0xfb: {  	[tilespmem:s15], [sflag:$0x2] =	stream.linear.gather [spmem:s20], $0x1400, $0x38;
	[tilespmem:$0x1E000] =	vst v63  }
0xfc: {  	_ =	swait.ge [sflag:s14], $0x1400  }
0xfd: {  	[sflag:s14] =	ssyncset.done $0x0  }
0xfe: {  	s17 =	simm.s32 $0x0;
	[sflag:s14] =	ssyncadd.s32 $0xFFFFEC00  }
0xff: {  	s18 =	simm.s32 $0x40;
	v1 =	vld [tilespmem:s17+$0x1B800]  }
.LBB2_9:
0x100: {  	p1 =	sne.s32 s18, $0x4FC0;
	v2 =	vld [tilespmem:s17+$0x1CC00];
	_ =	sdelay $0x2  }
.Ltmp6:
0x101: {  	(pc) =	sbr.rel @p1 .LBB2_9-.Ltmp6, $4  }
0x102: {  	_ = 	snop  }
0x103: {  	v2 =	vadd.f32 v1, v2  }
0x104: {  	s19 =	sshra.s32 s18, $0x2  }
0x105: {  	s18 =	sadd.s32 $0x40, s18;
	v1 =	vld [tilespmem:s19+$0x1B800];
	[tilespmem:s17+$0x1CC00] =	vst v2;
	s17 =	smov.u32 s19  }
0x106: {  	v2 =	vld [tilespmem:s17+$0x1CC00];
	_ =	sdelay $0x4  }
0x107: {  	v1 =	vadd.f32 v1, v2;
	_ =	sdelay $0x1  }
0x108: {  	s20 =	rddreg [dreg:$0x5];
	[tilespmem:s17+$0x1CC00] =	vst v1  }
0x109: {  	[tilespmem:s15], [sflag:$0x2] =	stream.linear.gather [spmem:s20], $0x1400, $0x38;
	[tilespmem:$0x1E000] =	vst v63  }
0x10a: {  	_ =	swait.ge [sflag:s14], $0x1400  }
0x10b: {  	[sflag:s14] =	ssyncset.done $0x0  }
0x10c: {  	s17 =	simm.s32 $0x0;
	[sflag:s14] =	ssyncadd.s32 $0xFFFFEC00  }
0x10d: {  	s18 =	simm.s32 $0x40;
	v1 =	vld [tilespmem:s17+$0x1B800]  }
.LBB2_11:
0x10e: {  	p1 =	sne.s32 s18, $0x4FC0;
	v2 =	vld [tilespmem:s17+$0x1CC00];
	_ =	sdelay $0x2  }
.Ltmp7:
0x10f: {  	(pc) =	sbr.rel @p1 .LBB2_11-.Ltmp7, $4  }
0x110: {  	_ = 	snop  }
0x111: {  	v2 =	vadd.f32 v1, v2  }
0x112: {  	s19 =	sshra.s32 s18, $0x2  }
0x113: {  	s18 =	sadd.s32 $0x40, s18;
	v1 =	vld [tilespmem:s19+$0x1B800];
	[tilespmem:s17+$0x1CC00] =	vst v2;
	s17 =	smov.u32 s19  }
0x114: {  	v2 =	vld [tilespmem:s17+$0x1CC00];
	_ =	sdelay $0x4  }
0x115: {  	v1 =	vadd.f32 v1, v2;
	_ =	sdelay $0x1  }
0x116: {  	s20 =	rddreg [dreg:$0x6];
	[tilespmem:s17+$0x1CC00] =	vst v1  }
0x117: {  	[tilespmem:s15], [sflag:$0x2] =	stream.linear.gather [spmem:s20], $0x1400, $0x38;
	[tilespmem:$0x1E000] =	vst v63  }
0x118: {  	_ =	swait.ge [sflag:s14], $0x1400  }
0x119: {  	[sflag:s14] =	ssyncset.done $0x0  }
0x11a: {  	s17 =	simm.s32 $0x0;
	[sflag:s14] =	ssyncadd.s32 $0xFFFFEC00  }
0x11b: {  	s18 =	simm.s32 $0x40;
	v1 =	vld [tilespmem:s17+$0x1B800]  }
.LBB2_13:
0x11c: {  	p1 =	sne.s32 s18, $0x4FC0;
	v2 =	vld [tilespmem:s17+$0x1CC00];
	_ =	sdelay $0x2  }
.Ltmp8:
0x11d: {  	(pc) =	sbr.rel @p1 .LBB2_13-.Ltmp8, $4  }
0x11e: {  	_ = 	snop  }
0x11f: {  	v2 =	vadd.f32 v1, v2  }
0x120: {  	s19 =	sshra.s32 s18, $0x2  }
0x121: {  	s18 =	sadd.s32 $0x40, s18;
	v1 =	vld [tilespmem:s19+$0x1B800];
	[tilespmem:s17+$0x1CC00] =	vst v2;
	s17 =	smov.u32 s19  }
0x122: {  	v2 =	vld [tilespmem:s17+$0x1CC00];
	_ =	sdelay $0x4  }
0x123: {  	v1 =	vadd.f32 v1, v2;
	_ =	sdelay $0x1  }
0x124: {  	s20 =	rddreg [dreg:$0x7];
	[tilespmem:s17+$0x1CC00] =	vst v1  }
0x125: {  	[tilespmem:s15], [sflag:$0x2] =	stream.linear.gather [spmem:s20], $0x1400, $0x38;
	[tilespmem:$0x1E000] =	vst v63  }
0x126: {  	_ =	swait.ge [sflag:s14], $0x1400  }
0x127: {  	[sflag:s14] =	ssyncset.done $0x0  }
0x128: {  	s17 =	simm.s32 $0x0;
	[sflag:s14] =	ssyncadd.s32 $0xFFFFEC00  }
0x129: {  	s18 =	simm.s32 $0x40;
	v1 =	vld [tilespmem:s17+$0x1B800]  }
.LBB2_15:
0x12a: {  	p1 =	sne.s32 s18, $0x4FC0;
	v2 =	vld [tilespmem:s17+$0x1CC00];
	_ =	sdelay $0x2  }
.Ltmp9:
0x12b: {  	(pc) =	sbr.rel @p1 .LBB2_15-.Ltmp9, $4  }
0x12c: {  	_ = 	snop  }
0x12d: {  	v2 =	vadd.f32 v1, v2  }
0x12e: {  	s19 =	sshra.s32 s18, $0x2  }
0x12f: {  	s18 =	sadd.s32 $0x40, s18;
	v1 =	vld [tilespmem:s19+$0x1B800];
	[tilespmem:s17+$0x1CC00] =	vst v2;
	s17 =	smov.u32 s19  }
0x130: {  	v2 =	vld [tilespmem:s17+$0x1CC00];
	_ =	sdelay $0x4  }
0x131: {  	v1 =	vadd.f32 v1, v2;
	_ =	sdelay $0x1  }
0x132: {  	s20 =	rddreg [dreg:$0x8];
	[tilespmem:s17+$0x1CC00] =	vst v1  }
0x133: {  	[tilespmem:s15], [sflag:$0x2] =	stream.linear.gather [spmem:s20], $0x1400, $0x38;
	[tilespmem:$0x1E000] =	vst v63  }
0x134: {  	_ =	swait.ge [sflag:s14], $0x1400  }
0x135: {  	[sflag:s14] =	ssyncset.done $0x0  }
0x136: {  	s17 =	simm.s32 $0x0;
	[sflag:s14] =	ssyncadd.s32 $0xFFFFEC00  }
0x137: {  	s18 =	simm.s32 $0x40;
	v1 =	vld [tilespmem:s17+$0x1B800]  }
.LBB2_17:
0x138: {  	p1 =	sne.s32 s18, $0x4FC0;
	v2 =	vld [tilespmem:s17+$0x1CC00];
	_ =	sdelay $0x2  }
.Ltmp10:
0x139: {  	(pc) =	sbr.rel @p1 .LBB2_17-.Ltmp10, $4  }
0x13a: {  	_ = 	snop  }
0x13b: {  	v2 =	vadd.f32 v1, v2  }
0x13c: {  	s19 =	sshra.s32 s18, $0x2  }
0x13d: {  	s18 =	sadd.s32 $0x40, s18;
	v1 =	vld [tilespmem:s19+$0x1B800];
	[tilespmem:s17+$0x1CC00] =	vst v2;
	s17 =	smov.u32 s19  }
0x13e: {  	v2 =	vld [tilespmem:s17+$0x1CC00];
	_ =	sdelay $0x4  }
0x13f: {  	v1 =	vadd.f32 v1, v2;
	_ =	sdelay $0x1  }
0x140: {  	s20 =	rddreg [dreg:$0x9];
	[tilespmem:s17+$0x1CC00] =	vst v1  }
0x141: {  	[tilespmem:s15], [sflag:$0x2] =	stream.linear.gather [spmem:s20], $0x1400, $0x38;
	[tilespmem:$0x1E000] =	vst v63  }
0x142: {  	_ =	swait.ge [sflag:s14], $0x1400  }
0x143: {  	[sflag:s14] =	ssyncset.done $0x0  }
0x144: {  	s17 =	simm.s32 $0x0;
	[sflag:s14] =	ssyncadd.s32 $0xFFFFEC00  }
0x145: {  	s18 =	simm.s32 $0x40;
	v1 =	vld [tilespmem:s17+$0x1B800]  }
.LBB2_19:
0x146: {  	p1 =	sne.s32 s18, $0x4FC0;
	v2 =	vld [tilespmem:s17+$0x1CC00];
	_ =	sdelay $0x2  }
.Ltmp11:
0x147: {  	(pc) =	sbr.rel @p1 .LBB2_19-.Ltmp11, $4  }
0x148: {  	_ = 	snop  }
0x149: {  	v2 =	vadd.f32 v1, v2  }
0x14a: {  	s19 =	sshra.s32 s18, $0x2  }
0x14b: {  	s18 =	sadd.s32 $0x40, s18;
	v1 =	vld [tilespmem:s19+$0x1B800];
	[tilespmem:s17+$0x1CC00] =	vst v2;
	s17 =	smov.u32 s19  }
0x14c: {  	v2 =	vld [tilespmem:s17+$0x1CC00];
	_ =	sdelay $0x4  }
0x14d: {  	v1 =	vadd.f32 v1, v2;
	_ =	sdelay $0x1  }
0x14e: {  	s20 =	rddreg [dreg:$0xa];
	[tilespmem:s17+$0x1CC00] =	vst v1  }
0x14f: {  	[tilespmem:s15], [sflag:$0x2] =	stream.linear.gather [spmem:s20], $0x1400, $0x38;
	[tilespmem:$0x1E000] =	vst v63  }
0x150: {  	_ =	swait.ge [sflag:s14], $0x1400  }
0x151: {  	[sflag:s14] =	ssyncset.done $0x0  }
0x152: {  	s17 =	simm.s32 $0x0;
	[sflag:s14] =	ssyncadd.s32 $0xFFFFEC00  }
0x153: {  	s18 =	simm.s32 $0x40;
	v1 =	vld [tilespmem:s17+$0x1B800]  }
.LBB2_21:
0x154: {  	p1 =	sne.s32 s18, $0x4FC0;
	v2 =	vld [tilespmem:s17+$0x1CC00];
	_ =	sdelay $0x2  }
.Ltmp12:
0x155: {  	(pc) =	sbr.rel @p1 .LBB2_21-.Ltmp12, $4  }
0x156: {  	_ = 	snop  }
0x157: {  	v2 =	vadd.f32 v1, v2  }
0x158: {  	s19 =	sshra.s32 s18, $0x2  }
0x159: {  	s18 =	sadd.s32 $0x40, s18;
	v1 =	vld [tilespmem:s19+$0x1B800];
	[tilespmem:s17+$0x1CC00] =	vst v2;
	s17 =	smov.u32 s19  }
0x15a: {  	v2 =	vld [tilespmem:s17+$0x1CC00];
	_ =	sdelay $0x4  }
0x15b: {  	v1 =	vadd.f32 v1, v2;
	_ =	sdelay $0x1  }
0x15c: {  	s20 =	rddreg [dreg:$0xb];
	[tilespmem:s17+$0x1CC00] =	vst v1  }
0x15d: {  	[tilespmem:s15], [sflag:$0x2] =	stream.linear.gather [spmem:s20], $0x1400, $0x38;
	[tilespmem:$0x1E000] =	vst v63  }
0x15e: {  	_ =	swait.ge [sflag:s14], $0x1400  }
0x15f: {  	[sflag:s14] =	ssyncset.done $0x0  }
0x160: {  	s17 =	simm.s32 $0x0;
	[sflag:s14] =	ssyncadd.s32 $0xFFFFEC00  }
0x161: {  	s18 =	simm.s32 $0x40;
	v1 =	vld [tilespmem:s17+$0x1B800]  }
.LBB2_23:
0x162: {  	p1 =	sne.s32 s18, $0x4FC0;
	v2 =	vld [tilespmem:s17+$0x1CC00];
	_ =	sdelay $0x2  }
.Ltmp13:
0x163: {  	(pc) =	sbr.rel @p1 .LBB2_23-.Ltmp13, $4  }
0x164: {  	_ = 	snop  }
0x165: {  	v2 =	vadd.f32 v1, v2  }
0x166: {  	s19 =	sshra.s32 s18, $0x2  }
0x167: {  	s18 =	sadd.s32 $0x40, s18;
	v1 =	vld [tilespmem:s19+$0x1B800];
	[tilespmem:s17+$0x1CC00] =	vst v2;
	s17 =	smov.u32 s19  }
0x168: {  	v2 =	vld [tilespmem:s17+$0x1CC00];
	_ =	sdelay $0x4  }
0x169: {  	v1 =	vadd.f32 v1, v2;
	_ =	sdelay $0x1  }
0x16a: {  	[tilespmem:s17+$0x1CC00] =	vst v1  }
0x16b: {  	[tilespmem:s15], [sflag:$0x2] =	stream.linear.gather [spmem:s21], $0x1400, $0x38;
	[tilespmem:$0x1E000] =	vst v63  }
0x16c: {  	_ =	swait.ge [sflag:s14], $0x1400  }
0x16d: {  	[sflag:s14] =	ssyncset.done $0x0  }
0x16e: {  	s17 =	simm.s32 $0x0;
	[sflag:s14] =	ssyncadd.s32 $0xFFFFEC00  }
0x16f: {  	s18 =	simm.s32 $0x40;
	v1 =	vld [tilespmem:s17+$0x1B800]  }
.LBB2_25:
0x170: {  	p1 =	sne.s32 s18, $0x4FC0;
	v2 =	vld [tilespmem:s17+$0x1CC00];
	_ =	sdelay $0x2  }
.Ltmp14:
0x171: {  	(pc) =	sbr.rel @p1 .LBB2_25-.Ltmp14, $4  }
0x172: {  	_ = 	snop  }
0x173: {  	v2 =	vadd.f32 v1, v2  }
0x174: {  	s19 =	sshra.s32 s18, $0x2  }
0x175: {  	s18 =	sadd.s32 $0x40, s18;
	v1 =	vld [tilespmem:s19+$0x1B800];
	[tilespmem:s17+$0x1CC00] =	vst v2;
	s17 =	smov.u32 s19  }
0x176: {  	v2 =	vld [tilespmem:s17+$0x1CC00];
	_ =	sdelay $0x4  }
0x177: {  	v1 =	vadd.f32 v1, v2;
	_ =	sdelay $0x1  }
0x178: {  	[tilespmem:s17+$0x1CC00] =	vst v1  }
0x179: {  	[tilespmem:s15], [sflag:$0x2] =	stream.linear.gather [spmem:s22], $0x1400, $0x38;
	[tilespmem:$0x1E000] =	vst v63  }
0x17a: {  	_ =	swait.ge [sflag:s14], $0x1400  }
0x17b: {  	[sflag:s14] =	ssyncset.done $0x0  }
0x17c: {  	s17 =	simm.s32 $0x0;
	[sflag:s14] =	ssyncadd.s32 $0xFFFFEC00  }
0x17d: {  	s18 =	simm.s32 $0x40;
	v1 =	vld [tilespmem:s17+$0x1B800]  }
.LBB2_27:
0x17e: {  	p1 =	sne.s32 s18, $0x4FC0;
	v2 =	vld [tilespmem:s17+$0x1CC00];
	_ =	sdelay $0x2  }
.Ltmp15:
0x17f: {  	(pc) =	sbr.rel @p1 .LBB2_27-.Ltmp15, $4  }
0x180: {  	_ = 	snop  }
0x181: {  	v2 =	vadd.f32 v1, v2  }
0x182: {  	s19 =	sshra.s32 s18, $0x2  }
0x183: {  	s18 =	sadd.s32 $0x40, s18;
	v1 =	vld [tilespmem:s19+$0x1B800];
	[tilespmem:s17+$0x1CC00] =	vst v2;
	s17 =	smov.u32 s19  }
0x184: {  	v2 =	vld [tilespmem:s17+$0x1CC00];
	_ =	sdelay $0x4  }
0x185: {  	v1 =	vadd.f32 v1, v2;
	_ =	sdelay $0x1  }
0x186: {  	[tilespmem:s17+$0x1CC00] =	vst v1  }
0x187: {  	[tilespmem:s15], [sflag:$0x2] =	stream.linear.gather [spmem:s23], $0x1400, $0x38;
	[tilespmem:$0x1E000] =	vst v63  }
0x188: {  	_ =	swait.ge [sflag:s14], $0x1400  }
0x189: {  	[sflag:s14] =	ssyncset.done $0x0  }
0x18a: {  	s17 =	simm.s32 $0x0;
	[sflag:s14] =	ssyncadd.s32 $0xFFFFEC00  }
0x18b: {  	s18 =	simm.s32 $0x40;
	v1 =	vld [tilespmem:s17+$0x1B800]  }
.LBB2_29:
0x18c: {  	p1 =	sne.s32 s18, $0x4FC0;
	v2 =	vld [tilespmem:s17+$0x1CC00];
	_ =	sdelay $0x2  }
.Ltmp16:
0x18d: {  	(pc) =	sbr.rel @p1 .LBB2_29-.Ltmp16, $4  }
0x18e: {  	_ = 	snop  }
0x18f: {  	v2 =	vadd.f32 v1, v2  }
0x190: {  	s19 =	sshra.s32 s18, $0x2  }
0x191: {  	s18 =	sadd.s32 $0x40, s18;
	v1 =	vld [tilespmem:s19+$0x1B800];
	[tilespmem:s17+$0x1CC00] =	vst v2;
	s17 =	smov.u32 s19  }
0x192: {  	v2 =	vld [tilespmem:s17+$0x1CC00];
	_ =	sdelay $0x4  }
0x193: {  	v1 =	vadd.f32 v1, v2;
	_ =	sdelay $0x1  }
0x194: {  	[tilespmem:s17+$0x1CC00] =	vst v1  }
0x195: {  	[tilespmem:s15], [sflag:$0x2] =	stream.linear.gather [spmem:s26], $0x1400, $0x38;
	[tilespmem:$0x1E000] =	vst v63  }
0x196: {  	_ =	swait.ge [sflag:s14], $0x1400  }
0x197: {  	[sflag:s14] =	ssyncset.done $0x0  }
0x198: {  	s17 =	simm.s32 $0x0;
	[sflag:s14] =	ssyncadd.s32 $0xFFFFEC00  }
0x199: {  	s18 =	simm.s32 $0x40;
	v1 =	vld [tilespmem:s17+$0x1B800]  }
.LBB2_31:
0x19a: {  	p1 =	sne.s32 s18, $0x4FC0;
	v2 =	vld [tilespmem:s17+$0x1CC00];
	_ =	sdelay $0x2  }
.Ltmp17:
0x19b: {  	(pc) =	sbr.rel @p1 .LBB2_31-.Ltmp17, $4  }
0x19c: {  	_ = 	snop  }
0x19d: {  	v2 =	vadd.f32 v1, v2  }
0x19e: {  	s19 =	sshra.s32 s18, $0x2  }
0x19f: {  	s18 =	sadd.s32 $0x40, s18;
	v1 =	vld [tilespmem:s19+$0x1B800];
	[tilespmem:s17+$0x1CC00] =	vst v2;
	s17 =	smov.u32 s19  }
0x1a0: {  	v2 =	vld [tilespmem:s17+$0x1CC00];
	_ =	sdelay $0x4  }
0x1a1: {  	v1 =	vadd.f32 v1, v2;
	_ =	sdelay $0x1  }
0x1a2: {  	[tilespmem:s17+$0x1CC00] =	vst v1  }
0x1a3: {  	[tilespmem:s15], [sflag:$0x2] =	stream.linear.gather [spmem:s28], $0x1400, $0x38;
	[tilespmem:$0x1E000] =	vst v63  }
0x1a4: {  	_ =	swait.ge [sflag:s14], $0x1400  }
0x1a5: {  	[sflag:s14] =	ssyncset.done $0x0  }
0x1a6: {  	s17 =	simm.s32 $0x0;
	[sflag:s14] =	ssyncadd.s32 $0xFFFFEC00  }
0x1a7: {  	s18 =	simm.s32 $0x40;
	v1 =	vld [tilespmem:s17+$0x1B800]  }
.LBB2_33:
0x1a8: {  	p1 =	sne.s32 s18, $0x4FC0;
	v2 =	vld [tilespmem:s17+$0x1CC00];
	_ =	sdelay $0x2  }
.Ltmp18:
0x1a9: {  	(pc) =	sbr.rel @p1 .LBB2_33-.Ltmp18, $4  }
0x1aa: {  	_ = 	snop  }
0x1ab: {  	v2 =	vadd.f32 v1, v2  }
0x1ac: {  	s19 =	sshra.s32 s18, $0x2  }
0x1ad: {  	s18 =	sadd.s32 $0x40, s18;
	v1 =	vld [tilespmem:s19+$0x1B800];
	[tilespmem:s17+$0x1CC00] =	vst v2;
	s17 =	smov.u32 s19  }
0x1ae: {  	v2 =	vld [tilespmem:s17+$0x1CC00];
	_ =	sdelay $0x4  }
0x1af: {  	v1 =	vadd.f32 v1, v2;
	_ =	sdelay $0x1  }
0x1b0: {  	[tilespmem:s17+$0x1CC00] =	vst v1  }
0x1b1: {  	[tilespmem:s15], [sflag:$0x2] =	stream.linear.gather [spmem:s29], $0x1400, $0x38;
	[tilespmem:$0x1E000] =	vst v63  }
0x1b2: {  	_ =	swait.ge [sflag:s14], $0x1400  }
0x1b3: {  	[sflag:s14] =	ssyncset.done $0x0  }
0x1b4: {  	s17 =	simm.s32 $0x0;
	[sflag:s14] =	ssyncadd.s32 $0xFFFFEC00  }
0x1b5: {  	s18 =	simm.s32 $0x40;
	v1 =	vld [tilespmem:s17+$0x1B800]  }
.LBB2_35:
0x1b6: {  	p1 =	sne.s32 s18, $0x4FC0;
	v2 =	vld [tilespmem:s17+$0x1CC00];
	_ =	sdelay $0x2  }
.Ltmp19:
0x1b7: {  	(pc) =	sbr.rel @p1 .LBB2_35-.Ltmp19, $4  }
0x1b8: {  	_ = 	snop  }
0x1b9: {  	v2 =	vadd.f32 v1, v2  }
0x1ba: {  	s19 =	sshra.s32 s18, $0x2  }
0x1bb: {  	s18 =	sadd.s32 $0x40, s18;
	v1 =	vld [tilespmem:s19+$0x1B800];
	[tilespmem:s17+$0x1CC00] =	vst v2;
	s17 =	smov.u32 s19  }
0x1bc: {  	v2 =	vld [tilespmem:s17+$0x1CC00];
	_ =	sdelay $0x4  }
0x1bd: {  	v1 =	vadd.f32 v1, v2;
	_ =	sdelay $0x1  }
0x1be: {  	[tilespmem:s17+$0x1CC00] =	vst v1  }
0x1bf: {  	[tilespmem:s15], [sflag:$0x2] =	stream.linear.gather [spmem:s30], $0x1400, $0x38;
	[tilespmem:$0x1E000] =	vst v63  }
0x1c0: {  	_ =	swait.ge [sflag:s14], $0x1400  }
0x1c1: {  	[sflag:s14] =	ssyncset.done $0x0  }
0x1c2: {  	s17 =	simm.s32 $0x0;
	[sflag:s14] =	ssyncadd.s32 $0xFFFFEC00  }
0x1c3: {  	s18 =	simm.s32 $0x40;
	v1 =	vld [tilespmem:s17+$0x1B800]  }
.LBB2_37:
0x1c4: {  	p1 =	sne.s32 s18, $0x4FC0;
	v2 =	vld [tilespmem:s17+$0x1CC00];
	_ =	sdelay $0x2  }
.Ltmp20:
0x1c5: {  	(pc) =	sbr.rel @p1 .LBB2_37-.Ltmp20, $4  }
0x1c6: {  	_ = 	snop  }
0x1c7: {  	v2 =	vadd.f32 v1, v2  }
0x1c8: {  	s19 =	sshra.s32 s18, $0x2  }
0x1c9: {  	s18 =	sadd.s32 $0x40, s18;
	v1 =	vld [tilespmem:s19+$0x1B800];
	[tilespmem:s17+$0x1CC00] =	vst v2;
	s17 =	smov.u32 s19  }
.Ltmp21:
0x1ca: {  	_ = 	snop;
	(pc) =	sbr.rel .LBB2_38-.Ltmp21, $1  }
0x1cb: {  	_ =	sdelay $0x3  }
.LBB2_40:
0x1cc: {  	_ =	sfence.sel $0x180000  }
0x1cd: {  	[bflag:$0x0] =	sbarrier.arrive $0xFFFF  }
0x1ce: {  	_ =	strace $0x90000047  }
0x1cf: {  	s0 =	stileid.u32;
	[bflag:$0x2] =	sbarrier.arrive $0xFFFF  }
0x1d0: {  	p0 =	sne.s32 s0, $0x0;
	s0 =	rddreg [dreg:$0x3]  }
0x1d1: {  	s0 =	sadd.s32 @!p0 $0x100000, s0  }
0x1d2: {  	[sflag:s0] =	ssyncadd.tile.s32 @!p0 $0x1;
	_ =	shalt  }
.Lfunc_end2:
_tile_overlayer_lowered:
.L_overlay_start_2:
0x1d3: {  	(tag) =	ssettag $0x2  }
0x1d4: {  	s0 =	rddreg [dreg:$0x0];
	s2 =	stileid.u32  }
0x1d5: {  	s1 =	rddreg [dreg:$0x1];
	p0 =	sne.s32 s2, $0x0  }
0x1d6: {  	s3 =	rddreg [dreg:$0x2];
	[bflag:$0x3] =	sbarrier.arrive $0xFFFF;
	s2 =	simm.s32 @!p0 $0x1C01  }
0x1d7: {  	[timem:s3], [sflag:s2] =	dma.local @!p0 [hbm:s0], s1  }
0x1d8: {  	s0 =	simm.s32 @!p0 $0x1  }
0x1d9: {  	_ =	swait.ge @!p0 [sflag:s0], s1  }
0x1da: {  	s1 =	ssub.s32 @!p0 $0x0, s1;
	[sflag:s0] =	ssyncset.done @!p0 $0x0  }
0x1db: {  	[sflag:s0] =	ssyncadd.s32 @!p0 s1  }
0x1dc: {  	[bflag:$0x3] =	sbarrier.arrive $0xFFFF  }
0x1dd: {  	_ =	shalt  }

// kernel: kernel.8.cloned.1.call-start
scs
__scs_entry_jumppad:
0x0: {  	(pc) =	sbr.rel $0x88, $3  }
0x1: {  	(tag) =	ssettag $0x0;
	lr =	simm.s32 $0x1  }
0x2: {  	[smem:$0x3F9C] =	sst lr;
	_ =	strace $0xD0000000  }
0x3: {  	_ = 	snop  }
0x4: {  	_ = 	snop  }
0x5: {  	_ = 	snop  }
0x6: {  	_ = 	snop  }
0x7: {  	_ = 	snop  }
__scs_overlays_trampoline_lowered:
0x8: {  	[smem:$0x3FAB] =	sst s0  }
0x9: {  	[smem:$0x3FAC] =	sst s1  }
0xa: {  	[smem:$0x3FAD] =	sst s2  }
0xb: {  	[smem:$0x3FAE] =	sst s3  }
0xc: {  	[smem:$0x3FAF] =	sst s4  }
0xd: {  	[smem:$0x3FB0] =	sst s5  }
0xe: {  	[smem:$0x3FB1] =	sst s6  }
0xf: {  	[smem:$0x3FB2] =	sst s7  }
0x10: {  	[smem:$0x3FB3] =	sst s8  }
0x11: {  	[smem:$0x3FB4] =	sst s9;
	s0 =	simm.s32 @!p0 $0x0  }
0x12: {  	s1 =	sld [smem:$0x3F9A];
	s0 =	simm.s32 @p0 $0x1  }
0x13: {  	[smem:$0x3FB5] =	sst s0;
	s0 =	simm.s32 @!p1 $0x0  }
0x14: {  	s2 =	sld [smem:$0x3F99];
	s0 =	simm.s32 @p1 $0x1  }
0x15: {  	[smem:$0x3FB6] =	sst s0;
	s0 =	simm.s32 @!p2 $0x0  }
0x16: {  	s3 =	sld [smem:$0x3FDB];
	s0 =	simm.s32 @p2 $0x1  }
0x17: {  	s4 =	simm.s32 $0x1BF5;
	[smem:$0x3FB8] =	sst s0  }
0x18: {  	s0 =	sld [smem:$0x3F9B];
	_ =	swait.ge [sflag:s4], $0x0  }
0x19: {  	s7 =	sld [smem:$0x3F9C]  }
0x1a: {  	s8 =	sadd.s32 $0xFFFFE003, lr  }
0x1b: {  	s9 =	sadd.s32 $0xFFFFFEF7, lr;
	s5 =	simm.s32 $0xFFFFFFFF;
	p2 =	slt.u32 s8, $0xFFFFF086  }
0x1c: {  	p1 =	slt.u32 s9, $0xF7A;
	s5 =	simm.s32 @!p2 $0x0  }
0x1d: {  	s5 =	simm.s32 @p1 $0x1;
	p0 =	seq.s32 s7, s2  }
0x1e: {  	s7 =	smul.u32 @!p0 $0xF7A, s2;
	p2 =	seq.s32 @!p0 s5, $0x0  }
0x1f: {  	s9 =	smul.u32 $0xF7A, s1;
	s8 =	simm.s32 @!p0 $0x1BF5;
	p2 =	por !p2, p0  }
0x20: {  	[sflag:s8] =	ssyncset.s32 @!p0 $0xFFFFF086;
	s6 =	sadd.s32 @!p0 s3, s7;
	s7 =	simm.s32 @!p0 $0x108  }
0x21: {  	s3 =	sadd.s32 s3, s9;
	s6 =	sadd.s32 @!p0 $0x88, s6;
	s7 =	simm.s32 @p2 $0x1082  }
0x22: {  	[simem:s7], [sflag:s8] =	dma.local @!p0 [hbm:s6], $0xF7A  }
0x23: {  	s9 =	sor.u32 $0xD0000000, s2;
	s6 =	simm.s32 $0x108;
	_ =	swait.ge @!p0 [sflag:s8], $0x0  }
0x24: {  	s3 =	sadd.s32 $0x88, s3;
	s6 =	simm.s32 @!p1 $0x1082;
	[sflag:s4] =	ssyncset.s32 $0xFFFFF086  }
0x25: {  	[simem:s6], [sflag:s4] =	dma.local [hbm:s3], $0xF7A  }
0x26: {  	[smem:$0x3F9C] =	sst s1;
	(tag) =	ssettag s2;
	_ =	strace s9  }
0x27: {  	s1 =	sld [smem:$0x3FAC]  }
0x28: {  	s2 =	sld [smem:$0x3FAD]  }
0x29: {  	s4 =	sld [smem:$0x3FAF]  }
0x2a: {  	p0 =	seq.s32 s5, $0x0;
	s5 =	sld [smem:$0x3FB0]  }
0x2b: {  	s6 =	sld [smem:$0x3FB1]  }
0x2c: {  	s7 =	sld [smem:$0x3FB2]  }
0x2d: {  	s3 =	simm.s32 $0x108;
	s8 =	sld [smem:$0x3FB3]  }
0x2e: {  	s3 =	simm.s32 @!p0 $0x1082;
	s9 =	sld [smem:$0x3FB4]  }
0x2f: {  	lr =	sadd.s32 s0, s3;
	s0 =	sld [smem:$0x3FAB]  }
0x30: {  	s3 =	sld [smem:$0x3FAE]  }
0x31: {  	[smem:$0x3FB7] =	sst s10  }
0x32: {  	s10 =	sld [smem:$0x3FB5];
	_ =	sdelay $0x3  }
0x33: {  	p0 =	seq.s32 s10, $0x1;
	s10 =	sld [smem:$0x3FB7];
	_ =	sdelay $0x3  }
0x34: {  	[smem:$0x3FB7] =	sst s10  }
0x35: {  	s10 =	sld [smem:$0x3FB6];
	_ =	sdelay $0x3  }
0x36: {  	p1 =	seq.s32 s10, $0x1;
	s10 =	sld [smem:$0x3FB7];
	_ =	sdelay $0x3  }
0x37: {  	[smem:$0x3FB7] =	sst s10  }
0x38: {  	s10 =	sld [smem:$0x3FB8]  }
0x39: {  	_ = 	snop;
	(pc) =	sbr.ind lr, $3  }
0x3a: {  	_ = 	snop  }
0x3b: {  	_ = 	snop  }
0x3c: {  	p2 =	seq.s32 s10, $0x1;
	s10 =	sld [smem:$0x3FB7]  }
0x3d: {  	_ =	shalt  }
0x3e: {  	_ =	shalt  }
0x3f: {  	_ =	shalt  }
0x40: {  	_ =	shalt  }
0x41: {  	_ =	shalt  }
0x42: {  	_ =	shalt  }
0x43: {  	_ =	shalt  }
0x44: {  	_ =	shalt  }
0x45: {  	_ =	shalt  }
0x46: {  	_ =	shalt  }
0x47: {  	_ =	shalt  }
0x48: {  	_ =	shalt  }
0x49: {  	_ =	shalt  }
0x4a: {  	_ =	shalt  }
0x4b: {  	_ =	shalt  }
0x4c: {  	_ =	shalt  }
0x4d: {  	_ =	shalt  }
0x4e: {  	_ =	shalt  }
0x4f: {  	_ =	shalt  }
0x50: {  	_ =	shalt  }
0x51: {  	_ =	shalt  }
0x52: {  	_ =	shalt  }
0x53: {  	_ =	shalt  }
0x54: {  	_ =	shalt  }
0x55: {  	_ =	shalt  }
0x56: {  	_ =	shalt  }
0x57: {  	_ =	shalt  }
0x58: {  	_ =	shalt  }
0x59: {  	_ =	shalt  }
0x5a: {  	_ =	shalt  }
0x5b: {  	_ =	shalt  }
0x5c: {  	_ =	shalt  }
0x5d: {  	_ =	shalt  }
0x5e: {  	_ =	shalt  }
0x5f: {  	_ =	shalt  }
0x60: {  	_ =	shalt  }
0x61: {  	_ =	shalt  }
0x62: {  	_ =	shalt  }
0x63: {  	_ =	shalt  }
0x64: {  	_ =	shalt  }
0x65: {  	_ =	shalt  }
0x66: {  	_ =	shalt  }
0x67: {  	_ =	shalt  }
0x68: {  	_ =	shalt  }
0x69: {  	_ =	shalt  }
0x6a: {  	_ =	shalt  }
0x6b: {  	_ =	shalt  }
0x6c: {  	_ =	shalt  }
0x6d: {  	_ =	shalt  }
0x6e: {  	_ =	shalt  }
0x6f: {  	_ =	shalt  }
0x70: {  	_ =	shalt  }
0x71: {  	_ =	shalt  }
0x72: {  	_ =	shalt  }
0x73: {  	_ =	shalt  }
0x74: {  	_ =	shalt  }
0x75: {  	_ =	shalt  }
0x76: {  	_ =	shalt  }
0x77: {  	_ =	shalt  }
0x78: {  	_ =	shalt  }
0x79: {  	_ =	shalt  }
0x7a: {  	_ =	shalt  }
0x7b: {  	_ =	shalt  }
0x7c: {  	_ =	shalt  }
0x7d: {  	_ =	shalt  }
0x7e: {  	_ =	shalt  }
0x7f: {  	_ =	shalt  }
0x80: {  	_ =	shalt  }
0x81: {  	_ =	shalt  }
0x82: {  	_ =	shalt  }
0x83: {  	_ =	shalt  }
0x84: {  	_ =	shalt  }
0x85: {  	_ =	shalt  }
0x86: {  	_ =	shalt  }
0x87: {  	_ =	shalt  }
.Lfunc_end0:
.L_simem_size_0:
called_computation.1_lowered:
.L_overlay_start_0:
0x88: {  	s2 =	sld [smem:$0x3FD9]  }
0x89: {  	s3 =	sld [smem:$0x3FFE];
	_ =	sdelay $0x1  }
0x8a: {  	s1 =	srdreg.scid  }
0x8b: {  	s0 =	sand.u32 $0x1, s1  }
0x8c: {  	s14 =	sshll.u32 s0, $0xA;
	s2 =	sadd.s32 s3, s2  }
0x8d: {  	s2 =	sadd.s32 s2, s14  }
0x8e: {  	[smem:$0x3FC3] =	sst s2  }
0x8f: {  	_ = 	snop  }
0x90: {  	s2 =	sld [smem:$0x3FD0];
	_ =	sdelay $0x2  }
0x91: {  	s15 =	simm.s32 $0xA;
	s4 =	simm.s32 $0x10  }
0x92: {  	[smem:s4], [sflag:s15] =	dma.local [hbm:s2], $0x1  }
0x93: {  	_ =	swait.eq [sflag:s15], $0x1  }
0x94: {  	[sflag:s15] =	ssyncset.done $0x0  }
0x95: {  	[sflag:s15] =	ssyncadd.s32 $0xFFFFFFFF  }
0x96: {  	s16 =	sld [smem:$0x10];
	(tm) =	ssettm $0x1  }
0x97: {  	s17 =	sld [smem:$0x3FFB];
	_ =	sdelay $0x3  }
0x98: {  	_ =	strace s17  }
0x99: {  	s3 =	sld [smem:$0x3FFC];
	_ =	sdelay $0x3  }
0x9a: {  	_ =	strace s3  }
0x9b: {  	s3 =	sld [smem:$0x3FFD];
	_ =	sdelay $0x3  }
0x9c: {  	_ =	strace s3  }
0x9d: {  	_ =	strace $0x8FFFFFFF  }
0x9e: {  	s18 =	sld [smem:$0x3FDB];
	_ =	sdelay $0x1  }
0x9f: {  	s19 =	simm.s32 $_scs_section_size  }
0xa0: {  	s5 =	simm.s32 $_size__tile_overlayer_lowered;
	s6 =	simm.s32 $_tile_overlayer_lowered  }
0xa1: {  	s22 =	simm.s32 $0x1BFF;
	s21 =	sshll.u32 s6, $0x1;
	s3 =	sadd.s32 s19, s18  }
0xa2: {  	s7 =	simm.s32 $0x0;
	s20 =	sshll.u32 s5, $0x1;
	s5 =	sadd.s32 s21, s3  }
0xa3: {  	[timem:s7], [sflag:s22] =	dma.local [hbm:s5], s20  }
0xa4: {  	_ =	swait.ge [sflag:s22], s20  }
0xa5: {  	s4 =	ssub.s32 $0x0, s20;
	[sflag:s22] =	ssyncset.done $0x0  }
0xa6: {  	[sflag:s22] =	ssyncadd.s32 s4;
	_ =	sdelay $0x1  }
0xa7: {  	s23 =	simm.s32 $0x1B8B  }
0xa8: {  	_ =	swait.ge [sflag:s23], $0x1  }
0xa9: {  	[sflag:s23] =	ssyncset.done $0x0  }
0xaa: {  	s25 =	simm.s32 $0x1B8E;
	s24 =	sld [smem:$0x3FFE];
	[sflag:s23] =	ssyncadd.s32 $0xFFFFFFFF  }
0xab: {  	s26 =	simm.s32 $execute0_lowered;
	[smem:$0x3FD2] =	sst s25  }
0xac: {  	s5 =	sshll.u32 s26, $0x1;
	_ =	strace $0x80000049;
	[dreg:$0x1] =	wrdreg $0xFFFFFFFF  }
0xad: {  	s28 =	simm.s32 $_size_execute0_lowered;
	s3 =	sadd.s32 s3, s5;
	[dreg:$0x0] =	wrdreg $0x0  }
0xae: {  	s5 =	sshll.u32 s28, $0x1;
	[dreg:$0x2] =	wrdreg s3  }
0xaf: {  	[dreg:$0x3] =	wrdreg s5  }
0xb0: {  	[dreg:$0x4] =	wrdreg $0xC0  }
0xb1: {  	_ =	task [dreg:s7], $0x5FFFF  }
0xb2: {  	[dreg:$0x1] =	wrdreg $0xFFFFFFFF  }
0xb3: {  	[dreg:$0x0] =	wrdreg $0x60  }
0xb4: {  	[dreg:$0x2] =	wrdreg s24  }
0xb5: {  	[dreg:$0x3] =	wrdreg s16  }
0xb6: {  	[dreg:$0x4] =	wrdreg $0x9  }
0xb7: {  	_ =	task.clear_ibuf [dreg:s7], $0x5FFFF;
	_ =	strace $0x90000049  }
0xb8: {  	s29 =	simm.s32 $0x9;
	_ =	strace $0x8000004B  }
0xb9: {  	_ =	swait.ge [sflag:s29], $0x1  }
0xba: {  	[sflag:s29] =	ssyncadd.s32 $0xFFFFFFFF  }
0xbb: {  	_ =	strace $0x9000004B  }
0xbc: {  	_ =	sfence  }
0xbd: {  	s30 =	sld [smem:$0x0];
	_ =	sdelay $0x2  }
0xbe: {  	s31 =	sshll.u32 s1, $0xD;
	s1 =	sshrl.u32 s1, $0x2  }
0xbf: {  	s3 =	sand.u32 $0x4000, s31;
	s1 =	sadd.s32 s1, s30  }
0xc0: {  	s0 =	sor.u32 s3, s0;
	s1 =	sshll.u32 s1, $0x11  }
0xc1: {  	s0 =	sor.u32 s1, s0  }
0xc2: {  	s0 =	sadd.s32 $0x8F2B, s0  }
0xc3: {  	[sflag:s0] =	ssyncadd.remote.s32 $0x1  }
0xc4: {  	_ =	sfence.sel $0xFFFF  }
0xc5: {  	[dreg:$0x0] =	wrdreg $0xFFFFFFFF;
	(pc) =	sbr.abs _section_cstart, $3  }
0xc6: {  	[dreg:$0x1] =	wrdreg $0xFFFFFFFF  }
0xc7: {  	_ =	task.clear_ibuf [dreg:s7], $0x2FFFF;
	_ =	strace $0x9FFFFFFF  }
0xc8: {  	(tm) =	ssettm $0x7FFFFFFF  }
0xc9: {  	_ =	shalt  }
tec
execute0_lowered:
.L_overlay_start_1:
0x0: {  	(tag) =	ssettag $0x1  }
0x1: {  	s4 =	rddreg [dreg:$0x0];
	s1 =	srdreg.scid  }
0x2: {  	s0 =	stileid.u32;
	s6 =	rddreg [dreg:$0x1];
	s2 =	simm.s32 $0x0  }
0x3: {  	s12 =	simm.s32 $0x6400;
	s13 =	simm.s32 $0x1;
	s14 =	simm.s32 $0x10400  }
0x4: {  	s15 =	simm.s32 $0x1400;
	s5 =	sand.u32 $0x1, s1;
	s3 =	sshll.u32 s0, $0x1  }
0x5: {  	s16 =	simm.s32 $0x1A400;
	s17 =	simm.s32 $0x0;
	s7 =	sor.u32 s5, s3  }
0x6: {  	s1 =	rddreg [dreg:$0x2];
	s5 =	ssub.s32 $0x2, s5;
	s8 =	smul.u32 $0x280, s7  }
0x7: {  	[smem:$0x7FF] =	sst s2;
	s31 =	sshrl.u32 s5, $0x1;
	s7 =	smul.u32 $0xA00, s7  }
0x8: {  	_ =	strace $0x8000004A;
	s3 =	sadd.s32 $0xF600, s4;
	s11 =	ssub.s32 s5, s31  }
0x9: {  	s10 =	sadd.s32 s8, s4;
	s4 =	sadd.s32 $0x10A00, s4;
	s6 =	sadd.s32 s6, s7  }
0xa: {  	v0 =	vlaneseq.u32;
	s11 =	smax.u32 s11, $0x1;
	s5 =	sadd.s32 $0x4200, s10;
	s7 =	sadd.s32 $0x11E00, s10  }
0xb: {  	v0 =	vmul.u32 $0x4, v0;
	s8 =	sadd.s32 $0x16E00, s10;
	s9 =	sadd.s32 $0x1BE00, s10;
	s10 =	sadd.s32 $0x20E00, s10  }
.LBB2_1:
0xc: {  	[tilespmem:s12], [sflag:$0x1] =	stream.linear.gather [hbm4b:s3+s2], $0xA000, $0x38;
	[tilespmem:$0x1B800] =	vst v63  }
0xd: {  	_ =	swait.ge [sflag:s13], $0xA000  }
0xe: {  	[sflag:s13] =	ssyncset.done $0x0  }
0xf: {  	[sflag:s13] =	ssyncadd.s32 $0xFFFF6000  }
0x10: {  	[tilespmem:s14], [sflag:$0x1] =	stream.linear.gather [hbm4b:s4+s2], $0xA000, $0x38;
	[tilespmem:$0x1B800] =	vst v63  }
0x11: {  	_ =	swait.ge [sflag:s13], $0xA000  }
0x12: {  	[sflag:s13] =	ssyncset.done $0x0  }
0x13: {  	[sflag:s13] =	ssyncadd.s32 $0xFFFF6000  }
0x14: {  	[tilespmem:s2], [sflag:$0x1] =	stream.linear.gather [hbm4b:s5+s2], $0x1400, $0x38;
	[tilespmem:$0x1B800] =	vst v63  }
0x15: {  	_ =	swait.ge [sflag:s13], $0x1400  }
0x16: {  	[sflag:s13] =	ssyncset.done $0x0  }
0x17: {  	[sflag:s13] =	ssyncadd.s32 $0xFFFFEC00  }
0x18: {  	[tilespmem:s15], [sflag:$0x1] =	stream.linear.gather [hbm4b:s6+s2], $0x5000, $0x38;
	[tilespmem:$0x1B800] =	vst v63  }
0x19: {  	_ =	swait.ge [sflag:s13], $0x5000  }
0x1a: {  	[sflag:s13] =	ssyncset.done $0x0  }
0x1b: {  	s18 =	simm.s32 $0x0;
	[sflag:s13] =	ssyncadd.s32 $0xFFFFB000  }
0x1c: {  	s19 =	simm.s32 $0x40;
	v1 =	vld [tilespmem:s18+$0x10400]  }
.LBB2_2:
0x1d: {  	p0 =	sne.s32 s19, $0x27FC0;
	v2 =	vld [tilespmem:s18+$0x6400];
	_ =	sdelay $0x2  }
.Ltmp0:
0x1e: {  	(pc) =	sbr.rel @p0 .LBB2_2-.Ltmp0, $4  }
0x1f: {  	_ = 	snop  }
0x20: {  	v2 =	vadd.f32 v1, v2  }
0x21: {  	s20 =	sshra.s32 s19, $0x2  }
0x22: {  	s19 =	sadd.s32 $0x40, s19;
	v1 =	vld [tilespmem:s20+$0x10400];
	[tilespmem:s18+$0x6400] =	vst v2;
	s18 =	smov.u32 s20  }
0x23: {  	v2 =	vld [tilespmem:s18+$0x6400];
	_ =	sdelay $0x4  }
0x24: {  	v1 =	vadd.f32 v1, v2;
	_ =	sdelay $0x1  }
0x25: {  	s31 =	simm.s32 $0x0;
	[tilespmem:s18+$0x6400] =	vst v1  }
0x26: {  	v1 =	vld [tilespmem:s31+$0x0];
	_ =	sdelay $0x4  }
0x27: {  	v1 =	vshll.u32 v1, $0x2;
	_ =	sdelay $0x4  }
0x28: {  	v1 =	vld.idx.msk [tilespmem:v1+s12+$0x0], $0xffff;
	_ =	sdelay $0x4  }
0x29: {  	v2 =	vmov s31;
	v1 =	vadd.f32 $1.000000020e-16, v1  }
0x2a: {  	v2 =	vshll.u32 v2, $0x2  }
0x2b: {  	v2 =	vor.u32 v0, v2;
	(erf) = vrcp.f32 v1;
	_ =	sdelay $0x4  }
0x2c: {  	v1 =	vld.idx.msk [tilespmem:v2+s15+$0x0], $0xffff;
	_ =	sdelay $0x3  }
0x2d: {  	v2 =	vpop (erf)  }
0x2e: {  	v1 =	vmul.f32 v2, v1  }
0x2f: {  	s18 =	simm.s32 $0x1A400  }
0x30: {  	s19 =	simm.s32 $0x10;
	[tilespmem:s18+$0x0] =	vst v1  }
0x31: {  	s20 =	simm.s32 $0x20;
	s21 =	simm.s32 $0x10;
	v1 =	vld [tilespmem:s19+$0x0]  }
.LBB2_4:
0x32: {  	p0 =	sne.s32 s20, $0x13F0;
	_ =	sdelay $0x3  }
0x33: {  	v1 =	vshll.u32 v1, $0x2;
	_ =	sdelay $0x4  }
0x34: {  	v1 =	vld.idx.msk [tilespmem:v1+s12+$0x0], $0xffff;
	_ =	sdelay $0x4  }
0x35: {  	v2 =	vmov s19;
	s19 =	smov.u32 s20  }
0x36: {  	v2 =	vshll.u32 v2, $0x2;
	v1 =	vadd.f32 $1.000000020e-16, v1  }
0x37: {  	v2 =	vor.u32 v0, v2  }
0x38: {  	(erf) = vrcp.f32 v1;
	_ =	sdelay $0x3  }
0x39: {  	v1 =	vld.idx.msk [tilespmem:v2+s15+$0x0], $0xffff;
	_ =	sdelay $0x4  }
.Ltmp1:
0x3a: {  	v2 =	vpop (erf);
	(pc) =	sbr.rel @p0 .LBB2_4-.Ltmp1, $4  }
0x3b: {  	v1 =	vmul.f32 v2, v1  }
0x3c: {  	s18 =	sadd.s32 $0x10, s18  }
0x3d: {  	s21 =	sadd.s32 $0x10, s21;
	[tilespmem:s18+$0x0] =	vst v1  }
0x3e: {  	s20 =	sadd.s32 $0x10, s20;
	v1 =	vld [tilespmem:s21+$0x0]  }
0x3f: {  	_ =	sdelay $0x3  }
0x40: {  	v1 =	vshll.u32 v1, $0x2;
	_ =	sdelay $0x4  }
0x41: {  	v1 =	vld.idx.msk [tilespmem:v1+s12+$0x0], $0xffff;
	_ =	sdelay $0x4  }
0x42: {  	v2 =	vmov s19;
	v1 =	vadd.f32 $1.000000020e-16, v1  }
0x43: {  	v2 =	vshll.u32 v2, $0x2  }
0x44: {  	v2 =	vor.u32 v0, v2;
	(erf) = vrcp.f32 v1;
	_ =	sdelay $0x4  }
0x45: {  	v1 =	vld.idx.msk [tilespmem:v2+s15+$0x0], $0xffff;
	_ =	sdelay $0x3  }
0x46: {  	v2 =	vpop (erf)  }
0x47: {  	v1 =	vmul.f32 v2, v1  }
0x48: {  	s18 =	sadd.s32 $0x10, s18  }
0x49: {  	s31 =	simm.s32 $0x0;
	[tilespmem:s18+$0x0] =	vst v1;
	s18 =	simm.s32 $0x1A400  }
0x4a: {  	[hbm4b:s7+s31] =	stream.linear.scatter [tilespmem:s18], [sflag:$0x1], $0x1400, $0x38;
	[tilespmem:$0x1B800] =	vst v63  }
0x4b: {  	_ =	swait.ge [sflag:s13], $0x1400  }
0x4c: {  	[sflag:s13] =	ssyncset.done $0x0  }
0x4d: {  	[sflag:s13] =	ssyncadd.s32 $0xFFFFEC00  }
0x4e: {  	v1 =	vld [tilespmem:s31+$0x0];
	_ =	sdelay $0x4  }
0x4f: {  	v1 =	vshll.u32 v1, $0x2  }
0x50: {  	v1 =	vor.u32 $0x1, v1;
	_ =	sdelay $0x4  }
0x51: {  	v1 =	vld.idx.msk [tilespmem:v1+s12+$0x0], $0xffff;
	_ =	sdelay $0x3  }
0x52: {  	v2 =	vmov s31  }
0x53: {  	v2 =	vshll.u32 v2, $0x2;
	v1 =	vadd.f32 $1.000000020e-16, v1  }
0x54: {  	v2 =	vor.u32 v0, v2  }
0x55: {  	v2 =	vor.u32 $0x1, v2;
	(erf) = vrcp.f32 v1;
	_ =	sdelay $0x4  }
0x56: {  	v1 =	vld.idx.msk [tilespmem:v2+s15+$0x0], $0xffff;
	_ =	sdelay $0x3  }
0x57: {  	v2 =	vpop (erf)  }
0x58: {  	v1 =	vmul.f32 v2, v1;
	_ =	sdelay $0x1  }
0x59: {  	s19 =	simm.s32 $0x10;
	[tilespmem:s18+$0x0] =	vst v1  }
0x5a: {  	s20 =	simm.s32 $0x20;
	s21 =	simm.s32 $0x10;
	v1 =	vld [tilespmem:s19+$0x0]  }
.LBB2_6:
0x5b: {  	p0 =	sne.s32 s20, $0x13F0;
	_ =	sdelay $0x3  }
0x5c: {  	v1 =	vshll.u32 v1, $0x2  }
0x5d: {  	v1 =	vor.u32 $0x1, v1;
	_ =	sdelay $0x4  }
0x5e: {  	v1 =	vld.idx.msk [tilespmem:v1+s12+$0x0], $0xffff;
	_ =	sdelay $0x3  }
0x5f: {  	v2 =	vmov s19;
	s19 =	smov.u32 s20  }
0x60: {  	v2 =	vshll.u32 v2, $0x2  }
0x61: {  	v2 =	vor.u32 v0, v2;
	v1 =	vadd.f32 $1.000000020e-16, v1  }
0x62: {  	v2 =	vor.u32 $0x1, v2  }
0x63: {  	(erf) = vrcp.f32 v1;
	_ =	sdelay $0x3  }
0x64: {  	v1 =	vld.idx.msk [tilespmem:v2+s15+$0x0], $0xffff;
	_ =	sdelay $0x4  }
.Ltmp2:
0x65: {  	v2 =	vpop (erf);
	(pc) =	sbr.rel @p0 .LBB2_6-.Ltmp2, $4  }
0x66: {  	v1 =	vmul.f32 v2, v1  }
0x67: {  	s18 =	sadd.s32 $0x10, s18  }
0x68: {  	s21 =	sadd.s32 $0x10, s21;
	[tilespmem:s18+$0x0] =	vst v1  }
0x69: {  	s20 =	sadd.s32 $0x10, s20;
	v1 =	vld [tilespmem:s21+$0x0]  }
0x6a: {  	_ =	sdelay $0x3  }
0x6b: {  	v1 =	vshll.u32 v1, $0x2  }
0x6c: {  	v1 =	vor.u32 $0x1, v1;
	_ =	sdelay $0x4  }
0x6d: {  	v1 =	vld.idx.msk [tilespmem:v1+s12+$0x0], $0xffff;
	_ =	sdelay $0x3  }
0x6e: {  	v2 =	vmov s19  }
0x6f: {  	v2 =	vshll.u32 v2, $0x2;
	v1 =	vadd.f32 $1.000000020e-16, v1  }
0x70: {  	v2 =	vor.u32 v0, v2  }
0x71: {  	v2 =	vor.u32 $0x1, v2;
	(erf) = vrcp.f32 v1;
	_ =	sdelay $0x4  }
0x72: {  	v1 =	vld.idx.msk [tilespmem:v2+s15+$0x0], $0xffff;
	_ =	sdelay $0x3  }
0x73: {  	v2 =	vpop (erf)  }
0x74: {  	v1 =	vmul.f32 v2, v1  }
0x75: {  	s18 =	sadd.s32 $0x10, s18  }
0x76: {  	s31 =	simm.s32 $0x0;
	[tilespmem:s18+$0x0] =	vst v1;
	s18 =	simm.s32 $0x1A400  }
0x77: {  	[hbm4b:s8+s31] =	stream.linear.scatter [tilespmem:s18], [sflag:$0x1], $0x1400, $0x38;
	[tilespmem:$0x1B800] =	vst v63  }
0x78: {  	_ =	swait.ge [sflag:s13], $0x1400  }
0x79: {  	[sflag:s13] =	ssyncset.done $0x0  }
0x7a: {  	[sflag:s13] =	ssyncadd.s32 $0xFFFFEC00  }
0x7b: {  	v1 =	vld [tilespmem:s31+$0x0];
	_ =	sdelay $0x4  }
0x7c: {  	v1 =	vshll.u32 v1, $0x2  }
0x7d: {  	v1 =	vor.u32 $0x2, v1;
	_ =	sdelay $0x4  }
0x7e: {  	v1 =	vld.idx.msk [tilespmem:v1+s12+$0x0], $0xffff;
	_ =	sdelay $0x3  }
0x7f: {  	v2 =	vmov s31  }
0x80: {  	v2 =	vshll.u32 v2, $0x2;
	v1 =	vadd.f32 $1.000000020e-16, v1  }
0x81: {  	v2 =	vor.u32 v0, v2  }
0x82: {  	v2 =	vor.u32 $0x2, v2;
	(erf) = vrcp.f32 v1;
	_ =	sdelay $0x4  }
0x83: {  	v1 =	vld.idx.msk [tilespmem:v2+s15+$0x0], $0xffff;
	_ =	sdelay $0x3  }
0x84: {  	v2 =	vpop (erf)  }
0x85: {  	v1 =	vmul.f32 v2, v1;
	_ =	sdelay $0x1  }
0x86: {  	s19 =	simm.s32 $0x10;
	[tilespmem:s18+$0x0] =	vst v1  }
0x87: {  	s20 =	simm.s32 $0x20;
	s21 =	simm.s32 $0x10;
	v1 =	vld [tilespmem:s19+$0x0]  }
.LBB2_8:
0x88: {  	p0 =	sne.s32 s20, $0x13F0;
	_ =	sdelay $0x3  }
0x89: {  	v1 =	vshll.u32 v1, $0x2  }
0x8a: {  	v1 =	vor.u32 $0x2, v1;
	_ =	sdelay $0x4  }
0x8b: {  	v1 =	vld.idx.msk [tilespmem:v1+s12+$0x0], $0xffff;
	_ =	sdelay $0x3  }
0x8c: {  	v2 =	vmov s19;
	s19 =	smov.u32 s20  }
0x8d: {  	v2 =	vshll.u32 v2, $0x2  }
0x8e: {  	v2 =	vor.u32 v0, v2;
	v1 =	vadd.f32 $1.000000020e-16, v1  }
0x8f: {  	v2 =	vor.u32 $0x2, v2  }
0x90: {  	(erf) = vrcp.f32 v1;
	_ =	sdelay $0x3  }
0x91: {  	v1 =	vld.idx.msk [tilespmem:v2+s15+$0x0], $0xffff;
	_ =	sdelay $0x4  }
.Ltmp3:
0x92: {  	v2 =	vpop (erf);
	(pc) =	sbr.rel @p0 .LBB2_8-.Ltmp3, $4  }
0x93: {  	v1 =	vmul.f32 v2, v1  }
0x94: {  	s18 =	sadd.s32 $0x10, s18  }
0x95: {  	s21 =	sadd.s32 $0x10, s21;
	[tilespmem:s18+$0x0] =	vst v1  }
0x96: {  	s20 =	sadd.s32 $0x10, s20;
	v1 =	vld [tilespmem:s21+$0x0]  }
0x97: {  	_ =	sdelay $0x3  }
0x98: {  	v1 =	vshll.u32 v1, $0x2  }
0x99: {  	v1 =	vor.u32 $0x2, v1;
	_ =	sdelay $0x4  }
0x9a: {  	v1 =	vld.idx.msk [tilespmem:v1+s12+$0x0], $0xffff;
	_ =	sdelay $0x3  }
0x9b: {  	v2 =	vmov s19  }
0x9c: {  	v2 =	vshll.u32 v2, $0x2;
	v1 =	vadd.f32 $1.000000020e-16, v1  }
0x9d: {  	v2 =	vor.u32 v0, v2  }
0x9e: {  	v2 =	vor.u32 $0x2, v2;
	(erf) = vrcp.f32 v1;
	_ =	sdelay $0x4  }
0x9f: {  	v1 =	vld.idx.msk [tilespmem:v2+s15+$0x0], $0xffff;
	_ =	sdelay $0x3  }
0xa0: {  	v2 =	vpop (erf)  }
0xa1: {  	v1 =	vmul.f32 v2, v1  }
0xa2: {  	s18 =	sadd.s32 $0x10, s18  }
0xa3: {  	s31 =	simm.s32 $0x0;
	[tilespmem:s18+$0x0] =	vst v1;
	s18 =	simm.s32 $0x1A400  }
0xa4: {  	[hbm4b:s9+s31] =	stream.linear.scatter [tilespmem:s18], [sflag:$0x1], $0x1400, $0x38;
	[tilespmem:$0x1B800] =	vst v63  }
0xa5: {  	_ =	swait.ge [sflag:s13], $0x1400  }
0xa6: {  	[sflag:s13] =	ssyncset.done $0x0  }
0xa7: {  	[sflag:s13] =	ssyncadd.s32 $0xFFFFEC00  }
0xa8: {  	v1 =	vld [tilespmem:s31+$0x0];
	_ =	sdelay $0x4  }
0xa9: {  	v1 =	vshll.u32 v1, $0x2  }
0xaa: {  	v1 =	vor.u32 $0x3, v1;
	_ =	sdelay $0x4  }
0xab: {  	v1 =	vld.idx.msk [tilespmem:v1+s12+$0x0], $0xffff;
	_ =	sdelay $0x3  }
0xac: {  	v2 =	vmov s31  }
0xad: {  	v2 =	vshll.u32 v2, $0x2;
	v1 =	vadd.f32 $1.000000020e-16, v1  }
0xae: {  	v2 =	vor.u32 v0, v2  }
0xaf: {  	v2 =	vor.u32 $0x3, v2;
	(erf) = vrcp.f32 v1;
	_ =	sdelay $0x4  }
0xb0: {  	v1 =	vld.idx.msk [tilespmem:v2+s15+$0x0], $0xffff;
	_ =	sdelay $0x3  }
0xb1: {  	v2 =	vpop (erf)  }
0xb2: {  	v1 =	vmul.f32 v2, v1;
	_ =	sdelay $0x1  }
0xb3: {  	s19 =	simm.s32 $0x10;
	[tilespmem:s18+$0x0] =	vst v1  }
0xb4: {  	s20 =	simm.s32 $0x20;
	s21 =	simm.s32 $0x10;
	v1 =	vld [tilespmem:s19+$0x0]  }
.LBB2_10:
0xb5: {  	p0 =	sne.s32 s20, $0x13F0;
	_ =	sdelay $0x3  }
0xb6: {  	v1 =	vshll.u32 v1, $0x2  }
0xb7: {  	v1 =	vor.u32 $0x3, v1;
	_ =	sdelay $0x4  }
0xb8: {  	v1 =	vld.idx.msk [tilespmem:v1+s12+$0x0], $0xffff;
	_ =	sdelay $0x3  }
0xb9: {  	v2 =	vmov s19;
	s19 =	smov.u32 s20  }
0xba: {  	v2 =	vshll.u32 v2, $0x2  }
0xbb: {  	v2 =	vor.u32 v0, v2;
	v1 =	vadd.f32 $1.000000020e-16, v1  }
0xbc: {  	v2 =	vor.u32 $0x3, v2  }
0xbd: {  	(erf) = vrcp.f32 v1;
	_ =	sdelay $0x3  }
0xbe: {  	v1 =	vld.idx.msk [tilespmem:v2+s15+$0x0], $0xffff;
	_ =	sdelay $0x4  }
.Ltmp4:
0xbf: {  	v2 =	vpop (erf);
	(pc) =	sbr.rel @p0 .LBB2_10-.Ltmp4, $4  }
0xc0: {  	v1 =	vmul.f32 v2, v1  }
0xc1: {  	s18 =	sadd.s32 $0x10, s18  }
0xc2: {  	s21 =	sadd.s32 $0x10, s21;
	[tilespmem:s18+$0x0] =	vst v1  }
0xc3: {  	s20 =	sadd.s32 $0x10, s20;
	v1 =	vld [tilespmem:s21+$0x0]  }
0xc4: {  	_ =	sdelay $0x3  }
0xc5: {  	v1 =	vshll.u32 v1, $0x2  }
0xc6: {  	v1 =	vor.u32 $0x3, v1;
	_ =	sdelay $0x4  }
0xc7: {  	v1 =	vld.idx.msk [tilespmem:v1+s12+$0x0], $0xffff;
	_ =	sdelay $0x3  }
0xc8: {  	v2 =	vmov s19  }
0xc9: {  	v2 =	vshll.u32 v2, $0x2;
	v1 =	vadd.f32 $1.000000020e-16, v1  }
0xca: {  	v2 =	vor.u32 v0, v2  }
0xcb: {  	v2 =	vor.u32 $0x3, v2;
	(erf) = vrcp.f32 v1;
	_ =	sdelay $0x4  }
0xcc: {  	v1 =	vld.idx.msk [tilespmem:v2+s15+$0x0], $0xffff;
	_ =	sdelay $0x3  }
0xcd: {  	v2 =	vpop (erf)  }
0xce: {  	s17 =	sadd.s32 $0x1, s17;
	v1 =	vmul.f32 v2, v1  }
0xcf: {  	s18 =	sadd.s32 $0x10, s18;
	p0 =	sne.s32 s17, s11  }
.Ltmp5:
0xd0: {  	[tilespmem:s18+$0x0] =	vst v1;
	(pc) =	sbr.rel @p0 .LBB2_1-.Ltmp5, $4  }
0xd1: {  	[hbm4b:s10+s2] =	stream.linear.scatter [tilespmem:s16], [sflag:$0x1], $0x1400, $0x38;
	[tilespmem:$0x1B800] =	vst v63  }
0xd2: {  	_ =	swait.ge [sflag:s13], $0x1400  }
0xd3: {  	[sflag:s13] =	ssyncset.done $0x0  }
0xd4: {  	[sflag:s13] =	ssyncadd.s32 $0xFFFFEC00  }
0xd5: {  	_ =	sfence.sel $0x180000  }
0xd6: {  	[bflag:$0x0] =	sbarrier.arrive $0xFFFF  }
0xd7: {  	p0 =	sne.s32 s0, $0x0;
	_ =	strace $0x9000004A  }
0xd8: {  	s0 =	sadd.s32 @!p0 $0x100000, s1;
	[bflag:$0x2] =	sbarrier.arrive $0xFFFF  }
0xd9: {  	[sflag:s0] =	ssyncadd.tile.s32 @!p0 $0x1;
	_ =	shalt  }
.Lfunc_end2:
_tile_overlayer_lowered:
.L_overlay_start_2:
0xda: {  	(tag) =	ssettag $0x2  }
0xdb: {  	s0 =	rddreg [dreg:$0x0];
	s2 =	stileid.u32  }
0xdc: {  	s1 =	rddreg [dreg:$0x1];
	p0 =	sne.s32 s2, $0x0  }
0xdd: {  	s3 =	rddreg [dreg:$0x2];
	[bflag:$0x3] =	sbarrier.arrive $0xFFFF;
	s2 =	simm.s32 @!p0 $0x1C01  }
0xde: {  	[timem:s3], [sflag:s2] =	dma.local @!p0 [hbm:s0], s1  }
0xdf: {  	s0 =	simm.s32 @!p0 $0x1  }
0xe0: {  	_ =	swait.ge @!p0 [sflag:s0], s1  }
0xe1: {  	s1 =	ssub.s32 @!p0 $0x0, s1;
	[sflag:s0] =	ssyncset.done @!p0 $0x0  }
0xe2: {  	[sflag:s0] =	ssyncadd.s32 @!p0 s1  }
0xe3: {  	[bflag:$0x3] =	sbarrier.arrive $0xFFFF  }
0xe4: {  	_ =	shalt  }

</sc_bundles>
